<compile_context>
chip_gen: v7x
topology: tpu7x:2x2x1
jax: 0.10.2.dev20260603
libtpu: 0.0.44.dev20260713+nightly
codegen_flags: <defaults>
</compile_context>

<pallas_src>
import functools
import jax
import jax.numpy as jnp
from jax import lax
from jax.experimental import pallas as pl
from jax.experimental.pallas import tpu as pltpu
from jax.experimental.pallas import tpu_sc as plsc

N, E, D, H = 10000, 160000, 256, 4
BN = 400
NW = 32
EPW = E // NW


def _k1_body(x_ref, w_ref, as_ref, ad_ref, h_ref, als_ref, ald_ref, st_ref):
    i = pl.program_id(0)
    xb = x_ref[...]
    hb = jnp.dot(xb, w_ref[...], preferred_element_type=jnp.float32)
    h_ref[...] = hb
    als = jnp.dot(hb, as_ref[...], preferred_element_type=jnp.float32)
    ald = jnp.dot(hb, ad_ref[...], preferred_element_type=jnp.float32)
    als_ref[...] = als
    ald_ref[...] = ald
    sm = jnp.max(als, axis=0, keepdims=True)
    dm = jnp.max(ald, axis=0, keepdims=True)
    pad = jnp.zeros((1, 120), dtype=jnp.float32)
    row = jnp.concatenate([sm, dm, pad], axis=1)

    @pl.when(i == 0)
    def _init():
        st_ref[...] = row

    @pl.when(i > 0)
    def _acc():
        st_ref[...] = jnp.maximum(st_ref[...], row)


def _k1(x, W_gat, att_src, att_dst):
    hd = jnp.arange(H * D)
    headcol = jax.nn.one_hot(hd // D, H, dtype=jnp.float32)
    As = headcol * att_src.reshape(H * D)[:, None]
    Ad = headcol * att_dst.reshape(H * D)[:, None]
    grid = (N // BN,)
    return pl.pallas_call(
        _k1_body,
        grid=grid,
        in_specs=[
            pl.BlockSpec((BN, D), lambda i: (i, 0)),
            pl.BlockSpec((D, H * D), lambda i: (0, 0)),
            pl.BlockSpec((H * D, H), lambda i: (0, 0)),
            pl.BlockSpec((H * D, H), lambda i: (0, 0)),
        ],
        out_specs=[
            pl.BlockSpec((BN, H * D), lambda i: (i, 0)),
            pl.BlockSpec((BN, H), lambda i: (i, 0)),
            pl.BlockSpec((BN, H), lambda i: (i, 0)),
            pl.BlockSpec((1, 128), lambda i: (0, 0)),
        ],
        out_shape=[
            jax.ShapeDtypeStruct((N, H * D), jnp.float32),
            jax.ShapeDtypeStruct((N, H), jnp.float32),
            jax.ShapeDtypeStruct((N, H), jnp.float32),
            jax.ShapeDtypeStruct((1, 128), jnp.float32),
        ],
    )(x, W_gat, As, Ad)


EPP = 163840
EPWP = EPP // 32


def _k2(as_flat, ad_flat, stats_flat, idxs, idxd):
    mesh = plsc.VectorSubcoreMesh(core_axis_name="c", subcore_axis_name="s")

    @functools.partial(
        pl.kernel, mesh=mesh,
        out_type=jax.ShapeDtypeStruct((EPP * 4,), jnp.float32),
        scratch_types=[
            pltpu.VMEM((4 * EPWP + 256,), jnp.int32),
            pltpu.VMEM((4 * EPWP + 256,), jnp.int32),
            pltpu.VMEM((16,), jnp.float32),
            pltpu.VMEM((128,), jnp.float32),
            pltpu.VMEM((128,), jnp.float32),
            pltpu.VMEM((128,), jnp.float32),
            pltpu.VMEM((128,), jnp.float32),
            pltpu.VMEM((256,), jnp.float32),
            pltpu.VMEM_SHARED((4 * N,), jnp.float32),
            pltpu.VMEM_SHARED((4 * N,), jnp.float32),
            pltpu.SemaphoreType.DMA,
            pltpu.SemaphoreType.DMA,
            pltpu.SemaphoreType.DMA,
            pltpu.SemaphoreType.DMA,
        ],
    )
    def k(as_hbm, ad_hbm, st_hbm, idxs_hbm, idxd_hbm, ex_hbm,
          idxs_v, idxd_v, st_v, asga, asgb, adga, adgb, exb,
          as_sh, ad_sh, sa1, sa2, sb1, sb2):
        c = lax.axis_index("c")
        s = lax.axis_index("s")
        wid = s * 2 + c
        iota = lax.iota(jnp.int32, 16)
        hpat = iota % 4

        @pl.when(wid == 0)
        def _stage0():
            pltpu.sync_copy(as_hbm, as_sh)
            pltpu.sync_copy(ad_hbm, ad_sh)

        @pl.when(wid == 1)
        def _stage1():
            pltpu.sync_copy(ad_hbm, ad_sh)
            pltpu.sync_copy(as_hbm, as_sh)

        pltpu.sync_copy(st_hbm.at[pl.ds(0, 16)], st_v)
        pltpu.sync_copy(idxs_hbm.at[pl.ds(wid * 4 * EPWP, 4 * EPWP)],
                        idxs_v.at[pl.ds(0, 4 * EPWP)])
        pltpu.sync_copy(idxd_hbm.at[pl.ds(wid * 4 * EPWP, 4 * EPWP)],
                        idxd_v.at[pl.ds(0, 4 * EPWP)])
        for t in range(16):
            idxs_v[pl.ds(4 * EPWP + t * 16, 16)] = iota * 0
            idxd_v[pl.ds(4 * EPWP + t * 16, 16)] = iota * 0
        sv16 = st_v[pl.ds(0, 16)]
        braw = jnp.take(sv16, hpat) + jnp.take(sv16, hpat + 4)
        b16 = jnp.where(braw >= 0, braw, braw * 0.2)
        plsc.subcore_barrier()

        nb = 4 * EPWP // 128

        def fire(bi, bufa, bufd, s1, s2):
            ca = pltpu.async_copy(
                as_sh.at[idxs_v.at[pl.ds(bi * 128, 128)]], bufa, s1)
            cd = pltpu.async_copy(
                ad_sh.at[idxd_v.at[pl.ds(bi * 128, 128)]], bufd, s2)
            return ca, cd

        def drain(bufa, bufd, s1, s2):
            pltpu.make_async_copy(as_hbm.at[pl.ds(0, 128)], bufa, s1).wait()
            pltpu.make_async_copy(ad_hbm.at[pl.ds(0, 128)], bufd, s2).wait()

        def compute(bufa, bufd, par):
            for k16 in range(8):
                av = (bufa[pl.ds(k16 * 16, 16)] + bufd[pl.ds(k16 * 16, 16)])
                av = jnp.where(av >= 0, av, av * 0.2)
                exb[pl.ds(par * 128 + k16 * 16, 16)] = jnp.exp(av - b16)

        fire(0, asga, adga, sa1, sa2)
        fire(1, asgb, adgb, sb1, sb2)

        def super_iter(b2, carry):
            drain(asga, adga, sa1, sa2)
            compute(asga, adga, 0)
            fire(2 * b2 + 2, asga, adga, sa1, sa2)
            drain(asgb, adgb, sb1, sb2)
            compute(asgb, adgb, 1)
            fire(2 * b2 + 3, asgb, adgb, sb1, sb2)
            pltpu.sync_copy(
                exb, ex_hbm.at[pl.ds(wid * 4 * EPWP + b2 * 256, 256)])
            return carry

        lax.fori_loop(0, nb // 2, super_iter, 0)
        drain(asga, adga, sa1, sa2)
        drain(asgb, adgb, sb1, sb2)

    return k(as_flat, ad_flat, stats_flat, idxs, idxd)


def _k5_body(gacc_ref, h_ref, als_ref, ald_ref, d_ref, st_ref,
             bias_ref, g_ref, ps_ref):
    i = pl.program_id(0)
    braw = st_ref[0:1, 0:4] + st_ref[0:1, 4:8]
    b4 = jnp.where(braw >= 0, braw, braw * 0.2)
    al = als_ref[...] + ald_ref[...]
    al = jnp.where(al >= 0, al, al * 0.2)
    exl = jnp.exp(al - b4)
    den = d_ref[...] + exl
    inv = 1.0 / den
    attl = exl * inv
    r4 = jax.lax.broadcasted_iota(jnp.int32, (4, 1024), 0)
    c4 = jax.lax.broadcasted_iota(jnp.int32, (4, 1024), 1)
    eb = jnp.where(r4 == c4 // 256, 1.0, 0.0).astype(jnp.float32)
    inv_bc = jnp.dot(inv, eb, preferred_element_type=jnp.float32)
    attl_bc = jnp.dot(attl, eb, preferred_element_type=jnp.float32)
    g = gacc_ref[...] * inv_bc + attl_bc * h_ref[...] + bias_ref[...]
    g_ref[...] = g
    colsum = jnp.sum(g, axis=0, keepdims=True)
    ps = jnp.dot(colsum, eb.T, preferred_element_type=jnp.float32)
    row = jnp.concatenate([ps, jnp.zeros((1, 124), jnp.float32)], axis=1)

    @pl.when(i == 0)
    def _init():
        ps_ref[...] = row

    @pl.when(i > 0)
    def _acc():
        ps_ref[...] = ps_ref[...] + row


def _k5(gacc, h_flat, alpha_s, alpha_d, den, stats, bias_gat):
    return pl.pallas_call(
        _k5_body,
        grid=(N // BN,),
        in_specs=[
            pl.BlockSpec((BN, 1024), lambda i: (i, 0)),
            pl.BlockSpec((BN, 1024), lambda i: (i, 0)),
            pl.BlockSpec((BN, 4), lambda i: (i, 0)),
            pl.BlockSpec((BN, 4), lambda i: (i, 0)),
            pl.BlockSpec((BN, 4), lambda i: (i, 0)),
            pl.BlockSpec((1, 128), lambda i: (0, 0)),
            pl.BlockSpec((1, 1024), lambda i: (0, 0)),
        ],
        out_specs=[
            pl.BlockSpec((BN, 1024), lambda i: (i, 0)),
            pl.BlockSpec((1, 128), lambda i: (0, 0)),
        ],
        out_shape=[
            jax.ShapeDtypeStruct((N, 1024), jnp.float32),
            jax.ShapeDtypeStruct((1, 128), jnp.float32),
        ],
    )(gacc, h_flat, alpha_s, alpha_d, den, stats, bias_gat.reshape(1, 1024))


def _k6_body(g_ref, x_ref, ps_ref, cw_ref, cb_ref, h2_ref):
    p = ps_ref[0:1, 0:4] / float(N * D)
    cc = jnp.maximum(cw_ref[0, 0] * p + cb_ref[0, 0], 0.0)
    m = jnp.max(cc, axis=1, keepdims=True)
    e = jnp.exp(cc - m)
    cw4 = e / jnp.sum(e, axis=1, keepdims=True)
    fuse = g_ref[:, 0:256] * cw4[0:1, 0:1]
    for hh in range(1, 4):
        fuse = fuse + g_ref[:, hh * 256:(hh + 1) * 256] * cw4[0:1, hh:hh + 1]
    h2_ref[...] = jnp.maximum(fuse + x_ref[...], 0.0)


def _k6(g, x, psum, conv_w, conv_b):
    return pl.pallas_call(
        _k6_body,
        grid=(N // BN,),
        in_specs=[
            pl.BlockSpec((BN, 1024), lambda i: (i, 0)),
            pl.BlockSpec((BN, D), lambda i: (i, 0)),
            pl.BlockSpec((1, 128), lambda i: (0, 0)),
            pl.BlockSpec((1, 1), lambda i: (0, 0)),
            pl.BlockSpec((1, 1), lambda i: (0, 0)),
        ],
        out_specs=pl.BlockSpec((BN, D), lambda i: (i, 0)),
        out_shape=jax.ShapeDtypeStruct((N, D), jnp.float32),
    )(g, x, psum, conv_w.reshape(1, 1), conv_b.reshape(1, 1))


GSZ7 = 40


def _k7a(h2, src, dst, lw_flat):
    mesh = plsc.VectorSubcoreMesh(core_axis_name="c", subcore_axis_name="s")

    @functools.partial(
        pl.kernel, mesh=mesh,
        out_type=jax.ShapeDtypeStruct((E * 32,), jnp.float32),
        scratch_types=[
            pltpu.VMEM((EPW,), jnp.int32),
            pltpu.VMEM((EPW,), jnp.int32),
            pltpu.VMEM((512,), jnp.float32),
            pltpu.VMEM((GSZ7, D), jnp.float32),
            pltpu.VMEM((GSZ7, D), jnp.float32),
            pltpu.VMEM((GSZ7 * 32,), jnp.float32),
            pltpu.SemaphoreType.DMA,
            pltpu.SemaphoreType.DMA,
        ],
    )
    def k(h2_hbm, src_hbm, dst_hbm, lw_hbm, part_hbm,
          src_v, dst_v, lw_v, rows_s, rows_d, part_v, sem_s, sem_d):
        wid = lax.axis_index("s") * 2 + lax.axis_index("c")
        ebase = wid * EPW
        pltpu.sync_copy(src_hbm.at[pl.ds(ebase, EPW)], src_v)
        pltpu.sync_copy(dst_hbm.at[pl.ds(ebase, EPW)], dst_v)
        pltpu.sync_copy(lw_hbm, lw_v)
        w0 = [lw_v[pl.ds(k16 * 16, 16)] for k16 in range(16)]
        w1 = [lw_v[pl.ds(256 + k16 * 16, 16)] for k16 in range(16)]

        def group(g, carry):
            cs = pltpu.async_copy(
                h2_hbm.at[src_v.at[pl.ds(g * GSZ7, GSZ7)]], rows_s, sem_s)
            cd = pltpu.async_copy(
                h2_hbm.at[dst_v.at[pl.ds(g * GSZ7, GSZ7)]], rows_d, sem_d)
            cs.wait()
            cd.wait()

            def edge(e, c2):
                acc0 = jnp.zeros((16,), jnp.float32)
                acc1 = jnp.zeros((16,), jnp.float32)
                for k16 in range(16):
                    a = rows_s[e, pl.ds(k16 * 16, 16)]
                    b = rows_d[e, pl.ds(k16 * 16, 16)]
                    t = a * b
                    acc0 = acc0 + t * w0[k16]
                    acc1 = acc1 + t * w1[k16]
                part_v[pl.ds(e * 32, 16)] = acc0
                part_v[pl.ds(e * 32 + 16, 16)] = acc1
                return c2

            lax.fori_loop(0, GSZ7, edge, 0)
            pltpu.sync_copy(
                part_v, part_hbm.at[pl.ds((ebase + g * GSZ7) * 32, GSZ7 * 32)])
            return carry

        lax.fori_loop(0, EPW // GSZ7, group, 0)

    return k(h2, src, dst, lw_flat)


def _k7b_body(pr_ref, lb_ref, o0_ref, o1_ref):
    i128 = jax.lax.broadcasted_iota(jnp.int32, (128, 8), 0)
    j8 = jax.lax.broadcasted_iota(jnp.int32, (128, 8), 1)
    col = (i128 // 32) + 4 * ((i128 % 32) // 16)
    P = jnp.where(col == j8, 1.0, 0.0).astype(jnp.float32)
    res = jnp.dot(pr_ref[...], P, preferred_element_type=jnp.float32)
    A = res[:, 0:4] + lb_ref[0, 0]
    Bm = res[:, 4:8] + lb_ref[0, 1]
    m = jnp.maximum(A, Bm)
    lse = m + jnp.log(jnp.exp(A - m) + jnp.exp(Bm - m))
    o0_ref[...] = A - lse
    o1_ref[...] = Bm - lse


def _k7b(part, lin_b):
    BB = 1000
    return pl.pallas_call(
        _k7b_body,
        grid=(E * 32 // 128 // BB,),
        in_specs=[
            pl.BlockSpec((BB, 128), lambda i: (i, 0)),
            pl.BlockSpec((1, 2), lambda i: (0, 0)),
        ],
        out_specs=[
            pl.BlockSpec((BB, 4), lambda i: (i, 0)),
            pl.BlockSpec((BB, 4), lambda i: (i, 0)),
        ],
        out_shape=[
            jax.ShapeDtypeStruct((E // 4, 4), jnp.float32),
            jax.ShapeDtypeStruct((E // 4, 4), jnp.float32),
        ],
    )(part.reshape(E * 32 // 128, 128), lin_b.reshape(1, 2))


def kernel(x, edge_index, W_gat, att_src, att_dst, bias_gat, conv_w, conv_b,
           lin_w, lin_b):
    h_flat, alpha_s, alpha_d, stats = _k1(x, W_gat, att_src, att_dst)
    src = edge_index[0]
    dst = edge_index[1]

    pad = jnp.zeros((EPP - E,), dtype=jnp.int32)
    srcp = jnp.concatenate([src, pad])
    dstp = jnp.concatenate([dst, pad])
    h4 = jnp.arange(4, dtype=jnp.int32)
    idxs = (srcp[:, None] * 4 + h4).reshape(EPP * 4)
    idxd = (dstp[:, None] * 4 + h4).reshape(EPP * 4)
    ex = _k2(alpha_s.reshape(4 * N), alpha_d.reshape(4 * N),
             stats.reshape(128), idxs, idxd)
    exr = ex.reshape(EPP, 4)[:E]
    den = jax.ops.segment_sum(exr, dst, num_segments=N)
    gacc = jax.ops.segment_sum(
        h_flat[src] * jnp.repeat(exr, D, axis=1), dst, num_segments=N)
    g, psum = _k5(gacc, h_flat, alpha_s, alpha_d, den, stats, bias_gat)
    h2 = _k6(g, x, psum, conv_w, conv_b)

    part = _k7a(h2, src, dst, lin_w.reshape(2 * D))
    l0, l1 = _k7b(part, lin_b)
    return jnp.stack([l0.reshape(E), l1.reshape(E)], axis=1)

# --- scband reference (transcript-rebuilt; emitter-appended) ---
"""Pipeline reference for scband-temporal-relation-graph-52974126629263 (READ-ONLY COPY).

The authoritative reference and input builder live on the scoring server;
editing this copy changes nothing except your own understanding.
"""

import jax, jax.numpy as jnp
import numpy as np

N, E, D, H = 10000, 160000, 256, 4


def setup_inputs(seed: int = 0) -> dict:
    key = jax.random.key(seed)
    ks = jax.random.split(key, 8)
    x = jax.random.normal(ks[0], (N, D), dtype=jnp.float32)
    edge_index = jax.random.randint(ks[1], (2, E), 0, N, dtype=jnp.int32)
    W_gat = jax.random.normal(ks[2], (D, H * D), dtype=jnp.float32) * 0.05
    att_src = jax.random.normal(ks[3], (H, D), dtype=jnp.float32) * 0.05
    att_dst = jax.random.normal(ks[4], (H, D), dtype=jnp.float32) * 0.05
    bias_gat = jnp.zeros((H * D,), dtype=jnp.float32)
    conv_w = jnp.array(0.8, dtype=jnp.float32)
    conv_b = jnp.array(0.1, dtype=jnp.float32)
    lin_w = jax.random.normal(ks[5], (2, D), dtype=jnp.float32) * 0.05
    lin_b = jnp.zeros((2,), dtype=jnp.float32)
    return {"x": x, "edge_index": edge_index, "W_gat": W_gat, "att_src": att_src,
            "att_dst": att_dst, "bias_gat": bias_gat, "conv_w": conv_w,
            "conv_b": conv_b, "lin_w": lin_w, "lin_b": lin_b}


def _gat(x, edge_index, W, a_src, a_dst, b):
    # PyG GATConv(D, D, heads=H, concat=True), add_self_loops=True
    h = (x @ W).reshape(N, H, D)
    alpha_s = (h * a_src[None]).sum(-1)  # [N, H]
    alpha_d = (h * a_dst[None]).sum(-1)  # [N, H]
    loop = jnp.arange(N, dtype=edge_index.dtype)
    src = jnp.concatenate([edge_index[0], loop])
    dst = jnp.concatenate([edge_index[1], loop])
    alpha = alpha_s[src] + alpha_d[dst]
    alpha = jax.nn.leaky_relu(alpha, 0.2)
    amax = jax.lax.stop_gradient(jax.ops.segment_max(alpha, dst, num_segments=N))
    ex = jnp.exp(alpha - amax[dst])
    den = jax.ops.segment_sum(ex, dst, num_segments=N)
    att = ex / (den[dst] + 1e-16)
    out = jax.ops.segment_sum(h[src] * att[:, :, None], dst, num_segments=N)
    return out.reshape(N, H * D) + b


def reference(x, edge_index, W_gat, att_src, att_dst, bias_gat, conv_w, conv_b, lin_w, lin_b):
    g = _gat(x, edge_index, W_gat, att_src, att_dst, bias_gat)  # [N, H*D]
    # cat of head splits -> [H, 1, N, D]
    z = jnp.transpose(g.reshape(N, H, D), (1, 0, 2))[:, None, :, :]
    # AdaptiveAvgPool2d((1,1)) -> [H,1,1,1]
    p = jnp.mean(z, axis=(2, 3), keepdims=True)
    # Conv2d(1,1,1) is scalar affine
    c = jax.nn.relu(conv_w * p + conv_b)
    c = jax.nn.softmax(c, axis=0)
    fuse = jnp.sum(z * c, axis=0)  # [1, N, D]
    h2 = jax.nn.relu(fuse + x)     # broadcast -> [1, N, D]
    h2 = h2.reshape(N, D)
    e = h2[edge_index[0]] * h2[edge_index[1]]  # [E, D]
    out = e @ lin_w.T + lin_b                  # [E, 2]
    return jax.nn.log_softmax(out, axis=1)

if __name__ == "__main__":
    import jax
    _d = setup_inputs()
    print(jax.jit(kernel)(*tuple(_d.values())))

</pallas_src>

<mosaic_0001>
#map = affine_map<(d0, d1) -> (0)>
module attributes {stable_mosaic.version = 14 : i64} {
  func.func @k(%arg0: i32, %arg1: i32, %arg2: memref<40000xf32, #tpu.memory_space<hbm>>, %arg3: memref<40000xf32, #tpu.memory_space<hbm>>, %arg4: memref<128xf32, #tpu.memory_space<hbm>>, %arg5: memref<655360xi32, #tpu.memory_space<hbm>>, %arg6: memref<655360xi32, #tpu.memory_space<hbm>>, %arg7: memref<655360xf32, #tpu.memory_space<hbm>>, %arg8: memref<20736xi32, #tpu.memory_space<vmem>>, %arg9: memref<20736xi32, #tpu.memory_space<vmem>>, %arg10: memref<16xf32, #tpu.memory_space<vmem>>, %arg11: memref<128xf32, #tpu.memory_space<vmem>>, %arg12: memref<128xf32, #tpu.memory_space<vmem>>, %arg13: memref<128xf32, #tpu.memory_space<vmem>>, %arg14: memref<128xf32, #tpu.memory_space<vmem>>, %arg15: memref<256xf32, #tpu.memory_space<vmem>>, %arg16: memref<40000xf32, #tpu.memory_space<vmem_shared>>, %arg17: memref<40000xf32, #tpu.memory_space<vmem_shared>>, %arg18: memref<!tpu.dma_semaphore, #tpu.memory_space<semaphore_mem>>, %arg19: memref<!tpu.dma_semaphore, #tpu.memory_space<semaphore_mem>>, %arg20: memref<!tpu.dma_semaphore, #tpu.memory_space<semaphore_mem>>, %arg21: memref<!tpu.dma_semaphore, #tpu.memory_space<semaphore_mem>>) attributes {dimension_semantics = [#tpu.dimension_semantics<core_parallel>, #tpu.dimension_semantics<subcore_parallel>], iteration_bounds = array<i64: 2, 16>, scalar_prefetch = 0 : i64, scratch_operands = 14 : i64, tpu.core_type = #tpu.core_type<sc_vector_subcore>, window_params = [{transform_indices = #map}, {transform_indices = #map}, {transform_indices = #map}, {transform_indices = #map}, {transform_indices = #map}, {transform_indices = #map}]} {
    %mul3A = arith.constant 2 : i32
    %mul3A_0 = arith.muli %arg1, %mul3A : i32
    %add3A = arith.addi %mul3A_0, %arg0 : i32
    %iota3A = tpu.iota {dimensions = array<i32: 0>} : vector<16xi32>
    %jit3A = arith.constant 4 : i32
    %eq3A = arith.constant 0 : i32
    %eq3A_1 = arith.cmpi eq, %jit3A, %eq3A : i32
    %jit3A_2 = arith.constant 1 : i32
    %select_n3A = arith.select %eq3A_1, %jit3A_2, %jit3A : i32
    %rem3A = vector.broadcast %select_n3A : i32 to vector<16xi32>
    %rem3A_3 = arith.remsi %iota3A, %rem3A : vector<16xi32>
    %ne3A = arith.constant 0 : i32
    %ne3A_4 = vector.broadcast %ne3A : i32 to vector<16xi32>
    %ne3A_5 = arith.cmpi ne, %rem3A_3, %ne3A_4 : vector<16xi32>
    %lt3A = arith.constant 0 : i32
    %lt3A_6 = vector.broadcast %lt3A : i32 to vector<16xi32>
    %lt3A_7 = arith.cmpi slt, %rem3A_3, %lt3A_6 : vector<16xi32>
    %lt3A_8 = arith.constant 0 : i32
    %lt3A_9 = arith.cmpi slt, %select_n3A, %lt3A_8 : i32
    %ne3A_10 = vector.broadcast %lt3A_9 : i1 to vector<16xi1>
    %ne3A_11 = vector.broadcast %ne3A_10 : vector<16xi1> to vector<16xi1>
    %ne3A_12 = arith.xori %lt3A_7, %ne3A_11 : vector<16xi1>
    %and3A = arith.andi %ne3A_12, %ne3A_5 : vector<16xi1>
    %add3A_13 = vector.broadcast %select_n3A : i32 to vector<16xi32>
    %add3A_14 = arith.addi %rem3A_3, %add3A_13 : vector<16xi32>
    %select_n3A_15 = arith.select %and3A, %add3A_14, %rem3A_3 : vector<16xi1>, vector<16xi32>
    %eq3A_16 = arith.constant 0 : i32
    %eq3A_17 = arith.cmpi eq, %add3A, %eq3A_16 : i32
    %convert_element_type3A = arith.extui %eq3A_17 : i1 to i32
    %cond3A = arith.constant 0 : i32
    %cond3A_18 = arith.cmpi ne, %convert_element_type3A, %cond3A : i32
    scf.if %cond3A_18 {
      "tpu.region"() ({
        %run_scoped3A = tpu.sem_alloc : memref<!tpu.dma_semaphore, #tpu.memory_space<semaphore_mem>>
        tpu.enqueue_dma source(%arg2 : memref<40000xf32, #tpu.memory_space<hbm>>) target(%arg16 : memref<40000xf32, #tpu.memory_space<vmem_shared>>) target_semaphore(%run_scoped3A : memref<!tpu.dma_semaphore, #tpu.memory_space<semaphore_mem>>)
        tpu.wait_dma2 semaphore(%run_scoped3A : memref<!tpu.dma_semaphore, #tpu.memory_space<semaphore_mem>>) src(%arg2 : memref<40000xf32, #tpu.memory_space<hbm>>) dst(%arg16 : memref<40000xf32, #tpu.memory_space<vmem_shared>>)
        tpu.yield
      }) : () -> ()
      "tpu.region"() ({
        %run_scoped3A = tpu.sem_alloc : memref<!tpu.dma_semaphore, #tpu.memory_space<semaphore_mem>>
        tpu.enqueue_dma source(%arg3 : memref<40000xf32, #tpu.memory_space<hbm>>) target(%arg17 : memref<40000xf32, #tpu.memory_space<vmem_shared>>) target_semaphore(%run_scoped3A : memref<!tpu.dma_semaphore, #tpu.memory_space<semaphore_mem>>)
        tpu.wait_dma2 semaphore(%run_scoped3A : memref<!tpu.dma_semaphore, #tpu.memory_space<semaphore_mem>>) src(%arg3 : memref<40000xf32, #tpu.memory_space<hbm>>) dst(%arg17 : memref<40000xf32, #tpu.memory_space<vmem_shared>>)
        tpu.yield
      }) : () -> ()
    } else {
    }
    %eq3A_19 = arith.constant 1 : i32
    %eq3A_20 = arith.cmpi eq, %add3A, %eq3A_19 : i32
    %convert_element_type3A_21 = arith.extui %eq3A_20 : i1 to i32
    %cond3A_22 = arith.constant 0 : i32
    %cond3A_23 = arith.cmpi ne, %convert_element_type3A_21, %cond3A_22 : i32
    scf.if %cond3A_23 {
      "tpu.region"() ({
        %run_scoped3A = tpu.sem_alloc : memref<!tpu.dma_semaphore, #tpu.memory_space<semaphore_mem>>
        tpu.enqueue_dma source(%arg3 : memref<40000xf32, #tpu.memory_space<hbm>>) target(%arg17 : memref<40000xf32, #tpu.memory_space<vmem_shared>>) target_semaphore(%run_scoped3A : memref<!tpu.dma_semaphore, #tpu.memory_space<semaphore_mem>>)
        tpu.wait_dma2 semaphore(%run_scoped3A : memref<!tpu.dma_semaphore, #tpu.memory_space<semaphore_mem>>) src(%arg3 : memref<40000xf32, #tpu.memory_space<hbm>>) dst(%arg17 : memref<40000xf32, #tpu.memory_space<vmem_shared>>)
        tpu.yield
      }) : () -> ()
      "tpu.region"() ({
        %run_scoped3A = tpu.sem_alloc : memref<!tpu.dma_semaphore, #tpu.memory_space<semaphore_mem>>
        tpu.enqueue_dma source(%arg2 : memref<40000xf32, #tpu.memory_space<hbm>>) target(%arg16 : memref<40000xf32, #tpu.memory_space<vmem_shared>>) target_semaphore(%run_scoped3A : memref<!tpu.dma_semaphore, #tpu.memory_space<semaphore_mem>>)
        tpu.wait_dma2 semaphore(%run_scoped3A : memref<!tpu.dma_semaphore, #tpu.memory_space<semaphore_mem>>) src(%arg2 : memref<40000xf32, #tpu.memory_space<hbm>>) dst(%arg16 : memref<40000xf32, #tpu.memory_space<vmem_shared>>)
        tpu.yield
      }) : () -> ()
    } else {
    }
    "tpu.region"() ({
      %run_scoped3A = tpu.sem_alloc : memref<!tpu.dma_semaphore, #tpu.memory_space<semaphore_mem>>
      %dma_start3A_320 = arith.constant 0 : i32
      %dma_start3A_321 = tpu.memref_slice %arg4[%dma_start3A_320] : memref<128xf32, #tpu.memory_space<hbm>> -> memref<16xf32, #tpu.memory_space<hbm>>
      %dma_start3A_322 = arith.constant 0 : i32
      %dma_start3A_323 = tpu.memref_slice %arg4[%dma_start3A_322] : memref<128xf32, #tpu.memory_space<hbm>> -> memref<16xf32, #tpu.memory_space<hbm>>
      tpu.enqueue_dma source(%dma_start3A_323 : memref<16xf32, #tpu.memory_space<hbm>>) target(%arg10 : memref<16xf32, #tpu.memory_space<vmem>>) target_semaphore(%run_scoped3A : memref<!tpu.dma_semaphore, #tpu.memory_space<semaphore_mem>>)
      %dma_wait3A_324 = arith.constant 0 : i32
      %dma_wait3A_325 = tpu.memref_slice %arg4[%dma_wait3A_324] : memref<128xf32, #tpu.memory_space<hbm>> -> memref<16xf32, #tpu.memory_space<hbm>>
      %dma_wait3A_326 = arith.constant 0 : i32
      %dma_wait3A_327 = tpu.memref_slice %arg4[%dma_wait3A_326] : memref<128xf32, #tpu.memory_space<hbm>> -> memref<16xf32, #tpu.memory_space<hbm>>
      tpu.wait_dma2 semaphore(%run_scoped3A : memref<!tpu.dma_semaphore, #tpu.memory_space<semaphore_mem>>) src(%dma_wait3A_327 : memref<16xf32, #tpu.memory_space<hbm>>) dst(%arg10 : memref<16xf32, #tpu.memory_space<vmem>>)
      tpu.yield
    }) : () -> ()
    %mul3A_24 = arith.constant 4 : i32
    %mul3A_25 = arith.muli %add3A, %mul3A_24 : i32
    %mul3A_26 = arith.constant 5120 : i32
    %mul3A_27 = arith.muli %mul3A_25, %mul3A_26 : i32
    "tpu.region"() ({
      %run_scoped3A = tpu.sem_alloc : memref<!tpu.dma_semaphore, #tpu.memory_space<semaphore_mem>>
      %dma_start3A_320 = arith.constant 0 : i32
      %dma_start3A_321 = tpu.memref_slice %arg8[%dma_start3A_320] : memref<20736xi32, #tpu.memory_space<vmem>> -> memref<20480xi32, #tpu.memory_space<vmem>>
      %dma_start3A_322 = tpu.memref_slice %arg5[%mul3A_27] : memref<655360xi32, #tpu.memory_space<hbm>> -> memref<20480xi32, #tpu.memory_space<hbm>>
      %dma_start3A_323 = arith.constant 0 : i32
      %dma_start3A_324 = tpu.memref_slice %arg8[%dma_start3A_323] : memref<20736xi32, #tpu.memory_space<vmem>> -> memref<20480xi32, #tpu.memory_space<vmem>>
      %dma_start3A_325 = tpu.memref_slice %arg5[%mul3A_27] : memref<655360xi32, #tpu.memory_space<hbm>> -> memref<20480xi32, #tpu.memory_space<hbm>>
      tpu.enqueue_dma source(%dma_start3A_325 : memref<20480xi32, #tpu.memory_space<hbm>>) target(%dma_start3A_324 : memref<20480xi32, #tpu.memory_space<vmem>>) target_semaphore(%run_scoped3A : memref<!tpu.dma_semaphore, #tpu.memory_space<semaphore_mem>>)
      %dma_wait3A_326 = arith.constant 0 : i32
      %dma_wait3A_327 = tpu.memref_slice %arg8[%dma_wait3A_326] : memref<20736xi32, #tpu.memory_space<vmem>> -> memref<20480xi32, #tpu.memory_space<vmem>>
      %dma_wait3A_328 = tpu.memref_slice %arg5[%mul3A_27] : memref<655360xi32, #tpu.memory_space<hbm>> -> memref<20480xi32, #tpu.memory_space<hbm>>
      %dma_wait3A_329 = arith.constant 0 : i32
      %dma_wait3A_330 = tpu.memref_slice %arg8[%dma_wait3A_329] : memref<20736xi32, #tpu.memory_space<vmem>> -> memref<20480xi32, #tpu.memory_space<vmem>>
      %dma_wait3A_331 = tpu.memref_slice %arg5[%mul3A_27] : memref<655360xi32, #tpu.memory_space<hbm>> -> memref<20480xi32, #tpu.memory_space<hbm>>
      tpu.wait_dma2 semaphore(%run_scoped3A : memref<!tpu.dma_semaphore, #tpu.memory_space<semaphore_mem>>) src(%dma_wait3A_331 : memref<20480xi32, #tpu.memory_space<hbm>>) dst(%dma_wait3A_330 : memref<20480xi32, #tpu.memory_space<vmem>>)
      tpu.yield
    }) : () -> ()
    %mul3A_28 = arith.constant 4 : i32
    %mul3A_29 = arith.muli %add3A, %mul3A_28 : i32
    %mul3A_30 = arith.constant 5120 : i32
    %mul3A_31 = arith.muli %mul3A_29, %mul3A_30 : i32
    "tpu.region"() ({
      %run_scoped3A = tpu.sem_alloc : memref<!tpu.dma_semaphore, #tpu.memory_space<semaphore_mem>>
      %dma_start3A_320 = arith.constant 0 : i32
      %dma_start3A_321 = tpu.memref_slice %arg9[%dma_start3A_320] : memref<20736xi32, #tpu.memory_space<vmem>> -> memref<20480xi32, #tpu.memory_space<vmem>>
      %dma_start3A_322 = tpu.memref_slice %arg6[%mul3A_31] : memref<655360xi32, #tpu.memory_space<hbm>> -> memref<20480xi32, #tpu.memory_space<hbm>>
      %dma_start3A_323 = arith.constant 0 : i32
      %dma_start3A_324 = tpu.memref_slice %arg9[%dma_start3A_323] : memref<20736xi32, #tpu.memory_space<vmem>> -> memref<20480xi32, #tpu.memory_space<vmem>>
      %dma_start3A_325 = tpu.memref_slice %arg6[%mul3A_31] : memref<655360xi32, #tpu.memory_space<hbm>> -> memref<20480xi32, #tpu.memory_space<hbm>>
      tpu.enqueue_dma source(%dma_start3A_325 : memref<20480xi32, #tpu.memory_space<hbm>>) target(%dma_start3A_324 : memref<20480xi32, #tpu.memory_space<vmem>>) target_semaphore(%run_scoped3A : memref<!tpu.dma_semaphore, #tpu.memory_space<semaphore_mem>>)
      %dma_wait3A_326 = arith.constant 0 : i32
      %dma_wait3A_327 = tpu.memref_slice %arg9[%dma_wait3A_326] : memref<20736xi32, #tpu.memory_space<vmem>> -> memref<20480xi32, #tpu.memory_space<vmem>>
      %dma_wait3A_328 = tpu.memref_slice %arg6[%mul3A_31] : memref<655360xi32, #tpu.memory_space<hbm>> -> memref<20480xi32, #tpu.memory_space<hbm>>
      %dma_wait3A_329 = arith.constant 0 : i32
      %dma_wait3A_330 = tpu.memref_slice %arg9[%dma_wait3A_329] : memref<20736xi32, #tpu.memory_space<vmem>> -> memref<20480xi32, #tpu.memory_space<vmem>>
      %dma_wait3A_331 = tpu.memref_slice %arg6[%mul3A_31] : memref<655360xi32, #tpu.memory_space<hbm>> -> memref<20480xi32, #tpu.memory_space<hbm>>
      tpu.wait_dma2 semaphore(%run_scoped3A : memref<!tpu.dma_semaphore, #tpu.memory_space<semaphore_mem>>) src(%dma_wait3A_331 : memref<20480xi32, #tpu.memory_space<hbm>>) dst(%dma_wait3A_330 : memref<20480xi32, #tpu.memory_space<vmem>>)
      tpu.yield
    }) : () -> ()
    %mul3A_32 = arith.constant 0 : i32
    %mul3A_33 = vector.broadcast %mul3A_32 : i32 to vector<16xi32>
    %mul3A_34 = arith.muli %iota3A, %mul3A_33 : vector<16xi32>
    %swap3A = arith.constant 20480 : index
    %swap3A_35 = tpu.vector_load %arg8[%swap3A] {strides = array<i32>} : memref<20736xi32, #tpu.memory_space<vmem>>, vector<16xi32>,
    %swap3A_36 = vector.shape_cast %swap3A_35 : vector<16xi32> to vector<16xi32>
    %swap3A_37 = vector.shape_cast %mul3A_34 : vector<16xi32> to vector<16xi32>
    tpu.vector_store %arg8[%swap3A], %swap3A_37 {strides = array<i32>} : memref<20736xi32, #tpu.memory_space<vmem>>, vector<16xi32>,
    %mul3A_38 = arith.constant 0 : i32
    %mul3A_39 = vector.broadcast %mul3A_38 : i32 to vector<16xi32>
    %mul3A_40 = arith.muli %iota3A, %mul3A_39 : vector<16xi32>
    %swap3A_41 = arith.constant 20480 : index
    %swap3A_42 = tpu.vector_load %arg9[%swap3A_41] {strides = array<i32>} : memref<20736xi32, #tpu.memory_space<vmem>>, vector<16xi32>,
    %swap3A_43 = vector.shape_cast %swap3A_42 : vector<16xi32> to vector<16xi32>
    %swap3A_44 = vector.shape_cast %mul3A_40 : vector<16xi32> to vector<16xi32>
    tpu.vector_store %arg9[%swap3A_41], %swap3A_44 {strides = array<i32>} : memref<20736xi32, #tpu.memory_space<vmem>>, vector<16xi32>,
    %mul3A_45 = arith.constant 0 : i32
    %mul3A_46 = vector.broadcast %mul3A_45 : i32 to vector<16xi32>
    %mul3A_47 = arith.muli %iota3A, %mul3A_46 : vector<16xi32>
    %swap3A_48 = arith.constant 20496 : index
    %swap3A_49 = tpu.vector_load %arg8[%swap3A_48] {strides = array<i32>} : memref<20736xi32, #tpu.memory_space<vmem>>, vector<16xi32>,
    %swap3A_50 = vector.shape_cast %swap3A_49 : vector<16xi32> to vector<16xi32>
    %swap3A_51 = vector.shape_cast %mul3A_47 : vector<16xi32> to vector<16xi32>
    tpu.vector_store %arg8[%swap3A_48], %swap3A_51 {strides = array<i32>} : memref<20736xi32, #tpu.memory_space<vmem>>, vector<16xi32>,
    %mul3A_52 = arith.constant 0 : i32
    %mul3A_53 = vector.broadcast %mul3A_52 : i32 to vector<16xi32>
    %mul3A_54 = arith.muli %iota3A, %mul3A_53 : vector<16xi32>
    %swap3A_55 = arith.constant 20496 : index
    %swap3A_56 = tpu.vector_load %arg9[%swap3A_55] {strides = array<i32>} : memref<20736xi32, #tpu.memory_space<vmem>>, vector<16xi32>,
    %swap3A_57 = vector.shape_cast %swap3A_56 : vector<16xi32> to vector<16xi32>
    %swap3A_58 = vector.shape_cast %mul3A_54 : vector<16xi32> to vector<16xi32>
    tpu.vector_store %arg9[%swap3A_55], %swap3A_58 {strides = array<i32>} : memref<20736xi32, #tpu.memory_space<vmem>>, vector<16xi32>,
    %mul3A_59 = arith.constant 0 : i32
    %mul3A_60 = vector.broadcast %mul3A_59 : i32 to vector<16xi32>
    %mul3A_61 = arith.muli %iota3A, %mul3A_60 : vector<16xi32>
    %swap3A_62 = arith.constant 20512 : index
    %swap3A_63 = tpu.vector_load %arg8[%swap3A_62] {strides = array<i32>} : memref<20736xi32, #tpu.memory_space<vmem>>, vector<16xi32>,
    %swap3A_64 = vector.shape_cast %swap3A_63 : vector<16xi32> to vector<16xi32>
    %swap3A_65 = vector.shape_cast %mul3A_61 : vector<16xi32> to vector<16xi32>
    tpu.vector_store %arg8[%swap3A_62], %swap3A_65 {strides = array<i32>} : memref<20736xi32, #tpu.memory_space<vmem>>, vector<16xi32>,
    %mul3A_66 = arith.constant 0 : i32
    %mul3A_67 = vector.broadcast %mul3A_66 : i32 to vector<16xi32>
    %mul3A_68 = arith.muli %iota3A, %mul3A_67 : vector<16xi32>
    %swap3A_69 = arith.constant 20512 : index
    %swap3A_70 = tpu.vector_load %arg9[%swap3A_69] {strides = array<i32>} : memref<20736xi32, #tpu.memory_space<vmem>>, vector<16xi32>,
    %swap3A_71 = vector.shape_cast %swap3A_70 : vector<16xi32> to vector<16xi32>
    %swap3A_72 = vector.shape_cast %mul3A_68 : vector<16xi32> to vector<16xi32>
    tpu.vector_store %arg9[%swap3A_69], %swap3A_72 {strides = array<i32>} : memref<20736xi32, #tpu.memory_space<vmem>>, vector<16xi32>,
    %mul3A_73 = arith.constant 0 : i32
    %mul3A_74 = vector.broadcast %mul3A_73 : i32 to vector<16xi32>
    %mul3A_75 = arith.muli %iota3A, %mul3A_74 : vector<16xi32>
    %swap3A_76 = arith.constant 20528 : index
    %swap3A_77 = tpu.vector_load %arg8[%swap3A_76] {strides = array<i32>} : memref<20736xi32, #tpu.memory_space<vmem>>, vector<16xi32>,
    %swap3A_78 = vector.shape_cast %swap3A_77 : vector<16xi32> to vector<16xi32>
    %swap3A_79 = vector.shape_cast %mul3A_75 : vector<16xi32> to vector<16xi32>
    tpu.vector_store %arg8[%swap3A_76], %swap3A_79 {strides = array<i32>} : memref<20736xi32, #tpu.memory_space<vmem>>, vector<16xi32>,
    %mul3A_80 = arith.constant 0 : i32
    %mul3A_81 = vector.broadcast %mul3A_80 : i32 to vector<16xi32>
    %mul3A_82 = arith.muli %iota3A, %mul3A_81 : vector<16xi32>
    %swap3A_83 = arith.constant 20528 : index
    %swap3A_84 = tpu.vector_load %arg9[%swap3A_83] {strides = array<i32>} : memref<20736xi32, #tpu.memory_space<vmem>>, vector<16xi32>,
    %swap3A_85 = vector.shape_cast %swap3A_84 : vector<16xi32> to vector<16xi32>
    %swap3A_86 = vector.shape_cast %mul3A_82 : vector<16xi32> to vector<16xi32>
    tpu.vector_store %arg9[%swap3A_83], %swap3A_86 {strides = array<i32>} : memref<20736xi32, #tpu.memory_space<vmem>>, vector<16xi32>,
    %mul3A_87 = arith.constant 0 : i32
    %mul3A_88 = vector.broadcast %mul3A_87 : i32 to vector<16xi32>
    %mul3A_89 = arith.muli %iota3A, %mul3A_88 : vector<16xi32>
    %swap3A_90 = arith.constant 20544 : index
    %swap3A_91 = tpu.vector_load %arg8[%swap3A_90] {strides = array<i32>} : memref<20736xi32, #tpu.memory_space<vmem>>, vector<16xi32>,
    %swap3A_92 = vector.shape_cast %swap3A_91 : vector<16xi32> to vector<16xi32>
    %swap3A_93 = vector.shape_cast %mul3A_89 : vector<16xi32> to vector<16xi32>
    tpu.vector_store %arg8[%swap3A_90], %swap3A_93 {strides = array<i32>} : memref<20736xi32, #tpu.memory_space<vmem>>, vector<16xi32>,
    %mul3A_94 = arith.constant 0 : i32
    %mul3A_95 = vector.broadcast %mul3A_94 : i32 to vector<16xi32>
    %mul3A_96 = arith.muli %iota3A, %mul3A_95 : vector<16xi32>
    %swap3A_97 = arith.constant 20544 : index
    %swap3A_98 = tpu.vector_load %arg9[%swap3A_97] {strides = array<i32>} : memref<20736xi32, #tpu.memory_space<vmem>>, vector<16xi32>,
    %swap3A_99 = vector.shape_cast %swap3A_98 : vector<16xi32> to vector<16xi32>
    %swap3A_100 = vector.shape_cast %mul3A_96 : vector<16xi32> to vector<16xi32>
    tpu.vector_store %arg9[%swap3A_97], %swap3A_100 {strides = array<i32>} : memref<20736xi32, #tpu.memory_space<vmem>>, vector<16xi32>,
    %mul3A_101 = arith.constant 0 : i32
    %mul3A_102 = vector.broadcast %mul3A_101 : i32 to vector<16xi32>
    %mul3A_103 = arith.muli %iota3A, %mul3A_102 : vector<16xi32>
    %swap3A_104 = arith.constant 20560 : index
    %swap3A_105 = tpu.vector_load %arg8[%swap3A_104] {strides = array<i32>} : memref<20736xi32, #tpu.memory_space<vmem>>, vector<16xi32>,
    %swap3A_106 = vector.shape_cast %swap3A_105 : vector<16xi32> to vector<16xi32>
    %swap3A_107 = vector.shape_cast %mul3A_103 : vector<16xi32> to vector<16xi32>
    tpu.vector_store %arg8[%swap3A_104], %swap3A_107 {strides = array<i32>} : memref<20736xi32, #tpu.memory_space<vmem>>, vector<16xi32>,
    %mul3A_108 = arith.constant 0 : i32
    %mul3A_109 = vector.broadcast %mul3A_108 : i32 to vector<16xi32>
    %mul3A_110 = arith.muli %iota3A, %mul3A_109 : vector<16xi32>
    %swap3A_111 = arith.constant 20560 : index
    %swap3A_112 = tpu.vector_load %arg9[%swap3A_111] {strides = array<i32>} : memref<20736xi32, #tpu.memory_space<vmem>>, vector<16xi32>,
    %swap3A_113 = vector.shape_cast %swap3A_112 : vector<16xi32> to vector<16xi32>
    %swap3A_114 = vector.shape_cast %mul3A_110 : vector<16xi32> to vector<16xi32>
    tpu.vector_store %arg9[%swap3A_111], %swap3A_114 {strides = array<i32>} : memref<20736xi32, #tpu.memory_space<vmem>>, vector<16xi32>,
    %mul3A_115 = arith.constant 0 : i32
    %mul3A_116 = vector.broadcast %mul3A_115 : i32 to vector<16xi32>
    %mul3A_117 = arith.muli %iota3A, %mul3A_116 : vector<16xi32>
    %swap3A_118 = arith.constant 20576 : index
    %swap3A_119 = tpu.vector_load %arg8[%swap3A_118] {strides = array<i32>} : memref<20736xi32, #tpu.memory_space<vmem>>, vector<16xi32>,
    %swap3A_120 = vector.shape_cast %swap3A_119 : vector<16xi32> to vector<16xi32>
    %swap3A_121 = vector.shape_cast %mul3A_117 : vector<16xi32> to vector<16xi32>
    tpu.vector_store %arg8[%swap3A_118], %swap3A_121 {strides = array<i32>} : memref<20736xi32, #tpu.memory_space<vmem>>, vector<16xi32>,
    %mul3A_122 = arith.constant 0 : i32
    %mul3A_123 = vector.broadcast %mul3A_122 : i32 to vector<16xi32>
    %mul3A_124 = arith.muli %iota3A, %mul3A_123 : vector<16xi32>
    %swap3A_125 = arith.constant 20576 : index
    %swap3A_126 = tpu.vector_load %arg9[%swap3A_125] {strides = array<i32>} : memref<20736xi32, #tpu.memory_space<vmem>>, vector<16xi32>,
    %swap3A_127 = vector.shape_cast %swap3A_126 : vector<16xi32> to vector<16xi32>
    %swap3A_128 = vector.shape_cast %mul3A_124 : vector<16xi32> to vector<16xi32>
    tpu.vector_store %arg9[%swap3A_125], %swap3A_128 {strides = array<i32>} : memref<20736xi32, #tpu.memory_space<vmem>>, vector<16xi32>,
    %mul3A_129 = arith.constant 0 : i32
    %mul3A_130 = vector.broadcast %mul3A_129 : i32 to vector<16xi32>
    %mul3A_131 = arith.muli %iota3A, %mul3A_130 : vector<16xi32>
    %swap3A_132 = arith.constant 20592 : index
    %swap3A_133 = tpu.vector_load %arg8[%swap3A_132] {strides = array<i32>} : memref<20736xi32, #tpu.memory_space<vmem>>, vector<16xi32>,
    %swap3A_134 = vector.shape_cast %swap3A_133 : vector<16xi32> to vector<16xi32>
    %swap3A_135 = vector.shape_cast %mul3A_131 : vector<16xi32> to vector<16xi32>
    tpu.vector_store %arg8[%swap3A_132], %swap3A_135 {strides = array<i32>} : memref<20736xi32, #tpu.memory_space<vmem>>, vector<16xi32>,
    %mul3A_136 = arith.constant 0 : i32
    %mul3A_137 = vector.broadcast %mul3A_136 : i32 to vector<16xi32>
    %mul3A_138 = arith.muli %iota3A, %mul3A_137 : vector<16xi32>
    %swap3A_139 = arith.constant 20592 : index
    %swap3A_140 = tpu.vector_load %arg9[%swap3A_139] {strides = array<i32>} : memref<20736xi32, #tpu.memory_space<vmem>>, vector<16xi32>,
    %swap3A_141 = vector.shape_cast %swap3A_140 : vector<16xi32> to vector<16xi32>
    %swap3A_142 = vector.shape_cast %mul3A_138 : vector<16xi32> to vector<16xi32>
    tpu.vector_store %arg9[%swap3A_139], %swap3A_142 {strides = array<i32>} : memref<20736xi32, #tpu.memory_space<vmem>>, vector<16xi32>,
    %mul3A_143 = arith.constant 0 : i32
    %mul3A_144 = vector.broadcast %mul3A_143 : i32 to vector<16xi32>
    %mul3A_145 = arith.muli %iota3A, %mul3A_144 : vector<16xi32>
    %swap3A_146 = arith.constant 20608 : index
    %swap3A_147 = tpu.vector_load %arg8[%swap3A_146] {strides = array<i32>} : memref<20736xi32, #tpu.memory_space<vmem>>, vector<16xi32>,
    %swap3A_148 = vector.shape_cast %swap3A_147 : vector<16xi32> to vector<16xi32>
    %swap3A_149 = vector.shape_cast %mul3A_145 : vector<16xi32> to vector<16xi32>
    tpu.vector_store %arg8[%swap3A_146], %swap3A_149 {strides = array<i32>} : memref<20736xi32, #tpu.memory_space<vmem>>, vector<16xi32>,
    %mul3A_150 = arith.constant 0 : i32
    %mul3A_151 = vector.broadcast %mul3A_150 : i32 to vector<16xi32>
    %mul3A_152 = arith.muli %iota3A, %mul3A_151 : vector<16xi32>
    %swap3A_153 = arith.constant 20608 : index
    %swap3A_154 = tpu.vector_load %arg9[%swap3A_153] {strides = array<i32>} : memref<20736xi32, #tpu.memory_space<vmem>>, vector<16xi32>,
    %swap3A_155 = vector.shape_cast %swap3A_154 : vector<16xi32> to vector<16xi32>
    %swap3A_156 = vector.shape_cast %mul3A_152 : vector<16xi32> to vector<16xi32>
    tpu.vector_store %arg9[%swap3A_153], %swap3A_156 {strides = array<i32>} : memref<20736xi32, #tpu.memory_space<vmem>>, vector<16xi32>,
    %mul3A_157 = arith.constant 0 : i32
    %mul3A_158 = vector.broadcast %mul3A_157 : i32 to vector<16xi32>
    %mul3A_159 = arith.muli %iota3A, %mul3A_158 : vector<16xi32>
    %swap3A_160 = arith.constant 20624 : index
    %swap3A_161 = tpu.vector_load %arg8[%swap3A_160] {strides = array<i32>} : memref<20736xi32, #tpu.memory_space<vmem>>, vector<16xi32>,
    %swap3A_162 = vector.shape_cast %swap3A_161 : vector<16xi32> to vector<16xi32>
    %swap3A_163 = vector.shape_cast %mul3A_159 : vector<16xi32> to vector<16xi32>
    tpu.vector_store %arg8[%swap3A_160], %swap3A_163 {strides = array<i32>} : memref<20736xi32, #tpu.memory_space<vmem>>, vector<16xi32>,
    %mul3A_164 = arith.constant 0 : i32
    %mul3A_165 = vector.broadcast %mul3A_164 : i32 to vector<16xi32>
    %mul3A_166 = arith.muli %iota3A, %mul3A_165 : vector<16xi32>
    %swap3A_167 = arith.constant 20624 : index
    %swap3A_168 = tpu.vector_load %arg9[%swap3A_167] {strides = array<i32>} : memref<20736xi32, #tpu.memory_space<vmem>>, vector<16xi32>,
    %swap3A_169 = vector.shape_cast %swap3A_168 : vector<16xi32> to vector<16xi32>
    %swap3A_170 = vector.shape_cast %mul3A_166 : vector<16xi32> to vector<16xi32>
    tpu.vector_store %arg9[%swap3A_167], %swap3A_170 {strides = array<i32>} : memref<20736xi32, #tpu.memory_space<vmem>>, vector<16xi32>,
    %mul3A_171 = arith.constant 0 : i32
    %mul3A_172 = vector.broadcast %mul3A_171 : i32 to vector<16xi32>
    %mul3A_173 = arith.muli %iota3A, %mul3A_172 : vector<16xi32>
    %swap3A_174 = arith.constant 20640 : index
    %swap3A_175 = tpu.vector_load %arg8[%swap3A_174] {strides = array<i32>} : memref<20736xi32, #tpu.memory_space<vmem>>, vector<16xi32>,
    %swap3A_176 = vector.shape_cast %swap3A_175 : vector<16xi32> to vector<16xi32>
    %swap3A_177 = vector.shape_cast %mul3A_173 : vector<16xi32> to vector<16xi32>
    tpu.vector_store %arg8[%swap3A_174], %swap3A_177 {strides = array<i32>} : memref<20736xi32, #tpu.memory_space<vmem>>, vector<16xi32>,
    %mul3A_178 = arith.constant 0 : i32
    %mul3A_179 = vector.broadcast %mul3A_178 : i32 to vector<16xi32>
    %mul3A_180 = arith.muli %iota3A, %mul3A_179 : vector<16xi32>
    %swap3A_181 = arith.constant 20640 : index
    %swap3A_182 = tpu.vector_load %arg9[%swap3A_181] {strides = array<i32>} : memref<20736xi32, #tpu.memory_space<vmem>>, vector<16xi32>,
    %swap3A_183 = vector.shape_cast %swap3A_182 : vector<16xi32> to vector<16xi32>
    %swap3A_184 = vector.shape_cast %mul3A_180 : vector<16xi32> to vector<16xi32>
    tpu.vector_store %arg9[%swap3A_181], %swap3A_184 {strides = array<i32>} : memref<20736xi32, #tpu.memory_space<vmem>>, vector<16xi32>,
    %mul3A_185 = arith.constant 0 : i32
    %mul3A_186 = vector.broadcast %mul3A_185 : i32 to vector<16xi32>
    %mul3A_187 = arith.muli %iota3A, %mul3A_186 : vector<16xi32>
    %swap3A_188 = arith.constant 20656 : index
    %swap3A_189 = tpu.vector_load %arg8[%swap3A_188] {strides = array<i32>} : memref<20736xi32, #tpu.memory_space<vmem>>, vector<16xi32>,
    %swap3A_190 = vector.shape_cast %swap3A_189 : vector<16xi32> to vector<16xi32>
    %swap3A_191 = vector.shape_cast %mul3A_187 : vector<16xi32> to vector<16xi32>
    tpu.vector_store %arg8[%swap3A_188], %swap3A_191 {strides = array<i32>} : memref<20736xi32, #tpu.memory_space<vmem>>, vector<16xi32>,
    %mul3A_192 = arith.constant 0 : i32
    %mul3A_193 = vector.broadcast %mul3A_192 : i32 to vector<16xi32>
    %mul3A_194 = arith.muli %iota3A, %mul3A_193 : vector<16xi32>
    %swap3A_195 = arith.constant 20656 : index
    %swap3A_196 = tpu.vector_load %arg9[%swap3A_195] {strides = array<i32>} : memref<20736xi32, #tpu.memory_space<vmem>>, vector<16xi32>,
    %swap3A_197 = vector.shape_cast %swap3A_196 : vector<16xi32> to vector<16xi32>
    %swap3A_198 = vector.shape_cast %mul3A_194 : vector<16xi32> to vector<16xi32>
    tpu.vector_store %arg9[%swap3A_195], %swap3A_198 {strides = array<i32>} : memref<20736xi32, #tpu.memory_space<vmem>>, vector<16xi32>,
    %mul3A_199 = arith.constant 0 : i32
    %mul3A_200 = vector.broadcast %mul3A_199 : i32 to vector<16xi32>
    %mul3A_201 = arith.muli %iota3A, %mul3A_200 : vector<16xi32>
    %swap3A_202 = arith.constant 20672 : index
    %swap3A_203 = tpu.vector_load %arg8[%swap3A_202] {strides = array<i32>} : memref<20736xi32, #tpu.memory_space<vmem>>, vector<16xi32>,
    %swap3A_204 = vector.shape_cast %swap3A_203 : vector<16xi32> to vector<16xi32>
    %swap3A_205 = vector.shape_cast %mul3A_201 : vector<16xi32> to vector<16xi32>
    tpu.vector_store %arg8[%swap3A_202], %swap3A_205 {strides = array<i32>} : memref<20736xi32, #tpu.memory_space<vmem>>, vector<16xi32>,
    %mul3A_206 = arith.constant 0 : i32
    %mul3A_207 = vector.broadcast %mul3A_206 : i32 to vector<16xi32>
    %mul3A_208 = arith.muli %iota3A, %mul3A_207 : vector<16xi32>
    %swap3A_209 = arith.constant 20672 : index
    %swap3A_210 = tpu.vector_load %arg9[%swap3A_209] {strides = array<i32>} : memref<20736xi32, #tpu.memory_space<vmem>>, vector<16xi32>,
    %swap3A_211 = vector.shape_cast %swap3A_210 : vector<16xi32> to vector<16xi32>
    %swap3A_212 = vector.shape_cast %mul3A_208 : vector<16xi32> to vector<16xi32>
    tpu.vector_store %arg9[%swap3A_209], %swap3A_212 {strides = array<i32>} : memref<20736xi32, #tpu.memory_space<vmem>>, vector<16xi32>,
    %mul3A_213 = arith.constant 0 : i32
    %mul3A_214 = vector.broadcast %mul3A_213 : i32 to vector<16xi32>
    %mul3A_215 = arith.muli %iota3A, %mul3A_214 : vector<16xi32>
    %swap3A_216 = arith.constant 20688 : index
    %swap3A_217 = tpu.vector_load %arg8[%swap3A_216] {strides = array<i32>} : memref<20736xi32, #tpu.memory_space<vmem>>, vector<16xi32>,
    %swap3A_218 = vector.shape_cast %swap3A_217 : vector<16xi32> to vector<16xi32>
    %swap3A_219 = vector.shape_cast %mul3A_215 : vector<16xi32> to vector<16xi32>
    tpu.vector_store %arg8[%swap3A_216], %swap3A_219 {strides = array<i32>} : memref<20736xi32, #tpu.memory_space<vmem>>, vector<16xi32>,
    %mul3A_220 = arith.constant 0 : i32
    %mul3A_221 = vector.broadcast %mul3A_220 : i32 to vector<16xi32>
    %mul3A_222 = arith.muli %iota3A, %mul3A_221 : vector<16xi32>
    %swap3A_223 = arith.constant 20688 : index
    %swap3A_224 = tpu.vector_load %arg9[%swap3A_223] {strides = array<i32>} : memref<20736xi32, #tpu.memory_space<vmem>>, vector<16xi32>,
    %swap3A_225 = vector.shape_cast %swap3A_224 : vector<16xi32> to vector<16xi32>
    %swap3A_226 = vector.shape_cast %mul3A_222 : vector<16xi32> to vector<16xi32>
    tpu.vector_store %arg9[%swap3A_223], %swap3A_226 {strides = array<i32>} : memref<20736xi32, #tpu.memory_space<vmem>>, vector<16xi32>,
    %mul3A_227 = arith.constant 0 : i32
    %mul3A_228 = vector.broadcast %mul3A_227 : i32 to vector<16xi32>
    %mul3A_229 = arith.muli %iota3A, %mul3A_228 : vector<16xi32>
    %swap3A_230 = arith.constant 20704 : index
    %swap3A_231 = tpu.vector_load %arg8[%swap3A_230] {strides = array<i32>} : memref<20736xi32, #tpu.memory_space<vmem>>, vector<16xi32>,
    %swap3A_232 = vector.shape_cast %swap3A_231 : vector<16xi32> to vector<16xi32>
    %swap3A_233 = vector.shape_cast %mul3A_229 : vector<16xi32> to vector<16xi32>
    tpu.vector_store %arg8[%swap3A_230], %swap3A_233 {strides = array<i32>} : memref<20736xi32, #tpu.memory_space<vmem>>, vector<16xi32>,
    %mul3A_234 = arith.constant 0 : i32
    %mul3A_235 = vector.broadcast %mul3A_234 : i32 to vector<16xi32>
    %mul3A_236 = arith.muli %iota3A, %mul3A_235 : vector<16xi32>
    %swap3A_237 = arith.constant 20704 : index
    %swap3A_238 = tpu.vector_load %arg9[%swap3A_237] {strides = array<i32>} : memref<20736xi32, #tpu.memory_space<vmem>>, vector<16xi32>,
    %swap3A_239 = vector.shape_cast %swap3A_238 : vector<16xi32> to vector<16xi32>
    %swap3A_240 = vector.shape_cast %mul3A_236 : vector<16xi32> to vector<16xi32>
    tpu.vector_store %arg9[%swap3A_237], %swap3A_240 {strides = array<i32>} : memref<20736xi32, #tpu.memory_space<vmem>>, vector<16xi32>,
    %mul3A_241 = arith.constant 0 : i32
    %mul3A_242 = vector.broadcast %mul3A_241 : i32 to vector<16xi32>
    %mul3A_243 = arith.muli %iota3A, %mul3A_242 : vector<16xi32>
    %swap3A_244 = arith.constant 20720 : index
    %swap3A_245 = tpu.vector_load %arg8[%swap3A_244] {strides = array<i32>} : memref<20736xi32, #tpu.memory_space<vmem>>, vector<16xi32>,
    %swap3A_246 = vector.shape_cast %swap3A_245 : vector<16xi32> to vector<16xi32>
    %swap3A_247 = vector.shape_cast %mul3A_243 : vector<16xi32> to vector<16xi32>
    tpu.vector_store %arg8[%swap3A_244], %swap3A_247 {strides = array<i32>} : memref<20736xi32, #tpu.memory_space<vmem>>, vector<16xi32>,
    %mul3A_248 = arith.constant 0 : i32
    %mul3A_249 = vector.broadcast %mul3A_248 : i32 to vector<16xi32>
    %mul3A_250 = arith.muli %iota3A, %mul3A_249 : vector<16xi32>
    %swap3A_251 = arith.constant 20720 : index
    %swap3A_252 = tpu.vector_load %arg9[%swap3A_251] {strides = array<i32>} : memref<20736xi32, #tpu.memory_space<vmem>>, vector<16xi32>,
    %swap3A_253 = vector.shape_cast %swap3A_252 : vector<16xi32> to vector<16xi32>
    %swap3A_254 = vector.shape_cast %mul3A_250 : vector<16xi32> to vector<16xi32>
    tpu.vector_store %arg9[%swap3A_251], %swap3A_254 {strides = array<i32>} : memref<20736xi32, #tpu.memory_space<vmem>>, vector<16xi32>,
    %get3A = arith.constant 0 : index
    %get3A_255 = tpu.vector_load %arg10[%get3A] {strides = array<i32>} : memref<16xf32, #tpu.memory_space<vmem>>, vector<16xf32>,
    %get3A_256 = vector.shape_cast %get3A_255 : vector<16xf32> to vector<16xf32>
    %lt3A_257 = arith.constant 0 : i32
    %lt3A_258 = vector.broadcast %lt3A_257 : i32 to vector<16xi32>
    %lt3A_259 = arith.cmpi slt, %select_n3A_15, %lt3A_258 : vector<16xi32>
    %add3A_260 = arith.constant 16 : i32
    %add3A_261 = vector.broadcast %add3A_260 : i32 to vector<16xi32>
    %add3A_262 = arith.addi %select_n3A_15, %add3A_261 : vector<16xi32>
    %select_n3A_263 = arith.select %lt3A_259, %add3A_262, %select_n3A_15 : vector<16xi1>, vector<16xi32>
    %broadcast_in_dim3A = vector.shape_cast %select_n3A_263 : vector<16xi32> to vector<16x1xi32>
    %gather3A = vector.shape_cast %broadcast_in_dim3A : vector<16x1xi32> to vector<16xi32>
    %gather3A_264 = tpu.dynamic_gather %get3A_256[%gather3A] in [0] : vector<16xf32>, vector<16xi32> -> vector<16xf32>
    %add3A_265 = arith.constant 4 : i32
    %add3A_266 = vector.broadcast %add3A_265 : i32 to vector<16xi32>
    %add3A_267 = arith.addi %select_n3A_15, %add3A_266 : vector<16xi32>
    %lt3A_268 = arith.constant 0 : i32
    %lt3A_269 = vector.broadcast %lt3A_268 : i32 to vector<16xi32>
    %lt3A_270 = arith.cmpi slt, %add3A_267, %lt3A_269 : vector<16xi32>
    %add3A_271 = arith.constant 16 : i32
    %add3A_272 = vector.broadcast %add3A_271 : i32 to vector<16xi32>
    %add3A_273 = arith.addi %add3A_267, %add3A_272 : vector<16xi32>
    %select_n3A_274 = arith.select %lt3A_270, %add3A_273, %add3A_267 : vector<16xi1>, vector<16xi32>
    %broadcast_in_dim3A_275 = vector.shape_cast %select_n3A_274 : vector<16xi32> to vector<16x1xi32>
    %gather3A_276 = vector.shape_cast %broadcast_in_dim3A_275 : vector<16x1xi32> to vector<16xi32>
    %gather3A_277 = tpu.dynamic_gather %get3A_256[%gather3A_276] in [0] : vector<16xf32>, vector<16xi32> -> vector<16xf32>
    %add3A_278 = arith.addf %gather3A_264, %gather3A_277 : vector<16xf32>
    %ge3A = arith.constant 0.000000e+00 : f32
    %ge3A_279 = vector.broadcast %ge3A : f32 to vector<16xf32>
    %ge3A_280 = arith.cmpf oge, %add3A_278, %ge3A_279 : vector<16xf32>
    %mul3A_281 = arith.constant 2.000000e-01 : f32
    %mul3A_282 = vector.broadcast %mul3A_281 : f32 to vector<16xf32>
    %mul3A_283 = arith.mulf %add3A_278, %mul3A_282 : vector<16xf32>
    %select_n3A_284 = arith.select %ge3A_280, %add3A_278, %mul3A_283 : vector<16xi1>, vector<16xf32>
    %barrier3A = arith.constant 0 : index
    tpu.barrier barrier_id(%barrier3A)
    %dma_start3A = arith.constant 0 : i32
    %dma_start3A_285 = tpu.memref_slice %arg8[%dma_start3A] : memref<20736xi32, #tpu.memory_space<vmem>> -> memref<128xi32, #tpu.memory_space<vmem>>
    %dma_start3A_286 = arith.constant 0 : i32
    %dma_start3A_287 = tpu.memref_slice %arg16[%dma_start3A_286] : memref<40000xf32, #tpu.memory_space<vmem_shared>> -> memref<40000xf32, #tpu.memory_space<vmem_shared>>
    tpu.enqueue_indirect_dma source(%dma_start3A_287 : memref<40000xf32, #tpu.memory_space<vmem_shared>>) target(%arg11 : memref<128xf32, #tpu.memory_space<vmem>>) offsets(%dma_start3A_285 : memref<128xi32, #tpu.memory_space<vmem>>) semaphore(%arg18 : memref<!tpu.dma_semaphore, #tpu.memory_space<semaphore_mem>>)
    %dma_start3A_288 = arith.constant 0 : i32
    %dma_start3A_289 = tpu.memref_slice %arg9[%dma_start3A_288] : memref<20736xi32, #tpu.memory_space<vmem>> -> memref<128xi32, #tpu.memory_space<vmem>>
    %dma_start3A_290 = arith.constant 0 : i32
    %dma_start3A_291 = tpu.memref_slice %arg17[%dma_start3A_290] : memref<40000xf32, #tpu.memory_space<vmem_shared>> -> memref<40000xf32, #tpu.memory_space<vmem_shared>>
    tpu.enqueue_indirect_dma source(%dma_start3A_291 : memref<40000xf32, #tpu.memory_space<vmem_shared>>) target(%arg13 : memref<128xf32, #tpu.memory_space<vmem>>) offsets(%dma_start3A_289 : memref<128xi32, #tpu.memory_space<vmem>>) semaphore(%arg19 : memref<!tpu.dma_semaphore, #tpu.memory_space<semaphore_mem>>)
    %dma_start3A_292 = arith.constant 128 : i32
    %dma_start3A_293 = tpu.memref_slice %arg8[%dma_start3A_292] : memref<20736xi32, #tpu.memory_space<vmem>> -> memref<128xi32, #tpu.memory_space<vmem>>
    %dma_start3A_294 = arith.constant 0 : i32
    %dma_start3A_295 = tpu.memref_slice %arg16[%dma_start3A_294] : memref<40000xf32, #tpu.memory_space<vmem_shared>> -> memref<40000xf32, #tpu.memory_space<vmem_shared>>
    tpu.enqueue_indirect_dma source(%dma_start3A_295 : memref<40000xf32, #tpu.memory_space<vmem_shared>>) target(%arg12 : memref<128xf32, #tpu.memory_space<vmem>>) offsets(%dma_start3A_293 : memref<128xi32, #tpu.memory_space<vmem>>) semaphore(%arg20 : memref<!tpu.dma_semaphore, #tpu.memory_space<semaphore_mem>>)
    %dma_start3A_296 = arith.constant 128 : i32
    %dma_start3A_297 = tpu.memref_slice %arg9[%dma_start3A_296] : memref<20736xi32, #tpu.memory_space<vmem>> -> memref<128xi32, #tpu.memory_space<vmem>>
    %dma_start3A_298 = arith.constant 0 : i32
    %dma_start3A_299 = tpu.memref_slice %arg17[%dma_start3A_298] : memref<40000xf32, #tpu.memory_space<vmem_shared>> -> memref<40000xf32, #tpu.memory_space<vmem_shared>>
    tpu.enqueue_indirect_dma source(%dma_start3A_299 : memref<40000xf32, #tpu.memory_space<vmem_shared>>) target(%arg14 : memref<128xf32, #tpu.memory_space<vmem>>) offsets(%dma_start3A_297 : memref<128xi32, #tpu.memory_space<vmem>>) semaphore(%arg21 : memref<!tpu.dma_semaphore, #tpu.memory_space<semaphore_mem>>)
    %scan3A = arith.constant 0 : i32
    %scan3A_300 = arith.constant 0 : i32
    %scan3A_301 = arith.constant 80 : i32
    %scan3A_302 = arith.addi %scan3A_300, %scan3A_301 : i32
    %scan3A_303 = arith.constant 1 : i32
    scf.for %scan3A_320 = %scan3A_300 to %scan3A_302 step %scan3A_303  : i32 {
      %dma_wait3A_321 = arith.constant 0 : i32
      %dma_wait3A_322 = tpu.memref_slice %arg2[%dma_wait3A_321] : memref<40000xf32, #tpu.memory_space<hbm>> -> memref<128xf32, #tpu.memory_space<hbm>>
      %dma_wait3A_323 = arith.constant 0 : i32
      %dma_wait3A_324 = tpu.memref_slice %arg2[%dma_wait3A_323] : memref<40000xf32, #tpu.memory_space<hbm>> -> memref<128xf32, #tpu.memory_space<hbm>>
      tpu.wait_dma2 semaphore(%arg18 : memref<!tpu.dma_semaphore, #tpu.memory_space<semaphore_mem>>) src(%dma_wait3A_324 : memref<128xf32, #tpu.memory_space<hbm>>) dst(%arg11 : memref<128xf32, #tpu.memory_space<vmem>>)
      %dma_wait3A_325 = arith.constant 0 : i32
      %dma_wait3A_326 = tpu.memref_slice %arg3[%dma_wait3A_325] : memref<40000xf32, #tpu.memory_space<hbm>> -> memref<128xf32, #tpu.memory_space<hbm>>
      %dma_wait3A_327 = arith.constant 0 : i32
      %dma_wait3A_328 = tpu.memref_slice %arg3[%dma_wait3A_327] : memref<40000xf32, #tpu.memory_space<hbm>> -> memref<128xf32, #tpu.memory_space<hbm>>
      tpu.wait_dma2 semaphore(%arg19 : memref<!tpu.dma_semaphore, #tpu.memory_space<semaphore_mem>>) src(%dma_wait3A_328 : memref<128xf32, #tpu.memory_space<hbm>>) dst(%arg13 : memref<128xf32, #tpu.memory_space<vmem>>)
      %get3A_329 = arith.constant 0 : index
      %get3A_330 = tpu.vector_load %arg11[%get3A_329] {strides = array<i32>} : memref<128xf32, #tpu.memory_space<vmem>>, vector<16xf32>,
      %get3A_331 = vector.shape_cast %get3A_330 : vector<16xf32> to vector<16xf32>
      %get3A_332 = arith.constant 0 : index
      %get3A_333 = tpu.vector_load %arg13[%get3A_332] {strides = array<i32>} : memref<128xf32, #tpu.memory_space<vmem>>, vector<16xf32>,
      %get3A_334 = vector.shape_cast %get3A_333 : vector<16xf32> to vector<16xf32>
      %add3A_335 = arith.addf %get3A_331, %get3A_334 : vector<16xf32>
      %ge3A_336 = arith.constant 0.000000e+00 : f32
      %ge3A_337 = vector.broadcast %ge3A_336 : f32 to vector<16xf32>
      %ge3A_338 = arith.cmpf oge, %add3A_335, %ge3A_337 : vector<16xf32>
      %mul3A_339 = arith.constant 2.000000e-01 : f32
      %mul3A_340 = vector.broadcast %mul3A_339 : f32 to vector<16xf32>
      %mul3A_341 = arith.mulf %add3A_335, %mul3A_340 : vector<16xf32>
      %select_n3A_342 = arith.select %ge3A_338, %add3A_335, %mul3A_341 : vector<16xi1>, vector<16xf32>
      %sub3A = arith.subf %select_n3A_342, %select_n3A_284 : vector<16xf32>
      %exp3A = math.exp %sub3A : vector<16xf32>
      %swap3A_343 = arith.constant 0 : index
      %swap3A_344 = tpu.vector_load %arg15[%swap3A_343] {strides = array<i32>} : memref<256xf32, #tpu.memory_space<vmem>>, vector<16xf32>,
      %swap3A_345 = vector.shape_cast %swap3A_344 : vector<16xf32> to vector<16xf32>
      %swap3A_346 = vector.shape_cast %exp3A : vector<16xf32> to vector<16xf32>
      tpu.vector_store %arg15[%swap3A_343], %swap3A_346 {strides = array<i32>} : memref<256xf32, #tpu.memory_space<vmem>>, vector<16xf32>,
      %get3A_347 = arith.constant 16 : index
      %get3A_348 = tpu.vector_load %arg11[%get3A_347] {strides = array<i32>} : memref<128xf32, #tpu.memory_space<vmem>>, vector<16xf32>,
      %get3A_349 = vector.shape_cast %get3A_348 : vector<16xf32> to vector<16xf32>
      %get3A_350 = arith.constant 16 : index
      %get3A_351 = tpu.vector_load %arg13[%get3A_350] {strides = array<i32>} : memref<128xf32, #tpu.memory_space<vmem>>, vector<16xf32>,
      %get3A_352 = vector.shape_cast %get3A_351 : vector<16xf32> to vector<16xf32>
      %add3A_353 = arith.addf %get3A_349, %get3A_352 : vector<16xf32>
      %ge3A_354 = arith.constant 0.000000e+00 : f32
      %ge3A_355 = vector.broadcast %ge3A_354 : f32 to vector<16xf32>
      %ge3A_356 = arith.cmpf oge, %add3A_353, %ge3A_355 : vector<16xf32>
      %mul3A_357 = arith.constant 2.000000e-01 : f32
      %mul3A_358 = vector.broadcast %mul3A_357 : f32 to vector<16xf32>
      %mul3A_359 = arith.mulf %add3A_353, %mul3A_358 : vector<16xf32>
      %select_n3A_360 = arith.select %ge3A_356, %add3A_353, %mul3A_359 : vector<16xi1>, vector<16xf32>
      %sub3A_361 = arith.subf %select_n3A_360, %select_n3A_284 : vector<16xf32>
      %exp3A_362 = math.exp %sub3A_361 : vector<16xf32>
      %swap3A_363 = arith.constant 16 : index
      %swap3A_364 = tpu.vector_load %arg15[%swap3A_363] {strides = array<i32>} : memref<256xf32, #tpu.memory_space<vmem>>, vector<16xf32>,
      %swap3A_365 = vector.shape_cast %swap3A_364 : vector<16xf32> to vector<16xf32>
      %swap3A_366 = vector.shape_cast %exp3A_362 : vector<16xf32> to vector<16xf32>
      tpu.vector_store %arg15[%swap3A_363], %swap3A_366 {strides = array<i32>} : memref<256xf32, #tpu.memory_space<vmem>>, vector<16xf32>,
      %get3A_367 = arith.constant 32 : index
      %get3A_368 = tpu.vector_load %arg11[%get3A_367] {strides = array<i32>} : memref<128xf32, #tpu.memory_space<vmem>>, vector<16xf32>,
      %get3A_369 = vector.shape_cast %get3A_368 : vector<16xf32> to vector<16xf32>
      %get3A_370 = arith.constant 32 : index
      %get3A_371 = tpu.vector_load %arg13[%get3A_370] {strides = array<i32>} : memref<128xf32, #tpu.memory_space<vmem>>, vector<16xf32>,
      %get3A_372 = vector.shape_cast %get3A_371 : vector<16xf32> to vector<16xf32>
      %add3A_373 = arith.addf %get3A_369, %get3A_372 : vector<16xf32>
      %ge3A_374 = arith.constant 0.000000e+00 : f32
      %ge3A_375 = vector.broadcast %ge3A_374 : f32 to vector<16xf32>
      %ge3A_376 = arith.cmpf oge, %add3A_373, %ge3A_375 : vector<16xf32>
      %mul3A_377 = arith.constant 2.000000e-01 : f32
      %mul3A_378 = vector.broadcast %mul3A_377 : f32 to vector<16xf32>
      %mul3A_379 = arith.mulf %add3A_373, %mul3A_378 : vector<16xf32>
      %select_n3A_380 = arith.select %ge3A_376, %add3A_373, %mul3A_379 : vector<16xi1>, vector<16xf32>
      %sub3A_381 = arith.subf %select_n3A_380, %select_n3A_284 : vector<16xf32>
      %exp3A_382 = math.exp %sub3A_381 : vector<16xf32>
      %swap3A_383 = arith.constant 32 : index
      %swap3A_384 = tpu.vector_load %arg15[%swap3A_383] {strides = array<i32>} : memref<256xf32, #tpu.memory_space<vmem>>, vector<16xf32>,
      %swap3A_385 = vector.shape_cast %swap3A_384 : vector<16xf32> to vector<16xf32>
      %swap3A_386 = vector.shape_cast %exp3A_382 : vector<16xf32> to vector<16xf32>
      tpu.vector_store %arg15[%swap3A_383], %swap3A_386 {strides = array<i32>} : memref<256xf32, #tpu.memory_space<vmem>>, vector<16xf32>,
      %get3A_387 = arith.constant 48 : index
      %get3A_388 = tpu.vector_load %arg11[%get3A_387] {strides = array<i32>} : memref<128xf32, #tpu.memory_space<vmem>>, vector<16xf32>,
      %get3A_389 = vector.shape_cast %get3A_388 : vector<16xf32> to vector<16xf32>
      %get3A_390 = arith.constant 48 : index
      %get3A_391 = tpu.vector_load %arg13[%get3A_390] {strides = array<i32>} : memref<128xf32, #tpu.memory_space<vmem>>, vector<16xf32>,
      %get3A_392 = vector.shape_cast %get3A_391 : vector<16xf32> to vector<16xf32>
      %add3A_393 = arith.addf %get3A_389, %get3A_392 : vector<16xf32>
      %ge3A_394 = arith.constant 0.000000e+00 : f32
      %ge3A_395 = vector.broadcast %ge3A_394 : f32 to vector<16xf32>
      %ge3A_396 = arith.cmpf oge, %add3A_393, %ge3A_395 : vector<16xf32>
      %mul3A_397 = arith.constant 2.000000e-01 : f32
      %mul3A_398 = vector.broadcast %mul3A_397 : f32 to vector<16xf32>
      %mul3A_399 = arith.mulf %add3A_393, %mul3A_398 : vector<16xf32>
      %select_n3A_400 = arith.select %ge3A_396, %add3A_393, %mul3A_399 : vector<16xi1>, vector<16xf32>
      %sub3A_401 = arith.subf %select_n3A_400, %select_n3A_284 : vector<16xf32>
      %exp3A_402 = math.exp %sub3A_401 : vector<16xf32>
      %swap3A_403 = arith.constant 48 : index
      %swap3A_404 = tpu.vector_load %arg15[%swap3A_403] {strides = array<i32>} : memref<256xf32, #tpu.memory_space<vmem>>, vector<16xf32>,
      %swap3A_405 = vector.shape_cast %swap3A_404 : vector<16xf32> to vector<16xf32>
      %swap3A_406 = vector.shape_cast %exp3A_402 : vector<16xf32> to vector<16xf32>
      tpu.vector_store %arg15[%swap3A_403], %swap3A_406 {strides = array<i32>} : memref<256xf32, #tpu.memory_space<vmem>>, vector<16xf32>,
      %get3A_407 = arith.constant 64 : index
      %get3A_408 = tpu.vector_load %arg11[%get3A_407] {strides = array<i32>} : memref<128xf32, #tpu.memory_space<vmem>>, vector<16xf32>,
      %get3A_409 = vector.shape_cast %get3A_408 : vector<16xf32> to vector<16xf32>
      %get3A_410 = arith.constant 64 : index
      %get3A_411 = tpu.vector_load %arg13[%get3A_410] {strides = array<i32>} : memref<128xf32, #tpu.memory_space<vmem>>, vector<16xf32>,
      %get3A_412 = vector.shape_cast %get3A_411 : vector<16xf32> to vector<16xf32>
      %add3A_413 = arith.addf %get3A_409, %get3A_412 : vector<16xf32>
      %ge3A_414 = arith.constant 0.000000e+00 : f32
      %ge3A_415 = vector.broadcast %ge3A_414 : f32 to vector<16xf32>
      %ge3A_416 = arith.cmpf oge, %add3A_413, %ge3A_415 : vector<16xf32>
      %mul3A_417 = arith.constant 2.000000e-01 : f32
      %mul3A_418 = vector.broadcast %mul3A_417 : f32 to vector<16xf32>
      %mul3A_419 = arith.mulf %add3A_413, %mul3A_418 : vector<16xf32>
      %select_n3A_420 = arith.select %ge3A_416, %add3A_413, %mul3A_419 : vector<16xi1>, vector<16xf32>
      %sub3A_421 = arith.subf %select_n3A_420, %select_n3A_284 : vector<16xf32>
      %exp3A_422 = math.exp %sub3A_421 : vector<16xf32>
      %swap3A_423 = arith.constant 64 : index
      %swap3A_424 = tpu.vector_load %arg15[%swap3A_423] {strides = array<i32>} : memref<256xf32, #tpu.memory_space<vmem>>, vector<16xf32>,
      %swap3A_425 = vector.shape_cast %swap3A_424 : vector<16xf32> to vector<16xf32>
      %swap3A_426 = vector.shape_cast %exp3A_422 : vector<16xf32> to vector<16xf32>
      tpu.vector_store %arg15[%swap3A_423], %swap3A_426 {strides = array<i32>} : memref<256xf32, #tpu.memory_space<vmem>>, vector<16xf32>,
      %get3A_427 = arith.constant 80 : index
      %get3A_428 = tpu.vector_load %arg11[%get3A_427] {strides = array<i32>} : memref<128xf32, #tpu.memory_space<vmem>>, vector<16xf32>,
      %get3A_429 = vector.shape_cast %get3A_428 : vector<16xf32> to vector<16xf32>
      %get3A_430 = arith.constant 80 : index
      %get3A_431 = tpu.vector_load %arg13[%get3A_430] {strides = array<i32>} : memref<128xf32, #tpu.memory_space<vmem>>, vector<16xf32>,
      %get3A_432 = vector.shape_cast %get3A_431 : vector<16xf32> to vector<16xf32>
      %add3A_433 = arith.addf %get3A_429, %get3A_432 : vector<16xf32>
      %ge3A_434 = arith.constant 0.000000e+00 : f32
      %ge3A_435 = vector.broadcast %ge3A_434 : f32 to vector<16xf32>
      %ge3A_436 = arith.cmpf oge, %add3A_433, %ge3A_435 : vector<16xf32>
      %mul3A_437 = arith.constant 2.000000e-01 : f32
      %mul3A_438 = vector.broadcast %mul3A_437 : f32 to vector<16xf32>
      %mul3A_439 = arith.mulf %add3A_433, %mul3A_438 : vector<16xf32>
      %select_n3A_440 = arith.select %ge3A_436, %add3A_433, %mul3A_439 : vector<16xi1>, vector<16xf32>
      %sub3A_441 = arith.subf %select_n3A_440, %select_n3A_284 : vector<16xf32>
      %exp3A_442 = math.exp %sub3A_441 : vector<16xf32>
      %swap3A_443 = arith.constant 80 : index
      %swap3A_444 = tpu.vector_load %arg15[%swap3A_443] {strides = array<i32>} : memref<256xf32, #tpu.memory_space<vmem>>, vector<16xf32>,
      %swap3A_445 = vector.shape_cast %swap3A_444 : vector<16xf32> to vector<16xf32>
      %swap3A_446 = vector.shape_cast %exp3A_442 : vector<16xf32> to vector<16xf32>
      tpu.vector_store %arg15[%swap3A_443], %swap3A_446 {strides = array<i32>} : memref<256xf32, #tpu.memory_space<vmem>>, vector<16xf32>,
      %get3A_447 = arith.constant 96 : index
      %get3A_448 = tpu.vector_load %arg11[%get3A_447] {strides = array<i32>} : memref<128xf32, #tpu.memory_space<vmem>>, vector<16xf32>,
      %get3A_449 = vector.shape_cast %get3A_448 : vector<16xf32> to vector<16xf32>
      %get3A_450 = arith.constant 96 : index
      %get3A_451 = tpu.vector_load %arg13[%get3A_450] {strides = array<i32>} : memref<128xf32, #tpu.memory_space<vmem>>, vector<16xf32>,
      %get3A_452 = vector.shape_cast %get3A_451 : vector<16xf32> to vector<16xf32>
      %add3A_453 = arith.addf %get3A_449, %get3A_452 : vector<16xf32>
      %ge3A_454 = arith.constant 0.000000e+00 : f32
      %ge3A_455 = vector.broadcast %ge3A_454 : f32 to vector<16xf32>
      %ge3A_456 = arith.cmpf oge, %add3A_453, %ge3A_455 : vector<16xf32>
      %mul3A_457 = arith.constant 2.000000e-01 : f32
      %mul3A_458 = vector.broadcast %mul3A_457 : f32 to vector<16xf32>
      %mul3A_459 = arith.mulf %add3A_453, %mul3A_458 : vector<16xf32>
      %select_n3A_460 = arith.select %ge3A_456, %add3A_453, %mul3A_459 : vector<16xi1>, vector<16xf32>
      %sub3A_461 = arith.subf %select_n3A_460, %select_n3A_284 : vector<16xf32>
      %exp3A_462 = math.exp %sub3A_461 : vector<16xf32>
      %swap3A_463 = arith.constant 96 : index
      %swap3A_464 = tpu.vector_load %arg15[%swap3A_463] {strides = array<i32>} : memref<256xf32, #tpu.memory_space<vmem>>, vector<16xf32>,
      %swap3A_465 = vector.shape_cast %swap3A_464 : vector<16xf32> to vector<16xf32>
      %swap3A_466 = vector.shape_cast %exp3A_462 : vector<16xf32> to vector<16xf32>
      tpu.vector_store %arg15[%swap3A_463], %swap3A_466 {strides = array<i32>} : memref<256xf32, #tpu.memory_space<vmem>>, vector<16xf32>,
      %get3A_467 = arith.constant 112 : index
      %get3A_468 = tpu.vector_load %arg11[%get3A_467] {strides = array<i32>} : memref<128xf32, #tpu.memory_space<vmem>>, vector<16xf32>,
      %get3A_469 = vector.shape_cast %get3A_468 : vector<16xf32> to vector<16xf32>
      %get3A_470 = arith.constant 112 : index
      %get3A_471 = tpu.vector_load %arg13[%get3A_470] {strides = array<i32>} : memref<128xf32, #tpu.memory_space<vmem>>, vector<16xf32>,
      %get3A_472 = vector.shape_cast %get3A_471 : vector<16xf32> to vector<16xf32>
      %add3A_473 = arith.addf %get3A_469, %get3A_472 : vector<16xf32>
      %ge3A_474 = arith.constant 0.000000e+00 : f32
      %ge3A_475 = vector.broadcast %ge3A_474 : f32 to vector<16xf32>
      %ge3A_476 = arith.cmpf oge, %add3A_473, %ge3A_475 : vector<16xf32>
      %mul3A_477 = arith.constant 2.000000e-01 : f32
      %mul3A_478 = vector.broadcast %mul3A_477 : f32 to vector<16xf32>
      %mul3A_479 = arith.mulf %add3A_473, %mul3A_478 : vector<16xf32>
      %select_n3A_480 = arith.select %ge3A_476, %add3A_473, %mul3A_479 : vector<16xi1>, vector<16xf32>
      %sub3A_481 = arith.subf %select_n3A_480, %select_n3A_284 : vector<16xf32>
      %exp3A_482 = math.exp %sub3A_481 : vector<16xf32>
      %swap3A_483 = arith.constant 112 : index
      %swap3A_484 = tpu.vector_load %arg15[%swap3A_483] {strides = array<i32>} : memref<256xf32, #tpu.memory_space<vmem>>, vector<16xf32>,
      %swap3A_485 = vector.shape_cast %swap3A_484 : vector<16xf32> to vector<16xf32>
      %swap3A_486 = vector.shape_cast %exp3A_482 : vector<16xf32> to vector<16xf32>
      tpu.vector_store %arg15[%swap3A_483], %swap3A_486 {strides = array<i32>} : memref<256xf32, #tpu.memory_space<vmem>>, vector<16xf32>,
      %mul3A_487 = arith.constant 2 : i32
      %mul3A_488 = arith.muli %mul3A_487, %scan3A_320 : i32
      %add3A_489 = arith.constant 2 : i32
      %add3A_490 = arith.addi %mul3A_488, %add3A_489 : i32
      %mul3A_491 = arith.constant 128 : i32
      %mul3A_492 = arith.muli %add3A_490, %mul3A_491 : i32
      %dma_start3A_493 = tpu.memref_slice %arg8[%mul3A_492] : memref<20736xi32, #tpu.memory_space<vmem>> -> memref<128xi32, #tpu.memory_space<vmem>>
      %dma_start3A_494 = arith.constant 0 : i32
      %dma_start3A_495 = tpu.memref_slice %arg16[%dma_start3A_494] : memref<40000xf32, #tpu.memory_space<vmem_shared>> -> memref<40000xf32, #tpu.memory_space<vmem_shared>>
      tpu.enqueue_indirect_dma source(%dma_start3A_495 : memref<40000xf32, #tpu.memory_space<vmem_shared>>) target(%arg11 : memref<128xf32, #tpu.memory_space<vmem>>) offsets(%dma_start3A_493 : memref<128xi32, #tpu.memory_space<vmem>>) semaphore(%arg18 : memref<!tpu.dma_semaphore, #tpu.memory_space<semaphore_mem>>)
      %mul3A_496 = arith.constant 128 : i32
      %mul3A_497 = arith.muli %add3A_490, %mul3A_496 : i32
      %dma_start3A_498 = tpu.memref_slice %arg9[%mul3A_497] : memref<20736xi32, #tpu.memory_space<vmem>> -> memref<128xi32, #tpu.memory_space<vmem>>
      %dma_start3A_499 = arith.constant 0 : i32
      %dma_start3A_500 = tpu.memref_slice %arg17[%dma_start3A_499] : memref<40000xf32, #tpu.memory_space<vmem_shared>> -> memref<40000xf32, #tpu.memory_space<vmem_shared>>
      tpu.enqueue_indirect_dma source(%dma_start3A_500 : memref<40000xf32, #tpu.memory_space<vmem_shared>>) target(%arg13 : memref<128xf32, #tpu.memory_space<vmem>>) offsets(%dma_start3A_498 : memref<128xi32, #tpu.memory_space<vmem>>) semaphore(%arg19 : memref<!tpu.dma_semaphore, #tpu.memory_space<semaphore_mem>>)
      %dma_wait3A_501 = arith.constant 0 : i32
      %dma_wait3A_502 = tpu.memref_slice %arg2[%dma_wait3A_501] : memref<40000xf32, #tpu.memory_space<hbm>> -> memref<128xf32, #tpu.memory_space<hbm>>
      %dma_wait3A_503 = arith.constant 0 : i32
      %dma_wait3A_504 = tpu.memref_slice %arg2[%dma_wait3A_503] : memref<40000xf32, #tpu.memory_space<hbm>> -> memref<128xf32, #tpu.memory_space<hbm>>
      tpu.wait_dma2 semaphore(%arg20 : memref<!tpu.dma_semaphore, #tpu.memory_space<semaphore_mem>>) src(%dma_wait3A_504 : memref<128xf32, #tpu.memory_space<hbm>>) dst(%arg12 : memref<128xf32, #tpu.memory_space<vmem>>)
      %dma_wait3A_505 = arith.constant 0 : i32
      %dma_wait3A_506 = tpu.memref_slice %arg3[%dma_wait3A_505] : memref<40000xf32, #tpu.memory_space<hbm>> -> memref<128xf32, #tpu.memory_space<hbm>>
      %dma_wait3A_507 = arith.constant 0 : i32
      %dma_wait3A_508 = tpu.memref_slice %arg3[%dma_wait3A_507] : memref<40000xf32, #tpu.memory_space<hbm>> -> memref<128xf32, #tpu.memory_space<hbm>>
      tpu.wait_dma2 semaphore(%arg21 : memref<!tpu.dma_semaphore, #tpu.memory_space<semaphore_mem>>) src(%dma_wait3A_508 : memref<128xf32, #tpu.memory_space<hbm>>) dst(%arg14 : memref<128xf32, #tpu.memory_space<vmem>>)
      %get3A_509 = arith.constant 0 : index
      %get3A_510 = tpu.vector_load %arg12[%get3A_509] {strides = array<i32>} : memref<128xf32, #tpu.memory_space<vmem>>, vector<16xf32>,
      %get3A_511 = vector.shape_cast %get3A_510 : vector<16xf32> to vector<16xf32>
      %get3A_512 = arith.constant 0 : index
      %get3A_513 = tpu.vector_load %arg14[%get3A_512] {strides = array<i32>} : memref<128xf32, #tpu.memory_space<vmem>>, vector<16xf32>,
      %get3A_514 = vector.shape_cast %get3A_513 : vector<16xf32> to vector<16xf32>
      %add3A_515 = arith.addf %get3A_511, %get3A_514 : vector<16xf32>
      %ge3A_516 = arith.constant 0.000000e+00 : f32
      %ge3A_517 = vector.broadcast %ge3A_516 : f32 to vector<16xf32>
      %ge3A_518 = arith.cmpf oge, %add3A_515, %ge3A_517 : vector<16xf32>
      %mul3A_519 = arith.constant 2.000000e-01 : f32
      %mul3A_520 = vector.broadcast %mul3A_519 : f32 to vector<16xf32>
      %mul3A_521 = arith.mulf %add3A_515, %mul3A_520 : vector<16xf32>
      %select_n3A_522 = arith.select %ge3A_518, %add3A_515, %mul3A_521 : vector<16xi1>, vector<16xf32>
      %sub3A_523 = arith.subf %select_n3A_522, %select_n3A_284 : vector<16xf32>
      %exp3A_524 = math.exp %sub3A_523 : vector<16xf32>
      %swap3A_525 = arith.constant 128 : index
      %swap3A_526 = tpu.vector_load %arg15[%swap3A_525] {strides = array<i32>} : memref<256xf32, #tpu.memory_space<vmem>>, vector<16xf32>,
      %swap3A_527 = vector.shape_cast %swap3A_526 : vector<16xf32> to vector<16xf32>
      %swap3A_528 = vector.shape_cast %exp3A_524 : vector<16xf32> to vector<16xf32>
      tpu.vector_store %arg15[%swap3A_525], %swap3A_528 {strides = array<i32>} : memref<256xf32, #tpu.memory_space<vmem>>, vector<16xf32>,
      %get3A_529 = arith.constant 16 : index
      %get3A_530 = tpu.vector_load %arg12[%get3A_529] {strides = array<i32>} : memref<128xf32, #tpu.memory_space<vmem>>, vector<16xf32>,
      %get3A_531 = vector.shape_cast %get3A_530 : vector<16xf32> to vector<16xf32>
      %get3A_532 = arith.constant 16 : index
      %get3A_533 = tpu.vector_load %arg14[%get3A_532] {strides = array<i32>} : memref<128xf32, #tpu.memory_space<vmem>>, vector<16xf32>,
      %get3A_534 = vector.shape_cast %get3A_533 : vector<16xf32> to vector<16xf32>
      %add3A_535 = arith.addf %get3A_531, %get3A_534 : vector<16xf32>
      %ge3A_536 = arith.constant 0.000000e+00 : f32
      %ge3A_537 = vector.broadcast %ge3A_536 : f32 to vector<16xf32>
      %ge3A_538 = arith.cmpf oge, %add3A_535, %ge3A_537 : vector<16xf32>
      %mul3A_539 = arith.constant 2.000000e-01 : f32
      %mul3A_540 = vector.broadcast %mul3A_539 : f32 to vector<16xf32>
      %mul3A_541 = arith.mulf %add3A_535, %mul3A_540 : vector<16xf32>
      %select_n3A_542 = arith.select %ge3A_538, %add3A_535, %mul3A_541 : vector<16xi1>, vector<16xf32>
      %sub3A_543 = arith.subf %select_n3A_542, %select_n3A_284 : vector<16xf32>
      %exp3A_544 = math.exp %sub3A_543 : vector<16xf32>
      %swap3A_545 = arith.constant 144 : index
      %swap3A_546 = tpu.vector_load %arg15[%swap3A_545] {strides = array<i32>} : memref<256xf32, #tpu.memory_space<vmem>>, vector<16xf32>,
      %swap3A_547 = vector.shape_cast %swap3A_546 : vector<16xf32> to vector<16xf32>
      %swap3A_548 = vector.shape_cast %exp3A_544 : vector<16xf32> to vector<16xf32>
      tpu.vector_store %arg15[%swap3A_545], %swap3A_548 {strides = array<i32>} : memref<256xf32, #tpu.memory_space<vmem>>, vector<16xf32>,
      %get3A_549 = arith.constant 32 : index
      %get3A_550 = tpu.vector_load %arg12[%get3A_549] {strides = array<i32>} : memref<128xf32, #tpu.memory_space<vmem>>, vector<16xf32>,
      %get3A_551 = vector.shape_cast %get3A_550 : vector<16xf32> to vector<16xf32>
      %get3A_552 = arith.constant 32 : index
      %get3A_553 = tpu.vector_load %arg14[%get3A_552] {strides = array<i32>} : memref<128xf32, #tpu.memory_space<vmem>>, vector<16xf32>,
      %get3A_554 = vector.shape_cast %get3A_553 : vector<16xf32> to vector<16xf32>
      %add3A_555 = arith.addf %get3A_551, %get3A_554 : vector<16xf32>
      %ge3A_556 = arith.constant 0.000000e+00 : f32
      %ge3A_557 = vector.broadcast %ge3A_556 : f32 to vector<16xf32>
      %ge3A_558 = arith.cmpf oge, %add3A_555, %ge3A_557 : vector<16xf32>
      %mul3A_559 = arith.constant 2.000000e-01 : f32
      %mul3A_560 = vector.broadcast %mul3A_559 : f32 to vector<16xf32>
      %mul3A_561 = arith.mulf %add3A_555, %mul3A_560 : vector<16xf32>
      %select_n3A_562 = arith.select %ge3A_558, %add3A_555, %mul3A_561 : vector<16xi1>, vector<16xf32>
      %sub3A_563 = arith.subf %select_n3A_562, %select_n3A_284 : vector<16xf32>
      %exp3A_564 = math.exp %sub3A_563 : vector<16xf32>
      %swap3A_565 = arith.constant 160 : index
      %swap3A_566 = tpu.vector_load %arg15[%swap3A_565] {strides = array<i32>} : memref<256xf32, #tpu.memory_space<vmem>>, vector<16xf32>,
      %swap3A_567 = vector.shape_cast %swap3A_566 : vector<16xf32> to vector<16xf32>
      %swap3A_568 = vector.shape_cast %exp3A_564 : vector<16xf32> to vector<16xf32>
      tpu.vector_store %arg15[%swap3A_565], %swap3A_568 {strides = array<i32>} : memref<256xf32, #tpu.memory_space<vmem>>, vector<16xf32>,
      %get3A_569 = arith.constant 48 : index
      %get3A_570 = tpu.vector_load %arg12[%get3A_569] {strides = array<i32>} : memref<128xf32, #tpu.memory_space<vmem>>, vector<16xf32>,
      %get3A_571 = vector.shape_cast %get3A_570 : vector<16xf32> to vector<16xf32>
      %get3A_572 = arith.constant 48 : index
      %get3A_573 = tpu.vector_load %arg14[%get3A_572] {strides = array<i32>} : memref<128xf32, #tpu.memory_space<vmem>>, vector<16xf32>,
      %get3A_574 = vector.shape_cast %get3A_573 : vector<16xf32> to vector<16xf32>
      %add3A_575 = arith.addf %get3A_571, %get3A_574 : vector<16xf32>
      %ge3A_576 = arith.constant 0.000000e+00 : f32
      %ge3A_577 = vector.broadcast %ge3A_576 : f32 to vector<16xf32>
      %ge3A_578 = arith.cmpf oge, %add3A_575, %ge3A_577 : vector<16xf32>
      %mul3A_579 = arith.constant 2.000000e-01 : f32
      %mul3A_580 = vector.broadcast %mul3A_579 : f32 to vector<16xf32>
      %mul3A_581 = arith.mulf %add3A_575, %mul3A_580 : vector<16xf32>
      %select_n3A_582 = arith.select %ge3A_578, %add3A_575, %mul3A_581 : vector<16xi1>, vector<16xf32>
      %sub3A_583 = arith.subf %select_n3A_582, %select_n3A_284 : vector<16xf32>
      %exp3A_584 = math.exp %sub3A_583 : vector<16xf32>
      %swap3A_585 = arith.constant 176 : index
      %swap3A_586 = tpu.vector_load %arg15[%swap3A_585] {strides = array<i32>} : memref<256xf32, #tpu.memory_space<vmem>>, vector<16xf32>,
      %swap3A_587 = vector.shape_cast %swap3A_586 : vector<16xf32> to vector<16xf32>
      %swap3A_588 = vector.shape_cast %exp3A_584 : vector<16xf32> to vector<16xf32>
      tpu.vector_store %arg15[%swap3A_585], %swap3A_588 {strides = array<i32>} : memref<256xf32, #tpu.memory_space<vmem>>, vector<16xf32>,
      %get3A_589 = arith.constant 64 : index
      %get3A_590 = tpu.vector_load %arg12[%get3A_589] {strides = array<i32>} : memref<128xf32, #tpu.memory_space<vmem>>, vector<16xf32>,
      %get3A_591 = vector.shape_cast %get3A_590 : vector<16xf32> to vector<16xf32>
      %get3A_592 = arith.constant 64 : index
      %get3A_593 = tpu.vector_load %arg14[%get3A_592] {strides = array<i32>} : memref<128xf32, #tpu.memory_space<vmem>>, vector<16xf32>,
      %get3A_594 = vector.shape_cast %get3A_593 : vector<16xf32> to vector<16xf32>
      %add3A_595 = arith.addf %get3A_591, %get3A_594 : vector<16xf32>
      %ge3A_596 = arith.constant 0.000000e+00 : f32
      %ge3A_597 = vector.broadcast %ge3A_596 : f32 to vector<16xf32>
      %ge3A_598 = arith.cmpf oge, %add3A_595, %ge3A_597 : vector<16xf32>
      %mul3A_599 = arith.constant 2.000000e-01 : f32
      %mul3A_600 = vector.broadcast %mul3A_599 : f32 to vector<16xf32>
      %mul3A_601 = arith.mulf %add3A_595, %mul3A_600 : vector<16xf32>
      %select_n3A_602 = arith.select %ge3A_598, %add3A_595, %mul3A_601 : vector<16xi1>, vector<16xf32>
      %sub3A_603 = arith.subf %select_n3A_602, %select_n3A_284 : vector<16xf32>
      %exp3A_604 = math.exp %sub3A_603 : vector<16xf32>
      %swap3A_605 = arith.constant 192 : index
      %swap3A_606 = tpu.vector_load %arg15[%swap3A_605] {strides = array<i32>} : memref<256xf32, #tpu.memory_space<vmem>>, vector<16xf32>,
      %swap3A_607 = vector.shape_cast %swap3A_606 : vector<16xf32> to vector<16xf32>
      %swap3A_608 = vector.shape_cast %exp3A_604 : vector<16xf32> to vector<16xf32>
      tpu.vector_store %arg15[%swap3A_605], %swap3A_608 {strides = array<i32>} : memref<256xf32, #tpu.memory_space<vmem>>, vector<16xf32>,
      %get3A_609 = arith.constant 80 : index
      %get3A_610 = tpu.vector_load %arg12[%get3A_609] {strides = array<i32>} : memref<128xf32, #tpu.memory_space<vmem>>, vector<16xf32>,
      %get3A_611 = vector.shape_cast %get3A_610 : vector<16xf32> to vector<16xf32>
      %get3A_612 = arith.constant 80 : index
      %get3A_613 = tpu.vector_load %arg14[%get3A_612] {strides = array<i32>} : memref<128xf32, #tpu.memory_space<vmem>>, vector<16xf32>,
      %get3A_614 = vector.shape_cast %get3A_613 : vector<16xf32> to vector<16xf32>
      %add3A_615 = arith.addf %get3A_611, %get3A_614 : vector<16xf32>
      %ge3A_616 = arith.constant 0.000000e+00 : f32
      %ge3A_617 = vector.broadcast %ge3A_616 : f32 to vector<16xf32>
      %ge3A_618 = arith.cmpf oge, %add3A_615, %ge3A_617 : vector<16xf32>
      %mul3A_619 = arith.constant 2.000000e-01 : f32
      %mul3A_620 = vector.broadcast %mul3A_619 : f32 to vector<16xf32>
      %mul3A_621 = arith.mulf %add3A_615, %mul3A_620 : vector<16xf32>
      %select_n3A_622 = arith.select %ge3A_618, %add3A_615, %mul3A_621 : vector<16xi1>, vector<16xf32>
      %sub3A_623 = arith.subf %select_n3A_622, %select_n3A_284 : vector<16xf32>
      %exp3A_624 = math.exp %sub3A_623 : vector<16xf32>
      %swap3A_625 = arith.constant 208 : index
      %swap3A_626 = tpu.vector_load %arg15[%swap3A_625] {strides = array<i32>} : memref<256xf32, #tpu.memory_space<vmem>>, vector<16xf32>,
      %swap3A_627 = vector.shape_cast %swap3A_626 : vector<16xf32> to vector<16xf32>
      %swap3A_628 = vector.shape_cast %exp3A_624 : vector<16xf32> to vector<16xf32>
      tpu.vector_store %arg15[%swap3A_625], %swap3A_628 {strides = array<i32>} : memref<256xf32, #tpu.memory_space<vmem>>, vector<16xf32>,
      %get3A_629 = arith.constant 96 : index
      %get3A_630 = tpu.vector_load %arg12[%get3A_629] {strides = array<i32>} : memref<128xf32, #tpu.memory_space<vmem>>, vector<16xf32>,
      %get3A_631 = vector.shape_cast %get3A_630 : vector<16xf32> to vector<16xf32>
      %get3A_632 = arith.constant 96 : index
      %get3A_633 = tpu.vector_load %arg14[%get3A_632] {strides = array<i32>} : memref<128xf32, #tpu.memory_space<vmem>>, vector<16xf32>,
      %get3A_634 = vector.shape_cast %get3A_633 : vector<16xf32> to vector<16xf32>
      %add3A_635 = arith.addf %get3A_631, %get3A_634 : vector<16xf32>
      %ge3A_636 = arith.constant 0.000000e+00 : f32
      %ge3A_637 = vector.broadcast %ge3A_636 : f32 to vector<16xf32>
      %ge3A_638 = arith.cmpf oge, %add3A_635, %ge3A_637 : vector<16xf32>
      %mul3A_639 = arith.constant 2.000000e-01 : f32
      %mul3A_640 = vector.broadcast %mul3A_639 : f32 to vector<16xf32>
      %mul3A_641 = arith.mulf %add3A_635, %mul3A_640 : vector<16xf32>
      %select_n3A_642 = arith.select %ge3A_638, %add3A_635, %mul3A_641 : vector<16xi1>, vector<16xf32>
      %sub3A_643 = arith.subf %select_n3A_642, %select_n3A_284 : vector<16xf32>
      %exp3A_644 = math.exp %sub3A_643 : vector<16xf32>
      %swap3A_645 = arith.constant 224 : index
      %swap3A_646 = tpu.vector_load %arg15[%swap3A_645] {strides = array<i32>} : memref<256xf32, #tpu.memory_space<vmem>>, vector<16xf32>,
      %swap3A_647 = vector.shape_cast %swap3A_646 : vector<16xf32> to vector<16xf32>
      %swap3A_648 = vector.shape_cast %exp3A_644 : vector<16xf32> to vector<16xf32>
      tpu.vector_store %arg15[%swap3A_645], %swap3A_648 {strides = array<i32>} : memref<256xf32, #tpu.memory_space<vmem>>, vector<16xf32>,
      %get3A_649 = arith.constant 112 : index
      %get3A_650 = tpu.vector_load %arg12[%get3A_649] {strides = array<i32>} : memref<128xf32, #tpu.memory_space<vmem>>, vector<16xf32>,
      %get3A_651 = vector.shape_cast %get3A_650 : vector<16xf32> to vector<16xf32>
      %get3A_652 = arith.constant 112 : index
      %get3A_653 = tpu.vector_load %arg14[%get3A_652] {strides = array<i32>} : memref<128xf32, #tpu.memory_space<vmem>>, vector<16xf32>,
      %get3A_654 = vector.shape_cast %get3A_653 : vector<16xf32> to vector<16xf32>
      %add3A_655 = arith.addf %get3A_651, %get3A_654 : vector<16xf32>
      %ge3A_656 = arith.constant 0.000000e+00 : f32
      %ge3A_657 = vector.broadcast %ge3A_656 : f32 to vector<16xf32>
      %ge3A_658 = arith.cmpf oge, %add3A_655, %ge3A_657 : vector<16xf32>
      %mul3A_659 = arith.constant 2.000000e-01 : f32
      %mul3A_660 = vector.broadcast %mul3A_659 : f32 to vector<16xf32>
      %mul3A_661 = arith.mulf %add3A_655, %mul3A_660 : vector<16xf32>
      %select_n3A_662 = arith.select %ge3A_658, %add3A_655, %mul3A_661 : vector<16xi1>, vector<16xf32>
      %sub3A_663 = arith.subf %select_n3A_662, %select_n3A_284 : vector<16xf32>
      %exp3A_664 = math.exp %sub3A_663 : vector<16xf32>
      %swap3A_665 = arith.constant 240 : index
      %swap3A_666 = tpu.vector_load %arg15[%swap3A_665] {strides = array<i32>} : memref<256xf32, #tpu.memory_space<vmem>>, vector<16xf32>,
      %swap3A_667 = vector.shape_cast %swap3A_666 : vector<16xf32> to vector<16xf32>
      %swap3A_668 = vector.shape_cast %exp3A_664 : vector<16xf32> to vector<16xf32>
      tpu.vector_store %arg15[%swap3A_665], %swap3A_668 {strides = array<i32>} : memref<256xf32, #tpu.memory_space<vmem>>, vector<16xf32>,
      %mul3A_669 = arith.constant 2 : i32
      %mul3A_670 = arith.muli %mul3A_669, %scan3A_320 : i32
      %add3A_671 = arith.constant 3 : i32
      %add3A_672 = arith.addi %mul3A_670, %add3A_671 : i32
      %mul3A_673 = arith.constant 128 : i32
      %mul3A_674 = arith.muli %add3A_672, %mul3A_673 : i32
      %dma_start3A_675 = tpu.memref_slice %arg8[%mul3A_674] : memref<20736xi32, #tpu.memory_space<vmem>> -> memref<128xi32, #tpu.memory_space<vmem>>
      %dma_start3A_676 = arith.constant 0 : i32
      %dma_start3A_677 = tpu.memref_slice %arg16[%dma_start3A_676] : memref<40000xf32, #tpu.memory_space<vmem_shared>> -> memref<40000xf32, #tpu.memory_space<vmem_shared>>
      tpu.enqueue_indirect_dma source(%dma_start3A_677 : memref<40000xf32, #tpu.memory_space<vmem_shared>>) target(%arg12 : memref<128xf32, #tpu.memory_space<vmem>>) offsets(%dma_start3A_675 : memref<128xi32, #tpu.memory_space<vmem>>) semaphore(%arg20 : memref<!tpu.dma_semaphore, #tpu.memory_space<semaphore_mem>>)
      %mul3A_678 = arith.constant 128 : i32
      %mul3A_679 = arith.muli %add3A_672, %mul3A_678 : i32
      %dma_start3A_680 = tpu.memref_slice %arg9[%mul3A_679] : memref<20736xi32, #tpu.memory_space<vmem>> -> memref<128xi32, #tpu.memory_space<vmem>>
      %dma_start3A_681 = arith.constant 0 : i32
      %dma_start3A_682 = tpu.memref_slice %arg17[%dma_start3A_681] : memref<40000xf32, #tpu.memory_space<vmem_shared>> -> memref<40000xf32, #tpu.memory_space<vmem_shared>>
      tpu.enqueue_indirect_dma source(%dma_start3A_682 : memref<40000xf32, #tpu.memory_space<vmem_shared>>) target(%arg14 : memref<128xf32, #tpu.memory_space<vmem>>) offsets(%dma_start3A_680 : memref<128xi32, #tpu.memory_space<vmem>>) semaphore(%arg21 : memref<!tpu.dma_semaphore, #tpu.memory_space<semaphore_mem>>)
      %mul3A_683 = arith.constant 4 : i32
      %mul3A_684 = arith.muli %add3A, %mul3A_683 : i32
      %mul3A_685 = arith.constant 5120 : i32
      %mul3A_686 = arith.muli %mul3A_684, %mul3A_685 : i32
      %mul3A_687 = arith.constant 256 : i32
      %mul3A_688 = arith.muli %scan3A_320, %mul3A_687 : i32
      %add3A_689 = arith.addi %mul3A_686, %mul3A_688 : i32
      "tpu.region"() ({
        %run_scoped3A = tpu.sem_alloc : memref<!tpu.dma_semaphore, #tpu.memory_space<semaphore_mem>>
        %dma_start3A_690 = tpu.memref_slice %arg7[%add3A_689] : memref<655360xf32, #tpu.memory_space<hbm>> -> memref<256xf32, #tpu.memory_space<hbm>>
        %dma_start3A_691 = tpu.memref_slice %arg7[%add3A_689] : memref<655360xf32, #tpu.memory_space<hbm>> -> memref<256xf32, #tpu.memory_space<hbm>>
        tpu.enqueue_dma source(%arg15 : memref<256xf32, #tpu.memory_space<vmem>>) target(%dma_start3A_691 : memref<256xf32, #tpu.memory_space<hbm>>) target_semaphore(%run_scoped3A : memref<!tpu.dma_semaphore, #tpu.memory_space<semaphore_mem>>)
        %dma_wait3A_692 = tpu.memref_slice %arg7[%add3A_689] : memref<655360xf32, #tpu.memory_space<hbm>> -> memref<256xf32, #tpu.memory_space<hbm>>
        %dma_wait3A_693 = tpu.memref_slice %arg7[%add3A_689] : memref<655360xf32, #tpu.memory_space<hbm>> -> memref<256xf32, #tpu.memory_space<hbm>>
        tpu.wait_dma2 semaphore(%run_scoped3A : memref<!tpu.dma_semaphore, #tpu.memory_space<semaphore_mem>>) src(%arg15 : memref<256xf32, #tpu.memory_space<vmem>>) dst(%dma_wait3A_693 : memref<256xf32, #tpu.memory_space<hbm>>)
        tpu.yield
      }) : () -> ()
    }
    %scan3A_304 = arith.constant 80 : i32
    %dma_wait3A = arith.constant 0 : i32
    %dma_wait3A_305 = tpu.memref_slice %arg2[%dma_wait3A] : memref<40000xf32, #tpu.memory_space<hbm>> -> memref<128xf32, #tpu.memory_space<hbm>>
    %dma_wait3A_306 = arith.constant 0 : i32
    %dma_wait3A_307 = tpu.memref_slice %arg2[%dma_wait3A_306] : memref<40000xf32, #tpu.memory_space<hbm>> -> memref<128xf32, #tpu.memory_space<hbm>>
    tpu.wait_dma2 semaphore(%arg18 : memref<!tpu.dma_semaphore, #tpu.memory_space<semaphore_mem>>) src(%dma_wait3A_307 : memref<128xf32, #tpu.memory_space<hbm>>) dst(%arg11 : memref<128xf32, #tpu.memory_space<vmem>>)
    %dma_wait3A_308 = arith.constant 0 : i32
    %dma_wait3A_309 = tpu.memref_slice %arg3[%dma_wait3A_308] : memref<40000xf32, #tpu.memory_space<hbm>> -> memref<128xf32, #tpu.memory_space<hbm>>
    %dma_wait3A_310 = arith.constant 0 : i32
    %dma_wait3A_311 = tpu.memref_slice %arg3[%dma_wait3A_310] : memref<40000xf32, #tpu.memory_space<hbm>> -> memref<128xf32, #tpu.memory_space<hbm>>
    tpu.wait_dma2 semaphore(%arg19 : memref<!tpu.dma_semaphore, #tpu.memory_space<semaphore_mem>>) src(%dma_wait3A_311 : memref<128xf32, #tpu.memory_space<hbm>>) dst(%arg13 : memref<128xf32, #tpu.memory_space<vmem>>)
    %dma_wait3A_312 = arith.constant 0 : i32
    %dma_wait3A_313 = tpu.memref_slice %arg2[%dma_wait3A_312] : memref<40000xf32, #tpu.memory_space<hbm>> -> memref<128xf32, #tpu.memory_space<hbm>>
    %dma_wait3A_314 = arith.constant 0 : i32
    %dma_wait3A_315 = tpu.memref_slice %arg2[%dma_wait3A_314] : memref<40000xf32, #tpu.memory_space<hbm>> -> memref<128xf32, #tpu.memory_space<hbm>>
    tpu.wait_dma2 semaphore(%arg20 : memref<!tpu.dma_semaphore, #tpu.memory_space<semaphore_mem>>) src(%dma_wait3A_315 : memref<128xf32, #tpu.memory_space<hbm>>) dst(%arg12 : memref<128xf32, #tpu.memory_space<vmem>>)
    %dma_wait3A_316 = arith.constant 0 : i32
    %dma_wait3A_317 = tpu.memref_slice %arg3[%dma_wait3A_316] : memref<40000xf32, #tpu.memory_space<hbm>> -> memref<128xf32, #tpu.memory_space<hbm>>
    %dma_wait3A_318 = arith.constant 0 : i32
    %dma_wait3A_319 = tpu.memref_slice %arg3[%dma_wait3A_318] : memref<40000xf32, #tpu.memory_space<hbm>> -> memref<128xf32, #tpu.memory_space<hbm>>
    tpu.wait_dma2 semaphore(%arg21 : memref<!tpu.dma_semaphore, #tpu.memory_space<semaphore_mem>>) src(%dma_wait3A_319 : memref<128xf32, #tpu.memory_space<hbm>>) dst(%arg14 : memref<128xf32, #tpu.memory_space<vmem>>)
    return
  }
}

#map = affine_map<(d0, d1) -> (0, 0)>
#map1 = affine_map<(d0, d1) -> (0)>
module attributes {stable_mosaic.version = 14 : i64} {
  func.func @k(%arg0: i32, %arg1: i32, %arg2: memref<10000x256xf32, #tpu.memory_space<hbm>>, %arg3: memref<160000xi32, #tpu.memory_space<hbm>>, %arg4: memref<160000xi32, #tpu.memory_space<hbm>>, %arg5: memref<512xf32, #tpu.memory_space<hbm>>, %arg6: memref<5120000xf32, #tpu.memory_space<hbm>>, %arg7: memref<5000xi32, #tpu.memory_space<vmem>>, %arg8: memref<5000xi32, #tpu.memory_space<vmem>>, %arg9: memref<512xf32, #tpu.memory_space<vmem>>, %arg10: memref<40x256xf32, #tpu.memory_space<vmem>>, %arg11: memref<40x256xf32, #tpu.memory_space<vmem>>, %arg12: memref<1280xf32, #tpu.memory_space<vmem>>, %arg13: memref<!tpu.dma_semaphore, #tpu.memory_space<semaphore_mem>>, %arg14: memref<!tpu.dma_semaphore, #tpu.memory_space<semaphore_mem>>) attributes {dimension_semantics = [#tpu.dimension_semantics<core_parallel>, #tpu.dimension_semantics<subcore_parallel>], iteration_bounds = array<i64: 2, 16>, scalar_prefetch = 0 : i64, scratch_operands = 8 : i64, tpu.core_type = #tpu.core_type<sc_vector_subcore>, window_params = [{transform_indices = #map}, {transform_indices = #map1}, {transform_indices = #map1}, {transform_indices = #map1}, {transform_indices = #map1}]} {
    %mul3A = arith.constant 2 : i32
    %mul3A_0 = arith.muli %arg1, %mul3A : i32
    %add3A = arith.addi %mul3A_0, %arg0 : i32
    %mul3A_1 = arith.constant 5000 : i32
    %mul3A_2 = arith.muli %add3A, %mul3A_1 : i32
    "tpu.region"() ({
      %run_scoped3A = tpu.sem_alloc : memref<!tpu.dma_semaphore, #tpu.memory_space<semaphore_mem>>
      %dma_start3A = tpu.memref_slice %arg3[%mul3A_2] : memref<160000xi32, #tpu.memory_space<hbm>> -> memref<5000xi32, #tpu.memory_space<hbm>>
      %dma_start3A_103 = tpu.memref_slice %arg3[%mul3A_2] : memref<160000xi32, #tpu.memory_space<hbm>> -> memref<5000xi32, #tpu.memory_space<hbm>>
      tpu.enqueue_dma source(%dma_start3A_103 : memref<5000xi32, #tpu.memory_space<hbm>>) target(%arg7 : memref<5000xi32, #tpu.memory_space<vmem>>) target_semaphore(%run_scoped3A : memref<!tpu.dma_semaphore, #tpu.memory_space<semaphore_mem>>)
      %dma_wait3A = tpu.memref_slice %arg3[%mul3A_2] : memref<160000xi32, #tpu.memory_space<hbm>> -> memref<5000xi32, #tpu.memory_space<hbm>>
      %dma_wait3A_104 = tpu.memref_slice %arg3[%mul3A_2] : memref<160000xi32, #tpu.memory_space<hbm>> -> memref<5000xi32, #tpu.memory_space<hbm>>
      tpu.wait_dma2 semaphore(%run_scoped3A : memref<!tpu.dma_semaphore, #tpu.memory_space<semaphore_mem>>) src(%dma_wait3A_104 : memref<5000xi32, #tpu.memory_space<hbm>>) dst(%arg7 : memref<5000xi32, #tpu.memory_space<vmem>>)
      tpu.yield
    }) : () -> ()
    "tpu.region"() ({
      %run_scoped3A = tpu.sem_alloc : memref<!tpu.dma_semaphore, #tpu.memory_space<semaphore_mem>>
      %dma_start3A = tpu.memref_slice %arg4[%mul3A_2] : memref<160000xi32, #tpu.memory_space<hbm>> -> memref<5000xi32, #tpu.memory_space<hbm>>
      %dma_start3A_103 = tpu.memref_slice %arg4[%mul3A_2] : memref<160000xi32, #tpu.memory_space<hbm>> -> memref<5000xi32, #tpu.memory_space<hbm>>
      tpu.enqueue_dma source(%dma_start3A_103 : memref<5000xi32, #tpu.memory_space<hbm>>) target(%arg8 : memref<5000xi32, #tpu.memory_space<vmem>>) target_semaphore(%run_scoped3A : memref<!tpu.dma_semaphore, #tpu.memory_space<semaphore_mem>>)
      %dma_wait3A = tpu.memref_slice %arg4[%mul3A_2] : memref<160000xi32, #tpu.memory_space<hbm>> -> memref<5000xi32, #tpu.memory_space<hbm>>
      %dma_wait3A_104 = tpu.memref_slice %arg4[%mul3A_2] : memref<160000xi32, #tpu.memory_space<hbm>> -> memref<5000xi32, #tpu.memory_space<hbm>>
      tpu.wait_dma2 semaphore(%run_scoped3A : memref<!tpu.dma_semaphore, #tpu.memory_space<semaphore_mem>>) src(%dma_wait3A_104 : memref<5000xi32, #tpu.memory_space<hbm>>) dst(%arg8 : memref<5000xi32, #tpu.memory_space<vmem>>)
      tpu.yield
    }) : () -> ()
    "tpu.region"() ({
      %run_scoped3A = tpu.sem_alloc : memref<!tpu.dma_semaphore, #tpu.memory_space<semaphore_mem>>
      tpu.enqueue_dma source(%arg5 : memref<512xf32, #tpu.memory_space<hbm>>) target(%arg9 : memref<512xf32, #tpu.memory_space<vmem>>) target_semaphore(%run_scoped3A : memref<!tpu.dma_semaphore, #tpu.memory_space<semaphore_mem>>)
      tpu.wait_dma2 semaphore(%run_scoped3A : memref<!tpu.dma_semaphore, #tpu.memory_space<semaphore_mem>>) src(%arg5 : memref<512xf32, #tpu.memory_space<hbm>>) dst(%arg9 : memref<512xf32, #tpu.memory_space<vmem>>)
      tpu.yield
    }) : () -> ()
    %get3A = arith.constant 0 : index
    %get3A_3 = tpu.vector_load %arg9[%get3A] {strides = array<i32>} : memref<512xf32, #tpu.memory_space<vmem>>, vector<16xf32>,
    %get3A_4 = vector.shape_cast %get3A_3 : vector<16xf32> to vector<16xf32>
    %get3A_5 = arith.constant 16 : index
    %get3A_6 = tpu.vector_load %arg9[%get3A_5] {strides = array<i32>} : memref<512xf32, #tpu.memory_space<vmem>>, vector<16xf32>,
    %get3A_7 = vector.shape_cast %get3A_6 : vector<16xf32> to vector<16xf32>
    %get3A_8 = arith.constant 32 : index
    %get3A_9 = tpu.vector_load %arg9[%get3A_8] {strides = array<i32>} : memref<512xf32, #tpu.memory_space<vmem>>, vector<16xf32>,
    %get3A_10 = vector.shape_cast %get3A_9 : vector<16xf32> to vector<16xf32>
    %get3A_11 = arith.constant 48 : index
    %get3A_12 = tpu.vector_load %arg9[%get3A_11] {strides = array<i32>} : memref<512xf32, #tpu.memory_space<vmem>>, vector<16xf32>,
    %get3A_13 = vector.shape_cast %get3A_12 : vector<16xf32> to vector<16xf32>
    %get3A_14 = arith.constant 64 : index
    %get3A_15 = tpu.vector_load %arg9[%get3A_14] {strides = array<i32>} : memref<512xf32, #tpu.memory_space<vmem>>, vector<16xf32>,
    %get3A_16 = vector.shape_cast %get3A_15 : vector<16xf32> to vector<16xf32>
    %get3A_17 = arith.constant 80 : index
    %get3A_18 = tpu.vector_load %arg9[%get3A_17] {strides = array<i32>} : memref<512xf32, #tpu.memory_space<vmem>>, vector<16xf32>,
    %get3A_19 = vector.shape_cast %get3A_18 : vector<16xf32> to vector<16xf32>
    %get3A_20 = arith.constant 96 : index
    %get3A_21 = tpu.vector_load %arg9[%get3A_20] {strides = array<i32>} : memref<512xf32, #tpu.memory_space<vmem>>, vector<16xf32>,
    %get3A_22 = vector.shape_cast %get3A_21 : vector<16xf32> to vector<16xf32>
    %get3A_23 = arith.constant 112 : index
    %get3A_24 = tpu.vector_load %arg9[%get3A_23] {strides = array<i32>} : memref<512xf32, #tpu.memory_space<vmem>>, vector<16xf32>,
    %get3A_25 = vector.shape_cast %get3A_24 : vector<16xf32> to vector<16xf32>
    %get3A_26 = arith.constant 128 : index
    %get3A_27 = tpu.vector_load %arg9[%get3A_26] {strides = array<i32>} : memref<512xf32, #tpu.memory_space<vmem>>, vector<16xf32>,
    %get3A_28 = vector.shape_cast %get3A_27 : vector<16xf32> to vector<16xf32>
    %get3A_29 = arith.constant 144 : index
    %get3A_30 = tpu.vector_load %arg9[%get3A_29] {strides = array<i32>} : memref<512xf32, #tpu.memory_space<vmem>>, vector<16xf32>,
    %get3A_31 = vector.shape_cast %get3A_30 : vector<16xf32> to vector<16xf32>
    %get3A_32 = arith.constant 160 : index
    %get3A_33 = tpu.vector_load %arg9[%get3A_32] {strides = array<i32>} : memref<512xf32, #tpu.memory_space<vmem>>, vector<16xf32>,
    %get3A_34 = vector.shape_cast %get3A_33 : vector<16xf32> to vector<16xf32>
    %get3A_35 = arith.constant 176 : index
    %get3A_36 = tpu.vector_load %arg9[%get3A_35] {strides = array<i32>} : memref<512xf32, #tpu.memory_space<vmem>>, vector<16xf32>,
    %get3A_37 = vector.shape_cast %get3A_36 : vector<16xf32> to vector<16xf32>
    %get3A_38 = arith.constant 192 : index
    %get3A_39 = tpu.vector_load %arg9[%get3A_38] {strides = array<i32>} : memref<512xf32, #tpu.memory_space<vmem>>, vector<16xf32>,
    %get3A_40 = vector.shape_cast %get3A_39 : vector<16xf32> to vector<16xf32>
    %get3A_41 = arith.constant 208 : index
    %get3A_42 = tpu.vector_load %arg9[%get3A_41] {strides = array<i32>} : memref<512xf32, #tpu.memory_space<vmem>>, vector<16xf32>,
    %get3A_43 = vector.shape_cast %get3A_42 : vector<16xf32> to vector<16xf32>
    %get3A_44 = arith.constant 224 : index
    %get3A_45 = tpu.vector_load %arg9[%get3A_44] {strides = array<i32>} : memref<512xf32, #tpu.memory_space<vmem>>, vector<16xf32>,
    %get3A_46 = vector.shape_cast %get3A_45 : vector<16xf32> to vector<16xf32>
    %get3A_47 = arith.constant 240 : index
    %get3A_48 = tpu.vector_load %arg9[%get3A_47] {strides = array<i32>} : memref<512xf32, #tpu.memory_space<vmem>>, vector<16xf32>,
    %get3A_49 = vector.shape_cast %get3A_48 : vector<16xf32> to vector<16xf32>
    %get3A_50 = arith.constant 256 : index
    %get3A_51 = tpu.vector_load %arg9[%get3A_50] {strides = array<i32>} : memref<512xf32, #tpu.memory_space<vmem>>, vector<16xf32>,
    %get3A_52 = vector.shape_cast %get3A_51 : vector<16xf32> to vector<16xf32>
    %get3A_53 = arith.constant 272 : index
    %get3A_54 = tpu.vector_load %arg9[%get3A_53] {strides = array<i32>} : memref<512xf32, #tpu.memory_space<vmem>>, vector<16xf32>,
    %get3A_55 = vector.shape_cast %get3A_54 : vector<16xf32> to vector<16xf32>
    %get3A_56 = arith.constant 288 : index
    %get3A_57 = tpu.vector_load %arg9[%get3A_56] {strides = array<i32>} : memref<512xf32, #tpu.memory_space<vmem>>, vector<16xf32>,
    %get3A_58 = vector.shape_cast %get3A_57 : vector<16xf32> to vector<16xf32>
    %get3A_59 = arith.constant 304 : index
    %get3A_60 = tpu.vector_load %arg9[%get3A_59] {strides = array<i32>} : memref<512xf32, #tpu.memory_space<vmem>>, vector<16xf32>,
    %get3A_61 = vector.shape_cast %get3A_60 : vector<16xf32> to vector<16xf32>
    %get3A_62 = arith.constant 320 : index
    %get3A_63 = tpu.vector_load %arg9[%get3A_62] {strides = array<i32>} : memref<512xf32, #tpu.memory_space<vmem>>, vector<16xf32>,
    %get3A_64 = vector.shape_cast %get3A_63 : vector<16xf32> to vector<16xf32>
    %get3A_65 = arith.constant 336 : index
    %get3A_66 = tpu.vector_load %arg9[%get3A_65] {strides = array<i32>} : memref<512xf32, #tpu.memory_space<vmem>>, vector<16xf32>,
    %get3A_67 = vector.shape_cast %get3A_66 : vector<16xf32> to vector<16xf32>
    %get3A_68 = arith.constant 352 : index
    %get3A_69 = tpu.vector_load %arg9[%get3A_68] {strides = array<i32>} : memref<512xf32, #tpu.memory_space<vmem>>, vector<16xf32>,
    %get3A_70 = vector.shape_cast %get3A_69 : vector<16xf32> to vector<16xf32>
    %get3A_71 = arith.constant 368 : index
    %get3A_72 = tpu.vector_load %arg9[%get3A_71] {strides = array<i32>} : memref<512xf32, #tpu.memory_space<vmem>>, vector<16xf32>,
    %get3A_73 = vector.shape_cast %get3A_72 : vector<16xf32> to vector<16xf32>
    %get3A_74 = arith.constant 384 : index
    %get3A_75 = tpu.vector_load %arg9[%get3A_74] {strides = array<i32>} : memref<512xf32, #tpu.memory_space<vmem>>, vector<16xf32>,
    %get3A_76 = vector.shape_cast %get3A_75 : vector<16xf32> to vector<16xf32>
    %get3A_77 = arith.constant 400 : index
    %get3A_78 = tpu.vector_load %arg9[%get3A_77] {strides = array<i32>} : memref<512xf32, #tpu.memory_space<vmem>>, vector<16xf32>,
    %get3A_79 = vector.shape_cast %get3A_78 : vector<16xf32> to vector<16xf32>
    %get3A_80 = arith.constant 416 : index
    %get3A_81 = tpu.vector_load %arg9[%get3A_80] {strides = array<i32>} : memref<512xf32, #tpu.memory_space<vmem>>, vector<16xf32>,
    %get3A_82 = vector.shape_cast %get3A_81 : vector<16xf32> to vector<16xf32>
    %get3A_83 = arith.constant 432 : index
    %get3A_84 = tpu.vector_load %arg9[%get3A_83] {strides = array<i32>} : memref<512xf32, #tpu.memory_space<vmem>>, vector<16xf32>,
    %get3A_85 = vector.shape_cast %get3A_84 : vector<16xf32> to vector<16xf32>
    %get3A_86 = arith.constant 448 : index
    %get3A_87 = tpu.vector_load %arg9[%get3A_86] {strides = array<i32>} : memref<512xf32, #tpu.memory_space<vmem>>, vector<16xf32>,
    %get3A_88 = vector.shape_cast %get3A_87 : vector<16xf32> to vector<16xf32>
    %get3A_89 = arith.constant 464 : index
    %get3A_90 = tpu.vector_load %arg9[%get3A_89] {strides = array<i32>} : memref<512xf32, #tpu.memory_space<vmem>>, vector<16xf32>,
    %get3A_91 = vector.shape_cast %get3A_90 : vector<16xf32> to vector<16xf32>
    %get3A_92 = arith.constant 480 : index
    %get3A_93 = tpu.vector_load %arg9[%get3A_92] {strides = array<i32>} : memref<512xf32, #tpu.memory_space<vmem>>, vector<16xf32>,
    %get3A_94 = vector.shape_cast %get3A_93 : vector<16xf32> to vector<16xf32>
    %get3A_95 = arith.constant 496 : index
    %get3A_96 = tpu.vector_load %arg9[%get3A_95] {strides = array<i32>} : memref<512xf32, #tpu.memory_space<vmem>>, vector<16xf32>,
    %get3A_97 = vector.shape_cast %get3A_96 : vector<16xf32> to vector<16xf32>
    %scan3A = arith.constant 0 : i32
    %scan3A_98 = arith.constant 0 : i32
    %scan3A_99 = arith.constant 125 : i32
    %scan3A_100 = arith.addi %scan3A_98, %scan3A_99 : i32
    %scan3A_101 = arith.constant 1 : i32
    scf.for %scan3A_103 = %scan3A_98 to %scan3A_100 step %scan3A_101  : i32 {
      %mul3A_104 = arith.constant 40 : i32
      %mul3A_105 = arith.muli %scan3A_103, %mul3A_104 : i32
      %dma_start3A = tpu.memref_slice %arg7[%mul3A_105] : memref<5000xi32, #tpu.memory_space<vmem>> -> memref<40xi32, #tpu.memory_space<vmem>>
      %dma_start3A_106 = arith.constant 0 : i32
      %dma_start3A_107 = arith.constant 0 : i32
      %dma_start3A_108 = tpu.memref_slice %arg2[%dma_start3A_106, %dma_start3A_107] : memref<10000x256xf32, #tpu.memory_space<hbm>> -> memref<10000x256xf32, #tpu.memory_space<hbm>>
      tpu.enqueue_indirect_dma source(%dma_start3A_108 : memref<10000x256xf32, #tpu.memory_space<hbm>>) target(%arg10 : memref<40x256xf32, #tpu.memory_space<vmem>>) offsets(%dma_start3A : memref<40xi32, #tpu.memory_space<vmem>>) semaphore(%arg13 : memref<!tpu.dma_semaphore, #tpu.memory_space<semaphore_mem>>)
      %mul3A_109 = arith.constant 40 : i32
      %mul3A_110 = arith.muli %scan3A_103, %mul3A_109 : i32
      %dma_start3A_111 = tpu.memref_slice %arg8[%mul3A_110] : memref<5000xi32, #tpu.memory_space<vmem>> -> memref<40xi32, #tpu.memory_space<vmem>>
      %dma_start3A_112 = arith.constant 0 : i32
      %dma_start3A_113 = arith.constant 0 : i32
      %dma_start3A_114 = tpu.memref_slice %arg2[%dma_start3A_112, %dma_start3A_113] : memref<10000x256xf32, #tpu.memory_space<hbm>> -> memref<10000x256xf32, #tpu.memory_space<hbm>>
      tpu.enqueue_indirect_dma source(%dma_start3A_114 : memref<10000x256xf32, #tpu.memory_space<hbm>>) target(%arg11 : memref<40x256xf32, #tpu.memory_space<vmem>>) offsets(%dma_start3A_111 : memref<40xi32, #tpu.memory_space<vmem>>) semaphore(%arg14 : memref<!tpu.dma_semaphore, #tpu.memory_space<semaphore_mem>>)
      %dma_wait3A = tpu.memref_slice %arg7[%mul3A_105] : memref<5000xi32, #tpu.memory_space<vmem>> -> memref<40xi32, #tpu.memory_space<vmem>>
      %dma_wait3A_115 = arith.constant 0 : i32
      %dma_wait3A_116 = arith.constant 0 : i32
      %dma_wait3A_117 = tpu.memref_slice %arg2[%dma_wait3A_115, %dma_wait3A_116] : memref<10000x256xf32, #tpu.memory_space<hbm>> -> memref<10000x256xf32, #tpu.memory_space<hbm>>
      tpu.wait_indirect_dma semaphore(%arg13 : memref<!tpu.dma_semaphore, #tpu.memory_space<semaphore_mem>>) src(%dma_wait3A_117 : memref<10000x256xf32, #tpu.memory_space<hbm>>) dst(%arg10 : memref<40x256xf32, #tpu.memory_space<vmem>>)
      %dma_wait3A_118 = tpu.memref_slice %arg8[%mul3A_110] : memref<5000xi32, #tpu.memory_space<vmem>> -> memref<40xi32, #tpu.memory_space<vmem>>
      %dma_wait3A_119 = arith.constant 0 : i32
      %dma_wait3A_120 = arith.constant 0 : i32
      %dma_wait3A_121 = tpu.memref_slice %arg2[%dma_wait3A_119, %dma_wait3A_120] : memref<10000x256xf32, #tpu.memory_space<hbm>> -> memref<10000x256xf32, #tpu.memory_space<hbm>>
      tpu.wait_indirect_dma semaphore(%arg14 : memref<!tpu.dma_semaphore, #tpu.memory_space<semaphore_mem>>) src(%dma_wait3A_121 : memref<10000x256xf32, #tpu.memory_space<hbm>>) dst(%arg11 : memref<40x256xf32, #tpu.memory_space<vmem>>)
      %scan3A_122 = arith.constant 0 : i32
      %scan3A_123 = arith.constant 0 : i32
      %scan3A_124 = arith.constant 40 : i32
      %scan3A_125 = arith.addi %scan3A_123, %scan3A_124 : i32
      %scan3A_126 = arith.constant 1 : i32
      scf.for %scan3A_133 = %scan3A_123 to %scan3A_125 step %scan3A_126  : i32 {
        %broadcast_in_dim3A = arith.constant 0.000000e+00 : f32
        %broadcast_in_dim3A_134 = vector.broadcast %broadcast_in_dim3A : f32 to vector<16xf32>
        %broadcast_in_dim3A_135 = arith.constant 0.000000e+00 : f32
        %broadcast_in_dim3A_136 = vector.broadcast %broadcast_in_dim3A_135 : f32 to vector<16xf32>
        %get3A_137 = arith.index_cast %scan3A_133 : i32 to index
        %get3A_138 = arith.constant 0 : index
        %get3A_139 = tpu.vector_load %arg10[%get3A_137, %get3A_138] {strides = array<i32>} : memref<40x256xf32, #tpu.memory_space<vmem>>, vector<1x16xf32>,
        %get3A_140 = vector.shape_cast %get3A_139 : vector<1x16xf32> to vector<16xf32>
        %get3A_141 = arith.index_cast %scan3A_133 : i32 to index
        %get3A_142 = arith.constant 0 : index
        %get3A_143 = tpu.vector_load %arg11[%get3A_141, %get3A_142] {strides = array<i32>} : memref<40x256xf32, #tpu.memory_space<vmem>>, vector<1x16xf32>,
        %get3A_144 = vector.shape_cast %get3A_143 : vector<1x16xf32> to vector<16xf32>
        %mul3A_145 = arith.mulf %get3A_140, %get3A_144 : vector<16xf32>
        %mul3A_146 = arith.mulf %mul3A_145, %get3A_4 : vector<16xf32>
        %add3A_147 = arith.addf %broadcast_in_dim3A_134, %mul3A_146 : vector<16xf32>
        %mul3A_148 = arith.mulf %mul3A_145, %get3A_52 : vector<16xf32>
        %add3A_149 = arith.addf %broadcast_in_dim3A_136, %mul3A_148 : vector<16xf32>
        %get3A_150 = arith.index_cast %scan3A_133 : i32 to index
        %get3A_151 = arith.constant 16 : index
        %get3A_152 = tpu.vector_load %arg10[%get3A_150, %get3A_151] {strides = array<i32>} : memref<40x256xf32, #tpu.memory_space<vmem>>, vector<1x16xf32>,
        %get3A_153 = vector.shape_cast %get3A_152 : vector<1x16xf32> to vector<16xf32>
        %get3A_154 = arith.index_cast %scan3A_133 : i32 to index
        %get3A_155 = arith.constant 16 : index
        %get3A_156 = tpu.vector_load %arg11[%get3A_154, %get3A_155] {strides = array<i32>} : memref<40x256xf32, #tpu.memory_space<vmem>>, vector<1x16xf32>,
        %get3A_157 = vector.shape_cast %get3A_156 : vector<1x16xf32> to vector<16xf32>
        %mul3A_158 = arith.mulf %get3A_153, %get3A_157 : vector<16xf32>
        %mul3A_159 = arith.mulf %mul3A_158, %get3A_7 : vector<16xf32>
        %add3A_160 = arith.addf %add3A_147, %mul3A_159 : vector<16xf32>
        %mul3A_161 = arith.mulf %mul3A_158, %get3A_55 : vector<16xf32>
        %add3A_162 = arith.addf %add3A_149, %mul3A_161 : vector<16xf32>
        %get3A_163 = arith.index_cast %scan3A_133 : i32 to index
        %get3A_164 = arith.constant 32 : index
        %get3A_165 = tpu.vector_load %arg10[%get3A_163, %get3A_164] {strides = array<i32>} : memref<40x256xf32, #tpu.memory_space<vmem>>, vector<1x16xf32>,
        %get3A_166 = vector.shape_cast %get3A_165 : vector<1x16xf32> to vector<16xf32>
        %get3A_167 = arith.index_cast %scan3A_133 : i32 to index
        %get3A_168 = arith.constant 32 : index
        %get3A_169 = tpu.vector_load %arg11[%get3A_167, %get3A_168] {strides = array<i32>} : memref<40x256xf32, #tpu.memory_space<vmem>>, vector<1x16xf32>,
        %get3A_170 = vector.shape_cast %get3A_169 : vector<1x16xf32> to vector<16xf32>
        %mul3A_171 = arith.mulf %get3A_166, %get3A_170 : vector<16xf32>
        %mul3A_172 = arith.mulf %mul3A_171, %get3A_10 : vector<16xf32>
        %add3A_173 = arith.addf %add3A_160, %mul3A_172 : vector<16xf32>
        %mul3A_174 = arith.mulf %mul3A_171, %get3A_58 : vector<16xf32>
        %add3A_175 = arith.addf %add3A_162, %mul3A_174 : vector<16xf32>
        %get3A_176 = arith.index_cast %scan3A_133 : i32 to index
        %get3A_177 = arith.constant 48 : index
        %get3A_178 = tpu.vector_load %arg10[%get3A_176, %get3A_177] {strides = array<i32>} : memref<40x256xf32, #tpu.memory_space<vmem>>, vector<1x16xf32>,
        %get3A_179 = vector.shape_cast %get3A_178 : vector<1x16xf32> to vector<16xf32>
        %get3A_180 = arith.index_cast %scan3A_133 : i32 to index
        %get3A_181 = arith.constant 48 : index
        %get3A_182 = tpu.vector_load %arg11[%get3A_180, %get3A_181] {strides = array<i32>} : memref<40x256xf32, #tpu.memory_space<vmem>>, vector<1x16xf32>,
        %get3A_183 = vector.shape_cast %get3A_182 : vector<1x16xf32> to vector<16xf32>
        %mul3A_184 = arith.mulf %get3A_179, %get3A_183 : vector<16xf32>
        %mul3A_185 = arith.mulf %mul3A_184, %get3A_13 : vector<16xf32>
        %add3A_186 = arith.addf %add3A_173, %mul3A_185 : vector<16xf32>
        %mul3A_187 = arith.mulf %mul3A_184, %get3A_61 : vector<16xf32>
        %add3A_188 = arith.addf %add3A_175, %mul3A_187 : vector<16xf32>
        %get3A_189 = arith.index_cast %scan3A_133 : i32 to index
        %get3A_190 = arith.constant 64 : index
        %get3A_191 = tpu.vector_load %arg10[%get3A_189, %get3A_190] {strides = array<i32>} : memref<40x256xf32, #tpu.memory_space<vmem>>, vector<1x16xf32>,
        %get3A_192 = vector.shape_cast %get3A_191 : vector<1x16xf32> to vector<16xf32>
        %get3A_193 = arith.index_cast %scan3A_133 : i32 to index
        %get3A_194 = arith.constant 64 : index
        %get3A_195 = tpu.vector_load %arg11[%get3A_193, %get3A_194] {strides = array<i32>} : memref<40x256xf32, #tpu.memory_space<vmem>>, vector<1x16xf32>,
        %get3A_196 = vector.shape_cast %get3A_195 : vector<1x16xf32> to vector<16xf32>
        %mul3A_197 = arith.mulf %get3A_192, %get3A_196 : vector<16xf32>
        %mul3A_198 = arith.mulf %mul3A_197, %get3A_16 : vector<16xf32>
        %add3A_199 = arith.addf %add3A_186, %mul3A_198 : vector<16xf32>
        %mul3A_200 = arith.mulf %mul3A_197, %get3A_64 : vector<16xf32>
        %add3A_201 = arith.addf %add3A_188, %mul3A_200 : vector<16xf32>
        %get3A_202 = arith.index_cast %scan3A_133 : i32 to index
        %get3A_203 = arith.constant 80 : index
        %get3A_204 = tpu.vector_load %arg10[%get3A_202, %get3A_203] {strides = array<i32>} : memref<40x256xf32, #tpu.memory_space<vmem>>, vector<1x16xf32>,
        %get3A_205 = vector.shape_cast %get3A_204 : vector<1x16xf32> to vector<16xf32>
        %get3A_206 = arith.index_cast %scan3A_133 : i32 to index
        %get3A_207 = arith.constant 80 : index
        %get3A_208 = tpu.vector_load %arg11[%get3A_206, %get3A_207] {strides = array<i32>} : memref<40x256xf32, #tpu.memory_space<vmem>>, vector<1x16xf32>,
        %get3A_209 = vector.shape_cast %get3A_208 : vector<1x16xf32> to vector<16xf32>
        %mul3A_210 = arith.mulf %get3A_205, %get3A_209 : vector<16xf32>
        %mul3A_211 = arith.mulf %mul3A_210, %get3A_19 : vector<16xf32>
        %add3A_212 = arith.addf %add3A_199, %mul3A_211 : vector<16xf32>
        %mul3A_213 = arith.mulf %mul3A_210, %get3A_67 : vector<16xf32>
        %add3A_214 = arith.addf %add3A_201, %mul3A_213 : vector<16xf32>
        %get3A_215 = arith.index_cast %scan3A_133 : i32 to index
        %get3A_216 = arith.constant 96 : index
        %get3A_217 = tpu.vector_load %arg10[%get3A_215, %get3A_216] {strides = array<i32>} : memref<40x256xf32, #tpu.memory_space<vmem>>, vector<1x16xf32>,
        %get3A_218 = vector.shape_cast %get3A_217 : vector<1x16xf32> to vector<16xf32>
        %get3A_219 = arith.index_cast %scan3A_133 : i32 to index
        %get3A_220 = arith.constant 96 : index
        %get3A_221 = tpu.vector_load %arg11[%get3A_219, %get3A_220] {strides = array<i32>} : memref<40x256xf32, #tpu.memory_space<vmem>>, vector<1x16xf32>,
        %get3A_222 = vector.shape_cast %get3A_221 : vector<1x16xf32> to vector<16xf32>
        %mul3A_223 = arith.mulf %get3A_218, %get3A_222 : vector<16xf32>
        %mul3A_224 = arith.mulf %mul3A_223, %get3A_22 : vector<16xf32>
        %add3A_225 = arith.addf %add3A_212, %mul3A_224 : vector<16xf32>
        %mul3A_226 = arith.mulf %mul3A_223, %get3A_70 : vector<16xf32>
        %add3A_227 = arith.addf %add3A_214, %mul3A_226 : vector<16xf32>
        %get3A_228 = arith.index_cast %scan3A_133 : i32 to index
        %get3A_229 = arith.constant 112 : index
        %get3A_230 = tpu.vector_load %arg10[%get3A_228, %get3A_229] {strides = array<i32>} : memref<40x256xf32, #tpu.memory_space<vmem>>, vector<1x16xf32>,
        %get3A_231 = vector.shape_cast %get3A_230 : vector<1x16xf32> to vector<16xf32>
        %get3A_232 = arith.index_cast %scan3A_133 : i32 to index
        %get3A_233 = arith.constant 112 : index
        %get3A_234 = tpu.vector_load %arg11[%get3A_232, %get3A_233] {strides = array<i32>} : memref<40x256xf32, #tpu.memory_space<vmem>>, vector<1x16xf32>,
        %get3A_235 = vector.shape_cast %get3A_234 : vector<1x16xf32> to vector<16xf32>
        %mul3A_236 = arith.mulf %get3A_231, %get3A_235 : vector<16xf32>
        %mul3A_237 = arith.mulf %mul3A_236, %get3A_25 : vector<16xf32>
        %add3A_238 = arith.addf %add3A_225, %mul3A_237 : vector<16xf32>
        %mul3A_239 = arith.mulf %mul3A_236, %get3A_73 : vector<16xf32>
        %add3A_240 = arith.addf %add3A_227, %mul3A_239 : vector<16xf32>
        %get3A_241 = arith.index_cast %scan3A_133 : i32 to index
        %get3A_242 = arith.constant 128 : index
        %get3A_243 = tpu.vector_load %arg10[%get3A_241, %get3A_242] {strides = array<i32>} : memref<40x256xf32, #tpu.memory_space<vmem>>, vector<1x16xf32>,
        %get3A_244 = vector.shape_cast %get3A_243 : vector<1x16xf32> to vector<16xf32>
        %get3A_245 = arith.index_cast %scan3A_133 : i32 to index
        %get3A_246 = arith.constant 128 : index
        %get3A_247 = tpu.vector_load %arg11[%get3A_245, %get3A_246] {strides = array<i32>} : memref<40x256xf32, #tpu.memory_space<vmem>>, vector<1x16xf32>,
        %get3A_248 = vector.shape_cast %get3A_247 : vector<1x16xf32> to vector<16xf32>
        %mul3A_249 = arith.mulf %get3A_244, %get3A_248 : vector<16xf32>
        %mul3A_250 = arith.mulf %mul3A_249, %get3A_28 : vector<16xf32>
        %add3A_251 = arith.addf %add3A_238, %mul3A_250 : vector<16xf32>
        %mul3A_252 = arith.mulf %mul3A_249, %get3A_76 : vector<16xf32>
        %add3A_253 = arith.addf %add3A_240, %mul3A_252 : vector<16xf32>
        %get3A_254 = arith.index_cast %scan3A_133 : i32 to index
        %get3A_255 = arith.constant 144 : index
        %get3A_256 = tpu.vector_load %arg10[%get3A_254, %get3A_255] {strides = array<i32>} : memref<40x256xf32, #tpu.memory_space<vmem>>, vector<1x16xf32>,
        %get3A_257 = vector.shape_cast %get3A_256 : vector<1x16xf32> to vector<16xf32>
        %get3A_258 = arith.index_cast %scan3A_133 : i32 to index
        %get3A_259 = arith.constant 144 : index
        %get3A_260 = tpu.vector_load %arg11[%get3A_258, %get3A_259] {strides = array<i32>} : memref<40x256xf32, #tpu.memory_space<vmem>>, vector<1x16xf32>,
        %get3A_261 = vector.shape_cast %get3A_260 : vector<1x16xf32> to vector<16xf32>
        %mul3A_262 = arith.mulf %get3A_257, %get3A_261 : vector<16xf32>
        %mul3A_263 = arith.mulf %mul3A_262, %get3A_31 : vector<16xf32>
        %add3A_264 = arith.addf %add3A_251, %mul3A_263 : vector<16xf32>
        %mul3A_265 = arith.mulf %mul3A_262, %get3A_79 : vector<16xf32>
        %add3A_266 = arith.addf %add3A_253, %mul3A_265 : vector<16xf32>
        %get3A_267 = arith.index_cast %scan3A_133 : i32 to index
        %get3A_268 = arith.constant 160 : index
        %get3A_269 = tpu.vector_load %arg10[%get3A_267, %get3A_268] {strides = array<i32>} : memref<40x256xf32, #tpu.memory_space<vmem>>, vector<1x16xf32>,
        %get3A_270 = vector.shape_cast %get3A_269 : vector<1x16xf32> to vector<16xf32>
        %get3A_271 = arith.index_cast %scan3A_133 : i32 to index
        %get3A_272 = arith.constant 160 : index
        %get3A_273 = tpu.vector_load %arg11[%get3A_271, %get3A_272] {strides = array<i32>} : memref<40x256xf32, #tpu.memory_space<vmem>>, vector<1x16xf32>,
        %get3A_274 = vector.shape_cast %get3A_273 : vector<1x16xf32> to vector<16xf32>
        %mul3A_275 = arith.mulf %get3A_270, %get3A_274 : vector<16xf32>
        %mul3A_276 = arith.mulf %mul3A_275, %get3A_34 : vector<16xf32>
        %add3A_277 = arith.addf %add3A_264, %mul3A_276 : vector<16xf32>
        %mul3A_278 = arith.mulf %mul3A_275, %get3A_82 : vector<16xf32>
        %add3A_279 = arith.addf %add3A_266, %mul3A_278 : vector<16xf32>
        %get3A_280 = arith.index_cast %scan3A_133 : i32 to index
        %get3A_281 = arith.constant 176 : index
        %get3A_282 = tpu.vector_load %arg10[%get3A_280, %get3A_281] {strides = array<i32>} : memref<40x256xf32, #tpu.memory_space<vmem>>, vector<1x16xf32>,
        %get3A_283 = vector.shape_cast %get3A_282 : vector<1x16xf32> to vector<16xf32>
        %get3A_284 = arith.index_cast %scan3A_133 : i32 to index
        %get3A_285 = arith.constant 176 : index
        %get3A_286 = tpu.vector_load %arg11[%get3A_284, %get3A_285] {strides = array<i32>} : memref<40x256xf32, #tpu.memory_space<vmem>>, vector<1x16xf32>,
        %get3A_287 = vector.shape_cast %get3A_286 : vector<1x16xf32> to vector<16xf32>
        %mul3A_288 = arith.mulf %get3A_283, %get3A_287 : vector<16xf32>
        %mul3A_289 = arith.mulf %mul3A_288, %get3A_37 : vector<16xf32>
        %add3A_290 = arith.addf %add3A_277, %mul3A_289 : vector<16xf32>
        %mul3A_291 = arith.mulf %mul3A_288, %get3A_85 : vector<16xf32>
        %add3A_292 = arith.addf %add3A_279, %mul3A_291 : vector<16xf32>
        %get3A_293 = arith.index_cast %scan3A_133 : i32 to index
        %get3A_294 = arith.constant 192 : index
        %get3A_295 = tpu.vector_load %arg10[%get3A_293, %get3A_294] {strides = array<i32>} : memref<40x256xf32, #tpu.memory_space<vmem>>, vector<1x16xf32>,
        %get3A_296 = vector.shape_cast %get3A_295 : vector<1x16xf32> to vector<16xf32>
        %get3A_297 = arith.index_cast %scan3A_133 : i32 to index
        %get3A_298 = arith.constant 192 : index
        %get3A_299 = tpu.vector_load %arg11[%get3A_297, %get3A_298] {strides = array<i32>} : memref<40x256xf32, #tpu.memory_space<vmem>>, vector<1x16xf32>,
        %get3A_300 = vector.shape_cast %get3A_299 : vector<1x16xf32> to vector<16xf32>
        %mul3A_301 = arith.mulf %get3A_296, %get3A_300 : vector<16xf32>
        %mul3A_302 = arith.mulf %mul3A_301, %get3A_40 : vector<16xf32>
        %add3A_303 = arith.addf %add3A_290, %mul3A_302 : vector<16xf32>
        %mul3A_304 = arith.mulf %mul3A_301, %get3A_88 : vector<16xf32>
        %add3A_305 = arith.addf %add3A_292, %mul3A_304 : vector<16xf32>
        %get3A_306 = arith.index_cast %scan3A_133 : i32 to index
        %get3A_307 = arith.constant 208 : index
        %get3A_308 = tpu.vector_load %arg10[%get3A_306, %get3A_307] {strides = array<i32>} : memref<40x256xf32, #tpu.memory_space<vmem>>, vector<1x16xf32>,
        %get3A_309 = vector.shape_cast %get3A_308 : vector<1x16xf32> to vector<16xf32>
        %get3A_310 = arith.index_cast %scan3A_133 : i32 to index
        %get3A_311 = arith.constant 208 : index
        %get3A_312 = tpu.vector_load %arg11[%get3A_310, %get3A_311] {strides = array<i32>} : memref<40x256xf32, #tpu.memory_space<vmem>>, vector<1x16xf32>,
        %get3A_313 = vector.shape_cast %get3A_312 : vector<1x16xf32> to vector<16xf32>
        %mul3A_314 = arith.mulf %get3A_309, %get3A_313 : vector<16xf32>
        %mul3A_315 = arith.mulf %mul3A_314, %get3A_43 : vector<16xf32>
        %add3A_316 = arith.addf %add3A_303, %mul3A_315 : vector<16xf32>
        %mul3A_317 = arith.mulf %mul3A_314, %get3A_91 : vector<16xf32>
        %add3A_318 = arith.addf %add3A_305, %mul3A_317 : vector<16xf32>
        %get3A_319 = arith.index_cast %scan3A_133 : i32 to index
        %get3A_320 = arith.constant 224 : index
        %get3A_321 = tpu.vector_load %arg10[%get3A_319, %get3A_320] {strides = array<i32>} : memref<40x256xf32, #tpu.memory_space<vmem>>, vector<1x16xf32>,
        %get3A_322 = vector.shape_cast %get3A_321 : vector<1x16xf32> to vector<16xf32>
        %get3A_323 = arith.index_cast %scan3A_133 : i32 to index
        %get3A_324 = arith.constant 224 : index
        %get3A_325 = tpu.vector_load %arg11[%get3A_323, %get3A_324] {strides = array<i32>} : memref<40x256xf32, #tpu.memory_space<vmem>>, vector<1x16xf32>,
        %get3A_326 = vector.shape_cast %get3A_325 : vector<1x16xf32> to vector<16xf32>
        %mul3A_327 = arith.mulf %get3A_322, %get3A_326 : vector<16xf32>
        %mul3A_328 = arith.mulf %mul3A_327, %get3A_46 : vector<16xf32>
        %add3A_329 = arith.addf %add3A_316, %mul3A_328 : vector<16xf32>
        %mul3A_330 = arith.mulf %mul3A_327, %get3A_94 : vector<16xf32>
        %add3A_331 = arith.addf %add3A_318, %mul3A_330 : vector<16xf32>
        %get3A_332 = arith.index_cast %scan3A_133 : i32 to index
        %get3A_333 = arith.constant 240 : index
        %get3A_334 = tpu.vector_load %arg10[%get3A_332, %get3A_333] {strides = array<i32>} : memref<40x256xf32, #tpu.memory_space<vmem>>, vector<1x16xf32>,
        %get3A_335 = vector.shape_cast %get3A_334 : vector<1x16xf32> to vector<16xf32>
        %get3A_336 = arith.index_cast %scan3A_133 : i32 to index
        %get3A_337 = arith.constant 240 : index
        %get3A_338 = tpu.vector_load %arg11[%get3A_336, %get3A_337] {strides = array<i32>} : memref<40x256xf32, #tpu.memory_space<vmem>>, vector<1x16xf32>,
        %get3A_339 = vector.shape_cast %get3A_338 : vector<1x16xf32> to vector<16xf32>
        %mul3A_340 = arith.mulf %get3A_335, %get3A_339 : vector<16xf32>
        %mul3A_341 = arith.mulf %mul3A_340, %get3A_49 : vector<16xf32>
        %add3A_342 = arith.addf %add3A_329, %mul3A_341 : vector<16xf32>
        %mul3A_343 = arith.mulf %mul3A_340, %get3A_97 : vector<16xf32>
        %add3A_344 = arith.addf %add3A_331, %mul3A_343 : vector<16xf32>
        %mul3A_345 = arith.constant 32 : i32
        %mul3A_346 = arith.muli %scan3A_133, %mul3A_345 : i32
        %swap3A = arith.index_cast %mul3A_346 : i32 to index
        %swap3A_347 = tpu.vector_load %arg12[%swap3A] {strides = array<i32>} : memref<1280xf32, #tpu.memory_space<vmem>>, vector<16xf32>,
        %swap3A_348 = vector.shape_cast %swap3A_347 : vector<16xf32> to vector<16xf32>
        %swap3A_349 = vector.shape_cast %add3A_342 : vector<16xf32> to vector<16xf32>
        tpu.vector_store %arg12[%swap3A], %swap3A_349 {strides = array<i32>} : memref<1280xf32, #tpu.memory_space<vmem>>, vector<16xf32>,
        %mul3A_350 = arith.constant 32 : i32
        %mul3A_351 = arith.muli %scan3A_133, %mul3A_350 : i32
        %add3A_352 = arith.constant 16 : i32
        %add3A_353 = arith.addi %mul3A_351, %add3A_352 : i32
        %swap3A_354 = arith.index_cast %add3A_353 : i32 to index
        %swap3A_355 = tpu.vector_load %arg12[%swap3A_354] {strides = array<i32>} : memref<1280xf32, #tpu.memory_space<vmem>>, vector<16xf32>,
        %swap3A_356 = vector.shape_cast %swap3A_355 : vector<16xf32> to vector<16xf32>
        %swap3A_357 = vector.shape_cast %add3A_344 : vector<16xf32> to vector<16xf32>
        tpu.vector_store %arg12[%swap3A_354], %swap3A_357 {strides = array<i32>} : memref<1280xf32, #tpu.memory_space<vmem>>, vector<16xf32>,
      }
      %scan3A_127 = arith.constant 40 : i32
      %mul3A_128 = arith.constant 40 : i32
      %mul3A_129 = arith.muli %scan3A_103, %mul3A_128 : i32
      %add3A_130 = arith.addi %mul3A_2, %mul3A_129 : i32
      %mul3A_131 = arith.constant 32 : i32
      %mul3A_132 = arith.muli %add3A_130, %mul3A_131 : i32
      "tpu.region"() ({
        %run_scoped3A = tpu.sem_alloc : memref<!tpu.dma_semaphore, #tpu.memory_space<semaphore_mem>>
        %dma_start3A_133 = tpu.memref_slice %arg6[%mul3A_132] : memref<5120000xf32, #tpu.memory_space<hbm>> -> memref<1280xf32, #tpu.memory_space<hbm>>
        %dma_start3A_134 = tpu.memref_slice %arg6[%mul3A_132] : memref<5120000xf32, #tpu.memory_space<hbm>> -> memref<1280xf32, #tpu.memory_space<hbm>>
        tpu.enqueue_dma source(%arg12 : memref<1280xf32, #tpu.memory_space<vmem>>) target(%dma_start3A_134 : memref<1280xf32, #tpu.memory_space<hbm>>) target_semaphore(%run_scoped3A : memref<!tpu.dma_semaphore, #tpu.memory_space<semaphore_mem>>)
        %dma_wait3A_135 = tpu.memref_slice %arg6[%mul3A_132] : memref<5120000xf32, #tpu.memory_space<hbm>> -> memref<1280xf32, #tpu.memory_space<hbm>>
        %dma_wait3A_136 = tpu.memref_slice %arg6[%mul3A_132] : memref<5120000xf32, #tpu.memory_space<hbm>> -> memref<1280xf32, #tpu.memory_space<hbm>>
        tpu.wait_dma2 semaphore(%run_scoped3A : memref<!tpu.dma_semaphore, #tpu.memory_space<semaphore_mem>>) src(%arg12 : memref<1280xf32, #tpu.memory_space<vmem>>) dst(%dma_wait3A_136 : memref<1280xf32, #tpu.memory_space<hbm>>)
        tpu.yield
      }) : () -> ()
    }
    %scan3A_102 = arith.constant 125 : i32
    return
  }
}

module attributes {stable_mosaic.version = 14 : i64} {
  func.func @_k1_body(%arg0: i32, %arg1: memref<400x256xf32, #tpu.memory_space<vmem>>, %arg2: memref<256x1024xf32, #tpu.memory_space<vmem>>, %arg3: memref<1024x4xf32, #tpu.memory_space<vmem>>, %arg4: memref<1024x4xf32, #tpu.memory_space<vmem>>, %arg5: memref<400x1024xf32, #tpu.memory_space<vmem>>, %arg6: memref<400x4xf32, #tpu.memory_space<vmem>>, %arg7: memref<400x4xf32, #tpu.memory_space<vmem>>, %arg8: memref<1x128xf32, #tpu.memory_space<vmem>>) attributes {dimension_semantics = [#tpu.dimension_semantics<arbitrary>], iteration_bounds = array<i64: 25>, scalar_prefetch = 0 : i64, scratch_operands = 0 : i64, tpu.core_type = #tpu.core_type<tc>, window_params = [{transform_indices = @transform_0, window_bounds = array<i64: 400, 256>}, {pipeline_mode = #tpu.pipeline_mode<synchronous>, transform_indices = @transform_1, window_bounds = array<i64: 256, 1024>}, {pipeline_mode = #tpu.pipeline_mode<synchronous>, transform_indices = @transform_2, window_bounds = array<i64: 1024, 4>}, {pipeline_mode = #tpu.pipeline_mode<synchronous>, transform_indices = @transform_3, window_bounds = array<i64: 1024, 4>}, {transform_indices = @transform_4, window_bounds = array<i64: 400, 1024>}, {transform_indices = @transform_5, window_bounds = array<i64: 400, 4>}, {transform_indices = @transform_6, window_bounds = array<i64: 400, 4>}, {pipeline_mode = #tpu.pipeline_mode<synchronous>, transform_indices = @transform_7, window_bounds = array<i64: 1, 128>}]} {
    %get3A = arith.constant 0 : index
    %get3A_0 = arith.constant 0 : index
    %get3A_1 = vector.load %arg1[%get3A, %get3A_0] : memref<400x256xf32, #tpu.memory_space<vmem>>, vector<400x256xf32>
    %get3A_2 = arith.constant 0 : index
    %get3A_3 = arith.constant 0 : index
    %get3A_4 = vector.load %arg2[%get3A_2, %get3A_3] : memref<256x1024xf32, #tpu.memory_space<vmem>>, vector<256x1024xf32>
    %dot_general3A = arith.constant dense<0.000000e+00> : vector<400x1024xf32>
    %dot_general3A_5 = tpu.matmul %get3A_1, %get3A_4, %dot_general3A {dimension_numbers = #tpu.dot_dimension_numbers<[1], [0], [0], [1], [0, 0, 1, 1], [], []>, transpose_lhs_hint = false} : vector<400x256xf32>, vector<256x1024xf32>, vector<400x1024xf32> -> vector<400x1024xf32>
    %swap3A = arith.constant 0 : index
    %swap3A_6 = arith.constant 0 : index
    %swap3A_7 = vector.load %arg5[%swap3A, %swap3A_6] : memref<400x1024xf32, #tpu.memory_space<vmem>>, vector<400x1024xf32>
    tpu.vector_store %arg5[%swap3A, %swap3A_6], %dot_general3A_5 {strides = array<i32>} : memref<400x1024xf32, #tpu.memory_space<vmem>>, vector<400x1024xf32>,
    %get3A_8 = arith.constant 0 : index
    %get3A_9 = arith.constant 0 : index
    %get3A_10 = vector.load %arg3[%get3A_8, %get3A_9] : memref<1024x4xf32, #tpu.memory_space<vmem>>, vector<1024x4xf32>
    %dot_general3A_11 = arith.constant dense<0.000000e+00> : vector<400x4xf32>
    %dot_general3A_12 = tpu.matmul %dot_general3A_5, %get3A_10, %dot_general3A_11 {dimension_numbers = #tpu.dot_dimension_numbers<[1], [0], [0], [1], [0, 0, 1, 1], [], []>, transpose_lhs_hint = false} : vector<400x1024xf32>, vector<1024x4xf32>, vector<400x4xf32> -> vector<400x4xf32>
    %get3A_13 = arith.constant 0 : index
    %get3A_14 = arith.constant 0 : index
    %get3A_15 = vector.load %arg4[%get3A_13, %get3A_14] : memref<1024x4xf32, #tpu.memory_space<vmem>>, vector<1024x4xf32>
    %dot_general3A_16 = arith.constant dense<0.000000e+00> : vector<400x4xf32>
    %dot_general3A_17 = tpu.matmul %dot_general3A_5, %get3A_15, %dot_general3A_16 {dimension_numbers = #tpu.dot_dimension_numbers<[1], [0], [0], [1], [0, 0, 1, 1], [], []>, transpose_lhs_hint = false} : vector<400x1024xf32>, vector<1024x4xf32>, vector<400x4xf32> -> vector<400x4xf32>
    %swap3A_18 = arith.constant 0 : index
    %swap3A_19 = arith.constant 0 : index
    %swap3A_20 = vector.load %arg6[%swap3A_18, %swap3A_19] : memref<400x4xf32, #tpu.memory_space<vmem>>, vector<400x4xf32>
    tpu.vector_store %arg6[%swap3A_18, %swap3A_19], %dot_general3A_12 {strides = array<i32>} : memref<400x4xf32, #tpu.memory_space<vmem>>, vector<400x4xf32>,
    %swap3A_21 = arith.constant 0 : index
    %swap3A_22 = arith.constant 0 : index
    %swap3A_23 = vector.load %arg7[%swap3A_21, %swap3A_22] : memref<400x4xf32, #tpu.memory_space<vmem>>, vector<400x4xf32>
    tpu.vector_store %arg7[%swap3A_21, %swap3A_22], %dot_general3A_17 {strides = array<i32>} : memref<400x4xf32, #tpu.memory_space<vmem>>, vector<400x4xf32>,
    %reduce_max3A = arith.constant dense<0xFF800000> : vector<4xf32>
    %reduce_max3A_24 = vector.multi_reduction <maximumf>, %dot_general3A_12, %reduce_max3A [0] : vector<400x4xf32> to vector<4xf32>
    %broadcast_in_dim3A = vector.shape_cast %reduce_max3A_24 : vector<4xf32> to vector<1x4xf32>
    %reduce_max3A_25 = arith.constant dense<0xFF800000> : vector<4xf32>
    %reduce_max3A_26 = vector.multi_reduction <maximumf>, %dot_general3A_17, %reduce_max3A_25 [0] : vector<400x4xf32> to vector<4xf32>
    %broadcast_in_dim3A_27 = vector.shape_cast %reduce_max3A_26 : vector<4xf32> to vector<1x4xf32>
    %broadcast_in_dim3A_28 = arith.constant 0.000000e+00 : f32
    %broadcast_in_dim3A_29 = vector.broadcast %broadcast_in_dim3A_28 : f32 to vector<1x120xf32>
    %concatenate3A = tpu.concatenate %broadcast_in_dim3A, %broadcast_in_dim3A_27, %broadcast_in_dim3A_29 in 1 : vector<1x4xf32>, vector<1x4xf32>, vector<1x120xf32> -> vector<1x128xf32>
    %eq3A = arith.constant 0 : i32
    %eq3A_30 = arith.cmpi eq, %arg0, %eq3A : i32
    %convert_element_type3A = arith.extui %eq3A_30 : i1 to i32
    %cond3A = arith.constant 0 : i32
    %cond3A_31 = arith.cmpi ne, %convert_element_type3A, %cond3A : i32
    scf.if %cond3A_31 {
      %swap3A_36 = arith.constant 0 : index
      %swap3A_37 = arith.constant 0 : index
      %swap3A_38 = vector.load %arg8[%swap3A_36, %swap3A_37] : memref<1x128xf32, #tpu.memory_space<vmem>>, vector<1x128xf32>
      tpu.vector_store %arg8[%swap3A_36, %swap3A_37], %concatenate3A {strides = array<i32>} : memref<1x128xf32, #tpu.memory_space<vmem>>, vector<1x128xf32>,
    } else {
    }
    %gt3A = arith.constant 0 : i32
    %gt3A_32 = arith.cmpi sgt, %arg0, %gt3A : i32
    %convert_element_type3A_33 = arith.extui %gt3A_32 : i1 to i32
    %cond3A_34 = arith.constant 0 : i32
    %cond3A_35 = arith.cmpi ne, %convert_element_type3A_33, %cond3A_34 : i32
    scf.if %cond3A_35 {
      %get3A_36 = arith.constant 0 : index
      %get3A_37 = arith.constant 0 : index
      %get3A_38 = vector.load %arg8[%get3A_36, %get3A_37] : memref<1x128xf32, #tpu.memory_space<vmem>>, vector<1x128xf32>
      %max3A = arith.maximumf %get3A_38, %concatenate3A : vector<1x128xf32>
      %swap3A_39 = arith.constant 0 : index
      %swap3A_40 = arith.constant 0 : index
      %swap3A_41 = vector.load %arg8[%swap3A_39, %swap3A_40] : memref<1x128xf32, #tpu.memory_space<vmem>>, vector<1x128xf32>
      tpu.vector_store %arg8[%swap3A_39, %swap3A_40], %max3A {strides = array<i32>} : memref<1x128xf32, #tpu.memory_space<vmem>>, vector<1x128xf32>,
    } else {
    }
    return
  }
  func.func @transform_0(%arg0: i32) -> (i32, i32) {
    %c0_i32 = arith.constant 0 : i32
    %c0_i32_0 = arith.constant 0 : i32
    return %arg0, %c0_i32 : i32, i32
  }
  func.func @transform_1(%arg0: i32) -> (i32, i32) {
    %c0_i32 = arith.constant 0 : i32
    %c0_i32_0 = arith.constant 0 : i32
    %c0_i32_1 = arith.constant 0 : i32
    return %c0_i32, %c0_i32_0 : i32, i32
  }
  func.func @transform_2(%arg0: i32) -> (i32, i32) {
    %c0_i32 = arith.constant 0 : i32
    %c0_i32_0 = arith.constant 0 : i32
    %c0_i32_1 = arith.constant 0 : i32
    return %c0_i32, %c0_i32_0 : i32, i32
  }
  func.func @transform_3(%arg0: i32) -> (i32, i32) {
    %c0_i32 = arith.constant 0 : i32
    %c0_i32_0 = arith.constant 0 : i32
    %c0_i32_1 = arith.constant 0 : i32
    return %c0_i32, %c0_i32_0 : i32, i32
  }
  func.func @transform_4(%arg0: i32) -> (i32, i32) {
    %c0_i32 = arith.constant 0 : i32
    %c0_i32_0 = arith.constant 0 : i32
    return %arg0, %c0_i32 : i32, i32
  }
  func.func @transform_5(%arg0: i32) -> (i32, i32) {
    %c0_i32 = arith.constant 0 : i32
    %c0_i32_0 = arith.constant 0 : i32
    return %arg0, %c0_i32 : i32, i32
  }
  func.func @transform_6(%arg0: i32) -> (i32, i32) {
    %c0_i32 = arith.constant 0 : i32
    %c0_i32_0 = arith.constant 0 : i32
    return %arg0, %c0_i32 : i32, i32
  }
  func.func @transform_7(%arg0: i32) -> (i32, i32) {
    %c0_i32 = arith.constant 0 : i32
    %c0_i32_0 = arith.constant 0 : i32
    %c0_i32_1 = arith.constant 0 : i32
    return %c0_i32, %c0_i32_0 : i32, i32
  }
}

module attributes {stable_mosaic.version = 14 : i64} {
  func.func @_k5_body(%arg0: i32, %arg1: memref<400x1024xf32, #tpu.memory_space<vmem>>, %arg2: memref<400x1024xf32, #tpu.memory_space<vmem>>, %arg3: memref<400x4xf32, #tpu.memory_space<vmem>>, %arg4: memref<400x4xf32, #tpu.memory_space<vmem>>, %arg5: memref<400x4xf32, #tpu.memory_space<vmem>>, %arg6: memref<1x128xf32, #tpu.memory_space<vmem>>, %arg7: memref<1x1024xf32, #tpu.memory_space<vmem>>, %arg8: memref<400x1024xf32, #tpu.memory_space<vmem>>, %arg9: memref<1x128xf32, #tpu.memory_space<vmem>>) attributes {dimension_semantics = [#tpu.dimension_semantics<arbitrary>], iteration_bounds = array<i64: 25>, scalar_prefetch = 0 : i64, scratch_operands = 0 : i64, tpu.core_type = #tpu.core_type<tc>, window_params = [{transform_indices = @transform_0, window_bounds = array<i64: 400, 1024>}, {transform_indices = @transform_1, window_bounds = array<i64: 400, 1024>}, {transform_indices = @transform_2, window_bounds = array<i64: 400, 4>}, {transform_indices = @transform_3, window_bounds = array<i64: 400, 4>}, {transform_indices = @transform_4, window_bounds = array<i64: 400, 4>}, {pipeline_mode = #tpu.pipeline_mode<synchronous>, transform_indices = @transform_5, window_bounds = array<i64: 1, 128>}, {pipeline_mode = #tpu.pipeline_mode<synchronous>, transform_indices = @transform_6, window_bounds = array<i64: 1, 1024>}, {transform_indices = @transform_7, window_bounds = array<i64: 400, 1024>}, {pipeline_mode = #tpu.pipeline_mode<synchronous>, transform_indices = @transform_8, window_bounds = array<i64: 1, 128>}]} {
    %get3A = arith.constant 0 : index
    %get3A_0 = arith.constant 0 : index
    %get3A_1 = vector.load %arg6[%get3A, %get3A_0] : memref<1x128xf32, #tpu.memory_space<vmem>>, vector<1x4xf32>
    %get3A_2 = arith.constant 0 : index
    %get3A_3 = arith.constant 4 : index
    %get3A_4 = vector.load %arg6[%get3A_2, %get3A_3] : memref<1x128xf32, #tpu.memory_space<vmem>>, vector<1x4xf32>
    %add3A = arith.addf %get3A_1, %get3A_4 : vector<1x4xf32>
    %ge3A = arith.constant 0.000000e+00 : f32
    %ge3A_5 = vector.broadcast %ge3A : f32 to vector<1x4xf32>
    %ge3A_6 = arith.cmpf oge, %add3A, %ge3A_5 : vector<1x4xf32>
    %mul3A = arith.constant 2.000000e-01 : f32
    %mul3A_7 = vector.broadcast %mul3A : f32 to vector<1x4xf32>
    %mul3A_8 = arith.mulf %add3A, %mul3A_7 : vector<1x4xf32>
    %select_n3A = arith.select %ge3A_6, %add3A, %mul3A_8 : vector<1x4xi1>, vector<1x4xf32>
    %get3A_9 = arith.constant 0 : index
    %get3A_10 = arith.constant 0 : index
    %get3A_11 = vector.load %arg3[%get3A_9, %get3A_10] : memref<400x4xf32, #tpu.memory_space<vmem>>, vector<400x4xf32>
    %get3A_12 = arith.constant 0 : index
    %get3A_13 = arith.constant 0 : index
    %get3A_14 = vector.load %arg4[%get3A_12, %get3A_13] : memref<400x4xf32, #tpu.memory_space<vmem>>, vector<400x4xf32>
    %add3A_15 = arith.addf %get3A_11, %get3A_14 : vector<400x4xf32>
    %ge3A_16 = arith.constant 0.000000e+00 : f32
    %ge3A_17 = vector.broadcast %ge3A_16 : f32 to vector<400x4xf32>
    %ge3A_18 = arith.cmpf oge, %add3A_15, %ge3A_17 : vector<400x4xf32>
    %mul3A_19 = arith.constant 2.000000e-01 : f32
    %mul3A_20 = vector.broadcast %mul3A_19 : f32 to vector<400x4xf32>
    %mul3A_21 = arith.mulf %add3A_15, %mul3A_20 : vector<400x4xf32>
    %select_n3A_22 = arith.select %ge3A_18, %add3A_15, %mul3A_21 : vector<400x4xi1>, vector<400x4xf32>
    %sub3A = vector.broadcast %select_n3A : vector<1x4xf32> to vector<400x4xf32>
    %sub3A_23 = arith.subf %select_n3A_22, %sub3A : vector<400x4xf32>
    %exp3A = math.exp %sub3A_23 : vector<400x4xf32>
    %get3A_24 = arith.constant 0 : index
    %get3A_25 = arith.constant 0 : index
    %get3A_26 = vector.load %arg5[%get3A_24, %get3A_25] : memref<400x4xf32, #tpu.memory_space<vmem>>, vector<400x4xf32>
    %add3A_27 = arith.addf %get3A_26, %exp3A : vector<400x4xf32>
    %div3A = arith.constant 1.000000e+00 : f32
    %div3A_28 = vector.broadcast %div3A : f32 to vector<400x4xf32>
    %div3A_29 = arith.divf %div3A_28, %add3A_27 : vector<400x4xf32>
    %mul3A_30 = arith.mulf %exp3A, %div3A_29 : vector<400x4xf32>
    %iota3A = tpu.iota {dimensions = array<i32: 0>} : vector<4x1024xi32>
    %iota3A_31 = tpu.iota {dimensions = array<i32: 1>} : vector<4x1024xi32>
    %jit3A = arith.constant 256 : i32
    %div3A_32 = vector.broadcast %jit3A : i32 to vector<4x1024xi32>
    %div3A_33 = arith.divsi %iota3A_31, %div3A_32 : vector<4x1024xi32>
    %sign3A = arith.constant 0 : i32
    %sign3A_34 = vector.broadcast %sign3A : i32 to vector<4x1024xi32>
    %sign3A_35 = arith.cmpi sgt, %iota3A_31, %sign3A_34 : vector<4x1024xi32>
    %sign3A_36 = arith.extui %sign3A_35 : vector<4x1024xi1> to vector<4x1024xi32>
    %sign3A_37 = arith.constant 0 : i32
    %sign3A_38 = vector.broadcast %sign3A_37 : i32 to vector<4x1024xi32>
    %sign3A_39 = arith.cmpi slt, %iota3A_31, %sign3A_38 : vector<4x1024xi32>
    %sign3A_40 = arith.extui %sign3A_39 : vector<4x1024xi1> to vector<4x1024xi32>
    %sign3A_41 = arith.subi %sign3A_36, %sign3A_40 : vector<4x1024xi32>
    %sign3A_42 = arith.constant 0 : i32
    %sign3A_43 = arith.cmpi sgt, %jit3A, %sign3A_42 : i32
    %sign3A_44 = arith.extui %sign3A_43 : i1 to i32
    %sign3A_45 = arith.constant 0 : i32
    %sign3A_46 = arith.cmpi slt, %jit3A, %sign3A_45 : i32
    %sign3A_47 = arith.extui %sign3A_46 : i1 to i32
    %sign3A_48 = arith.subi %sign3A_44, %sign3A_47 : i32
    %ne3A = vector.broadcast %sign3A_48 : i32 to vector<4x1024xi32>
    %ne3A_49 = arith.cmpi ne, %sign3A_41, %ne3A : vector<4x1024xi32>
    %rem3A = vector.broadcast %jit3A : i32 to vector<4x1024xi32>
    %rem3A_50 = arith.remsi %iota3A_31, %rem3A : vector<4x1024xi32>
    %ne3A_51 = arith.constant 0 : i32
    %ne3A_52 = vector.broadcast %ne3A_51 : i32 to vector<4x1024xi32>
    %ne3A_53 = arith.cmpi ne, %rem3A_50, %ne3A_52 : vector<4x1024xi32>
    %and3A = arith.andi %ne3A_49, %ne3A_53 : vector<4x1024xi1>
    %sub3A_54 = arith.constant 1 : i32
    %sub3A_55 = vector.broadcast %sub3A_54 : i32 to vector<4x1024xi32>
    %sub3A_56 = arith.subi %div3A_33, %sub3A_55 : vector<4x1024xi32>
    %select_n3A_57 = arith.select %and3A, %sub3A_56, %div3A_33 : vector<4x1024xi1>, vector<4x1024xi32>
    %eq3A = arith.cmpi eq, %iota3A, %select_n3A_57 : vector<4x1024xi32>
    %jit3A_58 = arith.constant 1.000000e+00 : f32
    %jit3A_59 = arith.constant 0.000000e+00 : f32
    %broadcast_in_dim3A = vector.broadcast %jit3A_58 : f32 to vector<4x1024xf32>
    %broadcast_in_dim3A_60 = vector.broadcast %jit3A_59 : f32 to vector<4x1024xf32>
    %select_n3A_61 = arith.select %eq3A, %broadcast_in_dim3A, %broadcast_in_dim3A_60 : vector<4x1024xi1>, vector<4x1024xf32>
    %dot_general3A = arith.constant dense<0.000000e+00> : vector<400x1024xf32>
    %dot_general3A_62 = tpu.matmul %div3A_29, %select_n3A_61, %dot_general3A {dimension_numbers = #tpu.dot_dimension_numbers<[1], [0], [0], [1], [0, 0, 1, 1], [], []>, transpose_lhs_hint = false} : vector<400x4xf32>, vector<4x1024xf32>, vector<400x1024xf32> -> vector<400x1024xf32>
    %dot_general3A_63 = arith.constant dense<0.000000e+00> : vector<400x1024xf32>
    %dot_general3A_64 = tpu.matmul %mul3A_30, %select_n3A_61, %dot_general3A_63 {dimension_numbers = #tpu.dot_dimension_numbers<[1], [0], [0], [1], [0, 0, 1, 1], [], []>, transpose_lhs_hint = false} : vector<400x4xf32>, vector<4x1024xf32>, vector<400x1024xf32> -> vector<400x1024xf32>
    %get3A_65 = arith.constant 0 : index
    %get3A_66 = arith.constant 0 : index
    %get3A_67 = vector.load %arg1[%get3A_65, %get3A_66] : memref<400x1024xf32, #tpu.memory_space<vmem>>, vector<400x1024xf32>
    %mul3A_68 = arith.mulf %get3A_67, %dot_general3A_62 : vector<400x1024xf32>
    %get3A_69 = arith.constant 0 : index
    %get3A_70 = arith.constant 0 : index
    %get3A_71 = vector.load %arg2[%get3A_69, %get3A_70] : memref<400x1024xf32, #tpu.memory_space<vmem>>, vector<400x1024xf32>
    %mul3A_72 = arith.mulf %dot_general3A_64, %get3A_71 : vector<400x1024xf32>
    %add3A_73 = arith.addf %mul3A_68, %mul3A_72 : vector<400x1024xf32>
    %get3A_74 = arith.constant 0 : index
    %get3A_75 = arith.constant 0 : index
    %get3A_76 = vector.load %arg7[%get3A_74, %get3A_75] : memref<1x1024xf32, #tpu.memory_space<vmem>>, vector<1x1024xf32>
    %add3A_77 = vector.broadcast %get3A_76 : vector<1x1024xf32> to vector<400x1024xf32>
    %add3A_78 = arith.addf %add3A_73, %add3A_77 : vector<400x1024xf32>
    %swap3A = arith.constant 0 : index
    %swap3A_79 = arith.constant 0 : index
    %swap3A_80 = vector.load %arg8[%swap3A, %swap3A_79] : memref<400x1024xf32, #tpu.memory_space<vmem>>, vector<400x1024xf32>
    tpu.vector_store %arg8[%swap3A, %swap3A_79], %add3A_78 {strides = array<i32>} : memref<400x1024xf32, #tpu.memory_space<vmem>>, vector<400x1024xf32>,
    %reduce_sum3A = arith.constant dense<0.000000e+00> : vector<1024xf32>
    %reduce_sum3A_81 = vector.multi_reduction <add>, %add3A_78, %reduce_sum3A [0] : vector<400x1024xf32> to vector<1024xf32>
    %broadcast_in_dim3A_82 = vector.shape_cast %reduce_sum3A_81 : vector<1024xf32> to vector<1x1024xf32>
    %transpose3A = tpu.transpose %select_n3A_61, [1, 0] : vector<4x1024xf32> -> vector<1024x4xf32>
    %dot_general3A_83 = arith.constant dense<0.000000e+00> : vector<1x4xf32>
    %dot_general3A_84 = tpu.matmul %broadcast_in_dim3A_82, %transpose3A, %dot_general3A_83 {dimension_numbers = #tpu.dot_dimension_numbers<[1], [0], [0], [1], [0, 0, 1, 1], [], []>, transpose_lhs_hint = false} : vector<1x1024xf32>, vector<1024x4xf32>, vector<1x4xf32> -> vector<1x4xf32>
    %broadcast_in_dim3A_85 = arith.constant 0.000000e+00 : f32
    %broadcast_in_dim3A_86 = vector.broadcast %broadcast_in_dim3A_85 : f32 to vector<1x124xf32>
    %concatenate3A = tpu.concatenate %dot_general3A_84, %broadcast_in_dim3A_86 in 1 : vector<1x4xf32>, vector<1x124xf32> -> vector<1x128xf32>
    %eq3A_87 = arith.constant 0 : i32
    %eq3A_88 = arith.cmpi eq, %arg0, %eq3A_87 : i32
    %convert_element_type3A = arith.extui %eq3A_88 : i1 to i32
    %cond3A = arith.constant 0 : i32
    %cond3A_89 = arith.cmpi ne, %convert_element_type3A, %cond3A : i32
    scf.if %cond3A_89 {
      %swap3A_94 = arith.constant 0 : index
      %swap3A_95 = arith.constant 0 : index
      %swap3A_96 = vector.load %arg9[%swap3A_94, %swap3A_95] : memref<1x128xf32, #tpu.memory_space<vmem>>, vector<1x128xf32>
      tpu.vector_store %arg9[%swap3A_94, %swap3A_95], %concatenate3A {strides = array<i32>} : memref<1x128xf32, #tpu.memory_space<vmem>>, vector<1x128xf32>,
    } else {
    }
    %gt3A = arith.constant 0 : i32
    %gt3A_90 = arith.cmpi sgt, %arg0, %gt3A : i32
    %convert_element_type3A_91 = arith.extui %gt3A_90 : i1 to i32
    %cond3A_92 = arith.constant 0 : i32
    %cond3A_93 = arith.cmpi ne, %convert_element_type3A_91, %cond3A_92 : i32
    scf.if %cond3A_93 {
      %get3A_94 = arith.constant 0 : index
      %get3A_95 = arith.constant 0 : index
      %get3A_96 = vector.load %arg9[%get3A_94, %get3A_95] : memref<1x128xf32, #tpu.memory_space<vmem>>, vector<1x128xf32>
      %add3A_97 = arith.addf %get3A_96, %concatenate3A : vector<1x128xf32>
      %swap3A_98 = arith.constant 0 : index
      %swap3A_99 = arith.constant 0 : index
      %swap3A_100 = vector.load %arg9[%swap3A_98, %swap3A_99] : memref<1x128xf32, #tpu.memory_space<vmem>>, vector<1x128xf32>
      tpu.vector_store %arg9[%swap3A_98, %swap3A_99], %add3A_97 {strides = array<i32>} : memref<1x128xf32, #tpu.memory_space<vmem>>, vector<1x128xf32>,
    } else {
    }
    return
  }
  func.func @transform_0(%arg0: i32) -> (i32, i32) {
    %c0_i32 = arith.constant 0 : i32
    %c0_i32_0 = arith.constant 0 : i32
    return %arg0, %c0_i32 : i32, i32
  }
  func.func @transform_1(%arg0: i32) -> (i32, i32) {
    %c0_i32 = arith.constant 0 : i32
    %c0_i32_0 = arith.constant 0 : i32
    return %arg0, %c0_i32 : i32, i32
  }
  func.func @transform_2(%arg0: i32) -> (i32, i32) {
    %c0_i32 = arith.constant 0 : i32
    %c0_i32_0 = arith.constant 0 : i32
    return %arg0, %c0_i32 : i32, i32
  }
  func.func @transform_3(%arg0: i32) -> (i32, i32) {
    %c0_i32 = arith.constant 0 : i32
    %c0_i32_0 = arith.constant 0 : i32
    return %arg0, %c0_i32 : i32, i32
  }
  func.func @transform_4(%arg0: i32) -> (i32, i32) {
    %c0_i32 = arith.constant 0 : i32
    %c0_i32_0 = arith.constant 0 : i32
    return %arg0, %c0_i32 : i32, i32
  }
  func.func @transform_5(%arg0: i32) -> (i32, i32) {
    %c0_i32 = arith.constant 0 : i32
    %c0_i32_0 = arith.constant 0 : i32
    %c0_i32_1 = arith.constant 0 : i32
    return %c0_i32, %c0_i32_0 : i32, i32
  }
  func.func @transform_6(%arg0: i32) -> (i32, i32) {
    %c0_i32 = arith.constant 0 : i32
    %c0_i32_0 = arith.constant 0 : i32
    %c0_i32_1 = arith.constant 0 : i32
    return %c0_i32, %c0_i32_0 : i32, i32
  }
  func.func @transform_7(%arg0: i32) -> (i32, i32) {
    %c0_i32 = arith.constant 0 : i32
    %c0_i32_0 = arith.constant 0 : i32
    return %arg0, %c0_i32 : i32, i32
  }
  func.func @transform_8(%arg0: i32) -> (i32, i32) {
    %c0_i32 = arith.constant 0 : i32
    %c0_i32_0 = arith.constant 0 : i32
    %c0_i32_1 = arith.constant 0 : i32
    return %c0_i32, %c0_i32_0 : i32, i32
  }
}

module attributes {stable_mosaic.version = 14 : i64} {
  func.func @_k6_body(%arg0: i32, %arg1: memref<400x1024xf32, #tpu.memory_space<vmem>>, %arg2: memref<400x256xf32, #tpu.memory_space<vmem>>, %arg3: memref<1x128xf32, #tpu.memory_space<vmem>>, %arg4: memref<1x1xf32, #tpu.memory_space<vmem>>, %arg5: memref<1x1xf32, #tpu.memory_space<vmem>>, %arg6: memref<400x256xf32, #tpu.memory_space<vmem>>) attributes {dimension_semantics = [#tpu.dimension_semantics<arbitrary>], iteration_bounds = array<i64: 25>, scalar_prefetch = 0 : i64, scratch_operands = 0 : i64, tpu.core_type = #tpu.core_type<tc>, window_params = [{transform_indices = @transform_0, window_bounds = array<i64: 400, 1024>}, {transform_indices = @transform_1, window_bounds = array<i64: 400, 256>}, {pipeline_mode = #tpu.pipeline_mode<synchronous>, transform_indices = @transform_2, window_bounds = array<i64: 1, 128>}, {pipeline_mode = #tpu.pipeline_mode<synchronous>, transform_indices = @transform_3, window_bounds = array<i64: 1, 1>}, {pipeline_mode = #tpu.pipeline_mode<synchronous>, transform_indices = @transform_4, window_bounds = array<i64: 1, 1>}, {transform_indices = @transform_5, window_bounds = array<i64: 400, 256>}]} {
    %get3A = arith.constant 0 : index
    %get3A_0 = arith.constant 0 : index
    %get3A_1 = vector.load %arg3[%get3A, %get3A_0] : memref<1x128xf32, #tpu.memory_space<vmem>>, vector<1x4xf32>
    %div3A = arith.constant 2.560000e+06 : f32
    %div3A_2 = vector.broadcast %div3A : f32 to vector<1x4xf32>
    %div3A_3 = arith.divf %get3A_1, %div3A_2 : vector<1x4xf32>
    %get3A_4 = arith.constant 0 : index
    %get3A_5 = arith.constant 0 : index
    %get3A_6 = vector.load %arg4[%get3A_4, %get3A_5] : memref<1x1xf32, #tpu.memory_space<vmem>>, vector<1x1xf32>
    %get3A_7 = vector.extract %get3A_6[0, 0] : f32 from vector<1x1xf32>
    %mul3A = vector.broadcast %get3A_7 : f32 to vector<1x4xf32>
    %mul3A_8 = arith.mulf %mul3A, %div3A_3 : vector<1x4xf32>
    %get3A_9 = arith.constant 0 : index
    %get3A_10 = arith.constant 0 : index
    %get3A_11 = vector.load %arg5[%get3A_9, %get3A_10] : memref<1x1xf32, #tpu.memory_space<vmem>>, vector<1x1xf32>
    %get3A_12 = vector.extract %get3A_11[0, 0] : f32 from vector<1x1xf32>
    %add3A = vector.broadcast %get3A_12 : f32 to vector<1x4xf32>
    %add3A_13 = arith.addf %mul3A_8, %add3A : vector<1x4xf32>
    %max3A = arith.constant 0.000000e+00 : f32
    %max3A_14 = vector.broadcast %max3A : f32 to vector<1x4xf32>
    %max3A_15 = arith.maximumf %add3A_13, %max3A_14 : vector<1x4xf32>
    %reduce_max3A = arith.constant dense<0xFF800000> : vector<1xf32>
    %reduce_max3A_16 = vector.multi_reduction <maximumf>, %max3A_15, %reduce_max3A [1] : vector<1x4xf32> to vector<1xf32>
    %broadcast_in_dim3A = vector.shape_cast %reduce_max3A_16 : vector<1xf32> to vector<1x1xf32>
    %sub3A = vector.broadcast %broadcast_in_dim3A : vector<1x1xf32> to vector<1x4xf32>
    %sub3A_17 = arith.subf %max3A_15, %sub3A : vector<1x4xf32>
    %exp3A = math.exp %sub3A_17 : vector<1x4xf32>
    %reduce_sum3A = arith.constant dense<0.000000e+00> : vector<1xf32>
    %reduce_sum3A_18 = vector.multi_reduction <add>, %exp3A, %reduce_sum3A [1] : vector<1x4xf32> to vector<1xf32>
    %broadcast_in_dim3A_19 = vector.shape_cast %reduce_sum3A_18 : vector<1xf32> to vector<1x1xf32>
    %div3A_20 = vector.broadcast %broadcast_in_dim3A_19 : vector<1x1xf32> to vector<1x4xf32>
    %div3A_21 = arith.divf %exp3A, %div3A_20 : vector<1x4xf32>
    %get3A_22 = arith.constant 0 : index
    %get3A_23 = arith.constant 0 : index
    %get3A_24 = vector.load %arg1[%get3A_22, %get3A_23] : memref<400x1024xf32, #tpu.memory_space<vmem>>, vector<400x256xf32>
    %slice3A = vector.extract_strided_slice %div3A_21 {offsets = [0, 0], sizes = [1, 1], strides = [1, 1]} : vector<1x4xf32> to vector<1x1xf32>
    %mul3A_25 = vector.broadcast %slice3A : vector<1x1xf32> to vector<400x256xf32>
    %mul3A_26 = arith.mulf %get3A_24, %mul3A_25 : vector<400x256xf32>
    %get3A_27 = arith.constant 0 : index
    %get3A_28 = arith.constant 256 : index
    %get3A_29 = vector.load %arg1[%get3A_27, %get3A_28] : memref<400x1024xf32, #tpu.memory_space<vmem>>, vector<400x256xf32>
    %slice3A_30 = vector.extract_strided_slice %div3A_21 {offsets = [0, 1], sizes = [1, 1], strides = [1, 1]} : vector<1x4xf32> to vector<1x1xf32>
    %mul3A_31 = vector.broadcast %slice3A_30 : vector<1x1xf32> to vector<400x256xf32>
    %mul3A_32 = arith.mulf %get3A_29, %mul3A_31 : vector<400x256xf32>
    %add3A_33 = arith.addf %mul3A_26, %mul3A_32 : vector<400x256xf32>
    %get3A_34 = arith.constant 0 : index
    %get3A_35 = arith.constant 512 : index
    %get3A_36 = vector.load %arg1[%get3A_34, %get3A_35] : memref<400x1024xf32, #tpu.memory_space<vmem>>, vector<400x256xf32>
    %slice3A_37 = vector.extract_strided_slice %div3A_21 {offsets = [0, 2], sizes = [1, 1], strides = [1, 1]} : vector<1x4xf32> to vector<1x1xf32>
    %mul3A_38 = vector.broadcast %slice3A_37 : vector<1x1xf32> to vector<400x256xf32>
    %mul3A_39 = arith.mulf %get3A_36, %mul3A_38 : vector<400x256xf32>
    %add3A_40 = arith.addf %add3A_33, %mul3A_39 : vector<400x256xf32>
    %get3A_41 = arith.constant 0 : index
    %get3A_42 = arith.constant 768 : index
    %get3A_43 = vector.load %arg1[%get3A_41, %get3A_42] : memref<400x1024xf32, #tpu.memory_space<vmem>>, vector<400x256xf32>
    %slice3A_44 = vector.extract_strided_slice %div3A_21 {offsets = [0, 3], sizes = [1, 1], strides = [1, 1]} : vector<1x4xf32> to vector<1x1xf32>
    %mul3A_45 = vector.broadcast %slice3A_44 : vector<1x1xf32> to vector<400x256xf32>
    %mul3A_46 = arith.mulf %get3A_43, %mul3A_45 : vector<400x256xf32>
    %add3A_47 = arith.addf %add3A_40, %mul3A_46 : vector<400x256xf32>
    %get3A_48 = arith.constant 0 : index
    %get3A_49 = arith.constant 0 : index
    %get3A_50 = vector.load %arg2[%get3A_48, %get3A_49] : memref<400x256xf32, #tpu.memory_space<vmem>>, vector<400x256xf32>
    %add3A_51 = arith.addf %add3A_47, %get3A_50 : vector<400x256xf32>
    %max3A_52 = arith.constant 0.000000e+00 : f32
    %max3A_53 = vector.broadcast %max3A_52 : f32 to vector<400x256xf32>
    %max3A_54 = arith.maximumf %add3A_51, %max3A_53 : vector<400x256xf32>
    %swap3A = arith.constant 0 : index
    %swap3A_55 = arith.constant 0 : index
    %swap3A_56 = vector.load %arg6[%swap3A, %swap3A_55] : memref<400x256xf32, #tpu.memory_space<vmem>>, vector<400x256xf32>
    tpu.vector_store %arg6[%swap3A, %swap3A_55], %max3A_54 {strides = array<i32>} : memref<400x256xf32, #tpu.memory_space<vmem>>, vector<400x256xf32>,
    return
  }
  func.func @transform_0(%arg0: i32) -> (i32, i32) {
    %c0_i32 = arith.constant 0 : i32
    %c0_i32_0 = arith.constant 0 : i32
    return %arg0, %c0_i32 : i32, i32
  }
  func.func @transform_1(%arg0: i32) -> (i32, i32) {
    %c0_i32 = arith.constant 0 : i32
    %c0_i32_0 = arith.constant 0 : i32
    return %arg0, %c0_i32 : i32, i32
  }
  func.func @transform_2(%arg0: i32) -> (i32, i32) {
    %c0_i32 = arith.constant 0 : i32
    %c0_i32_0 = arith.constant 0 : i32
    %c0_i32_1 = arith.constant 0 : i32
    return %c0_i32, %c0_i32_0 : i32, i32
  }
  func.func @transform_3(%arg0: i32) -> (i32, i32) {
    %c0_i32 = arith.constant 0 : i32
    %c0_i32_0 = arith.constant 0 : i32
    %c0_i32_1 = arith.constant 0 : i32
    return %c0_i32, %c0_i32_0 : i32, i32
  }
  func.func @transform_4(%arg0: i32) -> (i32, i32) {
    %c0_i32 = arith.constant 0 : i32
    %c0_i32_0 = arith.constant 0 : i32
    %c0_i32_1 = arith.constant 0 : i32
    return %c0_i32, %c0_i32_0 : i32, i32
  }
  func.func @transform_5(%arg0: i32) -> (i32, i32) {
    %c0_i32 = arith.constant 0 : i32
    %c0_i32_0 = arith.constant 0 : i32
    return %arg0, %c0_i32 : i32, i32
  }
}

module attributes {stable_mosaic.version = 14 : i64} {
  func.func @_k7b_body(%arg0: i32, %arg1: memref<1000x128xf32, #tpu.memory_space<vmem>>, %arg2: memref<1x2xf32, #tpu.memory_space<vmem>>, %arg3: memref<1000x4xf32, #tpu.memory_space<vmem>>, %arg4: memref<1000x4xf32, #tpu.memory_space<vmem>>) attributes {dimension_semantics = [#tpu.dimension_semantics<arbitrary>], iteration_bounds = array<i64: 40>, scalar_prefetch = 0 : i64, scratch_operands = 0 : i64, tpu.core_type = #tpu.core_type<tc>, window_params = [{transform_indices = @transform_0, window_bounds = array<i64: 1000, 128>}, {pipeline_mode = #tpu.pipeline_mode<synchronous>, transform_indices = @transform_1, window_bounds = array<i64: 1, 2>}, {transform_indices = @transform_2, window_bounds = array<i64: 1000, 4>}, {transform_indices = @transform_3, window_bounds = array<i64: 1000, 4>}]} {
    %iota3A = tpu.iota {dimensions = array<i32: 0>} : vector<128x8xi32>
    %iota3A_0 = tpu.iota {dimensions = array<i32: 1>} : vector<128x8xi32>
    %jit3A = arith.constant 32 : i32
    %div3A = vector.broadcast %jit3A : i32 to vector<128x8xi32>
    %div3A_1 = arith.divsi %iota3A, %div3A : vector<128x8xi32>
    %sign3A = arith.constant 0 : i32
    %sign3A_2 = vector.broadcast %sign3A : i32 to vector<128x8xi32>
    %sign3A_3 = arith.cmpi sgt, %iota3A, %sign3A_2 : vector<128x8xi32>
    %sign3A_4 = arith.extui %sign3A_3 : vector<128x8xi1> to vector<128x8xi32>
    %sign3A_5 = arith.constant 0 : i32
    %sign3A_6 = vector.broadcast %sign3A_5 : i32 to vector<128x8xi32>
    %sign3A_7 = arith.cmpi slt, %iota3A, %sign3A_6 : vector<128x8xi32>
    %sign3A_8 = arith.extui %sign3A_7 : vector<128x8xi1> to vector<128x8xi32>
    %sign3A_9 = arith.subi %sign3A_4, %sign3A_8 : vector<128x8xi32>
    %sign3A_10 = arith.constant 0 : i32
    %sign3A_11 = arith.cmpi sgt, %jit3A, %sign3A_10 : i32
    %sign3A_12 = arith.extui %sign3A_11 : i1 to i32
    %sign3A_13 = arith.constant 0 : i32
    %sign3A_14 = arith.cmpi slt, %jit3A, %sign3A_13 : i32
    %sign3A_15 = arith.extui %sign3A_14 : i1 to i32
    %sign3A_16 = arith.subi %sign3A_12, %sign3A_15 : i32
    %ne3A = vector.broadcast %sign3A_16 : i32 to vector<128x8xi32>
    %ne3A_17 = arith.cmpi ne, %sign3A_9, %ne3A : vector<128x8xi32>
    %rem3A = vector.broadcast %jit3A : i32 to vector<128x8xi32>
    %rem3A_18 = arith.remsi %iota3A, %rem3A : vector<128x8xi32>
    %ne3A_19 = arith.constant 0 : i32
    %ne3A_20 = vector.broadcast %ne3A_19 : i32 to vector<128x8xi32>
    %ne3A_21 = arith.cmpi ne, %rem3A_18, %ne3A_20 : vector<128x8xi32>
    %and3A = arith.andi %ne3A_17, %ne3A_21 : vector<128x8xi1>
    %sub3A = arith.constant 1 : i32
    %sub3A_22 = vector.broadcast %sub3A : i32 to vector<128x8xi32>
    %sub3A_23 = arith.subi %div3A_1, %sub3A_22 : vector<128x8xi32>
    %select_n3A = arith.select %and3A, %sub3A_23, %div3A_1 : vector<128x8xi1>, vector<128x8xi32>
    %jit3A_24 = arith.constant 32 : i32
    %eq3A = arith.constant 0 : i32
    %eq3A_25 = arith.cmpi eq, %jit3A_24, %eq3A : i32
    %jit3A_26 = arith.constant 1 : i32
    %select_n3A_27 = arith.select %eq3A_25, %jit3A_26, %jit3A_24 : i32
    %rem3A_28 = vector.broadcast %select_n3A_27 : i32 to vector<128x8xi32>
    %rem3A_29 = arith.remsi %iota3A, %rem3A_28 : vector<128x8xi32>
    %ne3A_30 = arith.constant 0 : i32
    %ne3A_31 = vector.broadcast %ne3A_30 : i32 to vector<128x8xi32>
    %ne3A_32 = arith.cmpi ne, %rem3A_29, %ne3A_31 : vector<128x8xi32>
    %lt3A = arith.constant 0 : i32
    %lt3A_33 = vector.broadcast %lt3A : i32 to vector<128x8xi32>
    %lt3A_34 = arith.cmpi slt, %rem3A_29, %lt3A_33 : vector<128x8xi32>
    %lt3A_35 = arith.constant 0 : i32
    %lt3A_36 = arith.cmpi slt, %select_n3A_27, %lt3A_35 : i32
    %ne3A_37 = vector.broadcast %lt3A_36 : i1 to vector<128x8xi1>
    %ne3A_38 = vector.broadcast %ne3A_37 : vector<128x8xi1> to vector<128x8xi1>
    %ne3A_39 = arith.xori %lt3A_34, %ne3A_38 : vector<128x8xi1>
    %and3A_40 = arith.andi %ne3A_39, %ne3A_32 : vector<128x8xi1>
    %add3A = vector.broadcast %select_n3A_27 : i32 to vector<128x8xi32>
    %add3A_41 = arith.addi %rem3A_29, %add3A : vector<128x8xi32>
    %select_n3A_42 = arith.select %and3A_40, %add3A_41, %rem3A_29 : vector<128x8xi1>, vector<128x8xi32>
    %jit3A_43 = arith.constant 16 : i32
    %div3A_44 = vector.broadcast %jit3A_43 : i32 to vector<128x8xi32>
    %div3A_45 = arith.divsi %select_n3A_42, %div3A_44 : vector<128x8xi32>
    %sign3A_46 = arith.constant 0 : i32
    %sign3A_47 = vector.broadcast %sign3A_46 : i32 to vector<128x8xi32>
    %sign3A_48 = arith.cmpi sgt, %select_n3A_42, %sign3A_47 : vector<128x8xi32>
    %sign3A_49 = arith.extui %sign3A_48 : vector<128x8xi1> to vector<128x8xi32>
    %sign3A_50 = arith.constant 0 : i32
    %sign3A_51 = vector.broadcast %sign3A_50 : i32 to vector<128x8xi32>
    %sign3A_52 = arith.cmpi slt, %select_n3A_42, %sign3A_51 : vector<128x8xi32>
    %sign3A_53 = arith.extui %sign3A_52 : vector<128x8xi1> to vector<128x8xi32>
    %sign3A_54 = arith.subi %sign3A_49, %sign3A_53 : vector<128x8xi32>
    %sign3A_55 = arith.constant 0 : i32
    %sign3A_56 = arith.cmpi sgt, %jit3A_43, %sign3A_55 : i32
    %sign3A_57 = arith.extui %sign3A_56 : i1 to i32
    %sign3A_58 = arith.constant 0 : i32
    %sign3A_59 = arith.cmpi slt, %jit3A_43, %sign3A_58 : i32
    %sign3A_60 = arith.extui %sign3A_59 : i1 to i32
    %sign3A_61 = arith.subi %sign3A_57, %sign3A_60 : i32
    %ne3A_62 = vector.broadcast %sign3A_61 : i32 to vector<128x8xi32>
    %ne3A_63 = arith.cmpi ne, %sign3A_54, %ne3A_62 : vector<128x8xi32>
    %rem3A_64 = vector.broadcast %jit3A_43 : i32 to vector<128x8xi32>
    %rem3A_65 = arith.remsi %select_n3A_42, %rem3A_64 : vector<128x8xi32>
    %ne3A_66 = arith.constant 0 : i32
    %ne3A_67 = vector.broadcast %ne3A_66 : i32 to vector<128x8xi32>
    %ne3A_68 = arith.cmpi ne, %rem3A_65, %ne3A_67 : vector<128x8xi32>
    %and3A_69 = arith.andi %ne3A_63, %ne3A_68 : vector<128x8xi1>
    %sub3A_70 = arith.constant 1 : i32
    %sub3A_71 = vector.broadcast %sub3A_70 : i32 to vector<128x8xi32>
    %sub3A_72 = arith.subi %div3A_45, %sub3A_71 : vector<128x8xi32>
    %select_n3A_73 = arith.select %and3A_69, %sub3A_72, %div3A_45 : vector<128x8xi1>, vector<128x8xi32>
    %mul3A = arith.constant 4 : i32
    %mul3A_74 = vector.broadcast %mul3A : i32 to vector<128x8xi32>
    %mul3A_75 = arith.muli %mul3A_74, %select_n3A_73 : vector<128x8xi32>
    %add3A_76 = arith.addi %select_n3A, %mul3A_75 : vector<128x8xi32>
    %eq3A_77 = arith.cmpi eq, %add3A_76, %iota3A_0 : vector<128x8xi32>
    %jit3A_78 = arith.constant 1.000000e+00 : f32
    %jit3A_79 = arith.constant 0.000000e+00 : f32
    %broadcast_in_dim3A = vector.broadcast %jit3A_78 : f32 to vector<128x8xf32>
    %broadcast_in_dim3A_80 = vector.broadcast %jit3A_79 : f32 to vector<128x8xf32>
    %select_n3A_81 = arith.select %eq3A_77, %broadcast_in_dim3A, %broadcast_in_dim3A_80 : vector<128x8xi1>, vector<128x8xf32>
    %get3A = arith.constant 0 : index
    %get3A_82 = arith.constant 0 : index
    %get3A_83 = vector.load %arg1[%get3A, %get3A_82] : memref<1000x128xf32, #tpu.memory_space<vmem>>, vector<1000x128xf32>
    %dot_general3A = arith.constant dense<0.000000e+00> : vector<1000x8xf32>
    %dot_general3A_84 = tpu.matmul %get3A_83, %select_n3A_81, %dot_general3A {dimension_numbers = #tpu.dot_dimension_numbers<[1], [0], [0], [1], [0, 0, 1, 1], [], []>, transpose_lhs_hint = false} : vector<1000x128xf32>, vector<128x8xf32>, vector<1000x8xf32> -> vector<1000x8xf32>
    %slice3A = vector.extract_strided_slice %dot_general3A_84 {offsets = [0, 0], sizes = [1000, 4], strides = [1, 1]} : vector<1000x8xf32> to vector<1000x4xf32>
    %get3A_85 = arith.constant 0 : index
    %get3A_86 = arith.constant 0 : index
    %get3A_87 = vector.load %arg2[%get3A_85, %get3A_86] : memref<1x2xf32, #tpu.memory_space<vmem>>, vector<1x1xf32>
    %get3A_88 = vector.extract %get3A_87[0, 0] : f32 from vector<1x1xf32>
    %add3A_89 = vector.broadcast %get3A_88 : f32 to vector<1000x4xf32>
    %add3A_90 = arith.addf %slice3A, %add3A_89 : vector<1000x4xf32>
    %slice3A_91 = vector.extract_strided_slice %dot_general3A_84 {offsets = [0, 4], sizes = [1000, 4], strides = [1, 1]} : vector<1000x8xf32> to vector<1000x4xf32>
    %get3A_92 = arith.constant 0 : index
    %get3A_93 = arith.constant 1 : index
    %get3A_94 = vector.load %arg2[%get3A_92, %get3A_93] : memref<1x2xf32, #tpu.memory_space<vmem>>, vector<1x1xf32>
    %get3A_95 = vector.extract %get3A_94[0, 0] : f32 from vector<1x1xf32>
    %add3A_96 = vector.broadcast %get3A_95 : f32 to vector<1000x4xf32>
    %add3A_97 = arith.addf %slice3A_91, %add3A_96 : vector<1000x4xf32>
    %max3A = arith.maximumf %add3A_90, %add3A_97 : vector<1000x4xf32>
    %sub3A_98 = arith.subf %add3A_90, %max3A : vector<1000x4xf32>
    %exp3A = math.exp %sub3A_98 : vector<1000x4xf32>
    %sub3A_99 = arith.subf %add3A_97, %max3A : vector<1000x4xf32>
    %exp3A_100 = math.exp %sub3A_99 : vector<1000x4xf32>
    %add3A_101 = arith.addf %exp3A, %exp3A_100 : vector<1000x4xf32>
    %log3A = math.log %add3A_101 : vector<1000x4xf32>
    %add3A_102 = arith.addf %max3A, %log3A : vector<1000x4xf32>
    %sub3A_103 = arith.subf %add3A_90, %add3A_102 : vector<1000x4xf32>
    %swap3A = arith.constant 0 : index
    %swap3A_104 = arith.constant 0 : index
    %swap3A_105 = vector.load %arg3[%swap3A, %swap3A_104] : memref<1000x4xf32, #tpu.memory_space<vmem>>, vector<1000x4xf32>
    tpu.vector_store %arg3[%swap3A, %swap3A_104], %sub3A_103 {strides = array<i32>} : memref<1000x4xf32, #tpu.memory_space<vmem>>, vector<1000x4xf32>,
    %sub3A_106 = arith.subf %add3A_97, %add3A_102 : vector<1000x4xf32>
    %swap3A_107 = arith.constant 0 : index
    %swap3A_108 = arith.constant 0 : index
    %swap3A_109 = vector.load %arg4[%swap3A_107, %swap3A_108] : memref<1000x4xf32, #tpu.memory_space<vmem>>, vector<1000x4xf32>
    tpu.vector_store %arg4[%swap3A_107, %swap3A_108], %sub3A_106 {strides = array<i32>} : memref<1000x4xf32, #tpu.memory_space<vmem>>, vector<1000x4xf32>,
    return
  }
  func.func @transform_0(%arg0: i32) -> (i32, i32) {
    %c0_i32 = arith.constant 0 : i32
    %c0_i32_0 = arith.constant 0 : i32
    return %arg0, %c0_i32 : i32, i32
  }
  func.func @transform_1(%arg0: i32) -> (i32, i32) {
    %c0_i32 = arith.constant 0 : i32
    %c0_i32_0 = arith.constant 0 : i32
    %c0_i32_1 = arith.constant 0 : i32
    return %c0_i32, %c0_i32_0 : i32, i32
  }
  func.func @transform_2(%arg0: i32) -> (i32, i32) {
    %c0_i32 = arith.constant 0 : i32
    %c0_i32_0 = arith.constant 0 : i32
    return %arg0, %c0_i32 : i32, i32
  }
  func.func @transform_3(%arg0: i32) -> (i32, i32) {
    %c0_i32 = arith.constant 0 : i32
    %c0_i32_0 = arith.constant 0 : i32
    return %arg0, %c0_i32 : i32, i32
  }
}

</mosaic_0001>

<sc_bundles>
// kernel: gather_offload_async_start
scs
__scs_entry_jumppad:
0x0: {  	(pc) =	sbr.rel $0x88, $3  }
0x1: {  	(tag) =	ssettag $0x0;
	lr =	simm.s32 $0x1  }
0x2: {  	[smem:$0x3F97] =	sst lr;
	_ =	strace $0xD0000000  }
0x3: {  	_ = 	snop  }
0x4: {  	_ = 	snop  }
0x5: {  	_ = 	snop  }
0x6: {  	_ = 	snop  }
0x7: {  	_ = 	snop  }
__scs_overlays_trampoline_lowered:
0x8: {  	[smem:$0x3FA6] =	sst s0  }
0x9: {  	[smem:$0x3FA7] =	sst s1  }
0xa: {  	[smem:$0x3FA8] =	sst s2  }
0xb: {  	[smem:$0x3FA9] =	sst s3  }
0xc: {  	[smem:$0x3FAA] =	sst s4  }
0xd: {  	[smem:$0x3FAB] =	sst s5  }
0xe: {  	[smem:$0x3FAC] =	sst s6  }
0xf: {  	[smem:$0x3FAD] =	sst s7  }
0x10: {  	[smem:$0x3FAE] =	sst s8  }
0x11: {  	[smem:$0x3FAF] =	sst s9;
	s0 =	simm.s32 @!p0 $0x0  }
0x12: {  	s1 =	sld [smem:$0x3F95];
	s0 =	simm.s32 @p0 $0x1  }
0x13: {  	[smem:$0x3FB0] =	sst s0;
	s0 =	simm.s32 @!p1 $0x0  }
0x14: {  	s2 =	sld [smem:$0x3F94];
	s0 =	simm.s32 @p1 $0x1  }
0x15: {  	[smem:$0x3FB1] =	sst s0;
	s0 =	simm.s32 @!p2 $0x0  }
0x16: {  	s3 =	sld [smem:$0x3FDB];
	s0 =	simm.s32 @p2 $0x1  }
0x17: {  	s4 =	simm.s32 $0x1BF5;
	[smem:$0x3FB3] =	sst s0  }
0x18: {  	s0 =	sld [smem:$0x3F96];
	_ =	swait.ge [sflag:s4], $0x0  }
0x19: {  	s7 =	sld [smem:$0x3F97]  }
0x1a: {  	s8 =	sadd.s32 $0xFFFFE003, lr  }
0x1b: {  	s9 =	sadd.s32 $0xFFFFFEF7, lr;
	s5 =	simm.s32 $0xFFFFFFFF;
	p2 =	slt.u32 s8, $0xFFFFF086  }
0x1c: {  	p1 =	slt.u32 s9, $0xF7A;
	s5 =	simm.s32 @!p2 $0x0  }
0x1d: {  	s5 =	simm.s32 @p1 $0x1;
	p0 =	seq.s32 s7, s2  }
0x1e: {  	s7 =	smul.u32 @!p0 $0xF7A, s2;
	p2 =	seq.s32 @!p0 s5, $0x0  }
0x1f: {  	s9 =	smul.u32 $0xF7A, s1;
	s8 =	simm.s32 @!p0 $0x1BF5;
	p2 =	por !p2, p0  }
0x20: {  	[sflag:s8] =	ssyncset.s32 @!p0 $0xFFFFF086;
	s6 =	sadd.s32 @!p0 s3, s7;
	s7 =	simm.s32 @!p0 $0x108  }
0x21: {  	s3 =	sadd.s32 s3, s9;
	s6 =	sadd.s32 @!p0 $0x88, s6;
	s7 =	simm.s32 @p2 $0x1082  }
0x22: {  	[simem:s7], [sflag:s8] =	dma.local @!p0 [hbm:s6], $0xF7A  }
0x23: {  	s9 =	sor.u32 $0xD0000000, s2;
	s6 =	simm.s32 $0x108;
	_ =	swait.ge @!p0 [sflag:s8], $0x0  }
0x24: {  	s3 =	sadd.s32 $0x88, s3;
	s6 =	simm.s32 @!p1 $0x1082;
	[sflag:s4] =	ssyncset.s32 $0xFFFFF086  }
0x25: {  	[simem:s6], [sflag:s4] =	dma.local [hbm:s3], $0xF7A  }
0x26: {  	[smem:$0x3F97] =	sst s1;
	(tag) =	ssettag s2;
	_ =	strace s9  }
0x27: {  	s1 =	sld [smem:$0x3FA7]  }
0x28: {  	s2 =	sld [smem:$0x3FA8]  }
0x29: {  	s4 =	sld [smem:$0x3FAA]  }
0x2a: {  	p0 =	seq.s32 s5, $0x0;
	s5 =	sld [smem:$0x3FAB]  }
0x2b: {  	s6 =	sld [smem:$0x3FAC]  }
0x2c: {  	s7 =	sld [smem:$0x3FAD]  }
0x2d: {  	s3 =	simm.s32 $0x108;
	s8 =	sld [smem:$0x3FAE]  }
0x2e: {  	s3 =	simm.s32 @!p0 $0x1082;
	s9 =	sld [smem:$0x3FAF]  }
0x2f: {  	lr =	sadd.s32 s0, s3;
	s0 =	sld [smem:$0x3FA6]  }
0x30: {  	s3 =	sld [smem:$0x3FA9]  }
0x31: {  	[smem:$0x3FB2] =	sst s10  }
0x32: {  	s10 =	sld [smem:$0x3FB0];
	_ =	sdelay $0x3  }
0x33: {  	p0 =	seq.s32 s10, $0x1;
	s10 =	sld [smem:$0x3FB2];
	_ =	sdelay $0x3  }
0x34: {  	[smem:$0x3FB2] =	sst s10  }
0x35: {  	s10 =	sld [smem:$0x3FB1];
	_ =	sdelay $0x3  }
0x36: {  	p1 =	seq.s32 s10, $0x1;
	s10 =	sld [smem:$0x3FB2];
	_ =	sdelay $0x3  }
0x37: {  	[smem:$0x3FB2] =	sst s10  }
0x38: {  	s10 =	sld [smem:$0x3FB3]  }
0x39: {  	_ = 	snop;
	(pc) =	sbr.ind lr, $3  }
0x3a: {  	_ = 	snop  }
0x3b: {  	_ = 	snop  }
0x3c: {  	p2 =	seq.s32 s10, $0x1;
	s10 =	sld [smem:$0x3FB2]  }
0x3d: {  	_ =	shalt  }
0x3e: {  	_ =	shalt  }
0x3f: {  	_ =	shalt  }
0x40: {  	_ =	shalt  }
0x41: {  	_ =	shalt  }
0x42: {  	_ =	shalt  }
0x43: {  	_ =	shalt  }
0x44: {  	_ =	shalt  }
0x45: {  	_ =	shalt  }
0x46: {  	_ =	shalt  }
0x47: {  	_ =	shalt  }
0x48: {  	_ =	shalt  }
0x49: {  	_ =	shalt  }
0x4a: {  	_ =	shalt  }
0x4b: {  	_ =	shalt  }
0x4c: {  	_ =	shalt  }
0x4d: {  	_ =	shalt  }
0x4e: {  	_ =	shalt  }
0x4f: {  	_ =	shalt  }
0x50: {  	_ =	shalt  }
0x51: {  	_ =	shalt  }
0x52: {  	_ =	shalt  }
0x53: {  	_ =	shalt  }
0x54: {  	_ =	shalt  }
0x55: {  	_ =	shalt  }
0x56: {  	_ =	shalt  }
0x57: {  	_ =	shalt  }
0x58: {  	_ =	shalt  }
0x59: {  	_ =	shalt  }
0x5a: {  	_ =	shalt  }
0x5b: {  	_ =	shalt  }
0x5c: {  	_ =	shalt  }
0x5d: {  	_ =	shalt  }
0x5e: {  	_ =	shalt  }
0x5f: {  	_ =	shalt  }
0x60: {  	_ =	shalt  }
0x61: {  	_ =	shalt  }
0x62: {  	_ =	shalt  }
0x63: {  	_ =	shalt  }
0x64: {  	_ =	shalt  }
0x65: {  	_ =	shalt  }
0x66: {  	_ =	shalt  }
0x67: {  	_ =	shalt  }
0x68: {  	_ =	shalt  }
0x69: {  	_ =	shalt  }
0x6a: {  	_ =	shalt  }
0x6b: {  	_ =	shalt  }
0x6c: {  	_ =	shalt  }
0x6d: {  	_ =	shalt  }
0x6e: {  	_ =	shalt  }
0x6f: {  	_ =	shalt  }
0x70: {  	_ =	shalt  }
0x71: {  	_ =	shalt  }
0x72: {  	_ =	shalt  }
0x73: {  	_ =	shalt  }
0x74: {  	_ =	shalt  }
0x75: {  	_ =	shalt  }
0x76: {  	_ =	shalt  }
0x77: {  	_ =	shalt  }
0x78: {  	_ =	shalt  }
0x79: {  	_ =	shalt  }
0x7a: {  	_ =	shalt  }
0x7b: {  	_ =	shalt  }
0x7c: {  	_ =	shalt  }
0x7d: {  	_ =	shalt  }
0x7e: {  	_ =	shalt  }
0x7f: {  	_ =	shalt  }
0x80: {  	_ =	shalt  }
0x81: {  	_ =	shalt  }
0x82: {  	_ =	shalt  }
0x83: {  	_ =	shalt  }
0x84: {  	_ =	shalt  }
0x85: {  	_ =	shalt  }
0x86: {  	_ =	shalt  }
0x87: {  	_ =	shalt  }
.Lfunc_end0:
.L_simem_size_0:
called_computation.2_lowered:
.L_overlay_start_0:
0x88: {  	s2 =	sld [smem:$0x3FD9]  }
0x89: {  	s3 =	sld [smem:$0x3FFE];
	_ =	sdelay $0x1  }
0x8a: {  	s1 =	srdreg.scid  }
0x8b: {  	s0 =	sand.u32 $0x1, s1  }
0x8c: {  	s17 =	sshll.u32 s0, $0xA;
	s2 =	sadd.s32 s3, s2  }
0x8d: {  	s2 =	sadd.s32 s2, s17  }
0x8e: {  	[smem:$0x3FBE] =	sst s2  }
0x8f: {  	_ = 	snop  }
0x90: {  	(tm) =	ssettm $0x1  }
0x91: {  	s18 =	sld [smem:$0x3FFB];
	_ =	sdelay $0x3  }
0x92: {  	_ =	strace s18  }
0x93: {  	s2 =	sld [smem:$0x3FFC];
	_ =	sdelay $0x3  }
0x94: {  	_ =	strace s2  }
0x95: {  	s2 =	sld [smem:$0x3FFD];
	_ =	sdelay $0x3  }
0x96: {  	_ =	strace s2  }
0x97: {  	_ =	strace $0x8FFFFFFF  }
0x98: {  	s19 =	sld [smem:$0x3FDB];
	_ =	sdelay $0x1  }
0x99: {  	s20 =	simm.s32 $_scs_section_size  }
0x9a: {  	s4 =	simm.s32 $_size__tile_overlayer_lowered;
	s5 =	simm.s32 $_tile_overlayer_lowered  }
0x9b: {  	s6 =	simm.s32 $0x1BFF;
	s21 =	sshll.u32 s5, $0x1;
	s3 =	sadd.s32 s20, s19  }
0x9c: {  	s22 =	simm.s32 $0x0;
	s4 =	sshll.u32 s4, $0x1;
	s5 =	sadd.s32 s21, s3  }
0x9d: {  	[timem:s22], [sflag:s6] =	dma.local [hbm:s5], s4  }
0x9e: {  	_ =	swait.ge [sflag:s6], s4  }
0x9f: {  	s4 =	ssub.s32 $0x0, s4;
	[sflag:s6] =	ssyncset.done $0x0  }
0xa0: {  	[sflag:s6] =	ssyncadd.s32 s4;
	_ =	sdelay $0x1  }
0xa1: {  	s23 =	simm.s32 $0x1B8B  }
0xa2: {  	_ =	swait.ge [sflag:s23], $0x1  }
0xa3: {  	[sflag:s23] =	ssyncset.done $0x0  }
0xa4: {  	[sflag:s23] =	ssyncadd.s32 $0xFFFFFFFF  }
0xa5: {  	s4 =	sld [smem:$0x0]  }
0xa6: {  	s5 =	sand.u32 $0xFFFFFFFE, s1  }
0xa7: {  	p0 =	sne.s32 s1, s5  }
0xa8: {  	s5 =	sshll.u32 @p0 s5, $0xE  }
0xa9: {  	s5 =	sadd.s32 @p0 $0x11B8D, s5;
	s6 =	sshll.u32 @p0 s4, $0x11  }
0xaa: {  	s5 =	sor.u32 @p0 s6, s5  }
0xab: {  	[sflag:s5] =	ssyncadd.remote.s32 @p0 $0x1;
	_ =	sdelay $0x1  }
0xac: {  	s5 =	simm.s32 @p0 $0x1B8D  }
0xad: {  	_ =	swait.eq @p0 [sflag:s5], $0x1  }
0xae: {  	[sflag:s5] =	ssyncadd.s32 @p0 $0xFFFFFFFF  }
0xaf: {  	s6 =	sshll.u32 @!p0 s1, $0xE  }
0xb0: {  	s6 =	sor.u32 @!p0 $0x4000, s6;
	s5 =	simm.s32 @!p0 $0x1B8D  }
0xb1: {  	s4 =	sshll.u32 @!p0 s4, $0x11;
	s6 =	sadd.s32 @!p0 $0x11B8D, s6;
	_ =	swait.eq @!p0 [sflag:s5], $0x1  }
0xb2: {  	s4 =	sor.u32 @!p0 s4, s6;
	[sflag:s5] =	ssyncadd.s32 @!p0 $0xFFFFFFFF  }
0xb3: {  	s25 =	simm.s32 $0x1B8E;
	s24 =	sld [smem:$0x3FFE];
	[sflag:s4] =	ssyncadd.remote.s32 @!p0 $0x1  }
0xb4: {  	s26 =	simm.s32 $execute0_lowered;
	[smem:$0x3FD2] =	sst s25  }
0xb5: {  	s5 =	sshll.u32 s26, $0x1;
	_ =	strace $0x80000049;
	[dreg:$0x1] =	wrdreg $0xFFFFFFFF  }
0xb6: {  	s28 =	simm.s32 $_size_execute0_lowered;
	s3 =	sadd.s32 s3, s5;
	[dreg:$0x0] =	wrdreg $0x0  }
0xb7: {  	s5 =	sshll.u32 s28, $0x1;
	[dreg:$0x2] =	wrdreg s3  }
0xb8: {  	[dreg:$0x3] =	wrdreg s5  }
0xb9: {  	[dreg:$0x4] =	wrdreg $0xC0  }
0xba: {  	_ =	task [dreg:s22], $0x5FFFF  }
0xbb: {  	[dreg:$0x1] =	wrdreg $0xFFFFFFFF  }
0xbc: {  	[dreg:$0x0] =	wrdreg $0x60  }
0xbd: {  	[dreg:$0x2] =	wrdreg s24  }
0xbe: {  	[dreg:$0x3] =	wrdreg $0x9  }
0xbf: {  	_ =	task.clear_ibuf [dreg:s22], $0x4FFFF;
	_ =	strace $0x90000049  }
0xc0: {  	s29 =	simm.s32 $0x9;
	_ =	strace $0x8000004B  }
0xc1: {  	_ =	swait.ge [sflag:s29], $0x1  }
0xc2: {  	[sflag:s29] =	ssyncadd.s32 $0xFFFFFFFF  }
0xc3: {  	_ =	strace $0x9000004B  }
0xc4: {  	_ =	sfence  }
0xc5: {  	s30 =	sld [smem:$0x0];
	_ =	sdelay $0x2  }
0xc6: {  	s31 =	sshll.u32 s1, $0xD;
	s1 =	sshrl.u32 s1, $0x2  }
0xc7: {  	s4 =	sand.u32 $0x4000, s31;
	s1 =	sadd.s32 s1, s30  }
0xc8: {  	s0 =	sor.u32 s4, s0;
	s1 =	sshll.u32 s1, $0x11  }
0xc9: {  	s0 =	sor.u32 s1, s0  }
0xca: {  	s0 =	sadd.s32 $0x8F2B, s0  }
0xcb: {  	[sflag:s0] =	ssyncadd.remote.s32 $0x1  }
0xcc: {  	_ =	sfence.sel $0xFFFF  }
0xcd: {  	[dreg:$0x0] =	wrdreg $0xFFFFFFFF;
	(pc) =	sbr.abs _section_cstart, $3  }
0xce: {  	[dreg:$0x1] =	wrdreg $0xFFFFFFFF  }
0xcf: {  	_ =	task.clear_ibuf [dreg:s22], $0x2FFFF;
	_ =	strace $0x9FFFFFFF  }
0xd0: {  	(tm) =	ssettm $0x7FFFFFFF  }
0xd1: {  	_ =	shalt  }
tec
execute0_lowered:
.L_overlay_start_1:
0x0: {  	(tag) =	ssettag $0x1  }
0x1: {  	s8 =	rddreg [dreg:$0x0]  }
0x2: {  	s0 =	rddreg [dreg:$0x1];
	s1 =	srdreg.scid;
	_ =	strace $0x8000004A  }
0x3: {  	s4 =	simm.s32 $0x1;
	s6 =	simm.s32 $0x2;
	s10 =	simm.s32 $0x3  }
0x4: {  	p3 =	por $0x0, $0x0;
	s11 =	simm.s32 $0x80;
	s3 =	sshll.u32 s1, $0x4  }
.Ltmp0:
0x5: {  	s1 =	stileid.u32;
	s5 =	sand.u32 $0x10, s3;
	(pc) =	sbr.rel .LBB2_1-.Ltmp0, $4  }
0x6: {  	s2 =	sadd.s32 $0x6800, s8;
	[sflag:s4] =	ssyncpa.u1 $0x0;
	s5 =	sor.u32 s1, s5  }
0x7: {  	s7 =	sadd.s32 $0x437E00, s8;
	[sflag:s6] =	ssyncpa.u1 $0x0;
	s5 =	smul.u32 $0x1388, s5  }
0x8: {  	s3 =	sadd.s32 $0x1A3E00, s8;
	s8 =	sadd.s32 $0x1A8E00, s8;
	[sflag:s10] =	ssyncpa.u1 $0x0  }
0x9: {  	v0 =	vlaneseq.u32;
	s10 =	simm.s32 $0x0;
	s9 =	sadd.s32 $0x1388, s5;
	s12 =	smov.u32 s5  }
.LBB2_6:
0xa: {  	s15 =	sadd.s32 s17, s15  }
0xb: {  	v2 =	vld.msk [tilespmem:s15+$0x0 ss:$0x1], $0x1;
	_ =	sdelay $0x2  }
0xc: {  	(v2sf) =	vpush v1, $0x1  }
0xd: {  	(v2sf) =	vpush v1, $0x0  }
0xe: {  	(v2sf) =	vpush v2, $0x0;
	_ =	sdelay $0xc  }
0xf: {  	p0 =	seq.s32 s18, $0x9C;
	s15 =	simm.s32 $0x1;
	s18 =	spop (v2sf)  }
0x10: {  	s15 =	simm.s32 @!p0 $0x2;
	s18 =	simm.s32 @p1 $0xFFFFFFFF;
	s19 =	spop (v2sf)  }
0x11: {  	v1 =	vmov s15;
	p0 =	sne.s32 s19, s18;
	s18 =	simm.s32 $0x1;
	s28 =	spop (v2sf)  }
0x12: {  	vm0 =	vgt.u32 v1, v0;
	s18 =	simm.s32 @!p0 $0x0;
	s29 =	sshll.u32 s28, $0xA;
	s15 =	sshll.u32 s28, $0x7  }
0x13: {  	s16 =	sadd.s32 s18, s16;
	s19 =	sand.u32 $0xFFFFE000, s29;
	s15 =	sand.u32 $0x380, s15  }
0x14: {  	s16 =	sshll.u32 s16, $0xC;
	s15 =	sor.u32 s15, s19  }
0x15: {  	s16 =	sshra.s32 s16, $0x2;
	s15 =	sshrl.u32 s15, $0x3  }
0x16: {  	s13 =	sadd.s32 s17, s13;
	s14 =	sadd.s32 s16, s14;
	s15 =	sadd.s32 s7, s15  }
0x17: {  	[hbm:s15] =	stream.strided.scatter [tilespmem:s14], [sflag:$0x3], $0x400, s11, s11, $0x38;
	[tilespmem:$0x140A0] =	vst v63  }
0x18: {  	v1 =	vld.msk [tilespmem:s13+$0x0 ss:$0x1], vm0;
	_ =	sdelay $0x4  }
0x19: {  	(v2sf) =	vpush v1, $0x1  }
0x1a: {  	(v2sf) =	vpush v1, $0x0;
	_ =	sdelay $0xb  }
0x1b: {  	s13 =	sld [smem:$0x7FC];
	_ =	sdelay $0x1  }
0x1c: {  	s30 =	spop (v2sf)  }
0x1d: {  	p3 =	seq.s32 s13, $0x1;
	s31 =	spop (v2sf)  }
.LBB2_7:
0x1e: {  	p0 =	slt.u32 s10, $0x2;
	s10 =	sadd.s32 $0x1, s10  }
0x1f: {  	p2 =	sne.s32 s10, $0x7F  }
.Ltmp1:
0x20: {  	_ = 	snop;
	(pc) =	sbr.rel @!p2 .LBB2_8-.Ltmp1, $4  }
0x21: {  	s13 =	simm.s32 @!p0 $0x3  }
0x22: {  	s14 =	sadd.s32 $0x28, s12;
	_ =	swait.ge @!p0 [sflag:s13], $0xA000  }
0x23: {  	s12 =	smov.u32 s5;
	p1 =	slt.s32 s14, s9;
	[sflag:s13] =	ssyncset.done @!p0 $0x0  }
0x24: {  	p3 =	por !p3, !p3;
	s12 =	smov.u32 @p1 s14;
	[sflag:s13] =	ssyncadd.s32 @!p0 $0xFFFF6000  }
.LBB2_1:
0x25: {  	p0 =	sgt.u32 s10, $0x7C  }
0x26: {  	s13 =	sxor.u32 @!p0 $0xFFFFFFFF, s10  }
0x27: {  	s13 =	sand.u32 @!p0 $0x1, s13  }
0x28: {  	s14 =	sshrl.u32 @!p0 s12, $0x3;
	s13 =	smul.u32 @!p0 $0x28, s13  }
0x29: {  	s16 =	sand.u32 @!p0 $0x7, s12;
	s15 =	sadd.s32 @!p0 s3, s14  }
0x2a: {  	[tilespmem:s13], [sflag:$0x2] =	stream.linear.gather @!p0 [hbm4b:s15+s16], $0x28, $0x38;
	[tilespmem:$0x140A0] =	vst v63  }
0x2b: {  	s31 =	sadd.s32 $0xFFFFFFFF, s10;
	s14 =	sadd.s32 @!p0 s8, s14;
	s13 =	sadd.s32 @!p0 $0x50, s13  }
0x2c: {  	[tilespmem:s13], [sflag:$0x2] =	stream.linear.gather @!p0 [hbm4b:s14+s16], $0x28, $0x38;
	[tilespmem:$0x140A0] =	vst v63  }
0x2d: {  	p0 =	sgt.u32 s31, $0x7C  }
.Ltmp2:
0x2e: {  	_ = 	snop;
	(pc) =	sbr.rel @p0 .LBB2_7-.Ltmp2, $1  }
0x2f: {  	_ =	sdelay $0x3  }
0x30: {  	p0 =	por $0x0, $0x0;
	s13 =	simm.s32 $0x1  }
0x31: {  	s13 =	simm.s32 @!p0 $0x2  }
0x32: {  	v1 =	vmov s13  }
0x33: {  	s14 =	simm.s32 @!p3 $0x0;
	s13 =	simm.s32 $0x1;
	vm0 =	vgt.u32 v1, v0  }
0x34: {  	s14 =	simm.s32 @p3 $0x1;
	s13 =	simm.s32 @!p3 $0x0  }
0x35: {  	[smem:$0x7FC] =	sst s14;
	s13 =	smul.u32 $0xA0, s13  }
0x36: {  	_ =	swait.ge [sflag:s6], $0x50  }
0x37: {  	[sflag:s6] =	ssyncset.done $0x0;
	s13 =	sshrl.u32 s13, $0x2  }
0x38: {  	[sflag:s6] =	ssyncadd.s32 $0xFFFFFFB0;
	s26 =	sadd.s32 $0x0, s13  }
0x39: {  	v2 =	vld.msk [tilespmem:s26+$0x0 ss:$0x1], vm0;
	_ =	sdelay $0x4  }
0x3a: {  	(v2sf) =	vpush v2, $0x1  }
0x3b: {  	p1 =	por $0x0, $0x0;
	s14 =	simm.s32 $0x1;
	(v2sf) =	vpush v2, $0x0  }
0x3c: {  	s14 =	simm.s32 @!p1 $0x2  }
0x3d: {  	v1 =	vmov s14  }
0x3e: {  	vm12 =	vgt.u32 v1, v0;
	_ =	sdelay $0x3  }
0x3f: {  	p2 =	por $0x0, $0x0;
	s15 =	simm.s32 $0x1  }
0x40: {  	s15 =	simm.s32 @!p2 $0x2;
	s28 =	sadd.s32 $0x1, s13  }
0x41: {  	v1 =	vmov s15;
	v3 =	vld.msk [tilespmem:s28+$0x0 ss:$0x1], vm12  }
0x42: {  	vm13 =	vgt.u32 v1, v0;
	_ =	sdelay $0x2  }
0x43: {  	p0 =	por p0, p0  }
0x44: {  	p0 =	por p0, p0;
	(v2sf) =	vpush v3, $0x1;
	s14 =	spop (v2sf)  }
0x45: {  	s29 =	sadd.s32 $0x2, s13;
	s14 =	simm.s32 @p0 $0xFFFFFFFF;
	s16 =	spop (v2sf)  }
0x46: {  	v1 =	vld.msk [tilespmem:s29+$0x0 ss:$0x1], vm13;
	(v2sf) =	vpush v3, $0x0;
	p0 =	seq.s32 s16, s14  }
0x47: {  	vm0 =	vgt.s32 @!p0 v2, $0x0  }
0x48: {  	v2 =	vnsel @!p0 vm0, $0x0, v2  }
0x49: {  	v2 =	vmin.u32 @!p0 v2, $0x270F  }
0x4a: {  	(v2sf) =	vpush @!p0 v2, $0x0  }
0x4b: {  	(v2sf) =	vpush v1, $0x1  }
0x4c: {  	s30 =	sand.u32 $0x1, s10;
	(v2sf) =	vpush v1, $0x0  }
0x4d: {  	p4 =	por $0x0, $0x0;
	s17 =	simm.s32 $0x0;
	s21 =	simm.s32 $0x14  }
0x4e: {  	s19 =	simm.s32 $0x18;
	s22 =	simm.s32 $0x1;
	s16 =	simm.s32 $0x1  }
0x4f: {  	p2 =	por p2, p2;
	p1 =	por p1, p1;
	s16 =	simm.s32 @!p4 $0x2  }
0x50: {  	p2 =	por p2, p2;
	p1 =	por p1, p1;
	s15 =	sadd.s32 $0x50, s13;
	v2 =	vmov s16  }
0x51: {  	s24 =	sadd.s32 $0x3, s13;
	s31 =	sadd.s32 $0x4, s13;
	s14 =	smul.u32 $0x28000, s30;
	vm14 =	vgt.u32 v2, v0  }
0x52: {  	s20 =	simm.s32 @!p0 $0x1;
	p5 =	por p0, p0;
	p4 =	por p4, p4  }
0x53: {  	s14 =	sshrl.u32 s14, $0x2;
	s20 =	smov.u32 @p0 s17;
	s16 =	spop (v2sf)  }
0x54: {  	s17 =	simm.s32 @!p0 $0x80;
	s16 =	simm.s32 @p1 $0xFFFFFFFF;
	p1 =	por $0x0, $0x0  }
0x55: {  	s14 =	sor.u32 $0xA0, s14;
	s22 =	simm.s32 @!p1 $0x2;
	s23 =	spop (v2sf)  }
0x56: {  	p5 =	por p5, p5;
	s18 =	sadd.s32 @!p0 $0x0, s14;
	v4 =	vmov s22;
	p3 =	seq.s32 s23, s16  }
0x57: {  	vm15 =	vgt.u32 v4, v0;
	v2 =	vld.msk [tilespmem:s24+$0x0 ss:$0x1], vm14;
	s24 =	simm.s32 $0x1C;
	s16 =	sadd.s32 @!p3 $0x1, s20;
	s22 =	sshll.u32 @!p3 s20, $0xC  }
0x58: {  	vm1 =	vgt.s32 @!p3 v3, $0x0;
	s22 =	sshra.s32 @!p3 s22, $0x2;
	s16 =	smov.u32 @p3 s20;
	s20 =	simm.s32 @!p3 $0x80  }
0x59: {  	v3 =	vnsel @!p3 vm1, $0x0, v3;
	s23 =	sadd.s32 @!p3 s22, s14;
	s22 =	spop @!p0 (v2sf);
	p0 =	por p3, p3  }
0x5a: {  	v3 =	vmin.u32 @!p3 v3, $0x270F;
	s25 =	simm.s32 @!p0 $0x0;
	s26 =	spop (v2sf);
	s28 =	sshll.u32 @!p5 s22, $0x4  }
0x5b: {  	(v2sf) =	vpush @!p3 v3, $0x0;
	s25 =	simm.s32 @p0 $0x1;
	s26 =	simm.s32 @p2 $0xFFFFFFFF;
	s29 =	spop (v2sf)  }
0x5c: {  	(v2sf) =	vpush v2, $0x1;
	s28 =	sand.u32 @!p5 $0x70, s28;
	[smem:$0x7FD] =	sst s25;
	p6 =	seq.s32 s29, s26  }
0x5d: {  	(v2sf) =	vpush v2, $0x0;
	s26 =	sshll.u32 @!p5 s22, $0x7;
	s25 =	sadd.s32 @!p5 s2, s28;
	s22 =	smov.u32 s16;
	v3 =	vld.msk [tilespmem:s31+$0x0 ss:$0x1], vm15  }
.LBB2_3:
0x5e: {  	s28 =	simm.s32 @!p3 $0x0;
	s29 =	smov.u32 s19;
	s19 =	smov.u32 s24  }
0x5f: {  	s24 =	sadd.s32 $0x4, s24;
	s30 =	smov.u32 s23;
	p0 =	por p5, p5  }
0x60: {  	s31 =	sld [smem:$0x7FD];
	s28 =	simm.s32 @p3 $0x1;
	p3 =	por p6, p6  }
0x61: {  	p2 =	sne.s32 s24, $0xA0;
	[smem:$0x7FA] =	sst s28;
	s28 =	smov.u32 s16  }
0x62: {  	vm0 =	vgt.s32 @!p6 v1, $0x0;
	s16 =	sadd.s32 @!p6 $0x1, s16;
	p6 =	por p4, p4;
	s23 =	simm.s32 @!p2 $0x0  }
0x63: {  	p4 =	por p1, p1;
	p1 =	seq.s32 s21, $0x9C;
	s23 =	simm.s32 @p2 $0x1  }
0x64: {  	s22 =	sshll.u32 @!p3 s22, $0xC;
	[smem:$0x7FB] =	sst s23;
	s23 =	simm.s32 $0x1  }
0x65: {  	s16 =	smov.u32 @p3 s28;
	s28 =	simm.s32 @!p3 $0x80;
	s23 =	simm.s32 @!p1 $0x2  }
0x66: {  	p2 =	seq.s32 s31, $0x1;
	s31 =	sshra.s32 s21, $0x2;
	v5 =	vmov s23;
	s23 =	sand.u32 @!p0 $0x1FFC00, s26  }
0x67: {  	p5 =	por p2, p2;
	p2 =	por p3, p3;
	s25 =	sadd.s32 @!p0 s23, s25  }
0x68: {  	[tilespmem:s18], [sflag:$0x1] =	stream.strided.gather @!p0 [hbm:s25], $0x400, s17, s17, $0x38;
	[tilespmem:$0x140A0] =	vst v63  }
0x69: {  	s17 =	smov.u32 s20;
	s20 =	smov.u32 s28;
	s28 =	sld [smem:$0x7FA]  }
0x6a: {  	s26 =	sshra.s32 @!p3 s22, $0x2;
	s25 =	sadd.s32 s31, s13;
	s31 =	sld [smem:$0x7FB]  }
0x6b: {  	s23 =	sadd.s32 @!p3 s26, s14;
	s26 =	simm.s32 @!p2 $0x0  }
0x6c: {  	vm15 =	vgt.u32 v5, v0;
	s26 =	simm.s32 @p2 $0x1;
	p0 =	seq.s32 s28, $0x1  }
0x6d: {  	[smem:$0x7FD] =	sst s26;
	s26 =	spop @!p0 (v2sf);
	p0 =	seq.s32 s31, $0x1  }
.Ltmp3:
0x6e: {  	v4 =	vnsel @!p3 vm0, $0x0, v1;
	(pc) =	sbr.rel @p0 .LBB2_3-.Ltmp3, $4  }
0x6f: {  	v4 =	vmin.u32 @!p3 v4, $0x270F;
	s21 =	smov.u32 s29;
	s22 =	smov.u32 s16  }
0x70: {  	(v2sf) =	vpush @!p3 v4, $0x0;
	s18 =	smov.u32 s30;
	s28 =	spop (v2sf);
	s29 =	sshll.u32 @!p5 s26, $0x4  }
0x71: {  	v1 =	vmov v2;
	v2 =	vmov v3;
	(v2sf) =	vpush v3, $0x1;
	s28 =	simm.s32 @p6 $0xFFFFFFFF;
	s30 =	spop (v2sf);
	s29 =	sand.u32 @!p5 $0x70, s29  }
0x72: {  	(v2sf) =	vpush v2, $0x0;
	v3 =	vld.msk [tilespmem:s25+$0x0 ss:$0x1], vm15;
	s26 =	sshll.u32 @!p5 s26, $0x7;
	p6 =	seq.s32 s30, s28;
	s25 =	sadd.s32 @!p5 s2, s29  }
0x73: {  	_ = 	snop  }
0x74: {  	vm0 =	vgt.s32 @!p6 v1, $0x0  }
0x75: {  	v1 =	vnsel @!p6 vm0, $0x0, v1  }
0x76: {  	v1 =	vmin.u32 @!p6 v1, $0x270F  }
0x77: {  	(v2sf) =	vpush @!p6 v1, $0x0  }
0x78: {  	(v2sf) =	vpush v3, $0x1  }
0x79: {  	p0 =	seq.s32 s21, $0x9C;
	s24 =	simm.s32 $0x1;
	(v2sf) =	vpush v3, $0x0  }
0x7a: {  	s24 =	simm.s32 @!p0 $0x2  }
0x7b: {  	v1 =	vmov s24  }
0x7c: {  	vm14 =	vgt.u32 v1, v0;
	_ =	sdelay $0x1  }
0x7d: {  	p2 =	por p4, p4  }
0x7e: {  	s31 =	sshra.s32 s21, $0x2;
	p4 =	seq.s32 s19, $0x9C;
	s24 =	spop @!p3 (v2sf)  }
0x7f: {  	s29 =	simm.s32 $0x1;
	s21 =	sadd.s32 s31, s13;
	s28 =	spop (v2sf)  }
0x80: {  	s29 =	simm.s32 @!p4 $0x2;
	s28 =	simm.s32 @p2 $0xFFFFFFFF;
	s30 =	spop (v2sf)  }
0x81: {  	v4 =	vmov s29;
	v1 =	vld.msk [tilespmem:s21+$0x0 ss:$0x1], vm14;
	p3 =	seq.s32 s30, s28  }
0x82: {  	vm1 =	vgt.u32 v4, v0;
	vm0 =	vgt.s32 @!p3 v2, $0x0  }
0x83: {  	v2 =	vnsel @!p3 vm0, $0x0, v2  }
0x84: {  	v2 =	vmin.u32 @!p3 v2, $0x270F  }
0x85: {  	p1 =	por p1, p1;
	s21 =	spop @!p6 (v2sf);
	(v2sf) =	vpush @!p3 v2, $0x0  }
0x86: {  	p1 =	por p1, p1;
	s30 =	sshra.s32 s19, $0x2;
	s28 =	spop (v2sf);
	(v2sf) =	vpush v1, $0x1  }
0x87: {  	s19 =	sadd.s32 s30, s13;
	s28 =	simm.s32 @p1 $0xFFFFFFFF;
	s31 =	spop (v2sf);
	(v2sf) =	vpush v1, $0x0  }
0x88: {  	v2 =	vld.msk [tilespmem:s19+$0x0 ss:$0x1], vm1;
	p1 =	seq.s32 s31, s28  }
0x89: {  	s30 =	sld [smem:$0x7FD];
	vm0 =	vgt.s32 @!p1 v3, $0x0  }
0x8a: {  	v3 =	vnsel @!p1 vm0, $0x0, v3  }
0x8b: {  	p2 =	por p5, p5;
	v3 =	vmin.u32 @!p1 v3, $0x270F  }
0x8c: {  	s19 =	sand.u32 @!p2 $0x1FFC00, s26;
	p5 =	seq.s32 s30, $0x1;
	(v2sf) =	vpush @!p1 v3, $0x0  }
0x8d: {  	s19 =	sadd.s32 @!p2 s19, s25;
	p5 =	por p5, p5;
	(v2sf) =	vpush v2, $0x1  }
0x8e: {  	[tilespmem:s18], [sflag:$0x1] =	stream.strided.gather @!p2 [hbm:s19], $0x400, s17, s17, $0x38;
	(v2sf) =	vpush v2, $0x0;
	[tilespmem:$0x140A0] =	vst v63  }
0x8f: {  	p0 =	por p0, p0;
	s17 =	sshll.u32 @!p5 s24, $0x4  }
0x90: {  	s18 =	sshll.u32 @!p5 s24, $0x7;
	p2 =	por p5, p5;
	s17 =	sand.u32 @!p5 $0x70, s17  }
0x91: {  	p0 =	por p0, p0;
	s18 =	sand.u32 @!p2 $0x1FFC00, s18;
	s17 =	sadd.s32 @!p5 s2, s17  }
0x92: {  	p5 =	por p6, p6;
	s17 =	sadd.s32 @!p2 s18, s17;
	s18 =	sshll.u32 @!p6 s22, $0xC  }
0x93: {  	[tilespmem:s23], [sflag:$0x1] =	stream.strided.gather @!p2 [hbm:s17], $0x400, s20, s20, $0x38;
	[tilespmem:$0x140A0] =	vst v63  }
0x94: {  	s17 =	sadd.s32 @!p6 $0x1, s16;
	p2 =	por p5, p5;
	s20 =	spop @!p3 (v2sf)  }
0x95: {  	s19 =	sshll.u32 @!p2 s21, $0x4;
	s21 =	sshll.u32 @!p2 s21, $0x7;
	s22 =	spop (v2sf)  }
0x96: {  	s19 =	sand.u32 @!p2 $0x70, s19;
	s22 =	simm.s32 @p0 $0xFFFFFFFF;
	s31 =	spop (v2sf)  }
0x97: {  	s19 =	sadd.s32 @!p2 s2, s19;
	p0 =	por p2, p2;
	p2 =	seq.s32 s31, s22  }
0x98: {  	s17 =	smov.u32 @p6 s16;
	s16 =	sshra.s32 @!p6 s18, $0x2;
	s18 =	sand.u32 @!p0 $0x1FFC00, s21;
	vm0 =	vgt.s32 @!p2 v1, $0x0  }
0x99: {  	s16 =	sadd.s32 @!p6 s16, s14;
	s21 =	simm.s32 @!p6 $0x80;
	s18 =	sadd.s32 @!p0 s18, s19;
	v1 =	vnsel @!p2 vm0, $0x0, v1  }
0x9a: {  	[tilespmem:s16], [sflag:$0x1] =	stream.strided.gather @!p0 [hbm:s18], $0x400, s21, s21, $0x38;
	v1 =	vmin.u32 @!p2 v1, $0x270F;
	[tilespmem:$0x140A0] =	vst v63  }
0x9b: {  	p4 =	por p4, p4;
	p5 =	por p3, p3;
	s18 =	spop @!p1 (v2sf);
	(v2sf) =	vpush @!p2 v1, $0x0  }
0x9c: {  	s16 =	sadd.s32 @!p3 $0x1, s17;
	p0 =	por p4, p4;
	s19 =	spop (v2sf)  }
0x9d: {  	s16 =	smov.u32 @p3 s17;
	s19 =	simm.s32 @p0 $0xFFFFFFFF;
	s24 =	spop (v2sf)  }
0x9e: {  	s17 =	sshll.u32 @!p3 s17, $0xC;
	p0 =	por p5, p5;
	p4 =	seq.s32 s24, s19  }
0x9f: {  	p6 =	por p1, p1;
	s17 =	sshra.s32 @!p3 s17, $0x2;
	s21 =	sshll.u32 @!p0 s20, $0x4;
	vm0 =	vgt.s32 @!p4 v2, $0x0  }
0xa0: {  	s20 =	sshll.u32 @!p0 s20, $0x7;
	p5 =	por p0, p0;
	s21 =	sand.u32 @!p0 $0x70, s21;
	v1 =	vnsel @!p4 vm0, $0x0, v2  }
0xa1: {  	s17 =	sadd.s32 @!p3 s17, s14;
	s20 =	sand.u32 @!p5 $0x1FFC00, s20;
	s21 =	sadd.s32 @!p0 s2, s21;
	v1 =	vmin.u32 @!p4 v1, $0x270F  }
0xa2: {  	s19 =	simm.s32 @!p3 $0x80;
	p0 =	por p6, p6;
	s20 =	sadd.s32 @!p5 s20, s21;
	(v2sf) =	vpush @!p4 v1, $0x0  }
0xa3: {  	[tilespmem:s17], [sflag:$0x1] =	stream.strided.gather @!p5 [hbm:s20], $0x400, s19, s19, $0x38;
	[tilespmem:$0x140A0] =	vst v63  }
0xa4: {  	p3 =	por p0, p0;
	s19 =	sshll.u32 @!p0 s18, $0x4  }
0xa5: {  	s17 =	sshll.u32 @!p1 s16, $0xC;
	s18 =	sshll.u32 @!p0 s18, $0x7;
	s19 =	sand.u32 @!p0 $0x70, s19  }
0xa6: {  	s17 =	sshra.s32 @!p1 s17, $0x2;
	s18 =	sand.u32 @!p3 $0x1FFC00, s18;
	s19 =	sadd.s32 @!p0 s2, s19  }
0xa7: {  	s20 =	simm.s32 @!p1 $0x80;
	s17 =	sadd.s32 @!p1 s17, s14;
	s18 =	sadd.s32 @!p3 s18, s19  }
0xa8: {  	[tilespmem:s17], [sflag:$0x1] =	stream.strided.gather @!p3 [hbm:s18], $0x400, s20, s20, $0x38;
	[tilespmem:$0x140A0] =	vst v63  }
0xa9: {  	p5 =	por p2, p2;
	s17 =	sadd.s32 @!p1 $0x1, s16  }
0xaa: {  	p0 =	por p5, p5;
	s17 =	smov.u32 @p1 s16;
	s16 =	spop @!p2 (v2sf)  }
0xab: {  	p1 =	por p0, p0;
	s19 =	sshll.u32 @!p0 s16, $0x4  }
0xac: {  	s18 =	sshll.u32 @!p2 s17, $0xC;
	s16 =	sshll.u32 @!p0 s16, $0x7;
	s19 =	sand.u32 @!p0 $0x70, s19  }
0xad: {  	s18 =	sshra.s32 @!p2 s18, $0x2;
	s16 =	sand.u32 @!p1 $0x1FFC00, s16;
	s19 =	sadd.s32 @!p0 s2, s19  }
0xae: {  	s20 =	simm.s32 @!p2 $0x80;
	s18 =	sadd.s32 @!p2 s18, s14;
	s16 =	sadd.s32 @!p1 s16, s19  }
0xaf: {  	[tilespmem:s18], [sflag:$0x1] =	stream.strided.gather @!p1 [hbm:s16], $0x400, s20, s20, $0x38;
	[tilespmem:$0x140A0] =	vst v63  }
0xb0: {  	p6 =	por p4, p4;
	s16 =	sadd.s32 @!p2 $0x1, s17  }
0xb1: {  	p0 =	por p6, p6;
	s18 =	spop @!p4 (v2sf);
	s16 =	smov.u32 @p2 s17  }
0xb2: {  	s17 =	sshll.u32 @!p0 s18, $0x4;
	s19 =	sadd.s32 @!p4 $0x1, s16  }
0xb3: {  	s20 =	sshll.u32 @!p4 s16, $0xC;
	s18 =	sshll.u32 @!p0 s18, $0x7;
	s17 =	sand.u32 @!p0 $0x70, s17  }
0xb4: {  	s19 =	smov.u32 @p4 s16;
	s17 =	sadd.s32 @!p0 s2, s17;
	p0 =	por p0, p0  }
0xb5: {  	s16 =	sshra.s32 @!p4 s20, $0x2;
	s20 =	simm.s32 @!p4 $0x80;
	s18 =	sand.u32 @!p0 $0x1FFC00, s18  }
0xb6: {  	s16 =	sadd.s32 @!p4 s16, s14;
	s25 =	sshll.u32 s19, $0xA;
	s17 =	sadd.s32 @!p0 s18, s17  }
0xb7: {  	[tilespmem:s16], [sflag:$0x1] =	stream.strided.gather @!p0 [hbm:s17], $0x400, s20, s20, $0x38;
	[tilespmem:$0x140A0] =	vst v63  }
0xb8: {  	s16 =	sand.u32 $0x3FFFFC00, s25  }
0xb9: {  	_ =	swait.ge [sflag:s4], s16  }
0xba: {  	s16 =	ssub.s32 $0x0, s16;
	[sflag:s4] =	ssyncset.done $0x0  }
0xbb: {  	s26 =	sadd.s32 $0x0, s15;
	[sflag:s4] =	ssyncadd.s32 s16  }
0xbc: {  	v1 =	vld.msk [tilespmem:s26+$0x0 ss:$0x1], $0x1;
	_ =	sdelay $0x4  }
0xbd: {  	(v2sf) =	vpush v1, $0x0;
	_ =	sdelay $0xc  }
0xbe: {  	p0 =	por $0x0, $0x0;
	s16 =	simm.s32 $0x1  }
0xbf: {  	s16 =	simm.s32 @!p0 $0x2  }
0xc0: {  	v1 =	vmov s16;
	s28 =	spop (v2sf)  }
0xc1: {  	vm15 =	vgt.u32 v1, v0;
	s29 =	sshll.u32 s28, $0xA;
	s17 =	sshll.u32 s28, $0x7  }
0xc2: {  	s16 =	sand.u32 $0xFFFFE000, s29;
	s17 =	sand.u32 $0x380, s17  }
0xc3: {  	s16 =	sor.u32 s17, s16  }
0xc4: {  	s30 =	sadd.s32 $0x0, s14;
	s31 =	sadd.s32 $0x0, s13;
	s16 =	sshrl.u32 s16, $0x3  }
0xc5: {  	s19 =	simm.s32 $0x8;
	s18 =	simm.s32 $0x4;
	s16 =	sadd.s32 s7, s16  }
0xc6: {  	[hbm:s16] =	stream.strided.scatter [tilespmem:s30], [sflag:$0x3], $0x400, s11, s11, $0x38;
	[tilespmem:$0x140A0] =	vst v63  }
0xc7: {  	p1 =	por p0, p0;
	s17 =	simm.s32 $0x1;
	s16 =	simm.s32 $0x0;
	v1 =	vld.msk [tilespmem:s31+$0x0 ss:$0x1], vm15  }
.LBB2_5:
0xc8: {  	p2 =	sne.s32 s19, $0x9C;
	s20 =	sadd.s32 s17, s15  }
0xc9: {  	v2 =	vld.msk [tilespmem:s20+$0x0 ss:$0x1], $0x1;
	_ =	sdelay $0x3  }
0xca: {  	(v2sf) =	vpush v1, $0x1  }
0xcb: {  	(v2sf) =	vpush v1, $0x0  }
0xcc: {  	(v2sf) =	vpush v2, $0x0;
	_ =	sdelay $0xb  }
0xcd: {  	p0 =	seq.s32 s18, $0x9C;
	s18 =	smov.u32 s19;
	s20 =	simm.s32 $0x1  }
0xce: {  	s20 =	simm.s32 @!p0 $0x2;
	s21 =	spop (v2sf)  }
0xcf: {  	s21 =	simm.s32 @p1 $0xFFFFFFFF;
	s22 =	spop (v2sf);
	p1 =	por p0, p0  }
0xd0: {  	v1 =	vmov s20;
	s20 =	spop (v2sf);
	p0 =	sne.s32 s22, s21;
	s22 =	simm.s32 $0x1  }
0xd1: {  	vm0 =	vgt.u32 v1, v0;
	s21 =	sshll.u32 s20, $0xA;
	s20 =	sshll.u32 s20, $0x7;
	s22 =	simm.s32 @!p0 $0x0  }
0xd2: {  	s21 =	sand.u32 $0xFFFFE000, s21;
	s20 =	sand.u32 $0x380, s20;
	s16 =	sadd.s32 s22, s16  }
.Ltmp4:
0xd3: {  	s20 =	sor.u32 s20, s21;
	s21 =	sshll.u32 s16, $0xC;
	(pc) =	sbr.rel @p2 .LBB2_5-.Ltmp4, $4  }
0xd4: {  	s20 =	sshrl.u32 s20, $0x3;
	s21 =	sshra.s32 s21, $0x2  }
0xd5: {  	s22 =	sadd.s32 s17, s13;
	s21 =	sadd.s32 s21, s14;
	s20 =	sadd.s32 s7, s20  }
0xd6: {  	[hbm:s20] =	stream.strided.scatter [tilespmem:s21], [sflag:$0x3], $0x400, s11, s11, $0x38;
	[tilespmem:$0x140A0] =	vst v63  }
0xd7: {  	s19 =	sadd.s32 $0x4, s19;
	s17 =	sshra.s32 s18, $0x2;
	v1 =	vld.msk [tilespmem:s22+$0x0 ss:$0x1], vm0  }
.Ltmp5:
0xd8: {  	_ = 	snop;
	(pc) =	sbr.rel .LBB2_6-.Ltmp5, $1  }
0xd9: {  	_ =	sdelay $0x3  }
.LBB2_8:
0xda: {  	_ =	sfence.sel $0x180000  }
0xdb: {  	s2 =	simm.s32 $0x2;
	[bflag:$0x0] =	sbarrier.arrive $0xFFFF  }
0xdc: {  	s30 =	simm.s32 $0x3;
	[sflag:s2] =	ssyncpa.u1 $0x1  }
0xdd: {  	s31 =	simm.s32 $0x1;
	[sflag:s30] =	ssyncpa.u1 $0x1  }
0xde: {  	[sflag:s31] =	ssyncpa.u1 $0x1  }
0xdf: {  	p0 =	sne.s32 s1, $0x0;
	_ =	strace $0x9000004A  }
0xe0: {  	s0 =	sadd.s32 @!p0 $0x100000, s0;
	[bflag:$0x2] =	sbarrier.arrive $0xFFFF  }
0xe1: {  	[sflag:s0] =	ssyncadd.tile.s32 @!p0 $0x1;
	_ =	shalt  }
.Lfunc_end2:
_tile_overlayer_lowered:
.L_overlay_start_2:
0xe2: {  	(tag) =	ssettag $0x2  }
0xe3: {  	s0 =	rddreg [dreg:$0x0];
	s2 =	stileid.u32  }
0xe4: {  	s1 =	rddreg [dreg:$0x1];
	p0 =	sne.s32 s2, $0x0  }
0xe5: {  	s3 =	rddreg [dreg:$0x2];
	[bflag:$0x3] =	sbarrier.arrive $0xFFFF;
	s2 =	simm.s32 @!p0 $0x1C01  }
0xe6: {  	[timem:s3], [sflag:s2] =	dma.local @!p0 [hbm:s0], s1  }
0xe7: {  	s0 =	simm.s32 @!p0 $0x1  }
0xe8: {  	_ =	swait.ge @!p0 [sflag:s0], s1  }
0xe9: {  	s1 =	ssub.s32 @!p0 $0x0, s1;
	[sflag:s0] =	ssyncset.done @!p0 $0x0  }
0xea: {  	[sflag:s0] =	ssyncadd.s32 @!p0 s1  }
0xeb: {  	[bflag:$0x3] =	sbarrier.arrive $0xFFFF  }
0xec: {  	_ =	shalt  }

// kernel: kernel.11.cloned.1.call-start
scs
__scs_entry_jumppad:
0x0: {  	(pc) =	sbr.rel $0x88, $3  }
0x1: {  	(tag) =	ssettag $0x0;
	lr =	simm.s32 $0x1  }
0x2: {  	[smem:$0x3F97] =	sst lr;
	_ =	strace $0xD0000000  }
0x3: {  	_ = 	snop  }
0x4: {  	_ = 	snop  }
0x5: {  	_ = 	snop  }
0x6: {  	_ = 	snop  }
0x7: {  	_ = 	snop  }
__scs_overlays_trampoline_lowered:
0x8: {  	[smem:$0x3FA6] =	sst s0  }
0x9: {  	[smem:$0x3FA7] =	sst s1  }
0xa: {  	[smem:$0x3FA8] =	sst s2  }
0xb: {  	[smem:$0x3FA9] =	sst s3  }
0xc: {  	[smem:$0x3FAA] =	sst s4  }
0xd: {  	[smem:$0x3FAB] =	sst s5  }
0xe: {  	[smem:$0x3FAC] =	sst s6  }
0xf: {  	[smem:$0x3FAD] =	sst s7  }
0x10: {  	[smem:$0x3FAE] =	sst s8  }
0x11: {  	[smem:$0x3FAF] =	sst s9;
	s0 =	simm.s32 @!p0 $0x0  }
0x12: {  	s1 =	sld [smem:$0x3F95];
	s0 =	simm.s32 @p0 $0x1  }
0x13: {  	[smem:$0x3FB0] =	sst s0;
	s0 =	simm.s32 @!p1 $0x0  }
0x14: {  	s2 =	sld [smem:$0x3F94];
	s0 =	simm.s32 @p1 $0x1  }
0x15: {  	[smem:$0x3FB1] =	sst s0;
	s0 =	simm.s32 @!p2 $0x0  }
0x16: {  	s3 =	sld [smem:$0x3FDB];
	s0 =	simm.s32 @p2 $0x1  }
0x17: {  	s4 =	simm.s32 $0x1BF5;
	[smem:$0x3FB3] =	sst s0  }
0x18: {  	s0 =	sld [smem:$0x3F96];
	_ =	swait.ge [sflag:s4], $0x0  }
0x19: {  	s7 =	sld [smem:$0x3F97]  }
0x1a: {  	s8 =	sadd.s32 $0xFFFFE003, lr  }
0x1b: {  	s9 =	sadd.s32 $0xFFFFFEF7, lr;
	s5 =	simm.s32 $0xFFFFFFFF;
	p2 =	slt.u32 s8, $0xFFFFF086  }
0x1c: {  	p1 =	slt.u32 s9, $0xF7A;
	s5 =	simm.s32 @!p2 $0x0  }
0x1d: {  	s5 =	simm.s32 @p1 $0x1;
	p0 =	seq.s32 s7, s2  }
0x1e: {  	s7 =	smul.u32 @!p0 $0xF7A, s2;
	p2 =	seq.s32 @!p0 s5, $0x0  }
0x1f: {  	s9 =	smul.u32 $0xF7A, s1;
	s8 =	simm.s32 @!p0 $0x1BF5;
	p2 =	por !p2, p0  }
0x20: {  	[sflag:s8] =	ssyncset.s32 @!p0 $0xFFFFF086;
	s6 =	sadd.s32 @!p0 s3, s7;
	s7 =	simm.s32 @!p0 $0x108  }
0x21: {  	s3 =	sadd.s32 s3, s9;
	s6 =	sadd.s32 @!p0 $0x88, s6;
	s7 =	simm.s32 @p2 $0x1082  }
0x22: {  	[simem:s7], [sflag:s8] =	dma.local @!p0 [hbm:s6], $0xF7A  }
0x23: {  	s9 =	sor.u32 $0xD0000000, s2;
	s6 =	simm.s32 $0x108;
	_ =	swait.ge @!p0 [sflag:s8], $0x0  }
0x24: {  	s3 =	sadd.s32 $0x88, s3;
	s6 =	simm.s32 @!p1 $0x1082;
	[sflag:s4] =	ssyncset.s32 $0xFFFFF086  }
0x25: {  	[simem:s6], [sflag:s4] =	dma.local [hbm:s3], $0xF7A  }
0x26: {  	[smem:$0x3F97] =	sst s1;
	(tag) =	ssettag s2;
	_ =	strace s9  }
0x27: {  	s1 =	sld [smem:$0x3FA7]  }
0x28: {  	s2 =	sld [smem:$0x3FA8]  }
0x29: {  	s4 =	sld [smem:$0x3FAA]  }
0x2a: {  	p0 =	seq.s32 s5, $0x0;
	s5 =	sld [smem:$0x3FAB]  }
0x2b: {  	s6 =	sld [smem:$0x3FAC]  }
0x2c: {  	s7 =	sld [smem:$0x3FAD]  }
0x2d: {  	s3 =	simm.s32 $0x108;
	s8 =	sld [smem:$0x3FAE]  }
0x2e: {  	s3 =	simm.s32 @!p0 $0x1082;
	s9 =	sld [smem:$0x3FAF]  }
0x2f: {  	lr =	sadd.s32 s0, s3;
	s0 =	sld [smem:$0x3FA6]  }
0x30: {  	s3 =	sld [smem:$0x3FA9]  }
0x31: {  	[smem:$0x3FB2] =	sst s10  }
0x32: {  	s10 =	sld [smem:$0x3FB0];
	_ =	sdelay $0x3  }
0x33: {  	p0 =	seq.s32 s10, $0x1;
	s10 =	sld [smem:$0x3FB2];
	_ =	sdelay $0x3  }
0x34: {  	[smem:$0x3FB2] =	sst s10  }
0x35: {  	s10 =	sld [smem:$0x3FB1];
	_ =	sdelay $0x3  }
0x36: {  	p1 =	seq.s32 s10, $0x1;
	s10 =	sld [smem:$0x3FB2];
	_ =	sdelay $0x3  }
0x37: {  	[smem:$0x3FB2] =	sst s10  }
0x38: {  	s10 =	sld [smem:$0x3FB3]  }
0x39: {  	_ = 	snop;
	(pc) =	sbr.ind lr, $3  }
0x3a: {  	_ = 	snop  }
0x3b: {  	_ = 	snop  }
0x3c: {  	p2 =	seq.s32 s10, $0x1;
	s10 =	sld [smem:$0x3FB2]  }
0x3d: {  	_ =	shalt  }
0x3e: {  	_ =	shalt  }
0x3f: {  	_ =	shalt  }
0x40: {  	_ =	shalt  }
0x41: {  	_ =	shalt  }
0x42: {  	_ =	shalt  }
0x43: {  	_ =	shalt  }
0x44: {  	_ =	shalt  }
0x45: {  	_ =	shalt  }
0x46: {  	_ =	shalt  }
0x47: {  	_ =	shalt  }
0x48: {  	_ =	shalt  }
0x49: {  	_ =	shalt  }
0x4a: {  	_ =	shalt  }
0x4b: {  	_ =	shalt  }
0x4c: {  	_ =	shalt  }
0x4d: {  	_ =	shalt  }
0x4e: {  	_ =	shalt  }
0x4f: {  	_ =	shalt  }
0x50: {  	_ =	shalt  }
0x51: {  	_ =	shalt  }
0x52: {  	_ =	shalt  }
0x53: {  	_ =	shalt  }
0x54: {  	_ =	shalt  }
0x55: {  	_ =	shalt  }
0x56: {  	_ =	shalt  }
0x57: {  	_ =	shalt  }
0x58: {  	_ =	shalt  }
0x59: {  	_ =	shalt  }
0x5a: {  	_ =	shalt  }
0x5b: {  	_ =	shalt  }
0x5c: {  	_ =	shalt  }
0x5d: {  	_ =	shalt  }
0x5e: {  	_ =	shalt  }
0x5f: {  	_ =	shalt  }
0x60: {  	_ =	shalt  }
0x61: {  	_ =	shalt  }
0x62: {  	_ =	shalt  }
0x63: {  	_ =	shalt  }
0x64: {  	_ =	shalt  }
0x65: {  	_ =	shalt  }
0x66: {  	_ =	shalt  }
0x67: {  	_ =	shalt  }
0x68: {  	_ =	shalt  }
0x69: {  	_ =	shalt  }
0x6a: {  	_ =	shalt  }
0x6b: {  	_ =	shalt  }
0x6c: {  	_ =	shalt  }
0x6d: {  	_ =	shalt  }
0x6e: {  	_ =	shalt  }
0x6f: {  	_ =	shalt  }
0x70: {  	_ =	shalt  }
0x71: {  	_ =	shalt  }
0x72: {  	_ =	shalt  }
0x73: {  	_ =	shalt  }
0x74: {  	_ =	shalt  }
0x75: {  	_ =	shalt  }
0x76: {  	_ =	shalt  }
0x77: {  	_ =	shalt  }
0x78: {  	_ =	shalt  }
0x79: {  	_ =	shalt  }
0x7a: {  	_ =	shalt  }
0x7b: {  	_ =	shalt  }
0x7c: {  	_ =	shalt  }
0x7d: {  	_ =	shalt  }
0x7e: {  	_ =	shalt  }
0x7f: {  	_ =	shalt  }
0x80: {  	_ =	shalt  }
0x81: {  	_ =	shalt  }
0x82: {  	_ =	shalt  }
0x83: {  	_ =	shalt  }
0x84: {  	_ =	shalt  }
0x85: {  	_ =	shalt  }
0x86: {  	_ =	shalt  }
0x87: {  	_ =	shalt  }
.Lfunc_end0:
.L_simem_size_0:
called_computation.4_lowered:
.L_overlay_start_0:
0x88: {  	s2 =	sld [smem:$0x3FD9]  }
0x89: {  	s3 =	sld [smem:$0x3FFE];
	_ =	sdelay $0x1  }
0x8a: {  	s1 =	srdreg.scid  }
0x8b: {  	s0 =	sand.u32 $0x1, s1  }
0x8c: {  	s17 =	sshll.u32 s0, $0xA;
	s2 =	sadd.s32 s3, s2  }
0x8d: {  	s2 =	sadd.s32 s2, s17  }
0x8e: {  	[smem:$0x3FBE] =	sst s2  }
0x8f: {  	_ = 	snop  }
0x90: {  	s2 =	sld [smem:$0x3FD0];
	(tm) =	ssettm $0x1  }
0x91: {  	s18 =	sld [smem:$0x3FFB];
	_ =	sdelay $0x3  }
0x92: {  	_ =	strace s18  }
0x93: {  	s3 =	sld [smem:$0x3FFC];
	_ =	sdelay $0x3  }
0x94: {  	_ =	strace s3  }
0x95: {  	s3 =	sld [smem:$0x3FFD];
	_ =	sdelay $0x3  }
0x96: {  	_ =	strace s3  }
0x97: {  	_ =	strace $0x8FFFFFFF  }
0x98: {  	s19 =	sld [smem:$0x3FDB];
	_ =	sdelay $0x1  }
0x99: {  	s4 =	simm.s32 $_scs_section_size  }
0x9a: {  	s5 =	simm.s32 $_size__tile_overlayer_lowered;
	s6 =	simm.s32 $_tile_overlayer_lowered  }
0x9b: {  	s22 =	simm.s32 $0x1BFF;
	s21 =	sshll.u32 s6, $0x1;
	s3 =	sadd.s32 s4, s19  }
0x9c: {  	s7 =	simm.s32 $0x0;
	s20 =	sshll.u32 s5, $0x1;
	s5 =	sadd.s32 s21, s3  }
0x9d: {  	[timem:s7], [sflag:s22] =	dma.local [hbm:s5], s20  }
0x9e: {  	_ =	swait.ge [sflag:s22], s20  }
0x9f: {  	s4 =	ssub.s32 $0x0, s20;
	[sflag:s22] =	ssyncset.done $0x0  }
0xa0: {  	[sflag:s22] =	ssyncadd.s32 s4;
	_ =	sdelay $0x1  }
0xa1: {  	s23 =	simm.s32 $0x1B8B  }
0xa2: {  	_ =	swait.ge [sflag:s23], $0x1  }
0xa3: {  	[sflag:s23] =	ssyncset.done $0x0  }
0xa4: {  	s25 =	simm.s32 $0x1B8E;
	s24 =	sld [smem:$0x3FFE];
	[sflag:s23] =	ssyncadd.s32 $0xFFFFFFFF  }
0xa5: {  	s26 =	simm.s32 $execute0_lowered;
	[smem:$0x3FD2] =	sst s25  }
0xa6: {  	s5 =	sshll.u32 s26, $0x1;
	_ =	strace $0x80000052;
	[dreg:$0x1] =	wrdreg $0xFFFFFFFF  }
0xa7: {  	s28 =	simm.s32 $_size_execute0_lowered;
	s3 =	sadd.s32 s3, s5;
	[dreg:$0x0] =	wrdreg $0x0  }
0xa8: {  	s5 =	sshll.u32 s28, $0x1;
	[dreg:$0x2] =	wrdreg s3  }
0xa9: {  	[dreg:$0x3] =	wrdreg s5  }
0xaa: {  	[dreg:$0x4] =	wrdreg $0xC0  }
0xab: {  	_ =	task [dreg:s7], $0x5FFFF  }
0xac: {  	[dreg:$0x1] =	wrdreg $0xFFFFFFFF  }
0xad: {  	[dreg:$0x0] =	wrdreg $0x60  }
0xae: {  	[dreg:$0x2] =	wrdreg s24  }
0xaf: {  	[dreg:$0x3] =	wrdreg s2  }
0xb0: {  	[dreg:$0x4] =	wrdreg $0x9  }
0xb1: {  	_ =	task.clear_ibuf [dreg:s7], $0x5FFFF;
	_ =	strace $0x90000052  }
0xb2: {  	s29 =	simm.s32 $0x9;
	_ =	strace $0x80000054  }
0xb3: {  	_ =	swait.ge [sflag:s29], $0x1  }
0xb4: {  	[sflag:s29] =	ssyncadd.s32 $0xFFFFFFFF  }
0xb5: {  	_ =	strace $0x90000054  }
0xb6: {  	_ =	sfence  }
0xb7: {  	s30 =	sld [smem:$0x0];
	_ =	sdelay $0x2  }
0xb8: {  	s31 =	sshll.u32 s1, $0xD;
	s1 =	sshrl.u32 s1, $0x2  }
0xb9: {  	s3 =	sand.u32 $0x4000, s31;
	s1 =	sadd.s32 s1, s30  }
0xba: {  	s0 =	sor.u32 s3, s0;
	s1 =	sshll.u32 s1, $0x11  }
0xbb: {  	s0 =	sor.u32 s1, s0  }
0xbc: {  	s0 =	sadd.s32 $0x8F2B, s0  }
0xbd: {  	[sflag:s0] =	ssyncadd.remote.s32 $0x1  }
0xbe: {  	_ =	sfence.sel $0xFFFF  }
0xbf: {  	[dreg:$0x0] =	wrdreg $0xFFFFFFFF;
	(pc) =	sbr.abs _section_cstart, $3  }
0xc0: {  	[dreg:$0x1] =	wrdreg $0xFFFFFFFF  }
0xc1: {  	_ =	task.clear_ibuf [dreg:s7], $0x2FFFF;
	_ =	strace $0x9FFFFFFF  }
0xc2: {  	(tm) =	ssettm $0x7FFFFFFF  }
0xc3: {  	_ =	shalt  }
tec
execute0_lowered:
.L_overlay_start_1:
0x0: {  	(tag) =	ssettag $0x1  }
0x1: {  	s0 =	srdreg.scid;
	s1 =	rddreg [dreg:$0x0]  }
0x2: {  	s2 =	stileid.u32;
	s5 =	rddreg [dreg:$0x1];
	s10 =	simm.s32 $0x3  }
0x3: {  	s13 =	simm.s32 $0x2A00;
	s14 =	simm.s32 $0x3200;
	s15 =	simm.s32 $0x3A00  }
0x4: {  	s16 =	simm.s32 $0x4200;
	s17 =	simm.s32 $0x4A00;
	s18 =	simm.s32 $0x5200  }
0x5: {  	s19 =	simm.s32 $0x5A00;
	s20 =	simm.s32 $0x6200;
	s21 =	simm.s32 $0x6A00  }
0x6: {  	s22 =	simm.s32 $0x7200;
	s23 =	simm.s32 $0x1;
	s24 =	simm.s32 $0x2  }
0x7: {  	s25 =	simm.s32 $0x7A00;
	s0 =	sand.u32 $0x1, s0;
	s2 =	sshll.u32 s2, $0x1  }
0x8: {  	s3 =	sor.u32 s0, s2;
	s2 =	simm.s32 $0x0;
	s0 =	ssub.s32 $0x2, s0  }
0x9: {  	s3 =	smul.u32 $0x1388, s3;
	[smem:$0x7FF] =	sst s2;
	s29 =	sshrl.u32 s0, $0x1  }
0xa: {  	s6 =	sadd.s32 $0x197A00, s1;
	_ =	strace $0x80000053;
	s0 =	ssub.s32 s0, s29  }
0xb: {  	[dreg:$0x3] =	wrdreg s6;
	s7 =	sshrl.u32 s3, $0x3;
	s0 =	smax.u32 s0, $0x1  }
0xc: {  	v2 =	vlaneseq.u32;
	s8 =	sadd.s32 s7, s1;
	s31 =	sadd.s32 s5, s7;
	[dreg:$0x6] =	wrdreg s0  }
0xd: {  	vm0 =	vmmov $0xffff;
	s26 =	simm.s32 $0x0;
	v1 =	vshrl.u32 v2, $0x3;
	s30 =	sadd.s32 $0x1800, s8;
	[dreg:$0x5] =	wrdreg s31  }
0xe: {  	s4 =	sadd.s32 $0x6800, s1;
	v0 =	vand.u32 $0x7, v2;
	v2 =	vor.u32 $0x8, v2;
	v1 =	vmul.u32 $0x8, v1;
	s6 =	sadd.s32 $0x54A00, s1;
	[dreg:$0x4] =	wrdreg s30  }
.LBB2_1:
0xf: {  	s0 =	rddreg [dreg:$0x4]  }
0x10: {  	[tilespmem:s2], [sflag:$0x3] =	stream.linear.gather [hbm4b:s0+s2], $0x1388, $0x38;
	[tilespmem:$0x7F00] =	vst v63  }
0x11: {  	_ =	swait.ge [sflag:s10], $0x1388  }
0x12: {  	[sflag:s10] =	ssyncset.done $0x0  }
0x13: {  	s1 =	simm.s32 $0x1400;
	s29 =	rddreg [dreg:$0x5];
	[sflag:s10] =	ssyncadd.s32 $0xFFFFEC78  }
0x14: {  	[tilespmem:s1], [sflag:$0x3] =	stream.linear.gather [hbm4b:s29+s2], $0x1388, $0x38;
	[tilespmem:$0x7F00] =	vst v63  }
0x15: {  	_ =	swait.ge [sflag:s10], $0x1388  }
0x16: {  	[sflag:s10] =	ssyncset.done $0x0  }
0x17: {  	s31 =	simm.s32 $0x2800;
	s30 =	rddreg [dreg:$0x3];
	[sflag:s10] =	ssyncadd.s32 $0xFFFFEC78  }
0x18: {  	[tilespmem:s31], [sflag:$0x3] =	stream.linear.gather [hbm4b:s30+s2], $0x200, $0x38;
	[tilespmem:$0x7F00] =	vst v63  }
0x19: {  	_ =	swait.ge [sflag:s10], $0x200  }
0x1a: {  	[sflag:s10] =	ssyncset.done $0x0  }
0x1b: {  	[sflag:s10] =	ssyncadd.s32 $0xFFFFFE00  }
0x1c: {  	v3 =	vld [tilespmem:$0x2800]  }
0x1d: {  	v4 =	vld [tilespmem:$0x2810]  }
0x1e: {  	v5 =	vld [tilespmem:$0x2820]  }
0x1f: {  	v6 =	vld [tilespmem:$0x2830]  }
0x20: {  	v7 =	vld [tilespmem:$0x2840]  }
0x21: {  	v8 =	vld [tilespmem:$0x2850]  }
0x22: {  	v9 =	vld [tilespmem:$0x2860]  }
0x23: {  	v10 =	vld [tilespmem:$0x2870]  }
0x24: {  	v11 =	vld [tilespmem:$0x2880]  }
0x25: {  	v12 =	vld [tilespmem:$0x2890]  }
0x26: {  	v13 =	vld [tilespmem:$0x28A0]  }
0x27: {  	v14 =	vld [tilespmem:$0x28B0]  }
0x28: {  	v15 =	vld [tilespmem:$0x28C0]  }
0x29: {  	v16 =	vld [tilespmem:$0x28D0]  }
0x2a: {  	v17 =	vld [tilespmem:$0x28E0]  }
0x2b: {  	v18 =	vld [tilespmem:$0x28F0]  }
0x2c: {  	v19 =	vld [tilespmem:$0x2900]  }
0x2d: {  	v20 =	vld [tilespmem:$0x2910]  }
0x2e: {  	v21 =	vld [tilespmem:$0x2920]  }
0x2f: {  	v22 =	vld [tilespmem:$0x2930]  }
0x30: {  	v23 =	vld [tilespmem:$0x2940]  }
0x31: {  	v24 =	vld [tilespmem:$0x2950]  }
0x32: {  	v25 =	vld [tilespmem:$0x2960]  }
0x33: {  	v26 =	vld [tilespmem:$0x2970]  }
0x34: {  	v27 =	vld [tilespmem:$0x2980]  }
0x35: {  	v28 =	vld [tilespmem:$0x2990]  }
0x36: {  	v29 =	vld [tilespmem:$0x29A0]  }
0x37: {  	v30 =	vld [tilespmem:$0x29B0]  }
0x38: {  	v31 =	vld [tilespmem:$0x29C0]  }
0x39: {  	v32 =	vld [tilespmem:$0x29D0]  }
0x3a: {  	v33 =	vld [tilespmem:$0x29E0]  }
0x3b: {  	s28 =	simm.s32 $0x0;
	v34 =	vld [tilespmem:$0x29F0]  }
.LBB2_2:
0x3c: {  	s29 =	smul.u32 $0x28, s28;
	_ =	sdelay $0x1  }
0x3d: {  	v35 =	vld [tilespmem:s29+$0x0];
	_ =	sdelay $0x4  }
0x3e: {  	v36 =	vshll.u32 v35, $0x1  }
0x3f: {  	v35 =	vand.u32 $0x7, v35;
	v36 =	vand.u32 $0xFFFFFFF0, v36  }
0x40: {  	v35 =	vor.u32 v35, v36  }
0x41: {  	v36 =	vperm.xlane v35, v0;
	_ =	sdelay $0x1  }
0x42: {  	v35 =	vperm.xlane v35, v2;
	v36 =	vadd.s32 v1, v36;
	_ =	sdelay $0x1  }
0x43: {  	v35 =	vadd.s32 v1, v35;
	_ =	sdelay $0x1  }
0x44: {  	s11 =	simm.s32 $0x0  }
0x45: {  	[tilespmem:s13], [sflag:$0x1] =	stream.indirect_vreg.gather [hbm4b:s4+s11], $0x80, v36, vm0, $0xb8;
	[tilespmem:$0x7F00] =	vst v63  }
0x46: {  	_ = 	snop  }
0x47: {  	[tilespmem:s14], [sflag:$0x1] =	stream.indirect_vreg.gather [hbm4b:s4+s11], $0x80, v35, vm0, $0xb8;
	[tilespmem:$0x7F00] =	vst v63  }
0x48: {  	v35 =	vld [tilespmem:s29+$0x10];
	_ =	sdelay $0x4  }
0x49: {  	v59 =	vshll.u32 v35, $0x1  }
0x4a: {  	v35 =	vand.u32 $0x7, v35;
	v36 =	vand.u32 $0xFFFFFFF0, v59  }
0x4b: {  	v35 =	vor.u32 v35, v36  }
0x4c: {  	v36 =	vperm.xlane v35, v0;
	_ =	sdelay $0x1  }
0x4d: {  	v35 =	vperm.xlane v35, v2;
	v36 =	vadd.s32 v1, v36;
	_ =	sdelay $0x1  }
0x4e: {  	v35 =	vadd.s32 v1, v35;
	_ =	sdelay $0x2  }
0x4f: {  	[tilespmem:s15], [sflag:$0x1] =	stream.indirect_vreg.gather [hbm4b:s4+s11], $0x80, v36, vm0, $0xb8;
	[tilespmem:$0x7F00] =	vst v63  }
0x50: {  	_ = 	snop  }
0x51: {  	[tilespmem:s16], [sflag:$0x1] =	stream.indirect_vreg.gather [hbm4b:s4+s11], $0x80, v35, vm0, $0xb8;
	[tilespmem:$0x7F00] =	vst v63  }
0x52: {  	v35 =	vld.msk [tilespmem:s29+$0x20], $0xff;
	_ =	sdelay $0x4  }
0x53: {  	v60 =	vshll.u32 v35, $0x1  }
0x54: {  	v35 =	vand.u32 $0x7, v35;
	v36 =	vand.u32 $0xFFFFFFF0, v60  }
0x55: {  	v35 =	vor.u32 v35, v36  }
0x56: {  	v35 =	vperm.xlane v35, v0;
	_ =	sdelay $0x1  }
0x57: {  	v35 =	vadd.s32 v1, v35;
	_ =	sdelay $0x4  }
0x58: {  	[tilespmem:s17], [sflag:$0x1] =	stream.indirect_vreg.gather [hbm4b:s4+s11], $0x80, v35, vm0, $0xb8;
	[tilespmem:$0x7F00] =	vst v63  }
0x59: {  	v35 =	vld [tilespmem:s29+$0x1400];
	_ =	sdelay $0x4  }
0x5a: {  	v61 =	vshll.u32 v35, $0x1  }
0x5b: {  	v35 =	vand.u32 $0x7, v35;
	v36 =	vand.u32 $0xFFFFFFF0, v61  }
0x5c: {  	v35 =	vor.u32 v35, v36  }
0x5d: {  	v36 =	vperm.xlane v35, v0;
	_ =	sdelay $0x1  }
0x5e: {  	v35 =	vperm.xlane v35, v2;
	v36 =	vadd.s32 v1, v36;
	_ =	sdelay $0x1  }
0x5f: {  	v35 =	vadd.s32 v1, v35;
	_ =	sdelay $0x2  }
0x60: {  	[tilespmem:s18], [sflag:$0x2] =	stream.indirect_vreg.gather [hbm4b:s4+s11], $0x80, v36, vm0, $0xb8;
	[tilespmem:$0x7F00] =	vst v63  }
0x61: {  	_ = 	snop  }
0x62: {  	[tilespmem:s19], [sflag:$0x2] =	stream.indirect_vreg.gather [hbm4b:s4+s11], $0x80, v35, vm0, $0xb8;
	[tilespmem:$0x7F00] =	vst v63  }
0x63: {  	v35 =	vld [tilespmem:s29+$0x1410];
	_ =	sdelay $0x4  }
0x64: {  	v62 =	vshll.u32 v35, $0x1  }
0x65: {  	v35 =	vand.u32 $0x7, v35;
	v36 =	vand.u32 $0xFFFFFFF0, v62  }
0x66: {  	v35 =	vor.u32 v35, v36  }
0x67: {  	v36 =	vperm.xlane v35, v0;
	_ =	sdelay $0x1  }
0x68: {  	v35 =	vperm.xlane v35, v2;
	v36 =	vadd.s32 v1, v36;
	_ =	sdelay $0x1  }
0x69: {  	v35 =	vadd.s32 v1, v35;
	_ =	sdelay $0x2  }
0x6a: {  	[tilespmem:s20], [sflag:$0x2] =	stream.indirect_vreg.gather [hbm4b:s4+s11], $0x80, v36, vm0, $0xb8;
	[tilespmem:$0x7F00] =	vst v63  }
0x6b: {  	_ = 	snop  }
0x6c: {  	[tilespmem:s21], [sflag:$0x2] =	stream.indirect_vreg.gather [hbm4b:s4+s11], $0x80, v35, vm0, $0xb8;
	[tilespmem:$0x7F00] =	vst v63  }
0x6d: {  	v35 =	vld.msk [tilespmem:s29+$0x1420], $0xff;
	_ =	sdelay $0x4  }
0x6e: {  	v63 =	vshll.u32 v35, $0x1  }
0x6f: {  	v35 =	vand.u32 $0x7, v35;
	v36 =	vand.u32 $0xFFFFFFF0, v63  }
0x70: {  	v35 =	vor.u32 v35, v36  }
0x71: {  	v35 =	vperm.xlane v35, v0;
	_ =	sdelay $0x1  }
0x72: {  	v35 =	vadd.s32 v1, v35;
	_ =	sdelay $0x4  }
0x73: {  	[tilespmem:s22], [sflag:$0x2] =	stream.indirect_vreg.gather [hbm4b:s4+s11], $0x80, v35, vm0, $0xb8;
	[tilespmem:$0x7F00] =	vst v63  }
0x74: {  	_ =	swait.ge [sflag:s23], $0x2800  }
0x75: {  	[sflag:s23] =	ssyncset.done $0x0  }
0x76: {  	[sflag:s23] =	ssyncadd.s32 $0xFFFFD800  }
0x77: {  	_ =	swait.ge [sflag:s24], $0x2800  }
0x78: {  	s0 =	sand.u32 $0x3800, s11;
	s1 =	sand.u32 $0x380, s11;
	[sflag:s24] =	ssyncset.done $0x0  }
0x79: {  	s12 =	sor.u32 s1, s0;
	[sflag:s24] =	ssyncadd.s32 $0xFFFFD800  }
0x7a: {  	v37 =	vld [tilespmem:s12+$0x5210]  }
0x7b: {  	v38 =	vld [tilespmem:s12+$0x2A00]  }
0x7c: {  	v41 =	vld [tilespmem:s12+$0x5200]  }
0x7d: {  	v40 =	vld [tilespmem:s12+$0x2A10]  }
0x7e: {  	s8 =	simm.s32 $0x100;
	s7 =	simm.s32 $0x200;
	s5 =	simm.s32 $0x100;
	v35 =	vld [tilespmem:s12+$0x2A30]  }
0x7f: {  	s9 =	sand.u32 $0x3800, s7;
	s30 =	sand.u32 $0x380, s5;
	s1 =	simm.s32 $0x80;
	v36 =	vld [tilespmem:s12+$0x5220]  }
0x80: {  	s7 =	simm.s32 $0x300;
	s0 =	sand.u32 $0x3800, s8;
	s8 =	sand.u32 $0x380, s1;
	v39 =	vld [tilespmem:s12+$0x2A20]  }
0x81: {  	s31 =	sor.u32 s30, s9;
	s30 =	simm.s32 $0x100;
	s0 =	sor.u32 s8, s0;
	v41 =	vmul.f32 v41, v38;
	v38 =	vld [tilespmem:s12+$0x5230]  }
.LBB2_3:
0x82: {  	p0 =	sne.s32 s7, $0x2700  }
0x83: {  	s5 =	sadd.s32 $0x80, s5;
	v37 =	vmul.f32 v37, v40;
	s8 =	smov.u32 s7;
	s7 =	sadd.s32 $0x100, s7  }
0x84: {  	v40 =	vmul.f32 v41, v3;
	v41 =	vmul.f32 v41, v19;
	v42 =	vld [tilespmem:s12+$0x5240]  }
0x85: {  	s8 =	sand.u32 $0x3800, s8;
	s9 =	sand.u32 $0x380, s5;
	v43 =	vmul.f32 v37, v4;
	v37 =	vmul.f32 v37, v20;
	v44 =	vld [tilespmem:s12+$0x2A40]  }
0x86: {  	s8 =	sor.u32 s9, s8;
	v40 =	vadd.f32 $0.0e+00, v40;
	v41 =	vadd.f32 $0.0e+00, v41;
	v36 =	vmul.f32 v36, v39;
	v39 =	vld [tilespmem:s12+$0x5250]  }
0x87: {  	v35 =	vmul.f32 v38, v35;
	v38 =	vld [tilespmem:s12+$0x2A50]  }
0x88: {  	v40 =	vadd.f32 v43, v40;
	v37 =	vadd.f32 v37, v41;
	v41 =	vmul.f32 v36, v5;
	v43 =	vld [tilespmem:s12+$0x5260]  }
0x89: {  	v36 =	vmul.f32 v36, v21;
	v45 =	vld [tilespmem:s12+$0x2A60]  }
0x8a: {  	v40 =	vadd.f32 v41, v40;
	v41 =	vmul.f32 v35, v6;
	v42 =	vmul.f32 v42, v44;
	v44 =	vld [tilespmem:s12+$0x5270]  }
0x8b: {  	v36 =	vadd.f32 v36, v37;
	v35 =	vmul.f32 v35, v22;
	v37 =	vld [tilespmem:s12+$0x2A70]  }
0x8c: {  	v40 =	vadd.f32 v41, v40;
	v41 =	vmul.f32 v42, v7;
	v38 =	vmul.f32 v39, v38;
	v39 =	vld [tilespmem:s12+$0x5600]  }
0x8d: {  	v35 =	vadd.f32 v35, v36;
	v36 =	vmul.f32 v42, v23;
	v42 =	vld [tilespmem:s12+$0x2E00]  }
0x8e: {  	v40 =	vadd.f32 v41, v40;
	v41 =	vmul.f32 v38, v8;
	v43 =	vmul.f32 v43, v45;
	v45 =	vld [tilespmem:s12+$0x5610]  }
0x8f: {  	v35 =	vadd.f32 v36, v35;
	v36 =	vmul.f32 v38, v24;
	v38 =	vld [tilespmem:s12+$0x2E10]  }
0x90: {  	v40 =	vadd.f32 v41, v40;
	v41 =	vmul.f32 v43, v9;
	v37 =	vmul.f32 v44, v37;
	v44 =	vld [tilespmem:s12+$0x5620]  }
0x91: {  	v35 =	vadd.f32 v36, v35;
	v36 =	vmul.f32 v43, v25;
	v43 =	vld [tilespmem:s12+$0x2E20]  }
0x92: {  	v40 =	vadd.f32 v41, v40;
	v41 =	vmul.f32 v37, v10;
	v39 =	vmul.f32 v39, v42;
	v42 =	vld [tilespmem:s12+$0x5630]  }
0x93: {  	v35 =	vadd.f32 v36, v35;
	v36 =	vmul.f32 v37, v26;
	v37 =	vld [tilespmem:s12+$0x2E30]  }
0x94: {  	v40 =	vadd.f32 v41, v40;
	v41 =	vmul.f32 v39, v11;
	v38 =	vmul.f32 v45, v38;
	v45 =	vld [tilespmem:s12+$0x5640]  }
0x95: {  	v35 =	vadd.f32 v36, v35;
	v36 =	vmul.f32 v39, v27;
	v39 =	vld [tilespmem:s12+$0x2E40]  }
0x96: {  	v40 =	vadd.f32 v41, v40;
	v41 =	vmul.f32 v38, v12;
	v43 =	vmul.f32 v44, v43;
	v44 =	vld [tilespmem:s12+$0x5650]  }
0x97: {  	v35 =	vadd.f32 v36, v35;
	v36 =	vmul.f32 v38, v28;
	v38 =	vld [tilespmem:s12+$0x2E50]  }
0x98: {  	v40 =	vadd.f32 v41, v40;
	v41 =	vmul.f32 v43, v13;
	v37 =	vmul.f32 v42, v37;
	v42 =	vld [tilespmem:s12+$0x5660]  }
0x99: {  	v35 =	vadd.f32 v36, v35;
	v36 =	vmul.f32 v43, v29;
	v43 =	vld [tilespmem:s12+$0x2E60]  }
0x9a: {  	v40 =	vadd.f32 v41, v40;
	v41 =	vmul.f32 v37, v14;
	v39 =	vmul.f32 v45, v39;
	v45 =	vld [tilespmem:s12+$0x5670]  }
0x9b: {  	v35 =	vadd.f32 v36, v35;
	v36 =	vmul.f32 v37, v30;
	v37 =	vld [tilespmem:s12+$0x2E70];
	s12 =	smov.u32 s0;
	s0 =	smov.u32 s31;
	s31 =	smov.u32 s8  }
0x9c: {  	v40 =	vadd.f32 v41, v40;
	v41 =	vmul.f32 v39, v15;
	v38 =	vmul.f32 v44, v38  }
0x9d: {  	v35 =	vadd.f32 v36, v35;
	v36 =	vmul.f32 v39, v31  }
0x9e: {  	v39 =	vadd.f32 v41, v40;
	v40 =	vmul.f32 v38, v16;
	v41 =	vmul.f32 v42, v43  }
0x9f: {  	v35 =	vadd.f32 v36, v35;
	v36 =	vmul.f32 v38, v32  }
0xa0: {  	v38 =	vadd.f32 v40, v39;
	v39 =	vmul.f32 v41, v17;
	v37 =	vmul.f32 v45, v37  }
0xa1: {  	v35 =	vadd.f32 v36, v35;
	v36 =	vmul.f32 v41, v33  }
0xa2: {  	v38 =	vadd.f32 v39, v38;
	v39 =	vmul.f32 v37, v18  }
0xa3: {  	v35 =	vadd.f32 v36, v35;
	v36 =	vmul.f32 v37, v34  }
0xa4: {  	v37 =	vadd.f32 v39, v38  }
0xa5: {  	s8 =	sshra.s32 s11, $0x2;
	s11 =	smov.u32 s1;
	s1 =	smov.u32 s30;
	v35 =	vadd.f32 v36, v35  }
0xa6: {  	s30 =	smov.u32 s5;
	[tilespmem:s8+$0x7A00] =	vst v37  }
0xa7: {  	[tilespmem:s8+$0x7A10] =	vst v35  }
0xa8: {  	v37 =	vld [tilespmem:s12+$0x5210]  }
0xa9: {  	v38 =	vld [tilespmem:s12+$0x2A00]  }
0xaa: {  	v41 =	vld [tilespmem:s12+$0x5200]  }
.Ltmp0:
0xab: {  	v40 =	vld [tilespmem:s12+$0x2A10];
	(pc) =	sbr.rel @p0 .LBB2_3-.Ltmp0, $4  }
0xac: {  	v35 =	vld [tilespmem:s12+$0x2A30]  }
0xad: {  	v36 =	vld [tilespmem:s12+$0x5220]  }
0xae: {  	v39 =	vld [tilespmem:s12+$0x2A20]  }
0xaf: {  	v41 =	vmul.f32 v41, v38;
	v38 =	vld [tilespmem:s12+$0x5230]  }
0xb0: {  	_ = 	snop  }
0xb1: {  	v37 =	vmul.f32 v37, v40;
	v42 =	vld [tilespmem:s12+$0x5240];
	v57 =	vmul.f32 v41, v3  }
0xb2: {  	v43 =	vld [tilespmem:s12+$0x2A40];
	v58 =	vmul.f32 v41, v19  }
0xb3: {  	v59 =	vld [tilespmem:s12+$0x5250];
	v44 =	vmul.f32 v37, v4;
	v40 =	vadd.f32 $0.0e+00, v57;
	v36 =	vmul.f32 v36, v39  }
0xb4: {  	v45 =	vld [tilespmem:s12+$0x2A50];
	v37 =	vmul.f32 v37, v20;
	v41 =	vadd.f32 $0.0e+00, v58  }
0xb5: {  	v62 =	vld [tilespmem:s12+$0x5260];
	v35 =	vmul.f32 v38, v35;
	v60 =	vadd.f32 v44, v40;
	v61 =	vmul.f32 v36, v5  }
0xb6: {  	v63 =	vld [tilespmem:s12+$0x2A60];
	v37 =	vadd.f32 v37, v41;
	v36 =	vmul.f32 v36, v21  }
0xb7: {  	v48 =	vld [tilespmem:s12+$0x5270];
	v42 =	vmul.f32 v42, v43;
	v47 =	vmul.f32 v35, v6;
	v38 =	vadd.f32 v61, v60  }
0xb8: {  	v49 =	vld [tilespmem:s12+$0x2A70];
	v35 =	vmul.f32 v35, v22;
	v36 =	vadd.f32 v36, v37  }
0xb9: {  	v51 =	vld [tilespmem:s12+$0x5600];
	v39 =	vmul.f32 v59, v45;
	v50 =	vmul.f32 v42, v7;
	v38 =	vadd.f32 v47, v38  }
0xba: {  	v53 =	vld [tilespmem:s12+$0x2E00];
	v52 =	vmul.f32 v42, v23;
	v35 =	vadd.f32 v35, v36  }
0xbb: {  	v55 =	vld [tilespmem:s12+$0x5610];
	v41 =	vmul.f32 v62, v63;
	v54 =	vmul.f32 v39, v8;
	v38 =	vadd.f32 v50, v38  }
0xbc: {  	v57 =	vld [tilespmem:s12+$0x2E10];
	v56 =	vmul.f32 v39, v24;
	v35 =	vadd.f32 v52, v35  }
0xbd: {  	v59 =	vld [tilespmem:s12+$0x5620];
	v58 =	vmul.f32 v41, v9;
	v37 =	vmul.f32 v48, v49;
	v38 =	vadd.f32 v54, v38  }
0xbe: {  	v60 =	vmul.f32 v41, v25;
	v61 =	vld [tilespmem:s12+$0x2E20];
	v35 =	vadd.f32 v56, v35  }
0xbf: {  	v63 =	vld [tilespmem:s12+$0x5630];
	v42 =	vmul.f32 v51, v53;
	v62 =	vmul.f32 v37, v10;
	v38 =	vadd.f32 v58, v38  }
0xc0: {  	v49 =	vld [tilespmem:s12+$0x2E30];
	v48 =	vmul.f32 v37, v26;
	v35 =	vadd.f32 v60, v35  }
0xc1: {  	v51 =	vld [tilespmem:s12+$0x5640];
	v39 =	vmul.f32 v55, v57;
	v50 =	vmul.f32 v42, v11;
	v38 =	vadd.f32 v62, v38  }
0xc2: {  	v53 =	vld [tilespmem:s12+$0x2E40];
	v52 =	vmul.f32 v42, v27;
	v35 =	vadd.f32 v48, v35  }
0xc3: {  	v55 =	vld [tilespmem:s12+$0x5650];
	v41 =	vmul.f32 v59, v61;
	v54 =	vmul.f32 v39, v12;
	v38 =	vadd.f32 v50, v38  }
0xc4: {  	v57 =	vld [tilespmem:s12+$0x2E50];
	v56 =	vmul.f32 v39, v28;
	v35 =	vadd.f32 v52, v35  }
0xc5: {  	v37 =	vmul.f32 v63, v49;
	v59 =	vld [tilespmem:s12+$0x5660];
	v58 =	vmul.f32 v41, v13;
	v38 =	vadd.f32 v54, v38  }
0xc6: {  	v61 =	vld [tilespmem:s12+$0x2E60];
	v60 =	vmul.f32 v41, v29;
	v35 =	vadd.f32 v56, v35  }
0xc7: {  	v42 =	vmul.f32 v51, v53;
	v63 =	vld [tilespmem:s12+$0x5670];
	v62 =	vmul.f32 v37, v14;
	v38 =	vadd.f32 v58, v38  }
0xc8: {  	v49 =	vld [tilespmem:s12+$0x2E70];
	v48 =	vmul.f32 v37, v30;
	v35 =	vadd.f32 v60, v35  }
0xc9: {  	v39 =	vmul.f32 v55, v57;
	v50 =	vmul.f32 v42, v15;
	v38 =	vadd.f32 v62, v38  }
0xca: {  	v51 =	vmul.f32 v42, v31;
	v35 =	vadd.f32 v48, v35  }
0xcb: {  	v41 =	vmul.f32 v59, v61;
	v52 =	vmul.f32 v39, v16;
	v38 =	vadd.f32 v50, v38  }
0xcc: {  	v53 =	vmul.f32 v39, v32;
	v35 =	vadd.f32 v51, v35  }
0xcd: {  	v37 =	vmul.f32 v63, v49;
	v54 =	vmul.f32 v41, v17;
	v38 =	vadd.f32 v52, v38  }
0xce: {  	v55 =	vmul.f32 v41, v33;
	v35 =	vadd.f32 v53, v35  }
0xcf: {  	v56 =	vmul.f32 v37, v18;
	v38 =	vadd.f32 v54, v38  }
0xd0: {  	v57 =	vmul.f32 v37, v34;
	v35 =	vadd.f32 v55, v35  }
0xd1: {  	v58 =	vadd.f32 v56, v38  }
0xd2: {  	s5 =	sshra.s32 s11, $0x2;
	v35 =	vadd.f32 v57, v35  }
0xd3: {  	[tilespmem:s5+$0x7A00] =	vst v58  }
0xd4: {  	[tilespmem:s5+$0x7A10] =	vst v35  }
0xd5: {  	v35 =	vld [tilespmem:s0+$0x2A00]  }
0xd6: {  	v59 =	vld [tilespmem:s0+$0x5200]  }
0xd7: {  	v37 =	vld [tilespmem:s0+$0x5210]  }
0xd8: {  	v60 =	vld [tilespmem:s0+$0x2A10]  }
0xd9: {  	v61 =	vld [tilespmem:s0+$0x5220]  }
0xda: {  	v62 =	vld [tilespmem:s0+$0x2A20]  }
0xdb: {  	v63 =	vld [tilespmem:s0+$0x2A30];
	v35 =	vmul.f32 v59, v35  }
0xdc: {  	v48 =	vld [tilespmem:s0+$0x5230]  }
0xdd: {  	v50 =	vld [tilespmem:s0+$0x5240];
	v37 =	vmul.f32 v37, v60;
	v49 =	vmul.f32 v35, v3  }
0xde: {  	v51 =	vld [tilespmem:s0+$0x2A40];
	v35 =	vmul.f32 v35, v19  }
0xdf: {  	v53 =	vld [tilespmem:s0+$0x5250];
	v39 =	vmul.f32 v61, v62;
	v52 =	vmul.f32 v37, v4;
	v38 =	vadd.f32 $0.0e+00, v49  }
0xe0: {  	v54 =	vld [tilespmem:s0+$0x2A50];
	v37 =	vmul.f32 v37, v20;
	v35 =	vadd.f32 $0.0e+00, v35  }
0xe1: {  	v56 =	vld [tilespmem:s0+$0x5260];
	v36 =	vmul.f32 v48, v63;
	v55 =	vmul.f32 v39, v5;
	v38 =	vadd.f32 v52, v38  }
0xe2: {  	v58 =	vld [tilespmem:s0+$0x2A60];
	v57 =	vmul.f32 v39, v21;
	v35 =	vadd.f32 v37, v35  }
0xe3: {  	v42 =	vmul.f32 v50, v51;
	v60 =	vld [tilespmem:s0+$0x5270];
	v59 =	vmul.f32 v36, v6;
	v38 =	vadd.f32 v55, v38  }
0xe4: {  	v61 =	vld [tilespmem:s0+$0x2A70];
	v36 =	vmul.f32 v36, v22;
	v35 =	vadd.f32 v57, v35  }
0xe5: {  	v40 =	vmul.f32 v53, v54;
	v63 =	vld [tilespmem:s0+$0x5600];
	v62 =	vmul.f32 v42, v7;
	v38 =	vadd.f32 v59, v38  }
0xe6: {  	v48 =	vmul.f32 v42, v23;
	v49 =	vld [tilespmem:s0+$0x2E00];
	v35 =	vadd.f32 v36, v35  }
0xe7: {  	v51 =	vld [tilespmem:s0+$0x5610];
	v50 =	vmul.f32 v40, v8;
	v39 =	vmul.f32 v56, v58;
	v38 =	vadd.f32 v62, v38  }
0xe8: {  	v53 =	vld [tilespmem:s0+$0x2E10];
	v52 =	vmul.f32 v40, v24;
	v35 =	vadd.f32 v48, v35  }
0xe9: {  	v54 =	vmul.f32 v39, v9;
	v37 =	vmul.f32 v60, v61;
	v55 =	vld [tilespmem:s0+$0x5620];
	v38 =	vadd.f32 v50, v38  }
0xea: {  	v56 =	vmul.f32 v39, v25;
	v57 =	vld [tilespmem:s0+$0x2E20];
	v35 =	vadd.f32 v52, v35  }
0xeb: {  	v61 =	vld [tilespmem:s0+$0x2E30];
	v58 =	vmul.f32 v37, v10;
	v42 =	vmul.f32 v63, v49;
	v38 =	vadd.f32 v54, v38  }
0xec: {  	v60 =	vmul.f32 v37, v26;
	v59 =	vld [tilespmem:s0+$0x5630];
	v35 =	vadd.f32 v56, v35  }
0xed: {  	v40 =	vmul.f32 v51, v53;
	v63 =	vld [tilespmem:s0+$0x5640];
	v62 =	vmul.f32 v42, v11;
	v38 =	vadd.f32 v58, v38  }
0xee: {  	v49 =	vld [tilespmem:s0+$0x2E40];
	v48 =	vmul.f32 v42, v27;
	v35 =	vadd.f32 v60, v35  }
0xef: {  	v51 =	vld [tilespmem:s0+$0x5650];
	v39 =	vmul.f32 v55, v57;
	v50 =	vmul.f32 v40, v12;
	v38 =	vadd.f32 v62, v38  }
0xf0: {  	v53 =	vld [tilespmem:s0+$0x2E50];
	v52 =	vmul.f32 v40, v28;
	v35 =	vadd.f32 v48, v35  }
0xf1: {  	v55 =	vld [tilespmem:s0+$0x5660];
	v37 =	vmul.f32 v59, v61;
	v54 =	vmul.f32 v39, v13;
	v38 =	vadd.f32 v50, v38  }
0xf2: {  	v57 =	vld [tilespmem:s0+$0x2E60];
	v56 =	vmul.f32 v39, v29;
	v35 =	vadd.f32 v52, v35  }
0xf3: {  	v42 =	vmul.f32 v63, v49;
	v59 =	vld [tilespmem:s0+$0x5670];
	v58 =	vmul.f32 v37, v14;
	v38 =	vadd.f32 v54, v38  }
0xf4: {  	v61 =	vld [tilespmem:s0+$0x2E70];
	v60 =	vmul.f32 v37, v30;
	v35 =	vadd.f32 v56, v35  }
0xf5: {  	v40 =	vmul.f32 v51, v53;
	v62 =	vmul.f32 v42, v15;
	v38 =	vadd.f32 v58, v38  }
0xf6: {  	v63 =	vmul.f32 v42, v31;
	v35 =	vadd.f32 v60, v35  }
0xf7: {  	v46 =	vmul.f32 v40, v16;
	v39 =	vmul.f32 v55, v57;
	v38 =	vadd.f32 v62, v38  }
0xf8: {  	v47 =	vmul.f32 v40, v32;
	v35 =	vadd.f32 v63, v35  }
0xf9: {  	v48 =	vmul.f32 v39, v17;
	v37 =	vmul.f32 v59, v61;
	v38 =	vadd.f32 v46, v38  }
0xfa: {  	v49 =	vmul.f32 v39, v33;
	v35 =	vadd.f32 v47, v35  }
0xfb: {  	v50 =	vmul.f32 v37, v18;
	v38 =	vadd.f32 v48, v38  }
0xfc: {  	v51 =	vmul.f32 v37, v34;
	v35 =	vadd.f32 v49, v35  }
0xfd: {  	v52 =	vadd.f32 v50, v38  }
0xfe: {  	s11 =	sshra.s32 s1, $0x2;
	v35 =	vadd.f32 v51, v35  }
0xff: {  	[tilespmem:s11+$0x7A00] =	vst v52  }
0x100: {  	[tilespmem:s11+$0x7A10] =	vst v35  }
0x101: {  	v35 =	vld [tilespmem:s31+$0x2A00]  }
0x102: {  	v53 =	vld [tilespmem:s31+$0x5200]  }
0x103: {  	v37 =	vld [tilespmem:s31+$0x5210]  }
0x104: {  	v54 =	vld [tilespmem:s31+$0x2A10]  }
0x105: {  	v55 =	vld [tilespmem:s31+$0x5220]  }
0x106: {  	v56 =	vld [tilespmem:s31+$0x2A20]  }
0x107: {  	v57 =	vld [tilespmem:s31+$0x2A30];
	v35 =	vmul.f32 v53, v35  }
0x108: {  	v58 =	vld [tilespmem:s31+$0x5230]  }
0x109: {  	v60 =	vld [tilespmem:s31+$0x5240];
	v37 =	vmul.f32 v37, v54;
	v59 =	vmul.f32 v35, v3  }
0x10a: {  	v61 =	vld [tilespmem:s31+$0x2A40];
	v35 =	vmul.f32 v35, v19  }
0x10b: {  	v63 =	vld [tilespmem:s31+$0x5250];
	v39 =	vmul.f32 v55, v56;
	v62 =	vmul.f32 v37, v4;
	v38 =	vadd.f32 $0.0e+00, v59  }
0x10c: {  	v48 =	vld [tilespmem:s31+$0x2A50];
	v37 =	vmul.f32 v37, v20;
	v35 =	vadd.f32 $0.0e+00, v35  }
0x10d: {  	v50 =	vld [tilespmem:s31+$0x5260];
	v36 =	vmul.f32 v58, v57;
	v49 =	vmul.f32 v39, v5;
	v38 =	vadd.f32 v62, v38  }
0x10e: {  	v52 =	vld [tilespmem:s31+$0x2A60];
	v51 =	vmul.f32 v39, v21;
	v35 =	vadd.f32 v37, v35  }
0x10f: {  	v42 =	vmul.f32 v60, v61;
	v54 =	vld [tilespmem:s31+$0x5270];
	v53 =	vmul.f32 v36, v6;
	v38 =	vadd.f32 v49, v38  }
0x110: {  	v55 =	vld [tilespmem:s31+$0x2A70];
	v36 =	vmul.f32 v36, v22;
	v35 =	vadd.f32 v51, v35  }
0x111: {  	v40 =	vmul.f32 v63, v48;
	v57 =	vld [tilespmem:s31+$0x5600];
	v56 =	vmul.f32 v42, v7;
	v38 =	vadd.f32 v53, v38  }
0x112: {  	v58 =	vmul.f32 v42, v23;
	v59 =	vld [tilespmem:s31+$0x2E00];
	v35 =	vadd.f32 v36, v35  }
0x113: {  	v61 =	vld [tilespmem:s31+$0x5610];
	v60 =	vmul.f32 v40, v8;
	v39 =	vmul.f32 v50, v52;
	v38 =	vadd.f32 v56, v38  }
0x114: {  	v63 =	vld [tilespmem:s31+$0x2E10];
	v62 =	vmul.f32 v40, v24;
	v35 =	vadd.f32 v58, v35  }
0x115: {  	v48 =	vld [tilespmem:s31+$0x5620];
	v47 =	vmul.f32 v39, v9;
	v37 =	vmul.f32 v54, v55;
	v38 =	vadd.f32 v60, v38  }
0x116: {  	v50 =	vld [tilespmem:s31+$0x2E20];
	v49 =	vmul.f32 v39, v25;
	v35 =	vadd.f32 v62, v35  }
0x117: {  	v52 =	vld [tilespmem:s31+$0x5630];
	v51 =	vmul.f32 v37, v10;
	v42 =	vmul.f32 v57, v59;
	v38 =	vadd.f32 v47, v38  }
0x118: {  	v54 =	vld [tilespmem:s31+$0x2E30];
	v53 =	vmul.f32 v37, v26;
	v35 =	vadd.f32 v49, v35  }
0x119: {  	v40 =	vmul.f32 v61, v63;
	v55 =	vmul.f32 v42, v11;
	v56 =	vld [tilespmem:s31+$0x5640];
	v38 =	vadd.f32 v51, v38  }
0x11a: {  	v57 =	vmul.f32 v42, v27;
	v58 =	vld [tilespmem:s31+$0x2E40];
	v35 =	vadd.f32 v53, v35  }
0x11b: {  	v39 =	vmul.f32 v48, v50;
	v59 =	vmul.f32 v40, v12;
	v60 =	vld [tilespmem:s31+$0x5650];
	v38 =	vadd.f32 v55, v38  }
0x11c: {  	v61 =	vmul.f32 v40, v28;
	v62 =	vld [tilespmem:s31+$0x2E50];
	v35 =	vadd.f32 v57, v35  }
0x11d: {  	v48 =	vld [tilespmem:s31+$0x5660];
	v63 =	vmul.f32 v39, v13;
	v37 =	vmul.f32 v52, v54;
	v38 =	vadd.f32 v59, v38  }
0x11e: {  	v50 =	vld [tilespmem:s31+$0x2E60];
	v49 =	vmul.f32 v39, v29;
	v35 =	vadd.f32 v61, v35  }
0x11f: {  	v52 =	vld [tilespmem:s31+$0x5670];
	v42 =	vmul.f32 v56, v58;
	v51 =	vmul.f32 v37, v14;
	v38 =	vadd.f32 v63, v38  }
0x120: {  	v54 =	vld [tilespmem:s31+$0x2E70];
	v53 =	vmul.f32 v37, v30;
	v35 =	vadd.f32 v49, v35  }
0x121: {  	v40 =	vmul.f32 v60, v62;
	v55 =	vmul.f32 v42, v15;
	v38 =	vadd.f32 v51, v38  }
0x122: {  	v56 =	vmul.f32 v42, v31;
	v35 =	vadd.f32 v53, v35  }
0x123: {  	v39 =	vmul.f32 v48, v50;
	v57 =	vmul.f32 v40, v16;
	v38 =	vadd.f32 v55, v38  }
0x124: {  	v58 =	vmul.f32 v40, v32;
	v35 =	vadd.f32 v56, v35  }
0x125: {  	v37 =	vmul.f32 v52, v54;
	v59 =	vmul.f32 v39, v17;
	v38 =	vadd.f32 v57, v38  }
0x126: {  	v60 =	vmul.f32 v39, v33;
	v35 =	vadd.f32 v58, v35  }
0x127: {  	v61 =	vmul.f32 v37, v18;
	v38 =	vadd.f32 v59, v38  }
0x128: {  	v62 =	vmul.f32 v37, v34;
	v35 =	vadd.f32 v60, v35  }
0x129: {  	v63 =	vadd.f32 v61, v38  }
0x12a: {  	s28 =	sadd.s32 $0x1, s28;
	s12 =	sshra.s32 s30, $0x2;
	s30 =	sadd.s32 s3, s29;
	v35 =	vadd.f32 v62, v35  }
0x12b: {  	p0 =	sne.s32 s28, $0x7D;
	s1 =	sshll.u32 s30, $0x2;
	[tilespmem:s12+$0x7A00] =	vst v63  }
.Ltmp1:
0x12c: {  	s31 =	sadd.s32 s6, s1;
	[tilespmem:s12+$0x7A10] =	vst v35;
	(pc) =	sbr.rel @p0 .LBB2_2-.Ltmp1, $4  }
0x12d: {  	[hbm4b:s31+s2] =	stream.linear.scatter [tilespmem:s25], [sflag:$0x3], $0x500, $0x38;
	[tilespmem:$0x7F00] =	vst v63  }
0x12e: {  	_ =	swait.ge [sflag:s10], $0x500  }
0x12f: {  	[sflag:s10] =	ssyncset.done $0x0  }
0x130: {  	[sflag:s10] =	ssyncadd.s32 $0xFFFFFB00  }
0x131: {  	s26 =	sadd.s32 $0x1, s26;
	s0 =	rddreg [dreg:$0x6]  }
0x132: {  	p0 =	sne.s32 s26, s0  }
.Ltmp2:
0x133: {  	_ = 	snop;
	(pc) =	sbr.rel @p0 .LBB2_1-.Ltmp2, $1  }
0x134: {  	_ =	sdelay $0x3  }
0x135: {  	_ =	sfence.sel $0x180000  }
0x136: {  	[bflag:$0x0] =	sbarrier.arrive $0xFFFF  }
0x137: {  	_ =	strace $0x90000053  }
0x138: {  	s0 =	stileid.u32;
	[bflag:$0x2] =	sbarrier.arrive $0xFFFF  }
0x139: {  	p0 =	sne.s32 s0, $0x0;
	s0 =	rddreg [dreg:$0x2]  }
0x13a: {  	s0 =	sadd.s32 @!p0 $0x100000, s0  }
0x13b: {  	[sflag:s0] =	ssyncadd.tile.s32 @!p0 $0x1;
	_ =	shalt  }
.Lfunc_end2:
_tile_overlayer_lowered:
.L_overlay_start_2:
0x13c: {  	(tag) =	ssettag $0x2  }
0x13d: {  	s0 =	rddreg [dreg:$0x0];
	s2 =	stileid.u32  }
0x13e: {  	s1 =	rddreg [dreg:$0x1];
	p0 =	sne.s32 s2, $0x0  }
0x13f: {  	s3 =	rddreg [dreg:$0x2];
	[bflag:$0x3] =	sbarrier.arrive $0xFFFF;
	s2 =	simm.s32 @!p0 $0x1C03  }
0x140: {  	[timem:s3], [sflag:s2] =	dma.local @!p0 [hbm:s0], s1  }
0x141: {  	s0 =	simm.s32 @!p0 $0x3  }
0x142: {  	_ =	swait.ge @!p0 [sflag:s0], s1  }
0x143: {  	s1 =	ssub.s32 @!p0 $0x0, s1;
	[sflag:s0] =	ssyncset.done @!p0 $0x0  }
0x144: {  	[sflag:s0] =	ssyncadd.s32 @!p0 s1  }
0x145: {  	[bflag:$0x3] =	sbarrier.arrive $0xFFFF  }
0x146: {  	_ =	shalt  }

// kernel: kernel.8.cloned.1.call-start
scs
__scs_entry_jumppad:
0x0: {  	(pc) =	sbr.rel $0x88, $3  }
0x1: {  	(tag) =	ssettag $0x0;
	lr =	simm.s32 $0x1  }
0x2: {  	[smem:$0x3F97] =	sst lr;
	_ =	strace $0xD0000000  }
0x3: {  	_ = 	snop  }
0x4: {  	_ = 	snop  }
0x5: {  	_ = 	snop  }
0x6: {  	_ = 	snop  }
0x7: {  	_ = 	snop  }
__scs_overlays_trampoline_lowered:
0x8: {  	[smem:$0x3FA6] =	sst s0  }
0x9: {  	[smem:$0x3FA7] =	sst s1  }
0xa: {  	[smem:$0x3FA8] =	sst s2  }
0xb: {  	[smem:$0x3FA9] =	sst s3  }
0xc: {  	[smem:$0x3FAA] =	sst s4  }
0xd: {  	[smem:$0x3FAB] =	sst s5  }
0xe: {  	[smem:$0x3FAC] =	sst s6  }
0xf: {  	[smem:$0x3FAD] =	sst s7  }
0x10: {  	[smem:$0x3FAE] =	sst s8  }
0x11: {  	[smem:$0x3FAF] =	sst s9;
	s0 =	simm.s32 @!p0 $0x0  }
0x12: {  	s1 =	sld [smem:$0x3F95];
	s0 =	simm.s32 @p0 $0x1  }
0x13: {  	[smem:$0x3FB0] =	sst s0;
	s0 =	simm.s32 @!p1 $0x0  }
0x14: {  	s2 =	sld [smem:$0x3F94];
	s0 =	simm.s32 @p1 $0x1  }
0x15: {  	[smem:$0x3FB1] =	sst s0;
	s0 =	simm.s32 @!p2 $0x0  }
0x16: {  	s3 =	sld [smem:$0x3FDB];
	s0 =	simm.s32 @p2 $0x1  }
0x17: {  	s4 =	simm.s32 $0x1BF5;
	[smem:$0x3FB3] =	sst s0  }
0x18: {  	s0 =	sld [smem:$0x3F96];
	_ =	swait.ge [sflag:s4], $0x0  }
0x19: {  	s7 =	sld [smem:$0x3F97]  }
0x1a: {  	s8 =	sadd.s32 $0xFFFFE003, lr  }
0x1b: {  	s9 =	sadd.s32 $0xFFFFFEF7, lr;
	s5 =	simm.s32 $0xFFFFFFFF;
	p2 =	slt.u32 s8, $0xFFFFF086  }
0x1c: {  	p1 =	slt.u32 s9, $0xF7A;
	s5 =	simm.s32 @!p2 $0x0  }
0x1d: {  	s5 =	simm.s32 @p1 $0x1;
	p0 =	seq.s32 s7, s2  }
0x1e: {  	s7 =	smul.u32 @!p0 $0xF7A, s2;
	p2 =	seq.s32 @!p0 s5, $0x0  }
0x1f: {  	s9 =	smul.u32 $0xF7A, s1;
	s8 =	simm.s32 @!p0 $0x1BF5;
	p2 =	por !p2, p0  }
0x20: {  	[sflag:s8] =	ssyncset.s32 @!p0 $0xFFFFF086;
	s6 =	sadd.s32 @!p0 s3, s7;
	s7 =	simm.s32 @!p0 $0x108  }
0x21: {  	s3 =	sadd.s32 s3, s9;
	s6 =	sadd.s32 @!p0 $0x88, s6;
	s7 =	simm.s32 @p2 $0x1082  }
0x22: {  	[simem:s7], [sflag:s8] =	dma.local @!p0 [hbm:s6], $0xF7A  }
0x23: {  	s9 =	sor.u32 $0xD0000000, s2;
	s6 =	simm.s32 $0x108;
	_ =	swait.ge @!p0 [sflag:s8], $0x0  }
0x24: {  	s3 =	sadd.s32 $0x88, s3;
	s6 =	simm.s32 @!p1 $0x1082;
	[sflag:s4] =	ssyncset.s32 $0xFFFFF086  }
0x25: {  	[simem:s6], [sflag:s4] =	dma.local [hbm:s3], $0xF7A  }
0x26: {  	[smem:$0x3F97] =	sst s1;
	(tag) =	ssettag s2;
	_ =	strace s9  }
0x27: {  	s1 =	sld [smem:$0x3FA7]  }
0x28: {  	s2 =	sld [smem:$0x3FA8]  }
0x29: {  	s4 =	sld [smem:$0x3FAA]  }
0x2a: {  	p0 =	seq.s32 s5, $0x0;
	s5 =	sld [smem:$0x3FAB]  }
0x2b: {  	s6 =	sld [smem:$0x3FAC]  }
0x2c: {  	s7 =	sld [smem:$0x3FAD]  }
0x2d: {  	s3 =	simm.s32 $0x108;
	s8 =	sld [smem:$0x3FAE]  }
0x2e: {  	s3 =	simm.s32 @!p0 $0x1082;
	s9 =	sld [smem:$0x3FAF]  }
0x2f: {  	lr =	sadd.s32 s0, s3;
	s0 =	sld [smem:$0x3FA6]  }
0x30: {  	s3 =	sld [smem:$0x3FA9]  }
0x31: {  	[smem:$0x3FB2] =	sst s10  }
0x32: {  	s10 =	sld [smem:$0x3FB0];
	_ =	sdelay $0x3  }
0x33: {  	p0 =	seq.s32 s10, $0x1;
	s10 =	sld [smem:$0x3FB2];
	_ =	sdelay $0x3  }
0x34: {  	[smem:$0x3FB2] =	sst s10  }
0x35: {  	s10 =	sld [smem:$0x3FB1];
	_ =	sdelay $0x3  }
0x36: {  	p1 =	seq.s32 s10, $0x1;
	s10 =	sld [smem:$0x3FB2];
	_ =	sdelay $0x3  }
0x37: {  	[smem:$0x3FB2] =	sst s10  }
0x38: {  	s10 =	sld [smem:$0x3FB3]  }
0x39: {  	_ = 	snop;
	(pc) =	sbr.ind lr, $3  }
0x3a: {  	_ = 	snop  }
0x3b: {  	_ = 	snop  }
0x3c: {  	p2 =	seq.s32 s10, $0x1;
	s10 =	sld [smem:$0x3FB2]  }
0x3d: {  	_ =	shalt  }
0x3e: {  	_ =	shalt  }
0x3f: {  	_ =	shalt  }
0x40: {  	_ =	shalt  }
0x41: {  	_ =	shalt  }
0x42: {  	_ =	shalt  }
0x43: {  	_ =	shalt  }
0x44: {  	_ =	shalt  }
0x45: {  	_ =	shalt  }
0x46: {  	_ =	shalt  }
0x47: {  	_ =	shalt  }
0x48: {  	_ =	shalt  }
0x49: {  	_ =	shalt  }
0x4a: {  	_ =	shalt  }
0x4b: {  	_ =	shalt  }
0x4c: {  	_ =	shalt  }
0x4d: {  	_ =	shalt  }
0x4e: {  	_ =	shalt  }
0x4f: {  	_ =	shalt  }
0x50: {  	_ =	shalt  }
0x51: {  	_ =	shalt  }
0x52: {  	_ =	shalt  }
0x53: {  	_ =	shalt  }
0x54: {  	_ =	shalt  }
0x55: {  	_ =	shalt  }
0x56: {  	_ =	shalt  }
0x57: {  	_ =	shalt  }
0x58: {  	_ =	shalt  }
0x59: {  	_ =	shalt  }
0x5a: {  	_ =	shalt  }
0x5b: {  	_ =	shalt  }
0x5c: {  	_ =	shalt  }
0x5d: {  	_ =	shalt  }
0x5e: {  	_ =	shalt  }
0x5f: {  	_ =	shalt  }
0x60: {  	_ =	shalt  }
0x61: {  	_ =	shalt  }
0x62: {  	_ =	shalt  }
0x63: {  	_ =	shalt  }
0x64: {  	_ =	shalt  }
0x65: {  	_ =	shalt  }
0x66: {  	_ =	shalt  }
0x67: {  	_ =	shalt  }
0x68: {  	_ =	shalt  }
0x69: {  	_ =	shalt  }
0x6a: {  	_ =	shalt  }
0x6b: {  	_ =	shalt  }
0x6c: {  	_ =	shalt  }
0x6d: {  	_ =	shalt  }
0x6e: {  	_ =	shalt  }
0x6f: {  	_ =	shalt  }
0x70: {  	_ =	shalt  }
0x71: {  	_ =	shalt  }
0x72: {  	_ =	shalt  }
0x73: {  	_ =	shalt  }
0x74: {  	_ =	shalt  }
0x75: {  	_ =	shalt  }
0x76: {  	_ =	shalt  }
0x77: {  	_ =	shalt  }
0x78: {  	_ =	shalt  }
0x79: {  	_ =	shalt  }
0x7a: {  	_ =	shalt  }
0x7b: {  	_ =	shalt  }
0x7c: {  	_ =	shalt  }
0x7d: {  	_ =	shalt  }
0x7e: {  	_ =	shalt  }
0x7f: {  	_ =	shalt  }
0x80: {  	_ =	shalt  }
0x81: {  	_ =	shalt  }
0x82: {  	_ =	shalt  }
0x83: {  	_ =	shalt  }
0x84: {  	_ =	shalt  }
0x85: {  	_ =	shalt  }
0x86: {  	_ =	shalt  }
0x87: {  	_ =	shalt  }
.Lfunc_end0:
.L_simem_size_0:
called_computation.3_lowered:
.L_overlay_start_0:
0x88: {  	s2 =	sld [smem:$0x3FD9]  }
0x89: {  	s3 =	sld [smem:$0x3FFE];
	_ =	sdelay $0x1  }
0x8a: {  	s1 =	srdreg.scid  }
0x8b: {  	s0 =	sand.u32 $0x1, s1  }
0x8c: {  	s16 =	sshll.u32 s0, $0xA;
	s2 =	sadd.s32 s3, s2  }
0x8d: {  	s2 =	sadd.s32 s2, s16  }
0x8e: {  	[smem:$0x3FBE] =	sst s2  }
0x8f: {  	_ = 	snop  }
0x90: {  	(tm) =	ssettm $0x1  }
0x91: {  	s17 =	sld [smem:$0x3FFB];
	_ =	sdelay $0x3  }
0x92: {  	_ =	strace s17  }
0x93: {  	s2 =	sld [smem:$0x3FFC];
	_ =	sdelay $0x3  }
0x94: {  	_ =	strace s2  }
0x95: {  	s2 =	sld [smem:$0x3FFD];
	_ =	sdelay $0x3  }
0x96: {  	_ =	strace s2  }
0x97: {  	_ =	strace $0x8FFFFFFF  }
0x98: {  	s18 =	sld [smem:$0x3FDB];
	_ =	sdelay $0x1  }
0x99: {  	s19 =	simm.s32 $_scs_section_size  }
0x9a: {  	s4 =	simm.s32 $_size__tile_overlayer_lowered;
	s5 =	simm.s32 $_tile_overlayer_lowered  }
0x9b: {  	s22 =	simm.s32 $0x1BFF;
	s21 =	sshll.u32 s5, $0x1;
	s2 =	sadd.s32 s19, s18  }
0x9c: {  	s6 =	simm.s32 $0x0;
	s20 =	sshll.u32 s4, $0x1;
	s4 =	sadd.s32 s21, s2  }
0x9d: {  	[timem:s6], [sflag:s22] =	dma.local [hbm:s4], s20  }
0x9e: {  	_ =	swait.ge [sflag:s22], s20  }
0x9f: {  	s3 =	ssub.s32 $0x0, s20;
	[sflag:s22] =	ssyncset.done $0x0  }
0xa0: {  	[sflag:s22] =	ssyncadd.s32 s3;
	_ =	sdelay $0x1  }
0xa1: {  	s23 =	simm.s32 $0x1B8B  }
0xa2: {  	_ =	swait.ge [sflag:s23], $0x1  }
0xa3: {  	[sflag:s23] =	ssyncset.done $0x0  }
0xa4: {  	s25 =	simm.s32 $0x1B8E;
	s24 =	sld [smem:$0x3FFE];
	[sflag:s23] =	ssyncadd.s32 $0xFFFFFFFF  }
0xa5: {  	s26 =	simm.s32 $execute0_lowered;
	[smem:$0x3FD2] =	sst s25  }
0xa6: {  	s4 =	sshll.u32 s26, $0x1;
	_ =	strace $0x80000046;
	[dreg:$0x1] =	wrdreg $0xFFFFFFFF  }
0xa7: {  	s28 =	simm.s32 $_size_execute0_lowered;
	s2 =	sadd.s32 s2, s4;
	[dreg:$0x0] =	wrdreg $0x0  }
0xa8: {  	s4 =	sshll.u32 s28, $0x1;
	[dreg:$0x2] =	wrdreg s2  }
0xa9: {  	[dreg:$0x3] =	wrdreg s4  }
0xaa: {  	[dreg:$0x4] =	wrdreg $0xC0  }
0xab: {  	_ =	task [dreg:s6], $0x5FFFF  }
0xac: {  	[dreg:$0x1] =	wrdreg $0xFFFFFFFF  }
0xad: {  	[dreg:$0x0] =	wrdreg $0x60  }
0xae: {  	[dreg:$0x2] =	wrdreg s24  }
0xaf: {  	[dreg:$0x3] =	wrdreg $0xA5800  }
0xb0: {  	[dreg:$0x4] =	wrdreg $0xAF480  }
0xb1: {  	[dreg:$0x5] =	wrdreg $0xA  }
0xb2: {  	_ =	task.clear_ibuf [dreg:s6], $0x6FFFF;
	_ =	strace $0x90000046  }
0xb3: {  	s29 =	simm.s32 $0xA;
	_ =	strace $0x80000048  }
0xb4: {  	_ =	swait.ge [sflag:s29], $0x1  }
0xb5: {  	[sflag:s29] =	ssyncadd.s32 $0xFFFFFFFF  }
0xb6: {  	_ =	strace $0x90000048  }
0xb7: {  	_ =	sfence  }
0xb8: {  	s30 =	sld [smem:$0x0];
	_ =	sdelay $0x2  }
0xb9: {  	s31 =	sshll.u32 s1, $0xD;
	s1 =	sshrl.u32 s1, $0x2  }
0xba: {  	s3 =	sand.u32 $0x4000, s31;
	s1 =	sadd.s32 s1, s30  }
0xbb: {  	s0 =	sor.u32 s3, s0;
	s1 =	sshll.u32 s1, $0x11  }
0xbc: {  	s0 =	sor.u32 s1, s0  }
0xbd: {  	s0 =	sadd.s32 $0x8F2B, s0  }
0xbe: {  	[sflag:s0] =	ssyncadd.remote.s32 $0x1  }
0xbf: {  	_ =	sfence.sel $0xFFFF  }
0xc0: {  	[dreg:$0x0] =	wrdreg $0xFFFFFFFF;
	(pc) =	sbr.abs _section_cstart, $3  }
0xc1: {  	[dreg:$0x1] =	wrdreg $0xFFFFFFFF  }
0xc2: {  	_ =	task.clear_ibuf [dreg:s6], $0x2FFFF;
	_ =	strace $0x9FFFFFFF  }
0xc3: {  	(tm) =	ssettm $0x7FFFFFFF  }
tec
execute0_lowered:
.L_overlay_start_1:
0x0: {  	(tag) =	ssettag $0x1  }
0x1: {  	s0 =	rddreg [dreg:$0x0]  }
0x2: {  	s2 =	rddreg [dreg:$0x1]  }
0x3: {  	s1 =	srdreg.scid;
	s12 =	stileid.u32  }
0x4: {  	s3 =	rddreg [dreg:$0x2];
	s4 =	simm.s32 $0x0;
	s14 =	simm.s32 $0x5  }
0x5: {  	s17 =	simm.s32 $0x5100;
	s18 =	simm.s32 $0x80;
	s19 =	simm.s32 $0xA280  }
0x6: {  	s20 =	simm.s32 $0xA380;
	s21 =	simm.s32 $0xA300;
	s28 =	simm.s32 $0x4  }
0x7: {  	s29 =	simm.s32 $0xA480;
	s30 =	simm.s32 $0x0;
	s1 =	sand.u32 $0x1, s1  }
0x8: {  	[smem:$0x7FF] =	sst s4;
	s9 =	smul.u32 $0xA000, s12;
	s23 =	sadd.s32 $0x18D600, s0  }
0x9: {  	s5 =	sshll.u32 s12, $0x1;
	s6 =	sadd.s32 $0x18EA00, s0;
	s7 =	sadd.s32 $0x18D400, s0  }
0xa: {  	s31 =	sshll.u32 s12, $0x6;
	s13 =	sshrl.u32 s3, $0x3;
	s15 =	sshrl.u32 s2, $0x3  }
0xb: {  	s11 =	sor.u32 s1, s5;
	_ =	strace $0x80000047;
	[dreg:$0x4] =	wrdreg s23  }
0xc: {  	s10 =	smul.u32 $0x5000, s1;
	s1 =	ssub.s32 $0x2, s1;
	s12 =	sor.u32 $0x1C05, s31  }
0xd: {  	s23 =	simm.s32 $0xA400;
	s8 =	smul.u32 $0x5000, s11;
	s26 =	sshrl.u32 s1, $0x1  }
0xe: {  	p0 =	seq.s32 s11, $0x1;
	p1 =	sne.s32 s11, $0x0;
	s9 =	sadd.s32 s10, s9  }
0xf: {  	s1 =	ssub.s32 s1, s26;
	s26 =	simm.s32 $0x3;
	s8 =	sshrl.u32 s8, $0x3  }
0x10: {  	v0 =	vlaneseq.u32;
	s25 =	sshrl.u32 s9, $0x3;
	s10 =	smax.u32 s1, $0x1;
	s24 =	sadd.s32 s8, s0  }
0x11: {  	v0 =	vand.u32 $0x3, v0;
	s0 =	sadd.s32 s25, s0;
	s25 =	simm.s32 $0x2;
	s8 =	sadd.s32 $0x423E00, s24  }
0x12: {  	v1 =	vimm.s32 $0x0;
	v2 =	vor.u32 $0x4, v0;
	s9 =	sadd.s32 $0x40FE00, s24;
	s0 =	sadd.s32 $0x18FE00, s0;
	s24 =	simm.s32 $0x1  }
.LBB2_1:
.Ltmp0:
0x13: {  	(pc) =	sbr.rel @p0 .LBB2_4-.Ltmp0, $1  }
0x14: {  	_ =	sdelay $0x3  }
.Ltmp1:
0x15: {  	(pc) =	sbr.rel @p1 .LBB2_6-.Ltmp1, $1  }
0x16: {  	_ =	sdelay $0x3  }
0x17: {  	s1 =	rddreg [dreg:$0x4]  }
0x18: {  	[spmem:s15], [sflag:s12] =	dma.local [hbm:s1], $0x1390  }
.Ltmp2:
0x19: {  	_ = 	snop;
	(pc) =	sbr.rel .LBB2_5-.Ltmp2, $4  }
0x1a: {  	_ =	swait.ge [sflag:s14], $0x1390  }
0x1b: {  	[sflag:s14] =	ssyncset.done $0x0  }
0x1c: {  	[sflag:s14] =	ssyncadd.s32 $0xFFFFEC70  }
0x1d: {  	[spmem:s13], [sflag:s12] =	dma.local [hbm:s6], $0x1390  }
.LBB2_4:
0x1e: {  	[spmem:s13], [sflag:s12] =	dma.local [hbm:s6], $0x1390  }
0x1f: {  	_ =	swait.ge [sflag:s14], $0x1390  }
0x20: {  	[sflag:s14] =	ssyncset.done $0x0  }
0x21: {  	s1 =	rddreg [dreg:$0x4];
	[sflag:s14] =	ssyncadd.s32 $0xFFFFEC70  }
0x22: {  	[spmem:s15], [sflag:s12] =	dma.local [hbm:s1], $0x1390  }
.LBB2_5:
0x23: {  	_ =	swait.ge [sflag:s14], $0x1390  }
0x24: {  	[sflag:s14] =	ssyncset.done $0x0  }
0x25: {  	[sflag:s14] =	ssyncadd.s32 $0xFFFFEC70  }
.LBB2_6:
0x26: {  	s1 =	simm.s32 $0xA200  }
0x27: {  	[tilespmem:s1], [sflag:$0x5] =	stream.linear.gather [hbm4b:s7+s4], $0x10, $0x38;
	[tilespmem:$0xB910] =	vst v63  }
0x28: {  	_ =	swait.ge [sflag:s14], $0x10  }
0x29: {  	[sflag:s14] =	ssyncset.done $0x0  }
0x2a: {  	[sflag:s14] =	ssyncadd.s32 $0xFFFFFFF0  }
0x2b: {  	[tilespmem:s4], [sflag:$0x5] =	stream.linear.gather [hbm4b:s8+s4], $0x5000, $0x38;
	[tilespmem:$0xB910] =	vst v63  }
0x2c: {  	_ =	swait.ge [sflag:s14], $0x5000  }
0x2d: {  	[sflag:s14] =	ssyncset.done $0x0  }
0x2e: {  	[sflag:s14] =	ssyncadd.s32 $0xFFFFB000  }
0x2f: {  	[tilespmem:s17], [sflag:$0x5] =	stream.linear.gather [hbm4b:s9+s4], $0x5000, $0x38;
	[tilespmem:$0xB910] =	vst v63  }
0x30: {  	_ =	swait.ge [sflag:s14], $0x5000  }
0x31: {  	[sflag:s14] =	ssyncset.done $0x0  }
0x32: {  	[sflag:s14] =	ssyncadd.s32 $0xFFFFB000  }
0x33: {  	[tilespmem:$0x5000] =	vst v1  }
0x34: {  	[tilespmem:$0xA100] =	vst v1  }
0x35: {  	[tilespmem:$0x5010] =	vst v1  }
0x36: {  	[tilespmem:$0xA110] =	vst v1  }
0x37: {  	[tilespmem:$0x5020] =	vst v1  }
0x38: {  	[tilespmem:$0xA120] =	vst v1  }
0x39: {  	[tilespmem:$0x5030] =	vst v1  }
0x3a: {  	[tilespmem:$0xA130] =	vst v1  }
0x3b: {  	[tilespmem:$0x5040] =	vst v1  }
0x3c: {  	[tilespmem:$0xA140] =	vst v1  }
0x3d: {  	[tilespmem:$0x5050] =	vst v1  }
0x3e: {  	[tilespmem:$0xA150] =	vst v1  }
0x3f: {  	[tilespmem:$0x5060] =	vst v1  }
0x40: {  	[tilespmem:$0xA160] =	vst v1  }
0x41: {  	[tilespmem:$0x5070] =	vst v1  }
0x42: {  	[tilespmem:$0xA170] =	vst v1  }
0x43: {  	[tilespmem:$0x5080] =	vst v1  }
0x44: {  	[tilespmem:$0xA180] =	vst v1  }
0x45: {  	[tilespmem:$0x5090] =	vst v1  }
0x46: {  	[tilespmem:$0xA190] =	vst v1  }
0x47: {  	[tilespmem:$0x50A0] =	vst v1  }
0x48: {  	[tilespmem:$0xA1A0] =	vst v1  }
0x49: {  	[tilespmem:$0x50B0] =	vst v1  }
0x4a: {  	[tilespmem:$0xA1B0] =	vst v1  }
0x4b: {  	[tilespmem:$0x50C0] =	vst v1  }
0x4c: {  	[tilespmem:$0xA1C0] =	vst v1  }
0x4d: {  	[tilespmem:$0x50D0] =	vst v1  }
0x4e: {  	[tilespmem:$0xA1D0] =	vst v1  }
0x4f: {  	[tilespmem:$0x50E0] =	vst v1  }
0x50: {  	[tilespmem:$0xA1E0] =	vst v1  }
0x51: {  	[tilespmem:$0x50F0] =	vst v1  }
0x52: {  	[tilespmem:$0xA1F0] =	vst v1  }
0x53: {  	v3 =	vld [tilespmem:$0xA200];
	[bflag:$0x0] =	sbarrier.arrive $0xFFFF  }
0x54: {  	[tilespmem:s19], [sflag:$0x1] =	stream.indirect.gather [spmem:s2], $0x1, s4, s18, $0xb8;
	[tilespmem:$0xB910] =	vst v63  }
0x55: {  	_ = 	snop  }
0x56: {  	[tilespmem:s20], [sflag:$0x2] =	stream.indirect.gather [spmem:s3], $0x1, s17, s18, $0xb8;
	[tilespmem:$0xB910] =	vst v63  }
0x57: {  	_ = 	snop  }
0x58: {  	[tilespmem:s21], [sflag:$0x3] =	stream.indirect.gather [spmem:s2], $0x1, s18, s18, $0xb8;
	[tilespmem:$0xB910] =	vst v63  }
0x59: {  	s11 =	simm.s32 $0x5180  }
0x5a: {  	[tilespmem:s23], [sflag:$0x4] =	stream.indirect.gather [spmem:s3], $0x1, s11, s18, $0xb8;
	[tilespmem:$0xB910] =	vst v63  }
0x5b: {  	_ =	swait.ge [sflag:s24], $0x80  }
0x5c: {  	[sflag:s24] =	ssyncset.done $0x0  }
0x5d: {  	[sflag:s24] =	ssyncadd.s32 $0xFFFFFF80  }
0x5e: {  	_ =	swait.ge [sflag:s25], $0x80  }
0x5f: {  	[sflag:s25] =	ssyncset.done $0x0  }
0x60: {  	[sflag:s25] =	ssyncadd.s32 $0xFFFFFF80  }
0x61: {  	v4 =	vld [tilespmem:$0xA3B0]  }
0x62: {  	v5 =	vld [tilespmem:$0xA3F0]  }
0x63: {  	v6 =	vld [tilespmem:$0xA3D0]  }
0x64: {  	v7 =	vld [tilespmem:$0xA2B0]  }
0x65: {  	v8 =	vld [tilespmem:$0xA2D0]  }
0x66: {  	v9 =	vld [tilespmem:$0xA390]  }
0x67: {  	v10 =	vld [tilespmem:$0xA3C0]  }
0x68: {  	v11 =	vld [tilespmem:$0xA290]  }
0x69: {  	v13 =	vld [tilespmem:$0xA2F0]  }
0x6a: {  	v14 =	vld [tilespmem:$0xA280]  }
0x6b: {  	v56 =	vld [tilespmem:$0xA2C0]  }
0x6c: {  	v12 =	vperm.xlane v3, v0;
	v3 =	vperm.xlane v3, v2;
	v15 =	vld [tilespmem:$0xA380]  }
0x6d: {  	v58 =	vld [tilespmem:$0xA3A0]  }
0x6e: {  	v3 =	vadd.f32 v3, v12;
	v60 =	vld [tilespmem:$0xA2A0];
	_ =	sdelay $0x1  }
0x6f: {  	v16 =	vmul.f32 $2.000000030e-01, v3;
	v9 =	vadd.f32 v9, v11  }
0x70: {  	vm0 =	vge.f32 v3, $0.0e+00;
	v6 =	vadd.f32 v6, v8;
	v4 =	vadd.f32 v4, v7  }
0x71: {  	v3 =	vsel vm0, v3, v16;
	v5 =	vadd.f32 v5, v13;
	v10 =	vadd.f32 v10, v56  }
0x72: {  	v59 =	vadd.f32 v15, v14;
	v61 =	vadd.f32 v58, v60;
	v7 =	vmul.f32 $2.000000030e-01, v9  }
0x73: {  	v8 =	vld [tilespmem:$0xA3E0];
	v57 =	vmul.f32 $2.000000030e-01, v6;
	vm11 =	vge.f32 v9, $0.0e+00;
	v17 =	vmul.f32 $2.000000030e-01, v4  }
0x74: {  	v11 =	vld [tilespmem:$0xA2E0];
	vm1 =	vge.f32 v4, $0.0e+00;
	vm2 =	vge.f32 v6, $0.0e+00;
	vm12 =	vge.f32 v10, $0.0e+00  }
0x75: {  	vm13 =	vge.f32 v59, $0.0e+00;
	vm14 =	vge.f32 v5, $0.0e+00;
	v4 =	vsel vm1, v4, v17  }
0x76: {  	v62 =	vmul.f32 $2.000000030e-01, v10;
	v7 =	vsel vm11, v9, v7;
	v4 =	vsub.f32 v4, v3  }
0x77: {  	vm15 =	vge.f32 v61, $0.0e+00;
	v6 =	vsel vm2, v6, v57;
	v7 =	vsub.f32 v7, v3  }
0x78: {  	v9 =	vmul.f32 $2.000000030e-01, v5;
	v6 =	vsub.f32 v6, v3;
	v4 =	vmul.f32 $1.442695020e+00, v4  }
0x79: {  	v8 =	vadd.f32 v8, v11;
	v11 =	vmul.f32 $2.000000030e-01, v59;
	v7 =	vmul.f32 $1.442695020e+00, v7  }
0x7a: {  	v5 =	vsel vm14, v5, v9;
	(erf) = vpow2.f32 v4;
	v4 =	vmul.f32 $2.000000030e-01, v61  }
0x7b: {  	v6 =	vmul.f32 $1.442695020e+00, v6;
	vm3 =	vge.f32 v8, $0.0e+00;
	v11 =	vsel vm13, v59, v11  }
0x7c: {  	v63 =	vmul.f32 $2.000000030e-01, v8;
	v11 =	vsub.f32 v11, v3;
	v4 =	vsel vm15, v61, v4  }
0x7d: {  	(erf) = vpow2.f32 v6;
	v6 =	vsel vm12, v10, v62;
	v4 =	vsub.f32 v4, v3  }
0x7e: {  	v5 =	vsub.f32 v5, v3;
	v10 =	vmul.f32 $1.442695020e+00, v11;
	v6 =	vsub.f32 v6, v3  }
0x7f: {  	v8 =	vsel vm3, v8, v63;
	(erf) = vpow2.f32 v7;
	v4 =	vmul.f32 $1.442695020e+00, v4  }
0x80: {  	v7 =	vsub.f32 v8, v3;
	(erf) = vpow2.f32 v10;
	v6 =	vmul.f32 $1.442695020e+00, v6  }
0x81: {  	(erf) = vpow2.f32 v4;
	v4 =	vmul.f32 $1.442695020e+00, v5  }
0x82: {  	v5 =	vmul.f32 $1.442695020e+00, v7;
	(erf) = vpow2.f32 v6  }
0x83: {  	(erf) = vpow2.f32 v4  }
0x84: {  	(erf) = vpow2.f32 v5;
	_ =	sdelay $0x1  }
0x85: {  	v4 =	vpop (erf)  }
0x86: {  	v5 =	vpop (erf);
	[tilespmem:$0xA4B0] =	vst v4  }
0x87: {  	[tilespmem:$0xA4D0] =	vst v5;
	v4 =	vpop (erf)  }
0x88: {  	[tilespmem:$0xA490] =	vst v4;
	v4 =	vpop (erf)  }
0x89: {  	[tilespmem:$0xA480] =	vst v4;
	v4 =	vpop (erf)  }
0x8a: {  	[tilespmem:$0xA4A0] =	vst v4;
	v4 =	vpop (erf)  }
0x8b: {  	[tilespmem:$0xA4C0] =	vst v4;
	v4 =	vpop (erf)  }
0x8c: {  	[tilespmem:$0xA4F0] =	vst v4;
	v4 =	vpop (erf)  }
0x8d: {  	s16 =	simm.s32 $0x100;
	[tilespmem:$0xA4E0] =	vst v4  }
0x8e: {  	[tilespmem:s19], [sflag:$0x1] =	stream.indirect.gather [spmem:s2], $0x1, s16, s18, $0xb8;
	[tilespmem:$0xB910] =	vst v63  }
0x8f: {  	s22 =	simm.s32 $0x5200  }
0x90: {  	[tilespmem:s20], [sflag:$0x2] =	stream.indirect.gather [spmem:s3], $0x1, s22, s18, $0xb8;
	[tilespmem:$0xB910] =	vst v63  }
0x91: {  	_ =	swait.ge [sflag:s26], $0x80  }
0x92: {  	[sflag:s26] =	ssyncset.done $0x0  }
0x93: {  	[sflag:s26] =	ssyncadd.s32 $0xFFFFFF80  }
0x94: {  	_ =	swait.ge [sflag:s28], $0x80  }
0x95: {  	[sflag:s28] =	ssyncset.done $0x0  }
0x96: {  	[sflag:s28] =	ssyncadd.s32 $0xFFFFFF80  }
0x97: {  	v4 =	vld [tilespmem:$0xA300]  }
0x98: {  	v6 =	vld [tilespmem:$0xA320]  }
0x99: {  	v5 =	vld [tilespmem:$0xA310]  }
0x9a: {  	v7 =	vld [tilespmem:$0xA400]  }
0x9b: {  	s31 =	smov.u32 s0;
	v9 =	vld [tilespmem:$0xA420]  }
0x9c: {  	s1 =	simm.s32 $0xFFFEC400;
	s11 =	smov.u32 s0;
	s22 =	simm.s32 $0xFFFFB000;
	v8 =	vld [tilespmem:$0xA410]  }
.LBB2_7:
0x9d: {  	p2 =	sne.s32 s1, $0xFFFFFC00  }
0x9e: {  	v10 =	vld [tilespmem:$0xA460];
	s11 =	sadd.s32 $0x20, s11;
	s16 =	smov.u32 s1;
	s1 =	sadd.s32 $0x400, s1  }
0x9f: {  	v11 =	vld [tilespmem:$0xA360]  }
0xa0: {  	v6 =	vadd.f32 v9, v6;
	v9 =	vld [tilespmem:$0xA450]  }
0xa1: {  	v4 =	vadd.f32 v7, v4;
	v5 =	vadd.f32 v8, v5;
	v7 =	vld [tilespmem:$0xA350]  }
0xa2: {  	v8 =	vmul.f32 $2.000000030e-01, v6;
	v12 =	vld [tilespmem:$0xA440]  }
0xa3: {  	v13 =	vmul.f32 $2.000000030e-01, v4;
	vm0 =	vge.f32 v6, $0.0e+00;
	v14 =	vmul.f32 $2.000000030e-01, v5;
	v15 =	vld [tilespmem:$0xA340]  }
0xa4: {  	vm1 =	vge.f32 v4, $0.0e+00;
	vm2 =	vge.f32 v5, $0.0e+00;
	v6 =	vsel vm0, v6, v8;
	v8 =	vld [tilespmem:$0xA430]  }
0xa5: {  	v4 =	vsel vm1, v4, v13;
	v5 =	vsel vm2, v5, v14;
	v6 =	vsub.f32 v6, v3;
	v13 =	vld [tilespmem:$0xA330]  }
0xa6: {  	v4 =	vsub.f32 v4, v3;
	v5 =	vsub.f32 v5, v3  }
0xa7: {  	v7 =	vadd.f32 v9, v7;
	v9 =	vadd.f32 v10, v11;
	v6 =	vmul.f32 $1.442695020e+00, v6;
	v10 =	vld [tilespmem:$0xA370]  }
0xa8: {  	v4 =	vmul.f32 $1.442695020e+00, v4;
	v5 =	vmul.f32 $1.442695020e+00, v5;
	v11 =	vadd.f32 v12, v15;
	v12 =	vld [tilespmem:$0xA470]  }
0xa9: {  	vm0 =	vge.f32 v7, $0.0e+00;
	v14 =	vmul.f32 $2.000000030e-01, v7;
	(erf) = vpow2.f32 v6  }
0xaa: {  	v6 =	vadd.f32 v8, v13;
	vm1 =	vge.f32 v11, $0.0e+00;
	(erf) = vpow2.f32 v5  }
0xab: {  	v5 =	vmul.f32 $2.000000030e-01, v11;
	v7 =	vsel vm0, v7, v14;
	(erf) = vpow2.f32 v4  }
0xac: {  	v8 =	vmul.f32 $2.000000030e-01, v9;
	v7 =	vsub.f32 v7, v3;
	v4 =	vmul.f32 $2.000000030e-01, v6  }
0xad: {  	vm0 =	vge.f32 v6, $0.0e+00;
	v5 =	vsel vm1, v11, v5;
	v10 =	vadd.f32 v12, v10  }
0xae: {  	v5 =	vsub.f32 v5, v3;
	v4 =	vsel vm0, v6, v4;
	v6 =	vmul.f32 $1.442695020e+00, v7  }
0xaf: {  	vm0 =	vge.f32 v9, $0.0e+00;
	v4 =	vsub.f32 v4, v3;
	vm1 =	vge.f32 v10, $0.0e+00  }
0xb0: {  	v5 =	vmul.f32 $1.442695020e+00, v5;
	v7 =	vsel vm0, v9, v8;
	(erf) = vpow2.f32 v6  }
0xb1: {  	v9 =	vmul.f32 $2.000000030e-01, v10;
	v11 =	vsub.f32 v7, v3;
	v4 =	vmul.f32 $1.442695020e+00, v4  }
0xb2: {  	v8 =	vpop (erf);
	(erf) = vpow2.f32 v5  }
0xb3: {  	v5 =	vmul.f32 $1.442695020e+00, v11;
	[tilespmem:$0xA520] =	vst v8;
	v8 =	vsel vm1, v10, v9;
	v7 =	vpop (erf);
	(erf) = vpow2.f32 v4  }
0xb4: {  	[tilespmem:$0xA510] =	vst v7;
	v4 =	vsub.f32 v8, v3;
	v6 =	vpop (erf)  }
0xb5: {  	[tilespmem:$0xA500] =	vst v6;
	(erf) = vpow2.f32 v5  }
0xb6: {  	v5 =	vmul.f32 $1.442695020e+00, v4;
	_ =	sdelay $0x1  }
0xb7: {  	(erf) = vpow2.f32 v5  }
0xb8: {  	v4 =	vpop (erf)  }
0xb9: {  	[tilespmem:$0xA550] =	vst v4  }
0xba: {  	v4 =	vpop (erf)  }
0xbb: {  	[tilespmem:$0xA540] =	vst v4;
	v4 =	vpop (erf)  }
0xbc: {  	[tilespmem:$0xA530] =	vst v4  }
0xbd: {  	v4 =	vpop (erf)  }
0xbe: {  	[tilespmem:$0xA560] =	vst v4;
	_ =	sdelay $0x1  }
0xbf: {  	s5 =	sadd.s32 $0x5180, s22;
	v4 =	vpop (erf)  }
0xc0: {  	s22 =	sadd.s32 $0xA280, s22;
	[tilespmem:$0xA570] =	vst v4  }
0xc1: {  	[tilespmem:s21], [sflag:$0x3] =	stream.indirect.gather [spmem:s2], $0x1, s5, s18, $0xb8;
	[tilespmem:$0xB910] =	vst v63  }
0xc2: {  	_ = 	snop  }
0xc3: {  	[tilespmem:s23], [sflag:$0x4] =	stream.indirect.gather [spmem:s3], $0x1, s22, s18, $0xb8;
	[tilespmem:$0xB910] =	vst v63  }
0xc4: {  	_ = 	snop  }
0xc5: {  	[hbm4b:s31+s4] =	stream.linear.scatter [tilespmem:s29], [sflag:$0x5], $0x100, $0x38;
	[tilespmem:$0xB910] =	vst v63  }
0xc6: {  	s31 =	smov.u32 s11;
	_ =	swait.ge [sflag:s14], $0x100  }
0xc7: {  	[sflag:s14] =	ssyncset.done $0x0  }
0xc8: {  	[sflag:s14] =	ssyncadd.s32 $0xFFFFFF00  }
0xc9: {  	_ =	swait.ge [sflag:s24], $0x80  }
0xca: {  	[sflag:s24] =	ssyncset.done $0x0  }
0xcb: {  	[sflag:s24] =	ssyncadd.s32 $0xFFFFFF80  }
0xcc: {  	_ =	swait.ge [sflag:s25], $0x80  }
0xcd: {  	[sflag:s25] =	ssyncset.done $0x0  }
0xce: {  	[sflag:s25] =	ssyncadd.s32 $0xFFFFFF80  }
0xcf: {  	v4 =	vld [tilespmem:$0xA3B0]  }
0xd0: {  	v5 =	vld [tilespmem:$0xA3F0]  }
0xd1: {  	v6 =	vld [tilespmem:$0xA3D0]  }
0xd2: {  	v7 =	vld [tilespmem:$0xA2B0]  }
0xd3: {  	v8 =	vld [tilespmem:$0xA2D0]  }
0xd4: {  	v9 =	vld [tilespmem:$0xA390]  }
0xd5: {  	v10 =	vld [tilespmem:$0xA3C0]  }
0xd6: {  	v11 =	vld [tilespmem:$0xA290]  }
0xd7: {  	v12 =	vld [tilespmem:$0xA2F0]  }
0xd8: {  	v13 =	vld [tilespmem:$0xA280]  }
0xd9: {  	v6 =	vadd.f32 v6, v8;
	v14 =	vld [tilespmem:$0xA2C0]  }
0xda: {  	v8 =	vld [tilespmem:$0xA380]  }
0xdb: {  	vm0 =	vge.f32 v6, $0.0e+00;
	v9 =	vadd.f32 v9, v11;
	v11 =	vld [tilespmem:$0xA3E0]  }
0xdc: {  	v4 =	vadd.f32 v4, v7;
	v5 =	vadd.f32 v5, v12  }
0xdd: {  	v12 =	vmul.f32 $2.000000030e-01, v6;
	v7 =	vmul.f32 $2.000000030e-01, v9;
	v15 =	vld [tilespmem:$0xA2E0]  }
0xde: {  	v17 =	vmul.f32 $2.000000030e-01, v4;
	vm1 =	vge.f32 v9, $0.0e+00;
	v16 =	vld [tilespmem:$0xA3A0];
	v10 =	vadd.f32 v10, v14  }
0xdf: {  	vm2 =	vge.f32 v4, $0.0e+00;
	v6 =	vsel vm0, v6, v12;
	v8 =	vadd.f32 v8, v13;
	v13 =	vld [tilespmem:$0xA2A0]  }
0xe0: {  	v4 =	vsel vm2, v4, v17;
	v7 =	vsel vm1, v9, v7;
	vm0 =	vge.f32 v10, $0.0e+00  }
0xe1: {  	v4 =	vsub.f32 v4, v3;
	v7 =	vsub.f32 v7, v3;
	vm1 =	vge.f32 v8, $0.0e+00  }
0xe2: {  	vm2 =	vge.f32 v5, $0.0e+00;
	v6 =	vsub.f32 v6, v3;
	v9 =	vmul.f32 $2.000000030e-01, v5  }
0xe3: {  	v4 =	vmul.f32 $1.442695020e+00, v4;
	v7 =	vmul.f32 $1.442695020e+00, v7;
	v11 =	vadd.f32 v11, v15  }
0xe4: {  	v12 =	vmul.f32 $2.000000030e-01, v8;
	v6 =	vmul.f32 $1.442695020e+00, v6;
	v13 =	vadd.f32 v16, v13  }
0xe5: {  	v14 =	vmul.f32 $2.000000030e-01, v10;
	vm3 =	vge.f32 v11, $0.0e+00;
	(erf) = vpow2.f32 v4  }
0xe6: {  	v4 =	vsel vm1, v8, v12;
	v12 =	vmul.f32 $2.000000030e-01, v11;
	v8 =	vmul.f32 $2.000000030e-01, v13  }
0xe7: {  	v4 =	vsub.f32 v4, v3;
	vm1 =	vge.f32 v13, $0.0e+00;
	(erf) = vpow2.f32 v6  }
0xe8: {  	v6 =	vsel vm1, v13, v8;
	v8 =	vsel vm0, v10, v14;
	v10 =	vsel vm3, v11, v12  }
0xe9: {  	v4 =	vmul.f32 $1.442695020e+00, v4;
	v6 =	vsub.f32 v6, v3;
	v10 =	vsub.f32 v10, v3  }
0xea: {  	v5 =	vsel vm2, v5, v9;
	v8 =	vsub.f32 v8, v3;
	(erf) = vpow2.f32 v7  }
0xeb: {  	v5 =	vsub.f32 v5, v3;
	v9 =	vmul.f32 $1.442695020e+00, v6;
	v7 =	vmul.f32 $1.442695020e+00, v10  }
0xec: {  	(erf) = vpow2.f32 v4  }
0xed: {  	v8 =	vmul.f32 $1.442695020e+00, v8;
	(erf) = vpow2.f32 v9  }
0xee: {  	v5 =	vmul.f32 $1.442695020e+00, v5;
	v6 =	vpop (erf)  }
0xef: {  	(erf) = vpow2.f32 v8  }
0xf0: {  	[tilespmem:$0xA4B0] =	vst v6;
	v4 =	vpop (erf);
	(erf) = vpow2.f32 v5  }
0xf1: {  	(erf) = vpow2.f32 v7  }
0xf2: {  	[tilespmem:$0xA4D0] =	vst v4  }
0xf3: {  	v4 =	vpop (erf)  }
0xf4: {  	[tilespmem:$0xA490] =	vst v4  }
0xf5: {  	v4 =	vpop (erf)  }
0xf6: {  	[tilespmem:$0xA480] =	vst v4;
	v4 =	vpop (erf)  }
0xf7: {  	[tilespmem:$0xA4A0] =	vst v4  }
0xf8: {  	v4 =	vpop (erf)  }
0xf9: {  	[tilespmem:$0xA4C0] =	vst v4;
	v4 =	vpop (erf)  }
0xfa: {  	s22 =	sshra.s32 s16, $0x2;
	[tilespmem:$0xA4F0] =	vst v4;
	v4 =	vpop (erf)  }
0xfb: {  	s5 =	sadd.s32 $0x5100, s22;
	[tilespmem:$0xA4E0] =	vst v4  }
0xfc: {  	[tilespmem:s19], [sflag:$0x1] =	stream.indirect.gather [spmem:s2], $0x1, s5, s18, $0xb8;
	[tilespmem:$0xB910] =	vst v63  }
0xfd: {  	s5 =	sadd.s32 $0xA200, s22  }
0xfe: {  	[tilespmem:s20], [sflag:$0x2] =	stream.indirect.gather [spmem:s3], $0x1, s5, s18, $0xb8;
	[tilespmem:$0xB910] =	vst v63  }
0xff: {  	_ =	swait.ge [sflag:s26], $0x80  }
0x100: {  	[sflag:s26] =	ssyncset.done $0x0  }
0x101: {  	[sflag:s26] =	ssyncadd.s32 $0xFFFFFF80  }
0x102: {  	_ =	swait.ge [sflag:s28], $0x80  }
0x103: {  	[sflag:s28] =	ssyncset.done $0x0  }
0x104: {  	[sflag:s28] =	ssyncadd.s32 $0xFFFFFF80  }
0x105: {  	v4 =	vld [tilespmem:$0xA300]  }
.Ltmp3:
0x106: {  	v6 =	vld [tilespmem:$0xA320];
	(pc) =	sbr.rel @p2 .LBB2_7-.Ltmp3, $4  }
0x107: {  	v5 =	vld [tilespmem:$0xA310]  }
0x108: {  	v7 =	vld [tilespmem:$0xA400]  }
0x109: {  	v9 =	vld [tilespmem:$0xA420]  }
0x10a: {  	v8 =	vld [tilespmem:$0xA410]  }
0x10b: {  	v10 =	vld [tilespmem:$0xA460]  }
0x10c: {  	v11 =	vld [tilespmem:$0xA360]  }
0x10d: {  	v46 =	vld [tilespmem:$0xA450]  }
0x10e: {  	v47 =	vld [tilespmem:$0xA350]  }
0x10f: {  	v12 =	vld [tilespmem:$0xA440]  }
0x110: {  	v14 =	vld [tilespmem:$0xA340]  }
0x111: {  	v49 =	vld [tilespmem:$0xA430]  }
0x112: {  	v50 =	vld [tilespmem:$0xA330]  }
0x113: {  	v51 =	vld [tilespmem:$0xA370]  }
0x114: {  	v53 =	vld [tilespmem:$0xA470];
	v4 =	vadd.f32 v7, v4  }
0x115: {  	v6 =	vadd.f32 v9, v6  }
0x116: {  	v5 =	vadd.f32 v8, v5;
	v13 =	vmul.f32 $2.000000030e-01, v4;
	vm1 =	vge.f32 v4, $0.0e+00  }
0x117: {  	v48 =	vmul.f32 $2.000000030e-01, v6;
	v7 =	vadd.f32 v46, v47;
	v10 =	vadd.f32 v10, v11  }
0x118: {  	vm0 =	vge.f32 v6, $0.0e+00;
	v52 =	vadd.f32 v12, v14;
	v55 =	vadd.f32 v49, v50  }
0x119: {  	v58 =	vadd.f32 v53, v51;
	v15 =	vmul.f32 $2.000000030e-01, v5;
	v4 =	vsel vm1, v4, v13  }
0x11a: {  	vm10 =	vge.f32 v5, $0.0e+00;
	v6 =	vsel vm0, v6, v48;
	v4 =	vsub.f32 v4, v3  }
0x11b: {  	vm11 =	vge.f32 v7, $0.0e+00;
	v54 =	vmul.f32 $2.000000030e-01, v7;
	vm12 =	vge.f32 v52, $0.0e+00  }
0x11c: {  	v56 =	vmul.f32 $2.000000030e-01, v52;
	v6 =	vsub.f32 v6, v3;
	v5 =	vsel vm10, v5, v15  }
0x11d: {  	v57 =	vmul.f32 $2.000000030e-01, v55;
	vm13 =	vge.f32 v55, $0.0e+00;
	v5 =	vsub.f32 v5, v3  }
0x11e: {  	v59 =	vmul.f32 $2.000000030e-01, v10;
	vm14 =	vge.f32 v10, $0.0e+00;
	v6 =	vmul.f32 $1.442695020e+00, v6  }
0x11f: {  	v61 =	vmul.f32 $2.000000030e-01, v58;
	vm15 =	vge.f32 v58, $0.0e+00;
	v5 =	vmul.f32 $1.442695020e+00, v5  }
0x120: {  	v4 =	vmul.f32 $1.442695020e+00, v4;
	v7 =	vsel vm11, v7, v54;
	(erf) = vpow2.f32 v6  }
0x121: {  	v7 =	vsub.f32 v7, v3;
	(erf) = vpow2.f32 v5;
	v5 =	vsel vm12, v52, v56  }
0x122: {  	(erf) = vpow2.f32 v4;
	v4 =	vsel vm13, v55, v57;
	v5 =	vsub.f32 v5, v3  }
0x123: {  	v9 =	vsel vm14, v10, v59;
	v60 =	vmul.f32 $1.442695020e+00, v7;
	v4 =	vsub.f32 v4, v3  }
0x124: {  	v9 =	vsub.f32 v9, v3;
	v7 =	vsel vm15, v58, v61;
	v5 =	vmul.f32 $1.442695020e+00, v5  }
0x125: {  	(erf) = vpow2.f32 v60;
	v3 =	vsub.f32 v7, v3;
	v4 =	vmul.f32 $1.442695020e+00, v4  }
0x126: {  	v62 =	vmul.f32 $1.442695020e+00, v9;
	(erf) = vpow2.f32 v5  }
0x127: {  	v3 =	vmul.f32 $1.442695020e+00, v3;
	(erf) = vpow2.f32 v4  }
0x128: {  	(erf) = vpow2.f32 v62  }
0x129: {  	(erf) = vpow2.f32 v3;
	_ =	sdelay $0x1  }
0x12a: {  	v3 =	vpop (erf)  }
0x12b: {  	v63 =	vpop (erf);
	[tilespmem:$0xA520] =	vst v3  }
0x12c: {  	v3 =	vpop (erf);
	[tilespmem:$0xA510] =	vst v63  }
0x12d: {  	[tilespmem:$0xA500] =	vst v3;
	v3 =	vpop (erf)  }
0x12e: {  	[tilespmem:$0xA550] =	vst v3;
	v3 =	vpop (erf)  }
0x12f: {  	[tilespmem:$0xA540] =	vst v3;
	v3 =	vpop (erf)  }
0x130: {  	[tilespmem:$0xA530] =	vst v3;
	v3 =	vpop (erf)  }
0x131: {  	[tilespmem:$0xA560] =	vst v3;
	v3 =	vpop (erf)  }
0x132: {  	s1 =	sadd.s32 $0x5180, s22;
	[tilespmem:$0xA570] =	vst v3  }
0x133: {  	[tilespmem:s21], [sflag:$0x3] =	stream.indirect.gather [spmem:s2], $0x1, s1, s18, $0xb8;
	[tilespmem:$0xB910] =	vst v63  }
0x134: {  	s22 =	sadd.s32 $0xA280, s22  }
0x135: {  	[tilespmem:s23], [sflag:$0x4] =	stream.indirect.gather [spmem:s3], $0x1, s22, s18, $0xb8;
	[tilespmem:$0xB910] =	vst v63  }
0x136: {  	_ = 	snop  }
0x137: {  	[hbm4b:s31+s4] =	stream.linear.scatter [tilespmem:s29], [sflag:$0x5], $0x100, $0x38;
	[tilespmem:$0xB910] =	vst v63  }
0x138: {  	_ =	swait.ge [sflag:s14], $0x100  }
0x139: {  	[sflag:s14] =	ssyncset.done $0x0  }
0x13a: {  	[sflag:s14] =	ssyncadd.s32 $0xFFFFFF00  }
0x13b: {  	_ =	swait.ge [sflag:s24], $0x80  }
0x13c: {  	[sflag:s24] =	ssyncset.done $0x0  }
0x13d: {  	[sflag:s24] =	ssyncadd.s32 $0xFFFFFF80  }
0x13e: {  	_ =	swait.ge [sflag:s25], $0x80  }
0x13f: {  	[sflag:s25] =	ssyncset.done $0x0  }
0x140: {  	s30 =	sadd.s32 $0x1, s30;
	[sflag:s25] =	ssyncadd.s32 $0xFFFFFF80  }
0x141: {  	p2 =	sne.s32 s30, s10;
	_ =	swait.ge [sflag:s26], $0x80  }
.Ltmp4:
0x142: {  	[sflag:s26] =	ssyncset.done $0x0;
	(pc) =	sbr.rel @p2 .LBB2_1-.Ltmp4, $4  }
0x143: {  	[sflag:s26] =	ssyncadd.s32 $0xFFFFFF80  }
0x144: {  	_ =	swait.ge [sflag:s28], $0x80  }
0x145: {  	[sflag:s28] =	ssyncset.done $0x0  }
0x146: {  	[sflag:s28] =	ssyncadd.s32 $0xFFFFFF80  }
0x147: {  	_ =	sfence.sel $0x180000  }
0x148: {  	[bflag:$0x0] =	sbarrier.arrive $0xFFFF  }
0x149: {  	_ =	strace $0x90000047  }
0x14a: {  	s0 =	stileid.u32;
	[bflag:$0x2] =	sbarrier.arrive $0xFFFF  }
0x14b: {  	p0 =	sne.s32 s0, $0x0;
	s0 =	rddreg [dreg:$0x3]  }
0x14c: {  	s0 =	sadd.s32 @!p0 $0x100000, s0  }
0x14d: {  	[sflag:s0] =	ssyncadd.tile.s32 @!p0 $0x1;
	_ =	shalt  }
.Lfunc_end2:
_tile_overlayer_lowered:
.L_overlay_start_2:
0x14e: {  	(tag) =	ssettag $0x2  }
0x14f: {  	s0 =	rddreg [dreg:$0x0];
	s2 =	stileid.u32  }
0x150: {  	s1 =	rddreg [dreg:$0x1];
	p0 =	sne.s32 s2, $0x0  }
0x151: {  	s3 =	rddreg [dreg:$0x2];
	[bflag:$0x3] =	sbarrier.arrive $0xFFFF;
	s2 =	simm.s32 @!p0 $0x1C05  }
0x152: {  	[timem:s3], [sflag:s2] =	dma.local @!p0 [hbm:s0], s1  }
0x153: {  	s0 =	simm.s32 @!p0 $0x5  }
0x154: {  	_ =	swait.ge @!p0 [sflag:s0], s1  }
0x155: {  	s1 =	ssub.s32 @!p0 $0x0, s1;
	[sflag:s0] =	ssyncset.done @!p0 $0x0  }
0x156: {  	[sflag:s0] =	ssyncadd.s32 @!p0 s1  }
0x157: {  	[bflag:$0x3] =	sbarrier.arrive $0xFFFF  }
0x158: {  	_ =	shalt  }

// kernel: scatter_offload_async_start
scs
__scs_entry_jumppad:
0x0: {  	(pc) =	sbr.rel $0x88, $3  }
0x1: {  	(tag) =	ssettag $0x0;
	lr =	simm.s32 $0x1  }
0x2: {  	[smem:$0x3F97] =	sst lr;
	_ =	strace $0xD0000000  }
0x3: {  	_ = 	snop  }
0x4: {  	_ = 	snop  }
0x5: {  	_ = 	snop  }
0x6: {  	_ = 	snop  }
0x7: {  	_ = 	snop  }
__scs_overlays_trampoline_lowered:
0x8: {  	[smem:$0x3FA6] =	sst s0  }
0x9: {  	[smem:$0x3FA7] =	sst s1  }
0xa: {  	[smem:$0x3FA8] =	sst s2  }
0xb: {  	[smem:$0x3FA9] =	sst s3  }
0xc: {  	[smem:$0x3FAA] =	sst s4  }
0xd: {  	[smem:$0x3FAB] =	sst s5  }
0xe: {  	[smem:$0x3FAC] =	sst s6  }
0xf: {  	[smem:$0x3FAD] =	sst s7  }
0x10: {  	[smem:$0x3FAE] =	sst s8  }
0x11: {  	[smem:$0x3FAF] =	sst s9;
	s0 =	simm.s32 @!p0 $0x0  }
0x12: {  	s1 =	sld [smem:$0x3F95];
	s0 =	simm.s32 @p0 $0x1  }
0x13: {  	[smem:$0x3FB0] =	sst s0;
	s0 =	simm.s32 @!p1 $0x0  }
0x14: {  	s2 =	sld [smem:$0x3F94];
	s0 =	simm.s32 @p1 $0x1  }
0x15: {  	[smem:$0x3FB1] =	sst s0;
	s0 =	simm.s32 @!p2 $0x0  }
0x16: {  	s3 =	sld [smem:$0x3FDB];
	s0 =	simm.s32 @p2 $0x1  }
0x17: {  	s4 =	simm.s32 $0x1BF5;
	[smem:$0x3FB3] =	sst s0  }
0x18: {  	s0 =	sld [smem:$0x3F96];
	_ =	swait.ge [sflag:s4], $0x0  }
0x19: {  	s7 =	sld [smem:$0x3F97]  }
0x1a: {  	s8 =	sadd.s32 $0xFFFFE003, lr  }
0x1b: {  	s9 =	sadd.s32 $0xFFFFFEF7, lr;
	s5 =	simm.s32 $0xFFFFFFFF;
	p2 =	slt.u32 s8, $0xFFFFF086  }
0x1c: {  	p1 =	slt.u32 s9, $0xF7A;
	s5 =	simm.s32 @!p2 $0x0  }
0x1d: {  	s5 =	simm.s32 @p1 $0x1;
	p0 =	seq.s32 s7, s2  }
0x1e: {  	s7 =	smul.u32 @!p0 $0xF7A, s2;
	p2 =	seq.s32 @!p0 s5, $0x0  }
0x1f: {  	s9 =	smul.u32 $0xF7A, s1;
	s8 =	simm.s32 @!p0 $0x1BF5;
	p2 =	por !p2, p0  }
0x20: {  	[sflag:s8] =	ssyncset.s32 @!p0 $0xFFFFF086;
	s6 =	sadd.s32 @!p0 s3, s7;
	s7 =	simm.s32 @!p0 $0x108  }
0x21: {  	s3 =	sadd.s32 s3, s9;
	s6 =	sadd.s32 @!p0 $0x88, s6;
	s7 =	simm.s32 @p2 $0x1082  }
0x22: {  	[simem:s7], [sflag:s8] =	dma.local @!p0 [hbm:s6], $0xF7A  }
0x23: {  	s9 =	sor.u32 $0xD0000000, s2;
	s6 =	simm.s32 $0x108;
	_ =	swait.ge @!p0 [sflag:s8], $0x0  }
0x24: {  	s3 =	sadd.s32 $0x88, s3;
	s6 =	simm.s32 @!p1 $0x1082;
	[sflag:s4] =	ssyncset.s32 $0xFFFFF086  }
0x25: {  	[simem:s6], [sflag:s4] =	dma.local [hbm:s3], $0xF7A  }
0x26: {  	[smem:$0x3F97] =	sst s1;
	(tag) =	ssettag s2;
	_ =	strace s9  }
0x27: {  	s1 =	sld [smem:$0x3FA7]  }
0x28: {  	s2 =	sld [smem:$0x3FA8]  }
0x29: {  	s4 =	sld [smem:$0x3FAA]  }
0x2a: {  	p0 =	seq.s32 s5, $0x0;
	s5 =	sld [smem:$0x3FAB]  }
0x2b: {  	s6 =	sld [smem:$0x3FAC]  }
0x2c: {  	s7 =	sld [smem:$0x3FAD]  }
0x2d: {  	s3 =	simm.s32 $0x108;
	s8 =	sld [smem:$0x3FAE]  }
0x2e: {  	s3 =	simm.s32 @!p0 $0x1082;
	s9 =	sld [smem:$0x3FAF]  }
0x2f: {  	lr =	sadd.s32 s0, s3;
	s0 =	sld [smem:$0x3FA6]  }
0x30: {  	s3 =	sld [smem:$0x3FA9]  }
0x31: {  	[smem:$0x3FB2] =	sst s10  }
0x32: {  	s10 =	sld [smem:$0x3FB0];
	_ =	sdelay $0x3  }
0x33: {  	p0 =	seq.s32 s10, $0x1;
	s10 =	sld [smem:$0x3FB2];
	_ =	sdelay $0x3  }
0x34: {  	[smem:$0x3FB2] =	sst s10  }
0x35: {  	s10 =	sld [smem:$0x3FB1];
	_ =	sdelay $0x3  }
0x36: {  	p1 =	seq.s32 s10, $0x1;
	s10 =	sld [smem:$0x3FB2];
	_ =	sdelay $0x3  }
0x37: {  	[smem:$0x3FB2] =	sst s10  }
0x38: {  	s10 =	sld [smem:$0x3FB3]  }
0x39: {  	_ = 	snop;
	(pc) =	sbr.ind lr, $3  }
0x3a: {  	_ = 	snop  }
0x3b: {  	_ = 	snop  }
0x3c: {  	p2 =	seq.s32 s10, $0x1;
	s10 =	sld [smem:$0x3FB2]  }
0x3d: {  	_ =	shalt  }
0x3e: {  	_ =	shalt  }
0x3f: {  	_ =	shalt  }
0x40: {  	_ =	shalt  }
0x41: {  	_ =	shalt  }
0x42: {  	_ =	shalt  }
0x43: {  	_ =	shalt  }
0x44: {  	_ =	shalt  }
0x45: {  	_ =	shalt  }
0x46: {  	_ =	shalt  }
0x47: {  	_ =	shalt  }
0x48: {  	_ =	shalt  }
0x49: {  	_ =	shalt  }
0x4a: {  	_ =	shalt  }
0x4b: {  	_ =	shalt  }
0x4c: {  	_ =	shalt  }
0x4d: {  	_ =	shalt  }
0x4e: {  	_ =	shalt  }
0x4f: {  	_ =	shalt  }
0x50: {  	_ =	shalt  }
0x51: {  	_ =	shalt  }
0x52: {  	_ =	shalt  }
0x53: {  	_ =	shalt  }
0x54: {  	_ =	shalt  }
0x55: {  	_ =	shalt  }
0x56: {  	_ =	shalt  }
0x57: {  	_ =	shalt  }
0x58: {  	_ =	shalt  }
0x59: {  	_ =	shalt  }
0x5a: {  	_ =	shalt  }
0x5b: {  	_ =	shalt  }
0x5c: {  	_ =	shalt  }
0x5d: {  	_ =	shalt  }
0x5e: {  	_ =	shalt  }
0x5f: {  	_ =	shalt  }
0x60: {  	_ =	shalt  }
0x61: {  	_ =	shalt  }
0x62: {  	_ =	shalt  }
0x63: {  	_ =	shalt  }
0x64: {  	_ =	shalt  }
0x65: {  	_ =	shalt  }
0x66: {  	_ =	shalt  }
0x67: {  	_ =	shalt  }
0x68: {  	_ =	shalt  }
0x69: {  	_ =	shalt  }
0x6a: {  	_ =	shalt  }
0x6b: {  	_ =	shalt  }
0x6c: {  	_ =	shalt  }
0x6d: {  	_ =	shalt  }
0x6e: {  	_ =	shalt  }
0x6f: {  	_ =	shalt  }
0x70: {  	_ =	shalt  }
0x71: {  	_ =	shalt  }
0x72: {  	_ =	shalt  }
0x73: {  	_ =	shalt  }
0x74: {  	_ =	shalt  }
0x75: {  	_ =	shalt  }
0x76: {  	_ =	shalt  }
0x77: {  	_ =	shalt  }
0x78: {  	_ =	shalt  }
0x79: {  	_ =	shalt  }
0x7a: {  	_ =	shalt  }
0x7b: {  	_ =	shalt  }
0x7c: {  	_ =	shalt  }
0x7d: {  	_ =	shalt  }
0x7e: {  	_ =	shalt  }
0x7f: {  	_ =	shalt  }
0x80: {  	_ =	shalt  }
0x81: {  	_ =	shalt  }
0x82: {  	_ =	shalt  }
0x83: {  	_ =	shalt  }
0x84: {  	_ =	shalt  }
0x85: {  	_ =	shalt  }
0x86: {  	_ =	shalt  }
0x87: {  	_ =	shalt  }
.Lfunc_end0:
.L_simem_size_0:
called_computation_lowered:
.L_overlay_start_0:
0x88: {  	s2 =	sld [smem:$0x3FD9]  }
0x89: {  	s3 =	sld [smem:$0x3FFE];
	_ =	sdelay $0x1  }
0x8a: {  	s1 =	srdreg.scid  }
0x8b: {  	s0 =	sand.u32 $0x1, s1  }
0x8c: {  	s17 =	sshll.u32 s0, $0xA;
	s2 =	sadd.s32 s3, s2  }
0x8d: {  	s2 =	sadd.s32 s2, s17  }
0x8e: {  	[smem:$0x3FBE] =	sst s2  }
0x8f: {  	_ = 	snop  }
0x90: {  	(tm) =	ssettm $0x1  }
0x91: {  	s18 =	sld [smem:$0x3FFB];
	_ =	sdelay $0x3  }
0x92: {  	_ =	strace s18  }
0x93: {  	s2 =	sld [smem:$0x3FFC];
	_ =	sdelay $0x3  }
0x94: {  	_ =	strace s2  }
0x95: {  	s2 =	sld [smem:$0x3FFD];
	_ =	sdelay $0x3  }
0x96: {  	_ =	strace s2  }
0x97: {  	_ =	strace $0x8FFFFFFF  }
0x98: {  	s19 =	sld [smem:$0x3FDB];
	_ =	sdelay $0x1  }
0x99: {  	s20 =	simm.s32 $_scs_section_size  }
0x9a: {  	s4 =	simm.s32 $_size__tile_overlayer_lowered;
	s5 =	simm.s32 $_tile_overlayer_lowered  }
0x9b: {  	s6 =	simm.s32 $0x1BFF;
	s21 =	sshll.u32 s5, $0x1;
	s3 =	sadd.s32 s20, s19  }
0x9c: {  	s22 =	simm.s32 $0x0;
	s4 =	sshll.u32 s4, $0x1;
	s5 =	sadd.s32 s21, s3  }
0x9d: {  	[timem:s22], [sflag:s6] =	dma.local [hbm:s5], s4  }
0x9e: {  	_ =	swait.ge [sflag:s6], s4  }
0x9f: {  	s4 =	ssub.s32 $0x0, s4;
	[sflag:s6] =	ssyncset.done $0x0  }
0xa0: {  	[sflag:s6] =	ssyncadd.s32 s4;
	_ =	sdelay $0x1  }
0xa1: {  	s23 =	simm.s32 $0x1B8B  }
0xa2: {  	_ =	swait.ge [sflag:s23], $0x1  }
0xa3: {  	[sflag:s23] =	ssyncset.done $0x0  }
0xa4: {  	[sflag:s23] =	ssyncadd.s32 $0xFFFFFFFF  }
0xa5: {  	s4 =	sld [smem:$0x0]  }
0xa6: {  	s5 =	sand.u32 $0xFFFFFFFE, s1  }
0xa7: {  	p0 =	sne.s32 s1, s5  }
0xa8: {  	s5 =	sshll.u32 @p0 s5, $0xE  }
0xa9: {  	s5 =	sadd.s32 @p0 $0x11B8D, s5;
	s6 =	sshll.u32 @p0 s4, $0x11  }
0xaa: {  	s5 =	sor.u32 @p0 s6, s5  }
0xab: {  	[sflag:s5] =	ssyncadd.remote.s32 @p0 $0x1;
	_ =	sdelay $0x1  }
0xac: {  	s5 =	simm.s32 @p0 $0x1B8D  }
0xad: {  	_ =	swait.eq @p0 [sflag:s5], $0x1  }
0xae: {  	[sflag:s5] =	ssyncadd.s32 @p0 $0xFFFFFFFF  }
0xaf: {  	s6 =	sshll.u32 @!p0 s1, $0xE  }
0xb0: {  	s6 =	sor.u32 @!p0 $0x4000, s6;
	s5 =	simm.s32 @!p0 $0x1B8D  }
0xb1: {  	s7 =	sshll.u32 @!p0 s4, $0x11;
	s6 =	sadd.s32 @!p0 $0x11B8D, s6;
	_ =	swait.eq @!p0 [sflag:s5], $0x1  }
0xb2: {  	[sflag:s5] =	ssyncadd.s32 @!p0 $0xFFFFFFFF;
	s5 =	sor.u32 @!p0 s7, s6  }
0xb3: {  	s25 =	simm.s32 $0x1B8E;
	s24 =	sld [smem:$0x3FFE];
	[sflag:s5] =	ssyncadd.remote.s32 @!p0 $0x1  }
0xb4: {  	s26 =	simm.s32 $execute0_lowered;
	[smem:$0x3FD2] =	sst s25  }
0xb5: {  	s6 =	sshll.u32 s26, $0x1;
	_ =	strace $0x8000004F;
	[dreg:$0x1] =	wrdreg $0xFFFFFFFF  }
0xb6: {  	s28 =	simm.s32 $_size_execute0_lowered;
	s3 =	sadd.s32 s3, s6;
	[dreg:$0x0] =	wrdreg $0x0  }
0xb7: {  	s6 =	sshll.u32 s28, $0x1;
	[dreg:$0x2] =	wrdreg s3  }
0xb8: {  	[dreg:$0x3] =	wrdreg s6  }
0xb9: {  	[dreg:$0x4] =	wrdreg $0xC0  }
0xba: {  	_ =	task [dreg:s22], $0x5FFFF  }
0xbb: {  	[dreg:$0x1] =	wrdreg $0xFFFFFFFF  }
0xbc: {  	[dreg:$0x0] =	wrdreg $0x60  }
0xbd: {  	[dreg:$0x2] =	wrdreg s24  }
0xbe: {  	[dreg:$0x3] =	wrdreg s1  }
0xbf: {  	[dreg:$0x4] =	wrdreg s4  }
0xc0: {  	[dreg:$0x5] =	wrdreg $0xA  }
0xc1: {  	_ =	task.clear_ibuf [dreg:s22], $0x6FFFF;
	_ =	strace $0x9000004F  }
0xc2: {  	s29 =	simm.s32 $0xA;
	_ =	strace $0x80000051  }
0xc3: {  	_ =	swait.ge [sflag:s29], $0x1  }
0xc4: {  	[sflag:s29] =	ssyncadd.s32 $0xFFFFFFFF  }
0xc5: {  	_ =	strace $0x90000051  }
0xc6: {  	_ =	sfence  }
0xc7: {  	s30 =	sld [smem:$0x0];
	_ =	sdelay $0x2  }
0xc8: {  	s31 =	sshll.u32 s1, $0xD;
	s1 =	sshrl.u32 s1, $0x2  }
0xc9: {  	s4 =	sand.u32 $0x4000, s31;
	s1 =	sadd.s32 s1, s30  }
0xca: {  	s0 =	sor.u32 s4, s0;
	s1 =	sshll.u32 s1, $0x11  }
0xcb: {  	s0 =	sor.u32 s1, s0  }
0xcc: {  	s0 =	sadd.s32 $0x8F2B, s0  }
0xcd: {  	[sflag:s0] =	ssyncadd.remote.s32 $0x1  }
0xce: {  	_ =	sfence.sel $0xFFFF  }
0xcf: {  	[dreg:$0x0] =	wrdreg $0xFFFFFFFF;
	(pc) =	sbr.abs _section_cstart, $3  }
0xd0: {  	[dreg:$0x1] =	wrdreg $0xFFFFFFFF  }
0xd1: {  	_ =	task.clear_ibuf [dreg:s22], $0x2FFFF;
	_ =	strace $0x9FFFFFFF  }
0xd2: {  	(tm) =	ssettm $0x7FFFFFFF  }
0xd3: {  	_ =	shalt  }
tec
execute0_lowered:
.L_overlay_start_1:
0x0: {  	(tag) =	ssettag $0x1  }
0x1: {  	s11 =	rddreg [dreg:$0x0]  }
0x2: {  	s2 =	rddreg [dreg:$0x1];
	_ =	strace $0x80000050;
	s12 =	simm.s32 $0x1  }
0x3: {  	v0 =	vimm.s32 $0x0;
	[sflag:s12] =	ssyncpa.u1 $0x0  }
0x4: {  	[tilespmem:$0x28] =	vst v0  }
0x5: {  	[tilespmem:$0x38] =	vst v0  }
0x6: {  	[tilespmem:$0x48] =	vst v0  }
0x7: {  	[tilespmem:$0x58] =	vst v0  }
0x8: {  	[tilespmem:$0x68] =	vst v0  }
0x9: {  	[tilespmem:$0x78] =	vst v0  }
0xa: {  	[tilespmem:$0x88] =	vst v0  }
0xb: {  	[tilespmem:$0x98] =	vst v0  }
0xc: {  	[tilespmem:$0xA8] =	vst v0  }
0xd: {  	[tilespmem:$0xB8] =	vst v0  }
0xe: {  	[tilespmem:$0xC8] =	vst v0  }
0xf: {  	[tilespmem:$0xD8] =	vst v0  }
0x10: {  	[tilespmem:$0xE8] =	vst v0  }
0x11: {  	[tilespmem:$0xF8] =	vst v0  }
0x12: {  	[tilespmem:$0x108] =	vst v0  }
0x13: {  	[tilespmem:$0x118] =	vst v0  }
0x14: {  	[tilespmem:$0x128] =	vst v0  }
0x15: {  	[tilespmem:$0x138] =	vst v0  }
0x16: {  	[tilespmem:$0x148] =	vst v0  }
0x17: {  	[tilespmem:$0x158] =	vst v0  }
0x18: {  	[tilespmem:$0x168] =	vst v0  }
0x19: {  	[tilespmem:$0x178] =	vst v0  }
0x1a: {  	[tilespmem:$0x188] =	vst v0  }
0x1b: {  	[tilespmem:$0x198] =	vst v0  }
0x1c: {  	[tilespmem:$0x1A8] =	vst v0  }
0x1d: {  	[tilespmem:$0x1B8] =	vst v0  }
0x1e: {  	[tilespmem:$0x1C8] =	vst v0  }
0x1f: {  	[tilespmem:$0x1D8] =	vst v0  }
0x20: {  	[tilespmem:$0x1E8] =	vst v0  }
0x21: {  	[tilespmem:$0x1F8] =	vst v0  }
0x22: {  	[tilespmem:$0x208] =	vst v0  }
0x23: {  	[tilespmem:$0x218] =	vst v0  }
0x24: {  	[tilespmem:$0x228] =	vst v0  }
0x25: {  	[tilespmem:$0x238] =	vst v0  }
0x26: {  	[tilespmem:$0x248] =	vst v0  }
0x27: {  	[tilespmem:$0x258] =	vst v0  }
0x28: {  	[tilespmem:$0x268] =	vst v0  }
0x29: {  	[tilespmem:$0x278] =	vst v0  }
0x2a: {  	[tilespmem:$0x288] =	vst v0  }
0x2b: {  	[tilespmem:$0x298] =	vst v0  }
0x2c: {  	[tilespmem:$0x2A8] =	vst v0  }
0x2d: {  	[tilespmem:$0x2B8] =	vst v0  }
0x2e: {  	[tilespmem:$0x2C8] =	vst v0  }
0x2f: {  	[tilespmem:$0x2D8] =	vst v0  }
0x30: {  	[tilespmem:$0x2E8] =	vst v0  }
0x31: {  	[tilespmem:$0x2F8] =	vst v0  }
0x32: {  	[tilespmem:$0x308] =	vst v0  }
0x33: {  	[tilespmem:$0x318] =	vst v0  }
0x34: {  	[tilespmem:$0x328] =	vst v0  }
0x35: {  	[tilespmem:$0x338] =	vst v0  }
0x36: {  	[tilespmem:$0x348] =	vst v0  }
0x37: {  	[tilespmem:$0x358] =	vst v0  }
0x38: {  	[tilespmem:$0x368] =	vst v0  }
0x39: {  	[tilespmem:$0x378] =	vst v0  }
0x3a: {  	[tilespmem:$0x388] =	vst v0  }
0x3b: {  	[tilespmem:$0x398] =	vst v0  }
0x3c: {  	[tilespmem:$0x3A8] =	vst v0  }
0x3d: {  	[tilespmem:$0x3B8] =	vst v0  }
0x3e: {  	[tilespmem:$0x3C8] =	vst v0  }
0x3f: {  	[tilespmem:$0x3D8] =	vst v0  }
0x40: {  	[tilespmem:$0x3E8] =	vst v0  }
0x41: {  	[tilespmem:$0x3F8] =	vst v0  }
0x42: {  	[tilespmem:$0x408] =	vst v0  }
0x43: {  	[tilespmem:$0x418] =	vst v0  }
0x44: {  	[tilespmem:$0x428] =	vst v0  }
0x45: {  	[tilespmem:$0x438] =	vst v0  }
0x46: {  	[tilespmem:$0x448] =	vst v0  }
0x47: {  	[tilespmem:$0x458] =	vst v0  }
0x48: {  	[tilespmem:$0x468] =	vst v0  }
0x49: {  	[tilespmem:$0x478] =	vst v0  }
0x4a: {  	[tilespmem:$0x488] =	vst v0  }
0x4b: {  	[tilespmem:$0x498] =	vst v0  }
0x4c: {  	[tilespmem:$0x4A8] =	vst v0  }
0x4d: {  	[tilespmem:$0x4B8] =	vst v0  }
0x4e: {  	[tilespmem:$0x4C8] =	vst v0  }
0x4f: {  	[tilespmem:$0x4D8] =	vst v0  }
0x50: {  	[tilespmem:$0x4E8] =	vst v0  }
0x51: {  	[tilespmem:$0x4F8] =	vst v0  }
0x52: {  	[tilespmem:$0x508] =	vst v0  }
0x53: {  	[tilespmem:$0x518] =	vst v0  }
0x54: {  	[tilespmem:$0x528] =	vst v0  }
0x55: {  	[tilespmem:$0x538] =	vst v0  }
0x56: {  	[tilespmem:$0x548] =	vst v0  }
0x57: {  	[tilespmem:$0x558] =	vst v0  }
0x58: {  	[tilespmem:$0x568] =	vst v0  }
0x59: {  	[tilespmem:$0x578] =	vst v0  }
0x5a: {  	[tilespmem:$0x588] =	vst v0  }
0x5b: {  	[tilespmem:$0x598] =	vst v0  }
0x5c: {  	[tilespmem:$0x5A8] =	vst v0  }
0x5d: {  	[tilespmem:$0x5B8] =	vst v0  }
0x5e: {  	[tilespmem:$0x5C8] =	vst v0  }
0x5f: {  	[tilespmem:$0x5D8] =	vst v0  }
0x60: {  	[tilespmem:$0x5E8] =	vst v0  }
0x61: {  	[tilespmem:$0x5F8] =	vst v0  }
0x62: {  	[tilespmem:$0x608] =	vst v0  }
0x63: {  	[tilespmem:$0x618] =	vst v0  }
0x64: {  	[tilespmem:$0x628] =	vst v0  }
0x65: {  	[tilespmem:$0x638] =	vst v0  }
0x66: {  	[tilespmem:$0x648] =	vst v0  }
0x67: {  	[tilespmem:$0x658] =	vst v0  }
0x68: {  	[tilespmem:$0x668] =	vst v0  }
0x69: {  	[tilespmem:$0x678] =	vst v0  }
0x6a: {  	[tilespmem:$0x688] =	vst v0  }
0x6b: {  	[tilespmem:$0x698] =	vst v0  }
0x6c: {  	[tilespmem:$0x6A8] =	vst v0  }
0x6d: {  	[tilespmem:$0x6B8] =	vst v0  }
0x6e: {  	[tilespmem:$0x6C8] =	vst v0  }
0x6f: {  	[tilespmem:$0x6D8] =	vst v0  }
0x70: {  	[tilespmem:$0x6E8] =	vst v0  }
0x71: {  	[tilespmem:$0x6F8] =	vst v0  }
0x72: {  	[tilespmem:$0x708] =	vst v0  }
0x73: {  	[tilespmem:$0x718] =	vst v0  }
0x74: {  	[tilespmem:$0x728] =	vst v0  }
0x75: {  	[tilespmem:$0x738] =	vst v0  }
0x76: {  	[tilespmem:$0x748] =	vst v0  }
0x77: {  	[tilespmem:$0x758] =	vst v0  }
0x78: {  	[tilespmem:$0x768] =	vst v0  }
0x79: {  	[tilespmem:$0x778] =	vst v0  }
0x7a: {  	[tilespmem:$0x788] =	vst v0  }
0x7b: {  	[tilespmem:$0x798] =	vst v0  }
0x7c: {  	[tilespmem:$0x7A8] =	vst v0  }
0x7d: {  	[tilespmem:$0x7B8] =	vst v0  }
0x7e: {  	[tilespmem:$0x7C8] =	vst v0  }
0x7f: {  	[tilespmem:$0x7D8] =	vst v0  }
0x80: {  	[tilespmem:$0x7E8] =	vst v0  }
0x81: {  	[tilespmem:$0x7F8] =	vst v0  }
0x82: {  	[tilespmem:$0x808] =	vst v0  }
0x83: {  	[tilespmem:$0x818] =	vst v0  }
0x84: {  	[tilespmem:$0x828] =	vst v0  }
0x85: {  	[tilespmem:$0x838] =	vst v0  }
0x86: {  	[tilespmem:$0x848] =	vst v0  }
0x87: {  	[tilespmem:$0x858] =	vst v0  }
0x88: {  	[tilespmem:$0x868] =	vst v0  }
0x89: {  	[tilespmem:$0x878] =	vst v0  }
0x8a: {  	[tilespmem:$0x888] =	vst v0  }
0x8b: {  	[tilespmem:$0x898] =	vst v0  }
0x8c: {  	[tilespmem:$0x8A8] =	vst v0  }
0x8d: {  	[tilespmem:$0x8B8] =	vst v0  }
0x8e: {  	[tilespmem:$0x8C8] =	vst v0  }
0x8f: {  	[tilespmem:$0x8D8] =	vst v0  }
0x90: {  	[tilespmem:$0x8E8] =	vst v0  }
0x91: {  	[tilespmem:$0x8F8] =	vst v0  }
0x92: {  	[tilespmem:$0x908] =	vst v0  }
0x93: {  	[tilespmem:$0x918] =	vst v0  }
0x94: {  	[tilespmem:$0x928] =	vst v0  }
0x95: {  	[tilespmem:$0x938] =	vst v0  }
0x96: {  	[tilespmem:$0x948] =	vst v0  }
0x97: {  	[tilespmem:$0x958] =	vst v0  }
0x98: {  	[tilespmem:$0x968] =	vst v0  }
0x99: {  	[tilespmem:$0x978] =	vst v0  }
0x9a: {  	[tilespmem:$0x988] =	vst v0  }
0x9b: {  	[tilespmem:$0x998] =	vst v0  }
0x9c: {  	[tilespmem:$0x9A8] =	vst v0  }
0x9d: {  	[tilespmem:$0x9B8] =	vst v0  }
0x9e: {  	[tilespmem:$0x9C8] =	vst v0  }
0x9f: {  	[tilespmem:$0x9D8] =	vst v0  }
0xa0: {  	[tilespmem:$0x9E8] =	vst v0  }
0xa1: {  	[tilespmem:$0x9F8] =	vst v0  }
0xa2: {  	[tilespmem:$0xA08] =	vst v0  }
0xa3: {  	[tilespmem:$0xA18] =	vst v0  }
0xa4: {  	[tilespmem:$0xA28] =	vst v0  }
0xa5: {  	[tilespmem:$0xA38] =	vst v0  }
0xa6: {  	[tilespmem:$0xA48] =	vst v0  }
0xa7: {  	[tilespmem:$0xA58] =	vst v0  }
0xa8: {  	[tilespmem:$0xA68] =	vst v0  }
0xa9: {  	[tilespmem:$0xA78] =	vst v0  }
0xaa: {  	[tilespmem:$0xA88] =	vst v0  }
0xab: {  	[tilespmem:$0xA98] =	vst v0  }
0xac: {  	[tilespmem:$0xAA8] =	vst v0  }
0xad: {  	[tilespmem:$0xAB8] =	vst v0  }
0xae: {  	[tilespmem:$0xAC8] =	vst v0  }
0xaf: {  	[tilespmem:$0xAD8] =	vst v0  }
0xb0: {  	[tilespmem:$0xAE8] =	vst v0  }
0xb1: {  	[tilespmem:$0xAF8] =	vst v0  }
0xb2: {  	[tilespmem:$0xB08] =	vst v0  }
0xb3: {  	[tilespmem:$0xB18] =	vst v0  }
0xb4: {  	[tilespmem:$0xB28] =	vst v0  }
0xb5: {  	[tilespmem:$0xB38] =	vst v0  }
0xb6: {  	[tilespmem:$0xB48] =	vst v0  }
0xb7: {  	[tilespmem:$0xB58] =	vst v0  }
0xb8: {  	[tilespmem:$0xB68] =	vst v0  }
0xb9: {  	[tilespmem:$0xB78] =	vst v0  }
0xba: {  	[tilespmem:$0xB88] =	vst v0  }
0xbb: {  	[tilespmem:$0xB98] =	vst v0  }
0xbc: {  	[tilespmem:$0xBA8] =	vst v0  }
0xbd: {  	[tilespmem:$0xBB8] =	vst v0  }
0xbe: {  	[tilespmem:$0xBC8] =	vst v0  }
0xbf: {  	[tilespmem:$0xBD8] =	vst v0  }
0xc0: {  	[tilespmem:$0xBE8] =	vst v0  }
0xc1: {  	[tilespmem:$0xBF8] =	vst v0  }
0xc2: {  	[tilespmem:$0xC08] =	vst v0  }
0xc3: {  	[tilespmem:$0xC18] =	vst v0  }
0xc4: {  	[tilespmem:$0xC28] =	vst v0  }
0xc5: {  	[tilespmem:$0xC38] =	vst v0  }
0xc6: {  	[tilespmem:$0xC48] =	vst v0  }
0xc7: {  	[tilespmem:$0xC58] =	vst v0  }
0xc8: {  	[tilespmem:$0xC68] =	vst v0  }
0xc9: {  	[tilespmem:$0xC78] =	vst v0  }
0xca: {  	[tilespmem:$0xC88] =	vst v0  }
0xcb: {  	[tilespmem:$0xC98] =	vst v0  }
0xcc: {  	[tilespmem:$0xCA8] =	vst v0  }
0xcd: {  	[tilespmem:$0xCB8] =	vst v0  }
0xce: {  	[tilespmem:$0xCC8] =	vst v0  }
0xcf: {  	[tilespmem:$0xCD8] =	vst v0  }
0xd0: {  	[tilespmem:$0xCE8] =	vst v0  }
0xd1: {  	[tilespmem:$0xCF8] =	vst v0  }
0xd2: {  	[tilespmem:$0xD08] =	vst v0  }
0xd3: {  	[tilespmem:$0xD18] =	vst v0  }
0xd4: {  	[tilespmem:$0xD28] =	vst v0  }
0xd5: {  	[tilespmem:$0xD38] =	vst v0  }
0xd6: {  	[tilespmem:$0xD48] =	vst v0  }
0xd7: {  	[tilespmem:$0xD58] =	vst v0  }
0xd8: {  	[tilespmem:$0xD68] =	vst v0  }
0xd9: {  	[tilespmem:$0xD78] =	vst v0  }
0xda: {  	[tilespmem:$0xD88] =	vst v0  }
0xdb: {  	[tilespmem:$0xD98] =	vst v0  }
0xdc: {  	[tilespmem:$0xDA8] =	vst v0  }
0xdd: {  	[tilespmem:$0xDB8] =	vst v0  }
0xde: {  	[tilespmem:$0xDC8] =	vst v0  }
0xdf: {  	[tilespmem:$0xDD8] =	vst v0  }
0xe0: {  	[tilespmem:$0xDE8] =	vst v0  }
0xe1: {  	[tilespmem:$0xDF8] =	vst v0  }
0xe2: {  	[tilespmem:$0xE08] =	vst v0  }
0xe3: {  	[tilespmem:$0xE18] =	vst v0  }
0xe4: {  	[tilespmem:$0xE28] =	vst v0  }
0xe5: {  	[tilespmem:$0xE38] =	vst v0  }
0xe6: {  	[tilespmem:$0xE48] =	vst v0  }
0xe7: {  	[tilespmem:$0xE58] =	vst v0  }
0xe8: {  	[tilespmem:$0xE68] =	vst v0  }
0xe9: {  	[tilespmem:$0xE78] =	vst v0  }
0xea: {  	[tilespmem:$0xE88] =	vst v0  }
0xeb: {  	[tilespmem:$0xE98] =	vst v0  }
0xec: {  	[tilespmem:$0xEA8] =	vst v0  }
0xed: {  	[tilespmem:$0xEB8] =	vst v0  }
0xee: {  	[tilespmem:$0xEC8] =	vst v0  }
0xef: {  	[tilespmem:$0xED8] =	vst v0  }
0xf0: {  	[tilespmem:$0xEE8] =	vst v0  }
0xf1: {  	[tilespmem:$0xEF8] =	vst v0  }
0xf2: {  	[tilespmem:$0xF08] =	vst v0  }
0xf3: {  	[tilespmem:$0xF18] =	vst v0  }
0xf4: {  	[tilespmem:$0xF28] =	vst v0  }
0xf5: {  	[tilespmem:$0xF38] =	vst v0  }
0xf6: {  	[tilespmem:$0xF48] =	vst v0  }
0xf7: {  	[tilespmem:$0xF58] =	vst v0  }
0xf8: {  	[tilespmem:$0xF68] =	vst v0  }
0xf9: {  	[tilespmem:$0xF78] =	vst v0  }
0xfa: {  	[tilespmem:$0xF88] =	vst v0  }
0xfb: {  	[tilespmem:$0xF98] =	vst v0  }
0xfc: {  	[tilespmem:$0xFA8] =	vst v0  }
0xfd: {  	[tilespmem:$0xFB8] =	vst v0  }
0xfe: {  	[tilespmem:$0xFC8] =	vst v0  }
0xff: {  	[tilespmem:$0xFD8] =	vst v0  }
0x100: {  	[tilespmem:$0xFE8] =	vst v0  }
0x101: {  	[tilespmem:$0xFF8] =	vst v0  }
0x102: {  	[tilespmem:$0x1028] =	vst v0  }
0x103: {  	[tilespmem:$0x10E8] =	vst v0  }
0x104: {  	[tilespmem:$0x1068] =	vst v0  }
0x105: {  	[tilespmem:$0x1B28] =	vst v0  }
0x106: {  	[tilespmem:$0x1B18] =	vst v0  }
0x107: {  	[tilespmem:$0x1B08] =	vst v0  }
0x108: {  	[tilespmem:$0x1AF8] =	vst v0  }
0x109: {  	[tilespmem:$0x1AE8] =	vst v0  }
0x10a: {  	[tilespmem:$0x1AD8] =	vst v0  }
0x10b: {  	[tilespmem:$0x1AC8] =	vst v0  }
0x10c: {  	[tilespmem:$0x1AB8] =	vst v0  }
0x10d: {  	[tilespmem:$0x1AA8] =	vst v0  }
0x10e: {  	[tilespmem:$0x1A98] =	vst v0  }
0x10f: {  	[tilespmem:$0x1A88] =	vst v0  }
0x110: {  	[tilespmem:$0x1A78] =	vst v0  }
0x111: {  	[tilespmem:$0x1A68] =	vst v0  }
0x112: {  	[tilespmem:$0x1A58] =	vst v0  }
0x113: {  	[tilespmem:$0x1A48] =	vst v0  }
0x114: {  	[tilespmem:$0x1A38] =	vst v0  }
0x115: {  	[tilespmem:$0x1A28] =	vst v0  }
0x116: {  	[tilespmem:$0x1A18] =	vst v0  }
0x117: {  	[tilespmem:$0x1A08] =	vst v0  }
0x118: {  	[tilespmem:$0x19F8] =	vst v0  }
0x119: {  	[tilespmem:$0x19E8] =	vst v0  }
0x11a: {  	[tilespmem:$0x19D8] =	vst v0  }
0x11b: {  	[tilespmem:$0x19C8] =	vst v0  }
0x11c: {  	[tilespmem:$0x19B8] =	vst v0  }
0x11d: {  	[tilespmem:$0x19A8] =	vst v0  }
0x11e: {  	[tilespmem:$0x1998] =	vst v0  }
0x11f: {  	[tilespmem:$0x1988] =	vst v0  }
0x120: {  	[tilespmem:$0x1978] =	vst v0  }
0x121: {  	[tilespmem:$0x1968] =	vst v0  }
0x122: {  	[tilespmem:$0x1958] =	vst v0  }
0x123: {  	[tilespmem:$0x1948] =	vst v0  }
0x124: {  	[tilespmem:$0x1938] =	vst v0  }
0x125: {  	[tilespmem:$0x1928] =	vst v0  }
0x126: {  	[tilespmem:$0x1918] =	vst v0  }
0x127: {  	[tilespmem:$0x1908] =	vst v0  }
0x128: {  	[tilespmem:$0x18F8] =	vst v0  }
0x129: {  	[tilespmem:$0x18E8] =	vst v0  }
0x12a: {  	[tilespmem:$0x18D8] =	vst v0  }
0x12b: {  	[tilespmem:$0x18C8] =	vst v0  }
0x12c: {  	[tilespmem:$0x18B8] =	vst v0  }
0x12d: {  	[tilespmem:$0x18A8] =	vst v0  }
0x12e: {  	[tilespmem:$0x1898] =	vst v0  }
0x12f: {  	[tilespmem:$0x1888] =	vst v0  }
0x130: {  	[tilespmem:$0x1878] =	vst v0  }
0x131: {  	[tilespmem:$0x1868] =	vst v0  }
0x132: {  	[tilespmem:$0x1858] =	vst v0  }
0x133: {  	[tilespmem:$0x1848] =	vst v0  }
0x134: {  	[tilespmem:$0x1838] =	vst v0  }
0x135: {  	[tilespmem:$0x1828] =	vst v0  }
0x136: {  	[tilespmem:$0x1818] =	vst v0  }
0x137: {  	[tilespmem:$0x1808] =	vst v0  }
0x138: {  	[tilespmem:$0x17F8] =	vst v0  }
0x139: {  	[tilespmem:$0x17E8] =	vst v0  }
0x13a: {  	[tilespmem:$0x17D8] =	vst v0  }
0x13b: {  	[tilespmem:$0x17C8] =	vst v0  }
0x13c: {  	[tilespmem:$0x17B8] =	vst v0  }
0x13d: {  	[tilespmem:$0x17A8] =	vst v0  }
0x13e: {  	[tilespmem:$0x1798] =	vst v0  }
0x13f: {  	[tilespmem:$0x1788] =	vst v0  }
0x140: {  	[tilespmem:$0x1778] =	vst v0  }
0x141: {  	[tilespmem:$0x1768] =	vst v0  }
0x142: {  	[tilespmem:$0x1758] =	vst v0  }
0x143: {  	[tilespmem:$0x1748] =	vst v0  }
0x144: {  	[tilespmem:$0x1738] =	vst v0  }
0x145: {  	[tilespmem:$0x1728] =	vst v0  }
0x146: {  	[tilespmem:$0x1718] =	vst v0  }
0x147: {  	[tilespmem:$0x1708] =	vst v0  }
0x148: {  	[tilespmem:$0x16F8] =	vst v0  }
0x149: {  	[tilespmem:$0x16E8] =	vst v0  }
0x14a: {  	[tilespmem:$0x16D8] =	vst v0  }
0x14b: {  	[tilespmem:$0x16C8] =	vst v0  }
0x14c: {  	[tilespmem:$0x16B8] =	vst v0  }
0x14d: {  	[tilespmem:$0x16A8] =	vst v0  }
0x14e: {  	[tilespmem:$0x1698] =	vst v0  }
0x14f: {  	[tilespmem:$0x1688] =	vst v0  }
0x150: {  	[tilespmem:$0x1678] =	vst v0  }
0x151: {  	[tilespmem:$0x1668] =	vst v0  }
0x152: {  	[tilespmem:$0x1658] =	vst v0  }
0x153: {  	[tilespmem:$0x1648] =	vst v0  }
0x154: {  	[tilespmem:$0x1638] =	vst v0  }
0x155: {  	[tilespmem:$0x1628] =	vst v0  }
0x156: {  	[tilespmem:$0x1618] =	vst v0  }
0x157: {  	[tilespmem:$0x1608] =	vst v0  }
0x158: {  	[tilespmem:$0x15F8] =	vst v0  }
0x159: {  	[tilespmem:$0x15E8] =	vst v0  }
0x15a: {  	[tilespmem:$0x15D8] =	vst v0  }
0x15b: {  	[tilespmem:$0x15C8] =	vst v0  }
0x15c: {  	[tilespmem:$0x15B8] =	vst v0  }
0x15d: {  	[tilespmem:$0x15A8] =	vst v0  }
0x15e: {  	[tilespmem:$0x1598] =	vst v0  }
0x15f: {  	[tilespmem:$0x1588] =	vst v0  }
0x160: {  	[tilespmem:$0x1578] =	vst v0  }
0x161: {  	[tilespmem:$0x1568] =	vst v0  }
0x162: {  	[tilespmem:$0x1558] =	vst v0  }
0x163: {  	[tilespmem:$0x1548] =	vst v0  }
0x164: {  	[tilespmem:$0x1538] =	vst v0  }
0x165: {  	[tilespmem:$0x1528] =	vst v0  }
0x166: {  	[tilespmem:$0x1518] =	vst v0  }
0x167: {  	[tilespmem:$0x1508] =	vst v0  }
0x168: {  	[tilespmem:$0x14F8] =	vst v0  }
0x169: {  	[tilespmem:$0x14E8] =	vst v0  }
0x16a: {  	[tilespmem:$0x14D8] =	vst v0  }
0x16b: {  	[tilespmem:$0x14C8] =	vst v0  }
0x16c: {  	[tilespmem:$0x14B8] =	vst v0  }
0x16d: {  	[tilespmem:$0x14A8] =	vst v0  }
0x16e: {  	[tilespmem:$0x1498] =	vst v0  }
0x16f: {  	[tilespmem:$0x1488] =	vst v0  }
0x170: {  	[tilespmem:$0x1478] =	vst v0  }
0x171: {  	[tilespmem:$0x1468] =	vst v0  }
0x172: {  	[tilespmem:$0x1458] =	vst v0  }
0x173: {  	[tilespmem:$0x1448] =	vst v0  }
0x174: {  	[tilespmem:$0x1438] =	vst v0  }
0x175: {  	[tilespmem:$0x1428] =	vst v0  }
0x176: {  	[tilespmem:$0x1418] =	vst v0  }
0x177: {  	[tilespmem:$0x1408] =	vst v0  }
0x178: {  	[tilespmem:$0x13F8] =	vst v0  }
0x179: {  	[tilespmem:$0x13E8] =	vst v0  }
0x17a: {  	[tilespmem:$0x13D8] =	vst v0  }
0x17b: {  	[tilespmem:$0x13C8] =	vst v0  }
0x17c: {  	[tilespmem:$0x13B8] =	vst v0  }
0x17d: {  	[tilespmem:$0x13A8] =	vst v0  }
0x17e: {  	[tilespmem:$0x1398] =	vst v0  }
0x17f: {  	[tilespmem:$0x1388] =	vst v0  }
0x180: {  	[tilespmem:$0x1378] =	vst v0  }
0x181: {  	[tilespmem:$0x1368] =	vst v0  }
0x182: {  	[tilespmem:$0x1358] =	vst v0  }
0x183: {  	[tilespmem:$0x1348] =	vst v0  }
0x184: {  	[tilespmem:$0x1338] =	vst v0  }
0x185: {  	[tilespmem:$0x1328] =	vst v0  }
0x186: {  	[tilespmem:$0x1318] =	vst v0  }
0x187: {  	[tilespmem:$0x1308] =	vst v0  }
0x188: {  	[tilespmem:$0x12F8] =	vst v0  }
0x189: {  	[tilespmem:$0x12E8] =	vst v0  }
0x18a: {  	[tilespmem:$0x12D8] =	vst v0  }
0x18b: {  	[tilespmem:$0x12C8] =	vst v0  }
0x18c: {  	[tilespmem:$0x12B8] =	vst v0  }
0x18d: {  	[tilespmem:$0x12A8] =	vst v0  }
0x18e: {  	[tilespmem:$0x1298] =	vst v0  }
0x18f: {  	[tilespmem:$0x1288] =	vst v0  }
0x190: {  	[tilespmem:$0x1278] =	vst v0  }
0x191: {  	[tilespmem:$0x1268] =	vst v0  }
0x192: {  	[tilespmem:$0x1258] =	vst v0  }
0x193: {  	[tilespmem:$0x1248] =	vst v0  }
0x194: {  	[tilespmem:$0x1238] =	vst v0  }
0x195: {  	[tilespmem:$0x1228] =	vst v0  }
0x196: {  	[tilespmem:$0x1218] =	vst v0  }
0x197: {  	[tilespmem:$0x1208] =	vst v0  }
0x198: {  	[tilespmem:$0x11F8] =	vst v0  }
0x199: {  	[tilespmem:$0x11E8] =	vst v0  }
0x19a: {  	[tilespmem:$0x11D8] =	vst v0  }
0x19b: {  	[tilespmem:$0x11C8] =	vst v0  }
0x19c: {  	[tilespmem:$0x11B8] =	vst v0  }
0x19d: {  	[tilespmem:$0x11A8] =	vst v0  }
0x19e: {  	[tilespmem:$0x1198] =	vst v0  }
0x19f: {  	[tilespmem:$0x1188] =	vst v0  }
0x1a0: {  	[tilespmem:$0x1178] =	vst v0  }
0x1a1: {  	[tilespmem:$0x1168] =	vst v0  }
0x1a2: {  	[tilespmem:$0x1158] =	vst v0  }
0x1a3: {  	[tilespmem:$0x1148] =	vst v0  }
0x1a4: {  	[tilespmem:$0x1138] =	vst v0  }
0x1a5: {  	[tilespmem:$0x1128] =	vst v0  }
0x1a6: {  	[tilespmem:$0x1118] =	vst v0  }
0x1a7: {  	s4 =	stileid.u32;
	[tilespmem:$0x1108] =	vst v0  }
0x1a8: {  	s0 =	smul.u32 $0xB, s4;
	[tilespmem:$0x10F8] =	vst v0  }
0x1a9: {  	s1 =	smin.u32 s4, $0xA;
	[tilespmem:$0x10C8] =	vst v0  }
0x1aa: {  	[tilespmem:$0x10D8] =	vst v0;
	s0 =	sadd.s32 s1, s0  }
0x1ab: {  	p0 =	slt.u32 s4, $0xA;
	[tilespmem:$0x10B8] =	vst v0;
	s1 =	simm.s32 $0x1440;
	s6 =	smul.u32 $0x1B0, s0  }
0x1ac: {  	s1 =	simm.s32 @!p0 $0x1290;
	[tilespmem:$0x1038] =	vst v0  }
0x1ad: {  	[tilespmem:$0x10A8] =	vst v0;
	s0 =	sadd.s32 s1, s6  }
0x1ae: {  	s3 =	simm.s32 $0x2;
	s8 =	simm.s32 $0x9;
	[tilespmem:$0x1098] =	vst v0;
	s7 =	smin.u32 s0, $0x13880  }
0x1af: {  	s10 =	simm.s32 $0xA;
	s30 =	simm.s32 $0xB;
	[tilespmem:$0x1088] =	vst v0;
	s0 =	ssub.s32 s7, s6  }
0x1b0: {  	s16 =	simm.s32 $0x0;
	p4 =	por $0x0, $0x0;
	[tilespmem:$0x1078] =	vst v0;
	p0 =	sgt.s32 s0, $0x0  }
0x1b1: {  	s17 =	simm.s32 $0xC;
	s21 =	simm.s32 $0x0;
	[tilespmem:$0x1058] =	vst v0;
	s0 =	simm.s32 @!p0 $0x0  }
0x1b2: {  	s18 =	simm.s32 $0x0;
	s2 =	sand.u32 $0x1, s2;
	[tilespmem:$0x1048] =	vst v0;
	s29 =	smulhi.u32 $0x4BDA12F7, s0  }
0x1b3: {  	s20 =	simm.s32 $0x0;
	s31 =	sshll.u32 s4, $0x5;
	[tilespmem:$0x1018] =	vst v0;
	[dreg:$0x5] =	wrdreg s2  }
0x1b4: {  	s2 =	smul.u32 $0x2710, s2;
	[tilespmem:$0x1008] =	vst v0;
	[sflag:s3] =	ssyncpa.u1 $0x0;
	s1 =	sshrl.u32 s29, $0x7  }
0x1b5: {  	v0 =	vimm.s32 $0xFFFFFFFF;
	s3 =	sadd.s32 $0x3ECFE00, s11;
	[dreg:$0x4] =	wrdreg s31;
	s5 =	smul.u32 $0x1B0, s1  }
.Ltmp0:
0x1b6: {  	[tilespmem:$0x3648] =	vst v0;
	[sflag:s8] =	ssyncpa.u1 $0x0;
	s2 =	sadd.s32 s2, s11;
	(pc) =	sbr.rel .LBB2_1-.Ltmp0, $4  }
0x1b7: {  	[sflag:s10] =	ssyncpa.u1 $0x0;
	s11 =	sadd.s32 $0x1ADE00, s11;
	p0 =	sne.s32 s0, s5  }
0x1b8: {  	[sflag:s30] =	ssyncpa.u1 $0x0;
	s14 =	sadd.s32 $0x192600, s2;
	s12 =	simm.s32 @!p0 $0x0  }
0x1b9: {  	s15 =	sadd.s32 $0x18D600, s2;
	s19 =	smov.u32 s6;
	s12 =	sadd.s32 s12, s1  }
0x1ba: {  	v0 =	vlaneseq.u32;
	[dreg:$0x6] =	wrdreg s6;
	p0 =	por $0x1, $0x1;
	s4 =	sadd.s32 $0x1, s12  }
.LBB2_18:
0x1bb: {  	s0 =	simm.s32 $0x2  }
0x1bc: {  	_ =	swait.ge [sflag:s0], $0x0  }
0x1bd: {  	[sflag:s0] =	ssyncset.done $0x0;
	s0 =	simm.s32 $0x0  }
.LBB2_19:
0x1be: {  	_ =	swait.ge [sflag:s17], s0  }
0x1bf: {  	s31 =	ssub.s32 $0x0, s0;
	v1 =	vmov s23;
	vm0 =	veq.s32 v0, $0x0;
	[sflag:s17] =	ssyncset.done $0x0  }
0x1c0: {  	vm15 =	veq.s32 v0, $0x2;
	v1 =	vsel vm0, s28, v1;
	[sflag:s17] =	ssyncadd.s32 s31  }
0x1c1: {  	v1 =	vsel vm15, s21, v1;
	[sflag:s17] =	ssyncpa.u1 $0x1  }
0x1c2: {  	[tilespmem:$0x3648] =	vst v1  }
.LBB2_20:
0x1c3: {  	s0 =	sadd.s32 $0x1B0, s19  }
0x1c4: {  	s1 =	smov.u32 s6;
	p1 =	slt.s32 s0, s7  }
0x1c5: {  	s1 =	smov.u32 @p1 s0;
	p1 =	sne.s32 s20, s4  }
.Ltmp1:
0x1c6: {  	_ = 	snop;
	(pc) =	sbr.rel @!p1 .LBB2_21-.Ltmp1, $4  }
0x1c7: {  	_ = 	snop  }
0x1c8: {  	s21 =	smov.u32 s18  }
0x1c9: {  	s31 =	sadd.s32 $0x1, s20;
	s18 =	smov.u32 s19;
	p0 =	por !p0, !p0  }
0x1ca: {  	p4 =	por !p4, !p4;
	s20 =	smov.u32 s31;
	s19 =	smov.u32 s1  }
.LBB2_1:
0x1cb: {  	p2 =	sge.u32 s20, s12  }
0x1cc: {  	s0 =	smulhi.u32 @!p2 $0xAAAAAAAB, s20  }
0x1cd: {  	s1 =	smov.u32 s19;
	p3 =	sgt.s32 @!p2 s19, $0x136D0  }
0x1ce: {  	s2 =	sshra.s32 @!p2 s19, $0x1F;
	p3 =	por !p3, p2;
	s0 =	sshrl.u32 @!p2 s0, $0x1  }
0x1cf: {  	s2 =	sand.u32 @!p2 s2, s19;
	s1 =	simm.s32 @p3 $0x136D0;
	s0 =	smul.u32 @!p2 $0x3, s0  }
0x1d0: {  	s1 =	ssub.s32 @!p2 s1, s2  }
0x1d1: {  	s23 =	sadd.s32 $0xFFFFFFFF, s20;
	s1 =	sadd.s32 @!p2 $0xFFFEC930, s1;
	s0 =	ssub.s32 @!p2 s20, s0  }
0x1d2: {  	s2 =	sshll.u32 @!p2 s1, $0x2;
	p3 =	sgt.s32 @!p2 s1, $0x1AF;
	s0 =	smul.u32 @!p2 $0x6C0, s0  }
0x1d3: {  	s5 =	sand.u32 @!p2 $0x7, s19;
	s1 =	ssub.s32 @!p2 $0x6C0, s2;
	p3 =	por !p3, p2  }
0x1d4: {  	s2 =	sshrl.u32 @!p2 s19, $0x3;
	s1 =	sshrl.u32 @!p2 s1, $0x2;
	s0 =	sshrl.u32 @!p2 s0, $0x2  }
0x1d5: {  	s2 =	sadd.s32 @!p2 s2, s14;
	s1 =	simm.s32 @!p3 $0x0;
	s0 =	sadd.s32 @!p2 $0x3888, s0  }
0x1d6: {  	[tilespmem:s0], [sflag:$0xA] =	stream.linear.gather @!p2 [hbm4b:s2+s5], s1, $0x38;
	[tilespmem:$0x1F0F8] =	vst v63  }
0x1d7: {  	p2 =	sge.u32 s23, s12  }
0x1d8: {  	p3 =	sgt.s32 @!p2 s18, $0x136D0  }
0x1d9: {  	s0 =	smov.u32 s18;
	s1 =	sshra.s32 @!p2 s18, $0x1F;
	p3 =	por !p3, p2  }
0x1da: {  	s1 =	sand.u32 @!p2 s1, s18;
	s0 =	simm.s32 @p3 $0x136D0  }
0x1db: {  	s0 =	ssub.s32 @!p2 s0, s1  }
0x1dc: {  	s0 =	sadd.s32 @!p2 $0xFFFEC930, s0  }
0x1dd: {  	s1 =	sshll.u32 @!p2 s0, $0x2  }
0x1de: {  	p3 =	sgt.s32 @!p2 s0, $0x1AF;
	s0 =	ssub.s32 @!p2 $0x6C0, s1  }
0x1df: {  	s22 =	ssub.s32 @!p2 $0x13880, s18;
	p3 =	por !p3, p2;
	s0 =	sshrl.u32 @!p2 s0, $0x2  }
0x1e0: {  	s1 =	sand.u32 @!p2 $0x1, s23;
	s0 =	simm.s32 @!p3 $0x0;
	p3 =	slt.s32 @!p2 s22, $0x1  }
0x1e1: {  	s2 =	simm.s32 @!p2 $0xA;
	s1 =	smul.u32 @!p2 $0x6C0, s1;
	p3 =	por p2, p3  }
.Ltmp2:
0x1e2: {  	_ =	swait.ge @!p2 [sflag:s2], s0;
	(pc) =	sbr.rel @p3 .LBB2_7-.Ltmp2, $4  }
0x1e3: {  	s5 =	ssub.s32 @!p2 $0x0, s0;
	[sflag:s2] =	ssyncset.done @!p2 $0x0  }
0x1e4: {  	s1 =	sshrl.u32 @!p2 s1, $0x2;
	[sflag:s2] =	ssyncadd.s32 @!p2 s5;
	s2 =	sshrl.u32 @!p2 s18, $0x3  }
0x1e5: {  	s1 =	sadd.s32 @!p2 $0x3D98, s1;
	s5 =	sand.u32 @!p2 $0x7, s18;
	s2 =	sadd.s32 @!p2 s2, s15  }
0x1e6: {  	[tilespmem:s1], [sflag:$0xB] =	stream.linear.gather @!p2 [hbm4b:s2+s5], s0, $0x38;
	[tilespmem:$0x1F0F8] =	vst v63  }
0x1e7: {  	s0 =	smulhi.u32 $0xAAAAAAAB, s23;
	_ =	sdelay $0x1  }
0x1e8: {  	s0 =	sshrl.u32 s0, $0x1  }
0x1e9: {  	s0 =	smul.u32 $0x3, s0;
	_ =	sdelay $0x1  }
0x1ea: {  	s0 =	ssub.s32 s23, s0  }
0x1eb: {  	s1 =	simm.s32 $0x1;
	s0 =	smul.u32 $0x6C0, s0  }
.Ltmp3:
0x1ec: {  	s1 =	simm.s32 @!p0 $0x0;
	(pc) =	sbr.rel .LBB2_4-.Ltmp3, $4  }
0x1ed: {  	s1 =	smul.u32 $0x36000, s1  }
0x1ee: {  	p3 =	slt.s32 @!p2 s22, $0x1B0;
	s0 =	sshrl.u32 s0, $0x2  }
0x1ef: {  	p2 =	por !p3, p2;
	s1 =	sshrl.u32 s1, $0x2;
	s0 =	sadd.s32 $0x3888, s0  }
0x1f0: {  	s24 =	simm.s32 $0x0;
	s22 =	simm.s32 @p2 $0x1B0;
	s23 =	sadd.s32 $0x40F8, s1;
	v1 =	vmov s0  }
.LBB2_3:
0x1f1: {  	p2 =	sge.s32 s24, s22  }
.Ltmp4:
0x1f2: {  	_ = 	snop;
	(pc) =	sbr.rel @p2 .LBB2_7-.Ltmp4, $2  }
0x1f3: {  	_ =	sdelay $0x2  }
0x1f4: {  	s23 =	sadd.s32 $0x800, s23  }
.LBB2_4:
0x1f5: {  	p2 =	sle.s32 s22, s24  }
.Ltmp5:
0x1f6: {  	_ = 	snop;
	(pc) =	sbr.rel @p2 .LBB2_3-.Ltmp5, $2  }
0x1f7: {  	_ =	sdelay $0x2  }
0x1f8: {  	s0 =	smov.u32 s24;
	s24 =	sadd.s32 $0x10, s24  }
0x1f9: {  	s1 =	ssub.s32 s22, s0  }
0x1fa: {  	p2 =	slt.s32 s1, $0x10  }
0x1fb: {  	s1 =	simm.s32 @!p2 $0x10  }
0x1fc: {  	v2 =	vmov s1  }
0x1fd: {  	vm0 =	vgt.s32 v2, v0;
	_ =	sdelay $0x5  }
0x1fe: {  	v2 =	vld.idx.msk [tilespmem:v1+s0+$0x0 ss:$0x1], vm0;
	_ =	sdelay $0x2  }
0x1ff: {  	p2 =	slt.s32 s24, s22;
	s1 =	smov.u32 s22  }
0x200: {  	s2 =	smov.u32 s23;
	s25 =	simm.s32 $0x0;
	s1 =	smov.u32 @p2 s24  }
.LBB2_6:
0x201: {  	(v2sf) =	vpush v2, s25;
	_ =	sdelay $0xc  }
0x202: {  	s25 =	sadd.s32 $0x1, s25  }
0x203: {  	s31 =	sadd.s32 s25, s0  }
0x204: {  	p2 =	slt.s32 s31, s1;
	s5 =	spop (v2sf)  }
.Ltmp6:
0x205: {  	s5 =	sshll.u32 s5, $0x4;
	(pc) =	sbr.rel @p2 .LBB2_6-.Ltmp6, $4  }
0x206: {  	s5 =	sand.u32 $0x1FFFFFF0, s5  }
0x207: {  	s5 =	sadd.s32 s11, s5  }
0x208: {  	[tilespmem:s2], [sflag:$0x9] =	stream.linear.gather [hbm4b:s5+s16], $0x4, $0x38;
	[tilespmem:$0x1F0F8] =	vst v63  }
0x209: {  	s2 =	sadd.s32 $0x80, s2  }
.Ltmp7:
0x20a: {  	_ = 	snop;
	(pc) =	sbr.rel .LBB2_3-.Ltmp7, $1  }
0x20b: {  	_ =	sdelay $0x3  }
.LBB2_7:
0x20c: {  	p2 =	slt.u32 s20, $0x2  }
.Ltmp8:
0x20d: {  	_ = 	snop;
	(pc) =	sbr.rel @p2 .LBB2_20-.Ltmp8, $1  }
0x20e: {  	_ =	sdelay $0x3  }
0x20f: {  	p2 =	sgt.s32 s21, $0x136D0  }
0x210: {  	s0 =	smov.u32 s21;
	s1 =	sshra.s32 s21, $0x1F;
	s2 =	ssub.s32 $0x13880, s21  }
0x211: {  	s0 =	simm.s32 @!p2 $0x136D0;
	s1 =	sand.u32 s1, s21;
	p2 =	slt.s32 s2, $0x1B0  }
0x212: {  	s0 =	ssub.s32 s0, s1;
	s2 =	simm.s32 @!p2 $0x1B0  }
0x213: {  	s0 =	sadd.s32 $0xFFFEC930, s0;
	s24 =	sshll.u32 s2, $0x2  }
0x214: {  	s28 =	simm.s32 $0x9;
	s25 =	sshll.u32 s0, $0x2;
	s1 =	sand.u32 $0x3FFFFFFC, s24  }
0x215: {  	p2 =	sgt.s32 s0, $0x1AF;
	s26 =	ssub.s32 $0x6C0, s25;
	_ =	swait.ge [sflag:s28], s1  }
0x216: {  	s1 =	ssub.s32 $0x0, s1;
	[sflag:s28] =	ssyncset.done $0x0;
	s0 =	sshrl.u32 s26, $0x2  }
0x217: {  	s30 =	simm.s32 $0xB;
	[sflag:s28] =	ssyncadd.s32 s1;
	s0 =	simm.s32 @p2 $0x0  }
0x218: {  	_ =	swait.ge [sflag:s30], s0  }
0x219: {  	s0 =	ssub.s32 $0x0, s0;
	[sflag:s30] =	ssyncset.done $0x0  }
0x21a: {  	[sflag:s30] =	ssyncadd.s32 s0  }
0x21b: {  	v1 =	vld [tilespmem:$0x3648];
	_ =	sdelay $0x4  }
0x21c: {  	(v2sf) =	vpush v1, $0x0  }
0x21d: {  	(v2sf) =	vpush v1, $0x1  }
0x21e: {  	(v2sf) =	vpush v1, $0x2;
	_ =	sdelay $0x3  }
0x21f: {  	s0 =	sadd.s32 $0x1B0, s21  }
0x220: {  	s1 =	ssub.s32 $0x27100, s21;
	p2 =	slt.s32 s7, s0  }
0x221: {  	s0 =	smov.u32 @p2 s7;
	p2 =	sgt.s32 s1, $0x0  }
0x222: {  	s25 =	ssub.s32 s0, s21;
	s1 =	simm.s32 @!p2 $0x0  }
0x223: {  	p2 =	slt.s32 s1, s25  }
0x224: {  	s25 =	smov.u32 @p2 s1  }
0x225: {  	s24 =	simm.s32 $0x1;
	p2 =	slt.s32 s25, $0x1  }
.Ltmp9:
0x226: {  	s24 =	simm.s32 @!p4 $0x0;
	(pc) =	sbr.rel @p2 .LBB2_12-.Ltmp9, $4  }
0x227: {  	s31 =	smul.u32 $0x6C0, s24  }
0x228: {  	s26 =	spop (v2sf)  }
0x229: {  	s0 =	sshrl.u32 s31, $0x2;
	s29 =	spop (v2sf)  }
0x22a: {  	s22 =	sadd.s32 $0x3D98, s0;
	s21 =	spop (v2sf)  }
0x22b: {  	s0 =	smin.u32 s25, $0x10  }
0x22c: {  	v1 =	vmov s0  }
0x22d: {  	p3 =	sgt.s32 s25, $0x10;
	vm1 =	vgt.u32 v1, v0  }
.Ltmp10:
0x22e: {  	_ = 	snop;
	(pc) =	sbr.rel @!p3 .LBB2_11-.Ltmp10, $2  }
0x22f: {  	_ =	sdelay $0x2  }
0x230: {  	s23 =	simm.s32 $0x10;
	s28 =	sadd.s32 $0xFFFFFFF0, s25;
	s0 =	smov.u32 s22;
	vm0 =	vmmov vm1  }
.LBB2_10:
0x231: {  	s1 =	smin.u32 s28, $0x10;
	s23 =	sadd.s32 $0x10, s23;
	v1 =	vld.msk [tilespmem:s0+$0x0 ss:$0x1], vm1  }
0x232: {  	v2 =	vmov s1;
	p3 =	slt.s32 s23, s25  }
0x233: {  	vm1 =	vgt.u32 v2, v0  }
.Ltmp11:
0x234: {  	(pc) =	sbr.rel @p3 .LBB2_10-.Ltmp11, $3  }
0x235: {  	_ =	sdelay $0x1  }
0x236: {  	v1 =	vshll.u32 v1, $0x4  }
0x237: {  	s28 =	sadd.s32 $0xFFFFFFF0, s28;
	[tilespmem:s0+$0x0] =	vst.msk vm0, v1;
	s0 =	sadd.s32 $0x10, s0;
	vm0 =	vmmov vm1  }
.LBB2_11:
0x238: {  	_ =	sdelay $0x4  }
0x239: {  	v1 =	vld.msk [tilespmem:s0+$0x0 ss:$0x1], vm1;
	_ =	sdelay $0x4  }
0x23a: {  	v1 =	vshll.u32 v1, $0x4  }
0x23b: {  	[tilespmem:s0+$0x0] =	vst.msk vm0, v1  }
.LBB2_12:
0x23c: {  	s0 =	sand.u32 $0x1, s20  }
0x23d: {  	s0 =	smul.u32 $0x1B0, s0  }
0x23e: {  	p3 =	sne.s32 s29, $0xFFFFFFFF  }
0x23f: {  	v1 =	vld.msk @!p3 [tilespmem:s0+$0x3D98], $0x1;
	_ =	sdelay $0x4  }
0x240: {  	(v2sf) =	vpush @!p3 v1, $0x0;
	_ =	sdelay $0xc  }
.Ltmp12:
0x241: {  	_ = 	snop;
	(pc) =	sbr.rel @p2 .LBB2_18-.Ltmp12, $4  }
0x242: {  	_ = 	snop  }
0x243: {  	s28 =	spop @!p3 (v2sf)  }
0x244: {  	s21 =	simm.s32 @!p3 $0x0;
	s23 =	smov.u32 s28  }
0x245: {  	[sflag:s17] =	ssyncpa.u1 $0x0;
	s28 =	smov.u32 @p3 s26;
	s23 =	smov.u32 @p3 s29  }
0x246: {  	v1 =	vld.msk [tilespmem:s22+$0x0], $0x1;
	_ =	sdelay $0x4  }
0x247: {  	(v2sf) =	vpush v1, $0x0;
	_ =	sdelay $0xe  }
0x248: {  	s0 =	simm.s32 @!p4 $0x0;
	s26 =	smul.u32 $0x36000, s24;
	s31 =	spop (v2sf)  }
0x249: {  	s29 =	ssub.s32 $0x0, s25;
	s0 =	simm.s32 @p4 $0x1;
	p2 =	seq.s32 s28, s31  }
0x24a: {  	s1 =	smov.u32 s28;
	[smem:$0x7FD] =	sst s0;
	p3 =	sgt.s32 @!p2 s28, $0x0  }
0x24b: {  	s0 =	sshrl.u32 s26, $0x2;
	s26 =	sadd.s32 $0x1, s29;
	p3 =	por !p3, p2  }
0x24c: {  	s1 =	simm.s32 @p3 $0x0;
	p3 =	seq.s32 s26, $0x0  }
.Ltmp13:
0x24d: {  	_ = 	snop;
	(pc) =	sbr.rel @p3 .LBB2_15-.Ltmp13, $4  }
0x24e: {  	s6 =	smov.u32 s4;
	s25 =	simm.s32 $0x0  }
0x24f: {  	s24 =	sadd.s32 $0x40F8, s0;
	s0 =	simm.s32 @!p2 $0x1;
	s2 =	smin.u32 @!p2 s1, $0x270FF  }
0x250: {  	s30 =	sadd.s32 $0x1, s22;
	s0 =	smov.u32 @p2 s25;
	s5 =	sand.u32 @!p2 $0x3FFF8, s2  }
0x251: {  	s1 =	simm.s32 @!p2 $0x1B38;
	s2 =	sand.u32 @!p2 $0x7, s2;
	s5 =	sadd.s32 @!p2 s3, s5  }
.LBB2_14:
0x252: {  	s4 =	smov.u32 s0  }
0x253: {  	[tilespmem:s1], [sflag:$0x2] =	stream.linear.gather @!p2 [hbm4b:s5+s2], $0x4, $0x38;
	[tilespmem:$0x1F0F8] =	vst v63  }
0x254: {  	s26 =	sadd.s32 $0x1, s26;
	s2 =	smov.u32 s31;
	v1 =	vld.msk [tilespmem:s30+$0x0], $0x1  }
0x255: {  	p3 =	seq.s32 s26, $0x0;
	_ =	sdelay $0x3  }
0x256: {  	(v2sf) =	vpush v1, $0x0;
	_ =	sdelay $0xe  }
0x257: {  	s31 =	spop (v2sf)  }
0x258: {  	p2 =	seq.s32 s2, s31  }
0x259: {  	p4 =	sgt.s32 @!p2 s2, $0x0;
	s1 =	sshll.u32 @!p2 s0, $0x6;
	s0 =	sadd.s32 @!p2 $0x1, s0  }
.Ltmp14:
0x25a: {  	p4 =	por !p4, p2;
	s1 =	sshra.s32 @!p2 s1, $0x2;
	(pc) =	sbr.rel @!p3 .LBB2_14-.Ltmp14, $4  }
0x25b: {  	s0 =	smov.u32 @p2 s4;
	s2 =	simm.s32 @p4 $0x0;
	s1 =	sadd.s32 @!p2 $0x1B38, s1  }
0x25c: {  	s2 =	smin.u32 @!p2 s2, $0x270FF  }
0x25d: {  	s4 =	sand.u32 @!p2 $0x3FFF8, s2;
	s2 =	sand.u32 @!p2 $0x7, s2  }
0x25e: {  	s30 =	sadd.s32 $0x1, s30;
	s5 =	sadd.s32 @!p2 s3, s4  }
.LBB2_15:
0x25f: {  	[tilespmem:s1], [sflag:$0x2] =	stream.linear.gather @!p2 [hbm4b:s5+s2], $0x4, $0x38;
	[tilespmem:$0x1F0F8] =	vst v63  }
0x260: {  	s0 =	sshll.u32 s0, $0x2  }
0x261: {  	s31 =	simm.s32 $0x2;
	s0 =	sand.u32 $0x3FFFFFFC, s0  }
0x262: {  	_ =	swait.ge [sflag:s31], s0  }
0x263: {  	s0 =	ssub.s32 $0x0, s0;
	[sflag:s31] =	ssyncset.done $0x0  }
0x264: {  	[sflag:s31] =	ssyncadd.s32 s0  }
0x265: {  	v1 =	vld.msk [tilespmem:s22+$0x0], $0x1;
	_ =	sdelay $0x4  }
0x266: {  	(v2sf) =	vpush v1, $0x0;
	_ =	sdelay $0xe  }
0x267: {  	s26 =	spop (v2sf)  }
0x268: {  	p2 =	sne.s32 s28, s26  }
0x269: {  	p4 =	sne.s32 @p2 s28, s23  }
0x26a: {  	p3 =	por !p4, !p2  }
0x26b: {  	s0 =	simm.s32 @!p3 $0x0  }
0x26c: {  	v1 =	vld.msk @!p3 [tilespmem:s0+$0x1B38], $0xf  }
0x26d: {  	p5 =	sgt.u32 @!p3 s28, $0x270FF  }
0x26e: {  	s1 =	sshll.u32 @!p3 s21, $0x6;
	p6 =	por @p2 p5, !p4  }
0x26f: {  	s1 =	sshra.s32 @!p3 s1, $0x2;
	p1 =	por p6, !p2;
	p6 =	por p4, !p2  }
0x270: {  	s2 =	sadd.s32 @!p3 $0x28, s1;
	s4 =	sand.u32 @!p1 $0x3FFF8, s28;
	s5 =	sshll.u32 @!p6 s21, $0x6  }
0x271: {  	s28 =	sand.u32 @!p1 $0x7, s28;
	[tilespmem:s1+$0x28] =	vst.add.f32.msk @!p3 $0xf, v1;
	s1 =	sadd.s32 @!p1 s3, s4;
	s4 =	sshra.s32 @!p6 s5, $0x2  }
0x272: {  	[hbm4b:s1+s28] =	stream.linear.scatter @!p1 [tilespmem:s2], [sflag:$0xC], $0x4, $0x38;
	[tilespmem:$0x1F0F8] =	vst v63  }
0x273: {  	s0 =	rddreg [dreg:$0x4];
	s1 =	sadd.s32 @!p6 $0x28, s4;
	s2 =	simm.s32 @!p6 $0x1  }
0x274: {  	[spmem:s0] =	stream.linear.scatter @!p6 [tilespmem:s1], [sflag:$0x1], $0x4, $0x38;
	[tilespmem:$0x1F0F8] =	vst v63  }
0x275: {  	s0 =	sadd.s32 @p2 $0x1, s21;
	_ =	swait.ge @!p6 [sflag:s2], $0x4  }
0x276: {  	s1 =	sshrl.u32 @p2 s0, $0x4;
	[sflag:s2] =	ssyncset.done @!p6 $0x0  }
0x277: {  	s1 =	smulhi.u32 @p2 $0x97B425F, s1;
	[sflag:s2] =	ssyncadd.s32 @!p6 $0xFFFFFFFC  }
0x278: {  	s28 =	sadd.s32 $0x1, s29;
	v1 =	vld.msk @p2 [tilespmem:s24+$0x0], $0xf  }
0x279: {  	p1 =	por @p2 !p5, !p4;
	p4 =	seq.s32 s28, $0x0;
	s1 =	smul.u32 @p2 $0x1B0, s1  }
.Ltmp15:
0x27a: {  	p1 =	por !p1, !p2;
	s2 =	simm.s32 @!p3 $0x0;
	(pc) =	sbr.rel @p4 .LBB2_17-.Ltmp15, $4  }
0x27b: {  	s4 =	sshll.u32 @!p2 s21, $0x6;
	s2 =	simm.s32 @!p1 $0x10;
	s0 =	ssub.s32 @p2 s0, s1  }
0x27c: {  	s29 =	simm.s32 $0x0;
	s2 =	sadd.s32 @!p3 $0x0, s2;
	s5 =	sshll.u32 @p2 s0, $0x4  }
0x27d: {  	s30 =	sshra.s32 @!p2 s4, $0x2;
	s1 =	simm.s32 @p2 $0x1;
	s2 =	smov.u32 @p3 s25;
	[tilespmem:s5+$0x28] =	vst.msk @p2 $0xf, v1  }
0x27e: {  	s21 =	smov.u32 @p2 s0;
	s29 =	smov.u32 @p2 s2;
	s25 =	smov.u32 @p2 s1;
	v1 =	vld.msk @!p2 [tilespmem:s24+$0x0], $0xf  }
.LBB2_16:
0x27f: {  	_ =	sdelay $0x3  }
0x280: {  	s22 =	sadd.s32 $0x1, s22;
	[tilespmem:s30+$0x28] =	vst.add.f32.msk @!p2 $0xf, v1  }
0x281: {  	v1 =	vld.msk [tilespmem:s22+$0x0], $0x1;
	_ =	sdelay $0x4  }
0x282: {  	(v2sf) =	vpush v1, $0x0;
	_ =	sdelay $0xe  }
0x283: {  	s0 =	smov.u32 s26;
	s26 =	spop (v2sf)  }
0x284: {  	p2 =	sne.s32 s0, s26  }
0x285: {  	p5 =	sne.s32 @p2 s0, s23  }
0x286: {  	s4 =	sshll.u32 @!p2 s21, $0x6;
	p4 =	por !p5, !p2  }
0x287: {  	s30 =	sshra.s32 @!p2 s4, $0x2;
	s4 =	sshll.u32 @!p4 s25, $0x6  }
0x288: {  	s4 =	sshra.s32 @!p4 s4, $0x2  }
0x289: {  	p1 =	sgt.u32 @!p4 s0, $0x270FF;
	v1 =	vld.msk @!p4 [tilespmem:s4+$0x1B38], $0xf  }
0x28a: {  	s31 =	sshll.u32 @!p4 s21, $0x6;
	p6 =	por @p2 p1, !p5;
	p1 =	por @p2 !p1, !p5  }
0x28b: {  	s8 =	simm.s32 @!p4 $0x0;
	s31 =	sshra.s32 @!p4 s31, $0x2;
	p1 =	por !p1, !p2  }
0x28c: {  	p5 =	por p5, !p2;
	s8 =	simm.s32 @!p1 $0x10;
	p1 =	por p6, !p2  }
0x28d: {  	s4 =	sadd.s32 @!p4 $0x28, s31;
	s13 =	sshll.u32 @!p5 s21, $0x6;
	s10 =	sand.u32 @!p1 $0x3FFF8, s0  }
0x28e: {  	s13 =	sshra.s32 @!p5 s13, $0x2;
	s0 =	sand.u32 @!p1 $0x7, s0;
	s10 =	sadd.s32 @!p1 s3, s10;
	[tilespmem:s31+$0x28] =	vst.add.f32.msk @!p4 $0xf, v1  }
0x28f: {  	[hbm4b:s10+s0] =	stream.linear.scatter @!p1 [tilespmem:s4], [sflag:$0xC], $0x4, $0x38;
	[tilespmem:$0x1F0F8] =	vst v63  }
0x290: {  	s1 =	rddreg [dreg:$0x4];
	s0 =	sadd.s32 @!p5 $0x28, s13;
	s4 =	simm.s32 @!p5 $0x1  }
0x291: {  	[spmem:s1] =	stream.linear.scatter @!p5 [tilespmem:s0], [sflag:$0x1], $0x4, $0x38;
	[tilespmem:$0x1F0F8] =	vst v63  }
0x292: {  	s2 =	sadd.s32 @p2 $0x1, s21;
	_ =	swait.ge @!p5 [sflag:s4], $0x4  }
0x293: {  	s5 =	sshrl.u32 @p2 s2, $0x4;
	[sflag:s4] =	ssyncset.done @!p5 $0x0  }
0x294: {  	s24 =	sadd.s32 $0x80, s24;
	s5 =	smulhi.u32 @p2 $0x97B425F, s5;
	[sflag:s4] =	ssyncadd.s32 @!p5 $0xFFFFFFFC  }
0x295: {  	s28 =	sadd.s32 $0x1, s28;
	v1 =	vld.msk @p2 [tilespmem:s24+$0x0], $0xf  }
0x296: {  	p3 =	seq.s32 s28, $0x0;
	s5 =	smul.u32 @p2 $0x1B0, s5  }
.Ltmp16:
0x297: {  	_ = 	snop;
	(pc) =	sbr.rel @!p3 .LBB2_16-.Ltmp16, $4  }
0x298: {  	s2 =	ssub.s32 @p2 s2, s5  }
0x299: {  	s8 =	sadd.s32 @!p4 s8, s29;
	s5 =	sshll.u32 @p2 s2, $0x4  }
0x29a: {  	s9 =	sadd.s32 @p2 $0x1, s25;
	s8 =	smov.u32 @p4 s29;
	[tilespmem:s5+$0x28] =	vst.msk @p2 $0xf, v1  }
0x29b: {  	s25 =	smov.u32 @p2 s9;
	s21 =	smov.u32 @p2 s2;
	s29 =	smov.u32 @p2 s8;
	v1 =	vld.msk @!p2 [tilespmem:s24+$0x0], $0xf  }
.LBB2_17:
.Ltmp17:
0x29c: {  	_ = 	snop;
	(pc) =	sbr.rel .LBB2_19-.Ltmp17, $3  }
0x29d: {  	s1 =	sld [smem:$0x7FD];
	_ =	sdelay $0x1  }
0x29e: {  	s0 =	sshrl.u32 s29, $0x2;
	s28 =	smov.u32 s26  }
0x29f: {  	s4 =	smov.u32 s6;
	s6 =	rddreg [dreg:$0x6];
	p4 =	seq.s32 s1, $0x1;
	[tilespmem:s30+$0x28] =	vst.add.f32.msk @!p2 $0xf, v1  }
.LBB2_21:
0x2a0: {  	_ =	sfence.sel $0x180000  }
0x2a1: {  	s0 =	simm.s32 $0x9;
	[bflag:$0x0] =	sbarrier.arrive $0xFFFF  }
0x2a2: {  	s24 =	simm.s32 $0xA;
	[sflag:s0] =	ssyncpa.u1 $0x1  }
0x2a3: {  	s25 =	simm.s32 $0xB;
	[sflag:s24] =	ssyncpa.u1 $0x1  }
0x2a4: {  	s26 =	simm.s32 $0x2;
	[sflag:s25] =	ssyncpa.u1 $0x1  }
0x2a5: {  	[sflag:s26] =	ssyncpa.u1 $0x1  }
0x2a6: {  	v0 =	vld [tilespmem:$0x3648];
	_ =	sdelay $0x4  }
0x2a7: {  	(v2sf) =	vpush v0, $0x0  }
0x2a8: {  	(v2sf) =	vpush v0, $0x1;
	_ =	sdelay $0x1  }
0x2a9: {  	(v2sf) =	vpush v0, $0x2;
	_ =	sdelay $0xb  }
0x2aa: {  	s0 =	spop (v2sf)  }
0x2ab: {  	s1 =	spop (v2sf)  }
0x2ac: {  	s2 =	smov.u32 s0;
	p0 =	sne.s32 s0, s1  }
0x2ad: {  	s4 =	spop (v2sf);
	s2 =	simm.s32 @!p0 $0xFFFFFFFF  }
0x2ae: {  	v2 =	vimm.s32 $0x1;
	v3 =	vlaneseq.u32;
	p0 =	seq.s32 s4, $0xFFFFFFFF;
	v1 =	vmov s2  }
0x2af: {  	s16 =	stileid.u32;
	v0 =	vperm.xlane v0, v2;
	p1 =	sne.s32 @!p0 s0, s1;
	v1 =	vperm.xlane v1, v3  }
0x2b0: {  	vm0 =	vcmask $0x3F04;
	s6 =	simm.s32 $0x3648;
	s0 =	simm.s32 @!p0 $0x1;
	p1 =	por !p1, p0  }
0x2b1: {  	s2 =	sshll.u32 s16, $0x1;
	s1 =	sshll.u32 @!p0 s4, $0x6;
	s0 =	simm.s32 @p1 $0x0;
	v0 =	vsel vm0, v1, v0  }
0x2b2: {  	s5 =	sor.u32 $0x200, s2;
	s1 =	sshra.s32 @!p0 s1, $0x2;
	s0 =	sor.u32 @!p0 s0, s2;
	[tilespmem:$0x3648] =	vst v0  }
0x2b3: {  	[spmem:s5] =	stream.linear.scatter [tilespmem:s6], [sflag:$0x1], $0x2, $0x38;
	[tilespmem:$0x1F0F8] =	vst v63  }
0x2b4: {  	s1 =	sadd.s32 @!p0 $0x28, s1;
	s0 =	sshll.u32 @!p0 s0, $0x4  }
0x2b5: {  	[spmem:s0] =	stream.linear.scatter @!p0 [tilespmem:s1], [sflag:$0x1], $0x10, $0x38;
	[tilespmem:$0x1F0F8] =	vst v63  }
0x2b6: {  	s0 =	simm.s32 @!p0 $0x12  }
0x2b7: {  	s28 =	simm.s32 $0x1;
	s0 =	simm.s32 @p0 $0x2  }
0x2b8: {  	_ =	swait.ge [sflag:s28], s0  }
0x2b9: {  	s0 =	ssub.s32 $0x0, s0;
	[sflag:s28] =	ssyncset.done $0x0  }
0x2ba: {  	p0 =	sne.s32 s16, $0x0;
	[sflag:s28] =	ssyncadd.s32 s0  }
.Ltmp18:
0x2bb: {  	_ =	sfence.stream.spmem;
	(pc) =	sbr.rel @p0 .LBB2_38-.Ltmp18, $4  }
0x2bc: {  	s29 =	simm.s32 $0x3;
	[bflag:$0x0] =	sbarrier.arrive $0xFFFF  }
0x2bd: {  	s30 =	simm.s32 $0x4;
	[sflag:s29] =	ssyncpa.u1 $0x1  }
0x2be: {  	s31 =	simm.s32 $0x3C;
	[sflag:s30] =	ssyncpa.u1 $0x1  }
0x2bf: {  	s17 =	rddreg [dreg:$0x5];
	[sflag:s31] =	ssyncpa.u1 $0x1  }
0x2c0: {  	_ =	sfence.stream.spmem;
	s0 =	simm.s32 $0x5  }
0x2c1: {  	s1 =	simm.s32 $0x200;
	s2 =	simm.s32 $0x3658;
	[sflag:s0] =	ssyncpa.u1 $0x0  }
0x2c2: {  	[tilespmem:s2], [sflag:$0x5] =	stream.linear.gather [spmem:s1], $0x20, $0x38;
	[tilespmem:$0x1F0F8] =	vst v63  }
0x2c3: {  	s26 =	simm.s32 $0x0;
	s28 =	simm.s32 $0x3678  }
0x2c4: {  	[tilespmem:s28], [sflag:$0x5] =	stream.linear.gather [spmem:s26], $0x200, $0x38;
	[tilespmem:$0x1F0F8] =	vst v63  }
0x2c5: {  	_ =	swait.ge [sflag:s0], $0x220  }
0x2c6: {  	[sflag:s0] =	ssyncset.done $0x0  }
0x2c7: {  	s29 =	simm.s32 $0x0;
	[sflag:s0] =	ssyncadd.s32 $0xFFFFFDE0  }
0x2c8: {  	v0 =	vld.msk [tilespmem:s29+$0x3658], $0x1;
	_ =	sdelay $0x1  }
0x2c9: {  	s30 =	simm.s32 $0x1  }
0x2ca: {  	v1 =	vld.msk [tilespmem:s30+$0x3658], $0x1;
	_ =	sdelay $0x1  }
0x2cb: {  	(v2sf) =	vpush v0, $0x0;
	_ =	sdelay $0x2  }
0x2cc: {  	(v2sf) =	vpush v1, $0x0;
	_ =	sdelay $0x2  }
0x2cd: {  	s31 =	simm.s32 $0x2  }
0x2ce: {  	v0 =	vld.msk [tilespmem:s31+$0x3658], $0x1;
	_ =	sdelay $0x2  }
0x2cf: {  	s6 =	simm.s32 $0xFFFFFFFF;
	s1 =	simm.s32 $0xFFFFFFFF;
	s0 =	simm.s32 $0xC  }
.LBB2_23:
0x2d0: {  	s2 =	smov.u32 s6;
	s4 =	smov.u32 s1  }
0x2d1: {  	s1 =	sshra.s32 s0, $0x2;
	p1 =	sne.s32 s0, $0x7C;
	s0 =	sadd.s32 $0x4, s0;
	(v2sf) =	vpush v0, $0x0  }
0x2d2: {  	v0 =	vld.msk [tilespmem:s1+$0x3658], $0x1  }
.Ltmp19:
0x2d3: {  	(pc) =	sbr.rel @p1 .LBB2_23-.Ltmp19, $4  }
0x2d4: {  	s6 =	spop (v2sf)  }
0x2d5: {  	p2 =	sne.s32 s4, $0xFFFFFFFF;
	s1 =	smov.u32 s6  }
0x2d6: {  	p3 =	seq.s32 s6, $0xFFFFFFFF;
	s1 =	smov.u32 @p2 s4  }
0x2d7: {  	s6 =	smov.u32 @p3 s2;
	s1 =	smov.u32 @p3 s4  }
0x2d8: {  	(v2sf) =	vpush v0, $0x0;
	_ =	sdelay $0x8  }
0x2d9: {  	s0 =	spop (v2sf)  }
0x2da: {  	p1 =	sne.s32 s1, $0xFFFFFFFF;
	s2 =	smov.u32 s0  }
0x2db: {  	s9 =	simm.s32 $0x6;
	p2 =	seq.s32 s0, $0xFFFFFFFF;
	s2 =	smov.u32 @p1 s1  }
0x2dc: {  	s10 =	simm.s32 $0x3638;
	s2 =	smov.u32 @p2 s1;
	s1 =	spop (v2sf)  }
0x2dd: {  	s0 =	smov.u32 @p2 s6;
	p1 =	sne.s32 s2, $0xFFFFFFFF;
	s4 =	smov.u32 s1  }
.Ltmp20:
0x2de: {  	p2 =	seq.s32 s1, $0xFFFFFFFF;
	s4 =	smov.u32 @p1 s2;
	(pc) =	sbr.rel .LBB2_25-.Ltmp20, $4  }
0x2df: {  	s11 =	simm.s32 $0x0;
	s4 =	smov.u32 @p2 s2;
	s7 =	spop (v2sf)  }
0x2e0: {  	[sflag:s9] =	ssyncpa.u1 $0x0;
	p1 =	sne.s32 s4, $0xFFFFFFFF;
	s8 =	smov.u32 s7  }
0x2e1: {  	s1 =	smov.u32 @p2 s0;
	p2 =	seq.s32 s7, $0xFFFFFFFF;
	s8 =	smov.u32 @p1 s4  }
0x2e2: {  	s6 =	simm.s32 $0x0;
	s7 =	smov.u32 @p2 s1;
	s8 =	smov.u32 @p2 s4  }
.LBB2_30:
0x2e3: {  	p1 =	sgt.u32 s12, $0x270FF  }
0x2e4: {  	p2 =	seq.s32 @!p1 s12, s8  }
0x2e5: {  	p1 =	por p1, p2  }
0x2e6: {  	p2 =	sne.s32 @!p1 s12, s7  }
0x2e7: {  	p1 =	por p1, !p2  }
0x2e8: {  	s0 =	sshll.u32 @p1 s11, $0x6  }
0x2e9: {  	s0 =	sand.u32 @!p1 $0x3FFF8, s12  }
0x2ea: {  	s1 =	sand.u32 @!p1 $0x7, s12;
	s0 =	sadd.s32 @!p1 s3, s0  }
0x2eb: {  	[tilespmem:s10], [sflag:$0x6] =	stream.linear.gather @!p1 [hbm4b:s0+s1], $0x4, $0x38;
	[tilespmem:$0x1F0F8] =	vst v63  }
0x2ec: {  	_ =	swait.ge @!p1 [sflag:s9], $0x4  }
0x2ed: {  	[sflag:s9] =	ssyncset.done @!p1 $0x0  }
0x2ee: {  	[sflag:s9] =	ssyncadd.s32 @!p1 $0xFFFFFFFC  }
0x2ef: {  	v1 =	vld @!p1 [tilespmem:$0x3638];
	_ =	sdelay $0x2  }
0x2f0: {  	s0 =	sshll.u32 @!p1 s11, $0x6  }
0x2f1: {  	s1 =	sshrl.u32 @!p1 s0, $0x2  }
0x2f2: {  	[tilespmem:s1+$0x3678] =	vst.add.f32.msk @!p1 $0xffff, v1  }
0x2f3: {  	s0 =	sshrl.u32 s0, $0x2;
	[tilespmem:s6+$0x3658] =	vst.msk $0x1, v0  }
0x2f4: {  	v0 =	vld [tilespmem:s0+$0x3678];
	_ =	sdelay $0x2  }
0x2f5: {  	s31 =	sshll.u32 s6, $0x6  }
0x2f6: {  	s0 =	sshra.s32 s31, $0x2  }
0x2f7: {  	s6 =	sadd.s32 $0x1, s6;
	[tilespmem:s0+$0x3678] =	vst v0  }
.LBB2_32:
0x2f8: {  	s11 =	sadd.s32 $0x1, s11  }
0x2f9: {  	p1 =	sne.s32 s11, $0x20  }
.Ltmp21:
0x2fa: {  	_ = 	snop;
	(pc) =	sbr.rel @!p1 .LBB2_33-.Ltmp21, $1  }
0x2fb: {  	_ =	sdelay $0x3  }
.LBB2_25:
0x2fc: {  	v0 =	vld.msk [tilespmem:s11+$0x3658], $0x1;
	_ =	sdelay $0x4  }
0x2fd: {  	(v2sf) =	vpush v0, $0x0;
	_ =	sdelay $0xe  }
0x2fe: {  	s12 =	spop (v2sf)  }
0x2ff: {  	p1 =	seq.s32 s12, $0xFFFFFFFF  }
.Ltmp22:
0x300: {  	_ = 	snop;
	(pc) =	sbr.rel @p1 .LBB2_32-.Ltmp22, $1  }
0x301: {  	_ =	sdelay $0x3  }
0x302: {  	p1 =	slt.s32 s6, $0x1  }
.Ltmp23:
0x303: {  	_ = 	snop;
	(pc) =	sbr.rel @p1 .LBB2_30-.Ltmp23, $1  }
0x304: {  	_ =	sdelay $0x3  }
0x305: {  	s13 =	simm.s32 $0x3658;
	p1 =	por $0x0, $0x0  }
0x306: {  	v1 =	vld.msk @!p1 [tilespmem:s13+$0x0], $0x1;
	_ =	sdelay $0x4  }
0x307: {  	(v2sf) =	vpush @!p1 v1, $0x0;
	_ =	sdelay $0xd  }
0x308: {  	p3 =	sne.s32 s6, $0x1  }
.Ltmp24:
0x309: {  	s0 =	spop @!p1 (v2sf);
	(pc) =	sbr.rel @!p3 .LBB2_29-.Ltmp24, $4  }
0x30a: {  	p2 =	seq.s32 @!p1 s12, s0  }
0x30b: {  	s14 =	simm.s32 $0x0;
	p2 =	por !p2, p1  }
0x30c: {  	s0 =	simm.s32 $0xFFFFFFFF;
	s14 =	simm.s32 @p2 $0xFFFFFFFF  }
0x30d: {  	s15 =	simm.s32 $0x1;
	s14 =	smov.u32 @p1 s0  }
.LBB2_28:
0x30e: {  	s0 =	smov.u32 s14;
	p1 =	sne.s32 s14, $0xFFFFFFFF  }
0x30f: {  	s13 =	sadd.s32 $0x1, s13;
	s14 =	smov.u32 s15;
	s15 =	sadd.s32 $0x1, s15  }
0x310: {  	p2 =	sne.s32 s6, s15;
	v1 =	vld.msk @!p1 [tilespmem:s13+$0x0], $0x1;
	_ =	sdelay $0x4  }
0x311: {  	(v2sf) =	vpush @!p1 v1, $0x0;
	_ =	sdelay $0xe  }
.Ltmp25:
0x312: {  	s1 =	spop @!p1 (v2sf);
	(pc) =	sbr.rel @p2 .LBB2_28-.Ltmp25, $4  }
0x313: {  	p3 =	seq.s32 @!p1 s12, s1  }
0x314: {  	p3 =	por !p3, p1  }
0x315: {  	s14 =	simm.s32 @p3 $0xFFFFFFFF  }
0x316: {  	s14 =	smov.u32 @p1 s0  }
.LBB2_29:
0x317: {  	p1 =	sne.s32 s14, $0xFFFFFFFF  }
.Ltmp26:
0x318: {  	_ = 	snop;
	(pc) =	sbr.rel @!p1 .LBB2_30-.Ltmp26, $1  }
0x319: {  	_ =	sdelay $0x3  }
0x31a: {  	s0 =	sshll.u32 s11, $0x4  }
0x31b: {  	s0 =	sand.u32 $0x3FFFFFF0, s0  }
0x31c: {  	v0 =	vld [tilespmem:s0+$0x3678]  }
.Ltmp27:
0x31d: {  	_ = 	snop;
	(pc) =	sbr.rel .LBB2_32-.Ltmp27, $4  }
0x31e: {  	_ = 	snop  }
0x31f: {  	s31 =	sshll.u32 s14, $0x6  }
0x320: {  	s0 =	sshra.s32 s31, $0x2  }
0x321: {  	[tilespmem:s0+$0x3678] =	vst.add.f32.msk $0xffff, v0  }
.LBB2_33:
0x322: {  	s0 =	simm.s32 $0x6;
	p1 =	seq.s32 s6, $0x0  }
0x323: {  	[sflag:s0] =	ssyncpa.u1 $0x1;
	v0 =	vimm.s32 @p1 $0xFFFFFFFF  }
0x324: {  	s9 =	sadd.s32 $0xFFFFFFFF, s6;
	[tilespmem:$0x3878] =	vst @p1 v0  }
0x325: {  	v0 =	vld.msk @!p1 [tilespmem:s9+$0x3658], $0x1;
	_ =	sdelay $0x1  }
0x326: {  	v1 =	vld.msk @!p1 [tilespmem:$0x3658], $0x1;
	_ =	sdelay $0x2  }
0x327: {  	p2 =	seq.s32 @!p1 s9, $0x0;
	v0 =	vbroadcast @!p1 v0, $0x0  }
0x328: {  	vm0 =	vmmov @!p1 $0x1;
	p2 =	por !p2, p1  }
0x329: {  	v1 =	vnsel @!p1 vm0, $0xFFFFFFFF, v1;
	vm0 =	vcmask @!p1 $0x308;
	v0 =	vpsel !p2, $0xFFFFFFFF, v0  }
0x32a: {  	p2 =	sne.s32 @!p1 s8, s7;
	v0 =	vsel @!p1 vm0, v1, v0  }
0x32b: {  	s0 =	simm.s32 @!p1 $0x3678;
	s1 =	simm.s32 @!p1 $0x0;
	p3 =	por !p2, p1;
	[tilespmem:$0x3878] =	vst @!p1 v0  }
0x32c: {  	[spmem:s1] =	stream.linear.scatter @!p1 [tilespmem:s0], [sflag:$0x1], $0x10, $0x38;
	[tilespmem:$0x1F0F8] =	vst v63  }
0x32d: {  	s0 =	sshll.u32 @!p3 s9, $0x6  }
0x32e: {  	s0 =	sshra.s32 @!p3 s0, $0x2  }
0x32f: {  	s1 =	simm.s32 @!p3 $0x10;
	s0 =	sadd.s32 @!p3 $0x3678, s0  }
0x330: {  	[spmem:s1] =	stream.linear.scatter @!p3 [tilespmem:s0], [sflag:$0x1], $0x10, $0x38;
	[tilespmem:$0x1F0F8] =	vst v63  }
0x331: {  	s0 =	simm.s32 @!p3 $0x1  }
0x332: {  	_ =	swait.ge @!p3 [sflag:s0], $0x20  }
0x333: {  	p1 =	por p2, p1;
	[sflag:s0] =	ssyncset.done @!p3 $0x0  }
0x334: {  	[sflag:s0] =	ssyncadd.s32 @!p3 $0xFFFFFFE0;
	s0 =	simm.s32 @!p1 $0x1  }
0x335: {  	_ =	swait.ge @!p1 [sflag:s0], $0x10  }
0x336: {  	s29 =	simm.s32 $0x3878;
	[sflag:s0] =	ssyncset.done @!p1 $0x0  }
0x337: {  	s30 =	simm.s32 $0x200;
	s31 =	simm.s32 $0x1;
	[sflag:s0] =	ssyncadd.s32 @!p1 $0xFFFFFFF0  }
0x338: {  	[spmem:s30] =	stream.linear.scatter [tilespmem:s29], [sflag:$0x1], $0x10, $0x38;
	[tilespmem:$0x1F0F8] =	vst v63  }
0x339: {  	_ =	swait.ge [sflag:s31], $0x10  }
0x33a: {  	[sflag:s31] =	ssyncset.done $0x0  }
0x33b: {  	p1 =	seq.s32 s17, $0x0;
	s8 =	rddreg [dreg:$0x1];
	[sflag:s31] =	ssyncadd.s32 $0xFFFFFFF0  }
0x33c: {  	s1 =	sshll.u32 @p1 s8, $0xE;
	s7 =	rddreg [dreg:$0x2]  }
0x33d: {  	s0 =	sadd.s32 @p1 $0x15C3C, s1;
	s1 =	sshll.u32 @p1 s7, $0x11  }
0x33e: {  	_ =	sfence.stream.spmem;
	s0 =	sor.u32 @p1 s1, s0  }
0x33f: {  	[sflag:s0] =	ssyncadd.remote.s32 @p1 $0x1;
	s0 =	simm.s32 @p1 $0x4  }
0x340: {  	s2 =	simm.s32 @!p1 $0x3C;
	s1 =	sand.u32 $0xFFFFFFFE, s8;
	_ =	swait.ge @p1 [sflag:s0], $0x6  }
0x341: {  	s4 =	simm.s32 @!p1 $0x0;
	s1 =	sadd.s32 @!p1 $0x4, s1;
	[sflag:s0] =	ssyncset.done @p1 $0x0  }
0x342: {  	s5 =	simm.s32 @!p1 $0x20;
	[sflag:s0] =	ssyncadd.s32 @p1 $0xFFFFFFFA;
	s0 =	sshll.u32 @!p1 s1, $0x1A  }
0x343: {  	s1 =	sshll.u32 @!p1 s1, $0xD;
	s0 =	sor.u32 @!p1 s0, s7;
	_ =	swait.eq @!p1 [sflag:s2], $0x1  }
0x344: {  	s1 =	sor.u32 @!p1 $0x1C04, s1;
	s2 =	simm.s32 @!p1 $0x1C03;
	s0 =	sor.u32 @!p1 $0x80004000, s0  }
0x345: {  	[spmem:s5], [sflag:s1] =	dma.general @!p1 [spmem:s4], [sflag:s2], length:$0x4, [dreg:$0x0], stride_count:$0x0, ici_dest:s0, dma_misc:DstOpCode:WRITE  }
0x346: {  	p2 =	slt.s32 s9, $0x2;
	s4 =	simm.s32 @!p1 $0x40;
	s5 =	simm.s32 @!p1 $0x42  }
0x347: {  	[spmem:s5], [sflag:s1] =	dma.general @!p1 [spmem:s4], [sflag:s2], length:$0x2, [dreg:$0x0], stride_count:$0x0, ici_dest:s0, dma_misc:DstOpCode:WRITE  }
.Ltmp28:
0x348: {  	s0 =	simm.s32 @!p1 $0x3;
	(pc) =	sbr.rel @p2 .LBB2_37-.Ltmp28, $4  }
0x349: {  	s1 =	sshll.u32 @!p1 s8, $0xE;
	_ =	swait.ge @!p1 [sflag:s0], $0x6  }
0x34a: {  	s2 =	sshll.u32 @!p1 s7, $0x11;
	s1 =	sadd.s32 @!p1 $0x11C3C, s1;
	[sflag:s0] =	ssyncset.done @!p1 $0x0  }
0x34b: {  	[sflag:s0] =	ssyncadd.s32 @!p1 $0xFFFFFFFA;
	s0 =	sor.u32 @!p1 s2, s1  }
0x34c: {  	[sflag:s0] =	ssyncadd.remote.s32 @!p1 $0xFFFFFFFF;
	s0 =	simm.s32 $0x0  }
0x34d: {  	s0 =	simm.s32 $0x3659  }
0x34e: {  	v0 =	vld.msk [tilespmem:s0+$0x0], $0x1;
	_ =	sdelay $0x4  }
0x34f: {  	(v2sf) =	vpush v0, $0x0;
	_ =	sdelay $0xd  }
0x350: {  	s2 =	sadd.s32 $0xFFFFFFFE, s6  }
0x351: {  	s2 =	sadd.s32 $0xFFFFFFFF, s2;
	s0 =	spop (v2sf)  }
0x352: {  	p2 =	sne.s32 s2, $0x0;
	p1 =	sgt.u32 s0, $0x270FF  }
.Ltmp29:
0x353: {  	s4 =	sand.u32 @!p1 $0x3FFF8, s0;
	(pc) =	sbr.rel @!p2 .LBB2_36-.Ltmp29, $4  }
0x354: {  	s1 =	simm.s32 $0x3688;
	s0 =	sand.u32 @!p1 $0x7, s0;
	s4 =	sadd.s32 @!p1 s3, s4  }
0x355: {  	[hbm4b:s4+s0] =	stream.linear.scatter @!p1 [tilespmem:s1], [sflag:$0x5], $0x4, $0x38;
	[tilespmem:$0x1F0F8] =	vst v63  }
0x356: {  	s0 =	simm.s32 $0x0  }
0x357: {  	s6 =	simm.s32 $0x0;
	s7 =	simm.s32 $0x365A;
	s0 =	simm.s32 @!p1 $0x10  }
.LBB2_35:
0x358: {  	v0 =	vld.msk [tilespmem:s7+$0x0], $0x1;
	s2 =	sadd.s32 $0xFFFFFFFF, s2;
	s6 =	sadd.s32 s6, s0  }
0x359: {  	p1 =	sne.s32 s2, $0x0;
	_ =	sdelay $0x3  }
0x35a: {  	(v2sf) =	vpush v0, $0x0;
	_ =	sdelay $0xe  }
.Ltmp30:
0x35b: {  	s4 =	spop (v2sf);
	(pc) =	sbr.rel @p1 .LBB2_35-.Ltmp30, $4  }
0x35c: {  	s0 =	simm.s32 $0x0;
	p2 =	sgt.u32 s4, $0x270FF  }
0x35d: {  	s1 =	sadd.s32 $0x10, s1;
	s0 =	simm.s32 @!p2 $0x10;
	s5 =	sand.u32 @!p2 $0x3FFF8, s4  }
0x35e: {  	s7 =	sadd.s32 $0x1, s7;
	s4 =	sand.u32 @!p2 $0x7, s4;
	s5 =	sadd.s32 @!p2 s3, s5  }
0x35f: {  	[hbm4b:s5+s4] =	stream.linear.scatter @!p2 [tilespmem:s1], [sflag:$0x5], $0x4, $0x38;
	[tilespmem:$0x1F0F8] =	vst v63  }
.LBB2_36:
0x360: {  	s0 =	sadd.s32 s6, s0  }
0x361: {  	s0 =	sshrl.u32 s0, $0x2  }
.LBB2_37:
0x362: {  	s1 =	simm.s32 $0x5  }
0x363: {  	_ =	swait.ge [sflag:s1], s0  }
0x364: {  	s31 =	ssub.s32 $0x0, s0;
	[sflag:s1] =	ssyncset.done $0x0  }
0x365: {  	[sflag:s1] =	ssyncadd.s32 s31  }
0x366: {  	[sflag:s1] =	ssyncpa.u1 $0x1  }
.LBB2_38:
0x367: {  	s0 =	sor.u32 s17, s16  }
0x368: {  	p1 =	sne.s32 s0, $0x0  }
.Ltmp31:
0x369: {  	_ = 	snop;
	(pc) =	sbr.rel @p1 .LBB2_53-.Ltmp31, $3  }
0x36a: {  	_ =	sdelay $0x1  }
0x36b: {  	[bflag:$0x0] =	sbarrier.arrive $0xFFFF  }
0x36c: {  	_ =	sfence  }
0x36d: {  	s0 =	simm.s32 $0x7  }
0x36e: {  	s1 =	simm.s32 $0x200;
	s2 =	simm.s32 $0x3658;
	[sflag:s0] =	ssyncpa.u1 $0x0  }
0x36f: {  	[tilespmem:s2], [sflag:$0x7] =	stream.linear.gather [spmem:s1], $0x20, $0x38;
	[tilespmem:$0x1F0F8] =	vst v63  }
0x370: {  	s30 =	simm.s32 $0x3678;
	s1 =	simm.s32 $0x0  }
0x371: {  	[tilespmem:s30], [sflag:$0x7] =	stream.linear.gather [spmem:s1], $0x200, $0x38;
	[tilespmem:$0x1F0F8] =	vst v63  }
.Ltmp32:
0x372: {  	_ = 	snop;
	(pc) =	sbr.rel .LBB2_40-.Ltmp32, $4  }
0x373: {  	_ =	swait.ge [sflag:s0], $0x220  }
0x374: {  	[sflag:s0] =	ssyncset.done $0x0  }
0x375: {  	s31 =	simm.s32 $0x8;
	[sflag:s0] =	ssyncadd.s32 $0xFFFFFDE0  }
0x376: {  	s2 =	simm.s32 $0x0;
	[sflag:s31] =	ssyncpa.u1 $0x0  }
.LBB2_45:
0x377: {  	p1 =	slt.u32 s4, $0x27100  }
0x378: {  	s0 =	sand.u32 @p1 $0x3FFF8, s4  }
0x379: {  	s4 =	sand.u32 @p1 $0x7, s4;
	s5 =	simm.s32 @p1 $0x3638;
	s0 =	sadd.s32 @p1 s3, s0  }
0x37a: {  	[tilespmem:s5], [sflag:$0x8] =	stream.linear.gather @p1 [hbm4b:s0+s4], $0x4, $0x38;
	[tilespmem:$0x1F0F8] =	vst v63  }
0x37b: {  	s0 =	simm.s32 @p1 $0x8  }
0x37c: {  	_ =	swait.ge @p1 [sflag:s0], $0x4  }
0x37d: {  	[sflag:s0] =	ssyncset.done @p1 $0x0  }
0x37e: {  	[sflag:s0] =	ssyncadd.s32 @p1 $0xFFFFFFFC  }
0x37f: {  	v1 =	vld @p1 [tilespmem:$0x3638];
	_ =	sdelay $0x2  }
0x380: {  	s0 =	sshll.u32 @p1 s2, $0x6  }
0x381: {  	s5 =	sshll.u32 @!p1 s2, $0x6;
	s4 =	sshrl.u32 @p1 s0, $0x2  }
0x382: {  	s5 =	smov.u32 @p1 s0;
	[tilespmem:s4+$0x3678] =	vst.add.f32.msk @p1 $0xffff, v1  }
0x383: {  	s0 =	sshrl.u32 s5, $0x2;
	[tilespmem:s1+$0x3658] =	vst.msk $0x1, v0  }
0x384: {  	v0 =	vld [tilespmem:s0+$0x3678];
	_ =	sdelay $0x2  }
0x385: {  	s31 =	sshll.u32 s1, $0x6  }
0x386: {  	s0 =	sshra.s32 s31, $0x2  }
0x387: {  	s1 =	sadd.s32 $0x1, s1;
	[tilespmem:s0+$0x3678] =	vst v0  }
.LBB2_47:
0x388: {  	s2 =	sadd.s32 $0x1, s2  }
0x389: {  	p1 =	sne.s32 s2, $0x20  }
.Ltmp33:
0x38a: {  	_ = 	snop;
	(pc) =	sbr.rel @!p1 .LBB2_48-.Ltmp33, $1  }
0x38b: {  	_ =	sdelay $0x3  }
.LBB2_40:
0x38c: {  	v0 =	vld.msk [tilespmem:s2+$0x3658], $0x1;
	_ =	sdelay $0x4  }
0x38d: {  	(v2sf) =	vpush v0, $0x0;
	_ =	sdelay $0xe  }
0x38e: {  	s4 =	spop (v2sf)  }
0x38f: {  	p1 =	seq.s32 s4, $0xFFFFFFFF  }
.Ltmp34:
0x390: {  	_ = 	snop;
	(pc) =	sbr.rel @p1 .LBB2_47-.Ltmp34, $1  }
0x391: {  	_ =	sdelay $0x3  }
0x392: {  	p1 =	slt.s32 s1, $0x1  }
.Ltmp35:
0x393: {  	_ = 	snop;
	(pc) =	sbr.rel @p1 .LBB2_45-.Ltmp35, $1  }
0x394: {  	_ =	sdelay $0x3  }
0x395: {  	s5 =	simm.s32 $0x3658;
	p1 =	por $0x0, $0x0  }
0x396: {  	v1 =	vld.msk @!p1 [tilespmem:s5+$0x0], $0x1;
	_ =	sdelay $0x4  }
0x397: {  	(v2sf) =	vpush @!p1 v1, $0x0;
	_ =	sdelay $0xd  }
0x398: {  	p3 =	sne.s32 s1, $0x1  }
.Ltmp36:
0x399: {  	s0 =	spop @!p1 (v2sf);
	(pc) =	sbr.rel @!p3 .LBB2_44-.Ltmp36, $4  }
0x39a: {  	p2 =	seq.s32 @!p1 s4, s0  }
0x39b: {  	s6 =	simm.s32 $0x0;
	p2 =	por !p2, p1  }
0x39c: {  	s0 =	simm.s32 $0xFFFFFFFF;
	s6 =	simm.s32 @p2 $0xFFFFFFFF  }
0x39d: {  	s7 =	simm.s32 $0x1;
	s6 =	smov.u32 @p1 s0  }
.LBB2_43:
0x39e: {  	s0 =	smov.u32 s6;
	p1 =	sne.s32 s6, $0xFFFFFFFF  }
0x39f: {  	s5 =	sadd.s32 $0x1, s5;
	s6 =	smov.u32 s7;
	s7 =	sadd.s32 $0x1, s7  }
0x3a0: {  	p2 =	sne.s32 s1, s7;
	v1 =	vld.msk @!p1 [tilespmem:s5+$0x0], $0x1;
	_ =	sdelay $0x4  }
0x3a1: {  	(v2sf) =	vpush @!p1 v1, $0x0;
	_ =	sdelay $0xe  }
.Ltmp37:
0x3a2: {  	s8 =	spop @!p1 (v2sf);
	(pc) =	sbr.rel @p2 .LBB2_43-.Ltmp37, $4  }
0x3a3: {  	p3 =	seq.s32 @!p1 s4, s8  }
0x3a4: {  	p3 =	por !p3, p1  }
0x3a5: {  	s6 =	simm.s32 @p3 $0xFFFFFFFF  }
0x3a6: {  	s6 =	smov.u32 @p1 s0  }
.LBB2_44:
0x3a7: {  	p1 =	sne.s32 s6, $0xFFFFFFFF  }
.Ltmp38:
0x3a8: {  	_ = 	snop;
	(pc) =	sbr.rel @!p1 .LBB2_45-.Ltmp38, $1  }
0x3a9: {  	_ =	sdelay $0x3  }
0x3aa: {  	s0 =	sshll.u32 s2, $0x4  }
0x3ab: {  	s0 =	sand.u32 $0x3FFFFFF0, s0  }
0x3ac: {  	v0 =	vld [tilespmem:s0+$0x3678]  }
.Ltmp39:
0x3ad: {  	_ = 	snop;
	(pc) =	sbr.rel .LBB2_47-.Ltmp39, $4  }
0x3ae: {  	_ = 	snop  }
0x3af: {  	s31 =	sshll.u32 s6, $0x6  }
0x3b0: {  	s0 =	sshra.s32 s31, $0x2  }
0x3b1: {  	[tilespmem:s0+$0x3678] =	vst.add.f32.msk $0xffff, v0  }
.LBB2_48:
0x3b2: {  	p1 =	slt.s32 s1, $0x1  }
.Ltmp40:
0x3b3: {  	_ = 	snop;
	(pc) =	sbr.rel @p1 .LBB2_52-.Ltmp40, $3  }
0x3b4: {  	_ =	sdelay $0x1  }
0x3b5: {  	s0 =	simm.s32 $0x8  }
0x3b6: {  	s2 =	simm.s32 $0x0;
	[sflag:s0] =	ssyncpa.u1 $0x1  }
0x3b7: {  	s0 =	simm.s32 $0x3658  }
0x3b8: {  	v0 =	vld.msk [tilespmem:s0+$0x0], $0x1;
	_ =	sdelay $0x4  }
0x3b9: {  	(v2sf) =	vpush v0, $0x0;
	_ =	sdelay $0xe  }
0x3ba: {  	s1 =	sadd.s32 $0xFFFFFFFF, s1;
	s0 =	spop (v2sf)  }
0x3bb: {  	p2 =	sne.s32 s1, $0x0;
	p1 =	sgt.u32 s0, $0x270FF  }
.Ltmp41:
0x3bc: {  	s5 =	sand.u32 @!p1 $0x3FFF8, s0;
	(pc) =	sbr.rel @!p2 .LBB2_51-.Ltmp41, $4  }
0x3bd: {  	s4 =	simm.s32 $0x3678;
	s0 =	sand.u32 @!p1 $0x7, s0;
	s5 =	sadd.s32 @!p1 s3, s5  }
0x3be: {  	[hbm4b:s5+s0] =	stream.linear.scatter @!p1 [tilespmem:s4], [sflag:$0x7], $0x4, $0x38;
	[tilespmem:$0x1F0F8] =	vst v63  }
0x3bf: {  	s0 =	simm.s32 $0x0  }
0x3c0: {  	s5 =	simm.s32 $0x3659;
	s0 =	simm.s32 @!p1 $0x10  }
.LBB2_50:
0x3c1: {  	v0 =	vld.msk [tilespmem:s5+$0x0], $0x1;
	s1 =	sadd.s32 $0xFFFFFFFF, s1;
	s2 =	sadd.s32 s2, s0  }
0x3c2: {  	p1 =	sne.s32 s1, $0x0;
	_ =	sdelay $0x3  }
0x3c3: {  	(v2sf) =	vpush v0, $0x0;
	_ =	sdelay $0xe  }
.Ltmp42:
0x3c4: {  	s6 =	spop (v2sf);
	(pc) =	sbr.rel @p1 .LBB2_50-.Ltmp42, $4  }
0x3c5: {  	s0 =	simm.s32 $0x0;
	p2 =	sgt.u32 s6, $0x270FF  }
0x3c6: {  	s4 =	sadd.s32 $0x10, s4;
	s0 =	simm.s32 @!p2 $0x10;
	s7 =	sand.u32 @!p2 $0x3FFF8, s6  }
0x3c7: {  	s5 =	sadd.s32 $0x1, s5;
	s6 =	sand.u32 @!p2 $0x7, s6;
	s7 =	sadd.s32 @!p2 s3, s7  }
0x3c8: {  	[hbm4b:s7+s6] =	stream.linear.scatter @!p2 [tilespmem:s4], [sflag:$0x7], $0x4, $0x38;
	[tilespmem:$0x1F0F8] =	vst v63  }
.LBB2_51:
0x3c9: {  	s0 =	sadd.s32 s2, s0  }
0x3ca: {  	s2 =	sshrl.u32 s0, $0x2  }
.LBB2_52:
0x3cb: {  	s0 =	simm.s32 $0x7  }
0x3cc: {  	_ =	swait.ge [sflag:s0], s2  }
0x3cd: {  	s1 =	ssub.s32 $0x0, s2;
	[sflag:s0] =	ssyncset.done $0x0  }
0x3ce: {  	[sflag:s0] =	ssyncadd.s32 s1  }
0x3cf: {  	[sflag:s0] =	ssyncpa.u1 $0x1  }
.LBB2_53:
0x3d0: {  	_ =	sfence;
	s0 =	simm.s32 $0x1  }
0x3d1: {  	[sflag:s0] =	ssyncpa.u1 $0x1  }
0x3d2: {  	_ =	strace $0x90000050  }
0x3d3: {  	[bflag:$0x2] =	sbarrier.arrive $0xFFFF  }
0x3d4: {  	s0 =	rddreg [dreg:$0x3]  }
0x3d5: {  	s0 =	sadd.s32 @!p0 $0x100000, s0  }
0x3d6: {  	[sflag:s0] =	ssyncadd.tile.s32 @!p0 $0x1;
	_ =	shalt  }
.Lfunc_end2:
_tile_overlayer_lowered:
.L_overlay_start_2:
0x3d7: {  	(tag) =	ssettag $0x2  }
0x3d8: {  	s0 =	rddreg [dreg:$0x0];
	s2 =	stileid.u32  }
0x3d9: {  	s1 =	rddreg [dreg:$0x1];
	p0 =	sne.s32 s2, $0x0  }
0x3da: {  	s3 =	rddreg [dreg:$0x2];
	[bflag:$0x3] =	sbarrier.arrive $0xFFFF;
	s2 =	simm.s32 @!p0 $0x1C01  }
0x3db: {  	[timem:s3], [sflag:s2] =	dma.local @!p0 [hbm:s0], s1  }
0x3dc: {  	s0 =	simm.s32 @!p0 $0x1  }
0x3dd: {  	_ =	swait.ge @!p0 [sflag:s0], s1  }
0x3de: {  	s1 =	ssub.s32 @!p0 $0x0, s1;
	[sflag:s0] =	ssyncset.done @!p0 $0x0  }
0x3df: {  	[sflag:s0] =	ssyncadd.s32 @!p0 s1  }
0x3e0: {  	[bflag:$0x3] =	sbarrier.arrive $0xFFFF  }
0x3e1: {  	_ =	shalt  }

// kernel: sparse-core-data-format-call.cloned.1.call-start
scs
called_computation.1_lowered:
.L_overlay_start_0:
0x0: {  	s2 =	sld [smem:$0x3FD9]  }
0x1: {  	s3 =	sld [smem:$0x3FFE];
	_ =	sdelay $0x1  }
0x2: {  	s1 =	srdreg.scid  }
0x3: {  	s0 =	sand.u32 $0x1, s1  }
0x4: {  	s18 =	sshll.u32 s0, $0xA;
	s2 =	sadd.s32 s3, s2  }
0x5: {  	s2 =	sadd.s32 s2, s18  }
0x6: {  	[smem:$0x3FBE] =	sst s2  }
0x7: {  	_ = 	snop  }
0x8: {  	(tm) =	ssettm $0x1  }
0x9: {  	s19 =	sld [smem:$0x3FFB];
	_ =	sdelay $0x3  }
0xa: {  	_ =	strace s19  }
0xb: {  	s2 =	sld [smem:$0x3FFC];
	_ =	sdelay $0x3  }
0xc: {  	_ =	strace s2  }
0xd: {  	s2 =	sld [smem:$0x3FFD];
	_ =	sdelay $0x3  }
0xe: {  	_ =	strace s2  }
0xf: {  	_ =	strace $0x8FFFFFFF  }
0x10: {  	s20 =	sld [smem:$0x3FDB];
	_ =	sdelay $0x1  }
0x11: {  	s21 =	simm.s32 $_scs_section_size  }
0x12: {  	s4 =	simm.s32 $_size__tile_overlayer_lowered;
	s5 =	simm.s32 $_tile_overlayer_lowered  }
0x13: {  	s6 =	simm.s32 $0x1BFF;
	s22 =	sshll.u32 s5, $0x1;
	s3 =	sadd.s32 s21, s20  }
0x14: {  	s23 =	simm.s32 $0x0;
	s4 =	sshll.u32 s4, $0x1;
	s5 =	sadd.s32 s22, s3  }
0x15: {  	[timem:s23], [sflag:s6] =	dma.local [hbm:s5], s4  }
0x16: {  	_ =	swait.ge [sflag:s6], s4  }
0x17: {  	s4 =	ssub.s32 $0x0, s4;
	[sflag:s6] =	ssyncset.done $0x0  }
0x18: {  	[sflag:s6] =	ssyncadd.s32 s4;
	_ =	sdelay $0x1  }
0x19: {  	s24 =	simm.s32 $0x1B8B  }
0x1a: {  	_ =	swait.ge [sflag:s24], $0x1  }
0x1b: {  	[sflag:s24] =	ssyncset.done $0x0  }
0x1c: {  	[sflag:s24] =	ssyncadd.s32 $0xFFFFFFFF  }
0x1d: {  	s4 =	sld [smem:$0x0]  }
0x1e: {  	s5 =	sand.u32 $0xFFFFFFFE, s1  }
0x1f: {  	p0 =	sne.s32 s1, s5  }
0x20: {  	s5 =	sshll.u32 @p0 s5, $0xE  }
0x21: {  	s5 =	sadd.s32 @p0 $0x11B8D, s5;
	s6 =	sshll.u32 @p0 s4, $0x11  }
0x22: {  	s5 =	sor.u32 @p0 s6, s5  }
0x23: {  	[sflag:s5] =	ssyncadd.remote.s32 @p0 $0x1;
	_ =	sdelay $0x1  }
0x24: {  	s5 =	simm.s32 @p0 $0x1B8D  }
0x25: {  	_ =	swait.eq @p0 [sflag:s5], $0x1  }
0x26: {  	[sflag:s5] =	ssyncadd.s32 @p0 $0xFFFFFFFF  }
0x27: {  	s6 =	sshll.u32 @!p0 s1, $0xE  }
0x28: {  	s6 =	sor.u32 @!p0 $0x4000, s6;
	s5 =	simm.s32 @!p0 $0x1B8D  }
0x29: {  	s4 =	sshll.u32 @!p0 s4, $0x11;
	s6 =	sadd.s32 @!p0 $0x11B8D, s6;
	_ =	swait.eq @!p0 [sflag:s5], $0x1  }
0x2a: {  	s4 =	sor.u32 @!p0 s4, s6;
	[sflag:s5] =	ssyncadd.s32 @!p0 $0xFFFFFFFF  }
0x2b: {  	s26 =	simm.s32 $0x1B8E;
	s25 =	sld [smem:$0x3FFE];
	[sflag:s4] =	ssyncadd.remote.s32 @!p0 $0x1  }
0x2c: {  	s27 =	simm.s32 $execute0_lowered;
	[smem:$0x3FD2] =	sst s26  }
0x2d: {  	s5 =	sshll.u32 s27, $0x1;
	_ =	strace $0x8000004C;
	[dreg:$0x1] =	wrdreg $0xFFFFFFFF  }
0x2e: {  	s28 =	simm.s32 $_size_execute0_lowered;
	s3 =	sadd.s32 s3, s5;
	[dreg:$0x0] =	wrdreg $0x0  }
0x2f: {  	s5 =	sshll.u32 s28, $0x1;
	[dreg:$0x2] =	wrdreg s3  }
0x30: {  	[dreg:$0x3] =	wrdreg s5  }
0x31: {  	[dreg:$0x4] =	wrdreg $0xC0  }
0x32: {  	_ =	task [dreg:s23], $0x5FFFF  }
0x33: {  	[dreg:$0x1] =	wrdreg $0xFFFFFFFF  }
0x34: {  	[dreg:$0x0] =	wrdreg $0x60  }
0x35: {  	[dreg:$0x2] =	wrdreg s25  }
0x36: {  	[dreg:$0x3] =	wrdreg $0xB  }
0x37: {  	_ =	task.clear_ibuf [dreg:s23], $0x4FFFF;
	_ =	strace $0x9000004C  }
0x38: {  	s29 =	simm.s32 $0xB;
	_ =	strace $0x8000004E  }
0x39: {  	_ =	swait.ge [sflag:s29], $0x1  }
0x3a: {  	[sflag:s29] =	ssyncadd.s32 $0xFFFFFFFF  }
0x3b: {  	_ =	strace $0x9000004E  }
0x3c: {  	_ =	sfence  }
0x3d: {  	s30 =	sld [smem:$0x0];
	_ =	sdelay $0x2  }
0x3e: {  	s31 =	sshll.u32 s1, $0xD;
	s1 =	sshrl.u32 s1, $0x2  }
0x3f: {  	s4 =	sand.u32 $0x4000, s31;
	s1 =	sadd.s32 s1, s30  }
0x40: {  	s0 =	sor.u32 s4, s0;
	s1 =	sshll.u32 s1, $0x11  }
0x41: {  	s0 =	sor.u32 s1, s0  }
0x42: {  	s0 =	sadd.s32 $0x8F2B, s0  }
0x43: {  	[sflag:s0] =	ssyncadd.remote.s32 $0x1  }
0x44: {  	_ =	sfence.sel $0xFFFF  }
0x45: {  	[dreg:$0x0] =	wrdreg $0xFFFFFFFF;
	(pc) =	sbr.abs _section_cstart, $3  }
0x46: {  	[dreg:$0x1] =	wrdreg $0xFFFFFFFF  }
0x47: {  	_ =	task.clear_ibuf [dreg:s23], $0x2FFFF;
	_ =	strace $0x9FFFFFFF  }
0x48: {  	(tm) =	ssettm $0x7FFFFFFF  }
0x49: {  	_ =	shalt  }
tec
execute0_lowered:
.L_overlay_start_1:
0x0: {  	(tag) =	ssettag $0x1  }
0x1: {  	s0 =	srdreg.scid  }
0x2: {  	s1 =	sshll.u32 s0, $0x4  }
0x3: {  	s4 =	rddreg [dreg:$0x0];
	s0 =	stileid.u32;
	s1 =	sand.u32 $0x10, s1  }
0x4: {  	s7 =	simm.s32 $0x1;
	s8 =	simm.s32 $0x2;
	s2 =	sor.u32 s0, s1  }
0x5: {  	s9 =	simm.s32 $0x0;
	s12 =	simm.s32 $0x0;
	s2 =	sshll.u32 s2, $0x1  }
0x6: {  	s11 =	simm.s32 $0x0;
	s3 =	sadd.s32 $0x17BFE00, s4;
	s6 =	ssub.s32 $0x4E20, s2  }
.Ltmp0:
0x7: {  	s4 =	sadd.s32 $0x2B47E00, s4;
	s5 =	sand.u32 $0x3E, s6;
	(pc) =	sbr.rel .LBB1_1-.Ltmp0, $4  }
0x8: {  	s1 =	rddreg [dreg:$0x1];
	_ =	strace $0x8000004D;
	p0 =	sne.s32 s5, $0x0  }
0x9: {  	s6 =	sshrl.u32 s6, $0x6;
	s5 =	simm.s32 $0x1;
	s7 =	simm.s32 @!p0 $0x0  }
0xa: {  	s10 =	smov.u32 s2;
	[sflag:s5] =	ssyncpa.u1 $0x0;
	s6 =	sadd.s32 s7, s6  }
0xb: {  	[sflag:s8] =	ssyncpa.u1 $0x0;
	s8 =	simm.s32 $0x0;
	s7 =	sadd.s32 $0x1, s6  }
.LBB1_9:
0xc: {  	s14 =	sadd.s32 $0x40, s10  }
0xd: {  	p1 =	sgt.s32 s14, $0x4E1F  }
0xe: {  	s14 =	smov.u32 @p1 s2;
	p1 =	sne.s32 s11, s7  }
.Ltmp1:
0xf: {  	p0 =	slt.u32 s11, $0x2;
	(pc) =	sbr.rel @!p1 .LBB1_10-.Ltmp1, $4  }
0x10: {  	s13 =	simm.s32 @!p0 $0x2  }
0x11: {  	s15 =	sadd.s32 $0x1, s11;
	_ =	swait.ge @!p0 [sflag:s13], $0x4000  }
0x12: {  	s12 =	smov.u32 s10;
	s9 =	sadd.s32 $0x4000, s9;
	[sflag:s13] =	ssyncset.done @!p0 $0x0  }
0x13: {  	s11 =	smov.u32 s15;
	s10 =	smov.u32 s14;
	[sflag:s13] =	ssyncadd.s32 @!p0 $0xFFFFC000  }
.LBB1_1:
0x14: {  	p0 =	sge.u32 s11, s6  }
0x15: {  	s13 =	sxor.u32 @!p0 $0xFFFFFFFF, s11  }
0x16: {  	s31 =	sadd.s32 $0xFFFFFFFF, s11;
	s14 =	sshll.u32 @!p0 s10, $0xA;
	s13 =	sshll.u32 @!p0 s13, $0xE  }
0x17: {  	s15 =	simm.s32 @!p0 $0x0;
	s14 =	sadd.s32 @!p0 s3, s14;
	s13 =	sand.u32 @!p0 $0x4000, s13  }
0x18: {  	[tilespmem:s13], [sflag:$0x1] =	stream.linear.gather @!p0 [hbm4b:s14+s15], $0x4000, $0x38;
	[tilespmem:$0x10000] =	vst v63  }
0x19: {  	p0 =	sge.u32 s31, s6  }
.Ltmp2:
0x1a: {  	_ = 	snop;
	(pc) =	sbr.rel @p0 .LBB1_9-.Ltmp2, $1  }
0x1b: {  	_ =	sdelay $0x3  }
0x1c: {  	s13 =	sshll.u32 s9, $0x2  }
0x1d: {  	_ =	swait.ge [sflag:s5], $0x4000;
	s14 =	sshll.u32 s11, $0xE;
	s18 =	simm.s32 $0x0  }
0x1e: {  	p1 =	por $0x1, $0x1;
	s13 =	sand.u32 $0x10000, s13;
	[sflag:s5] =	ssyncset.done $0x0  }
0x1f: {  	s15 =	sand.u32 $0x4000, s14;
	s13 =	sshrl.u32 s13, $0x2;
	[sflag:s5] =	ssyncadd.s32 $0xFFFFC000  }
0x20: {  	s14 =	sor.u32 $0x8000, s15;
	s16 =	sor.u32 $0x8000, s13;
	s17 =	sadd.s32 $0x8400, s13  }
.LBB1_3:
0x21: {  	s19 =	sshll.u32 s18, $0x2  }
0x22: {  	s19 =	sshrl.u32 s19, $0x2  }
0x23: {  	v0 =	vmov s19;
	_ =	sdelay $0x2  }
0x24: {  	p0 =	por p1, p1;
	p1 =	por $0x0, $0x0;
	s20 =	simm.s32 $0x0  }
0x25: {  	s21 =	smov.u32 s13;
	s22 =	simm.s32 $0x0;
	s19 =	smov.u32 s16  }
.LBB1_4:
0x26: {  	_ =	sdelay $0x3  }
0x27: {  	v2 =	vld.idx.msk [tilespmem:v0+s21+$0x10 ss:$0x1], $0xffff  }
0x28: {  	v3 =	vld.idx.msk [tilespmem:v0+s21+$0x270 ss:$0x1], $0xffff  }
0x29: {  	s23 =	sshll.u32 s22, $0xA;
	v5 =	vld.idx.msk [tilespmem:v0+s21+$0x20 ss:$0x1], $0xffff  }
0x2a: {  	v8 =	vld.idx.msk [tilespmem:v0+s21+$0x30 ss:$0x1], $0xffff;
	s23 =	sadd.s32 s18, s23  }
0x2b: {  	v9 =	vld.idx.msk [tilespmem:v0+s21+$0x40 ss:$0x1], $0xffff;
	v1 =	vmov s23  }
0x2c: {  	s30 =	simm.s32 $0x0;
	v10 =	vld.idx.msk [tilespmem:v0+s21+$0x50 ss:$0x1], $0xffff  }
0x2d: {  	v11 =	vld.idx.msk [tilespmem:v0+s21+$0x60 ss:$0x1], $0xffff;
	s24 =	sand.u32 $0x100, s30  }
0x2e: {  	v12 =	vld.idx.msk [tilespmem:v0+s21+$0x70 ss:$0x1], $0xffff;
	s23 =	sand.u32 $0x80, s30;
	s24 =	sadd.s32 s24, s15;
	[tilespmem:v0+s19+$0x470 ss:$0x1] =	vst.idx.msk $0xffff, v3  }
0x2f: {  	v7 =	vld.idx.msk [tilespmem:v0+s21+$0x210 ss:$0x1], $0xffff;
	s23 =	sadd.s32 s23, s24;
	s24 =	simm.s32 $0x1;
	[tilespmem:v0+s19+$0x10 ss:$0x1] =	vst.idx.msk $0xffff, v2  }
0x30: {  	s31 =	sshll.u32 s20, $0x2;
	s24 =	simm.s32 @!p1 $0x0;
	[tilespmem:v0+s19+$0x20 ss:$0x1] =	vst.idx.msk $0xffff, v5;
	v4 =	vld.idx.msk [tilespmem:v1+s23+$0x200 ss:$0x1], $0xffff  }
0x31: {  	v6 =	vld.idx.msk [tilespmem:v0+s21+$0x220 ss:$0x1], $0xffff;
	s24 =	sshll.u32 s24, $0x9;
	[tilespmem:v0+s19+$0x30 ss:$0x1] =	vst.idx.msk $0xffff, v8;
	s23 =	sand.u32 $0xFFFFFC00, s31  }
0x32: {  	v3 =	vld.idx.msk [tilespmem:v0+s21+$0x230 ss:$0x1], $0xffff;
	[tilespmem:v0+s19+$0x40 ss:$0x1] =	vst.idx.msk $0xffff, v9;
	s23 =	sor.u32 s24, s23  }
0x33: {  	[tilespmem:v0+s19+$0x50 ss:$0x1] =	vst.idx.msk $0xffff, v10;
	v5 =	vld.idx.msk [tilespmem:v0+s21+$0x250 ss:$0x1], $0xffff;
	s23 =	sshrl.u32 s23, $0x2  }
0x34: {  	[tilespmem:v0+s19+$0x60 ss:$0x1] =	vst.idx.msk $0xffff, v11;
	v2 =	vld.idx.msk [tilespmem:v0+s21+$0x260 ss:$0x1], $0xffff;
	s23 =	sadd.s32 s23, s17  }
0x35: {  	s27 =	simm.s32 $0x80;
	s26 =	simm.s32 $0x100;
	[tilespmem:v0+s23+$0x0 ss:$0x1] =	vst.idx.msk $0xffff, v4;
	v4 =	vld.idx.msk [tilespmem:v0+s21+$0x240 ss:$0x1], $0xffff  }
0x36: {  	s25 =	smov.u32 s19;
	s28 =	sand.u32 $0x100, s27;
	v8 =	vld.idx.msk [tilespmem:v0+s21+$0x0 ss:$0x1], $0xffff;
	[tilespmem:v0+s19+$0x70 ss:$0x1] =	vst.idx.msk $0xffff, v12;
	s24 =	sadd.s32 $0x80, s21  }
.LBB1_5:
0x37: {  	p2 =	sne.s32 s26, $0x180;
	v9 =	vld.idx.msk [tilespmem:v0+s24+$0x10 ss:$0x1], $0xffff;
	s27 =	sand.u32 $0x80, s27;
	s28 =	sadd.s32 s28, s15;
	[tilespmem:v0+s25+$0x410 ss:$0x1] =	vst.idx.msk $0xffff, v7  }
0x38: {  	s28 =	sadd.s32 s27, s28;
	v7 =	vld.idx.msk [tilespmem:v0+s24+$0x270 ss:$0x1], $0xffff;
	[tilespmem:v0+s25+$0x420 ss:$0x1] =	vst.idx.msk $0xffff, v6;
	s27 =	smov.u32 s26  }
0x39: {  	v6 =	vld.idx.msk [tilespmem:v1+s28+$0x200 ss:$0x1], $0xffff;
	[tilespmem:v0+s25+$0x430 ss:$0x1] =	vst.idx.msk $0xffff, v3  }
0x3a: {  	v3 =	vld.idx.msk [tilespmem:v0+s24+$0x20 ss:$0x1], $0xffff;
	[tilespmem:v0+s25+$0x440 ss:$0x1] =	vst.idx.msk $0xffff, v4  }
0x3b: {  	v4 =	vld.idx.msk [tilespmem:v0+s24+$0x30 ss:$0x1], $0xffff;
	[tilespmem:v0+s25+$0x450 ss:$0x1] =	vst.idx.msk $0xffff, v5  }
0x3c: {  	v5 =	vld.idx.msk [tilespmem:v0+s24+$0x40 ss:$0x1], $0xffff;
	[tilespmem:v0+s25+$0x0 ss:$0x1] =	vst.idx.msk $0xffff, v8  }
0x3d: {  	v8 =	vld.idx.msk [tilespmem:v0+s24+$0x50 ss:$0x1], $0xffff;
	[tilespmem:v0+s25+$0x460 ss:$0x1] =	vst.idx.msk $0xffff, v2;
	s25 =	sadd.s32 $0x800, s25  }
0x3e: {  	s23 =	sadd.s32 $0x800, s23;
	v2 =	vld.idx.msk [tilespmem:v0+s24+$0x60 ss:$0x1], $0xffff;
	[tilespmem:v0+s25+$0x470 ss:$0x1] =	vst.idx.msk $0xffff, v7  }
0x3f: {  	v10 =	vld.idx.msk [tilespmem:v0+s24+$0x70 ss:$0x1], $0xffff;
	[tilespmem:v0+s23+$0x0 ss:$0x1] =	vst.idx.msk $0xffff, v6  }
0x40: {  	[tilespmem:v0+s25+$0x10 ss:$0x1] =	vst.idx.msk $0xffff, v9;
	v7 =	vld.idx.msk [tilespmem:v0+s24+$0x210 ss:$0x1], $0xffff  }
0x41: {  	[tilespmem:v0+s25+$0x20 ss:$0x1] =	vst.idx.msk $0xffff, v3;
	v6 =	vld.idx.msk [tilespmem:v0+s24+$0x220 ss:$0x1], $0xffff  }
.Ltmp3:
0x42: {  	[tilespmem:v0+s25+$0x30 ss:$0x1] =	vst.idx.msk $0xffff, v4;
	v3 =	vld.idx.msk [tilespmem:v0+s24+$0x230 ss:$0x1], $0xffff;
	(pc) =	sbr.rel @p2 .LBB1_5-.Ltmp3, $4  }
0x43: {  	[tilespmem:v0+s25+$0x40 ss:$0x1] =	vst.idx.msk $0xffff, v5;
	v4 =	vld.idx.msk [tilespmem:v0+s24+$0x240 ss:$0x1], $0xffff  }
0x44: {  	[tilespmem:v0+s25+$0x50 ss:$0x1] =	vst.idx.msk $0xffff, v8;
	v5 =	vld.idx.msk [tilespmem:v0+s24+$0x250 ss:$0x1], $0xffff  }
0x45: {  	[tilespmem:v0+s25+$0x60 ss:$0x1] =	vst.idx.msk $0xffff, v2;
	v2 =	vld.idx.msk [tilespmem:v0+s24+$0x260 ss:$0x1], $0xffff  }
0x46: {  	s26 =	sadd.s32 $0x80, s26;
	s28 =	sand.u32 $0x100, s27;
	v8 =	vld.idx.msk [tilespmem:v0+s24+$0x0 ss:$0x1], $0xffff;
	[tilespmem:v0+s25+$0x70 ss:$0x1] =	vst.idx.msk $0xffff, v10;
	s24 =	sadd.s32 $0x80, s24  }
0x47: {  	_ =	sdelay $0x3  }
0x48: {  	[tilespmem:v0+s25+$0x410 ss:$0x1] =	vst.idx.msk $0xffff, v7  }
0x49: {  	[tilespmem:v0+s25+$0x420 ss:$0x1] =	vst.idx.msk $0xffff, v6  }
0x4a: {  	v56 =	vld.idx.msk [tilespmem:v0+s24+$0x270 ss:$0x1], $0xffff;
	[tilespmem:v0+s25+$0x430 ss:$0x1] =	vst.idx.msk $0xffff, v3  }
0x4b: {  	v3 =	vld.idx.msk [tilespmem:v0+s24+$0x10 ss:$0x1], $0xffff;
	[tilespmem:v0+s25+$0x440 ss:$0x1] =	vst.idx.msk $0xffff, v4  }
0x4c: {  	v57 =	vld.idx.msk [tilespmem:v0+s24+$0x20 ss:$0x1], $0xffff;
	[tilespmem:v0+s25+$0x450 ss:$0x1] =	vst.idx.msk $0xffff, v5  }
0x4d: {  	s26 =	sand.u32 $0x80, s27;
	s30 =	sadd.s32 s28, s15;
	v58 =	vld.idx.msk [tilespmem:v0+s24+$0x30 ss:$0x1], $0xffff;
	[tilespmem:v0+s25+$0x460 ss:$0x1] =	vst.idx.msk $0xffff, v2  }
0x4e: {  	s31 =	sadd.s32 $0x800, s25;
	v59 =	vld.idx.msk [tilespmem:v0+s24+$0x50 ss:$0x1], $0xffff;
	s26 =	sadd.s32 s26, s30;
	[tilespmem:v0+s25+$0x0 ss:$0x1] =	vst.idx.msk $0xffff, v8  }
0x4f: {  	v1 =	vld.idx.msk [tilespmem:v1+s26+$0x200 ss:$0x1], $0xffff;
	[tilespmem:v0+s31+$0x470 ss:$0x1] =	vst.idx.msk $0xffff, v56  }
0x50: {  	v60 =	vld.idx.msk [tilespmem:v0+s24+$0x210 ss:$0x1], $0xffff;
	[tilespmem:v0+s31+$0x10 ss:$0x1] =	vst.idx.msk $0xffff, v3  }
0x51: {  	v61 =	vld.idx.msk [tilespmem:v0+s24+$0x220 ss:$0x1], $0xffff;
	[tilespmem:v0+s31+$0x20 ss:$0x1] =	vst.idx.msk $0xffff, v57  }
0x52: {  	v2 =	vld.idx.msk [tilespmem:v0+s24+$0x40 ss:$0x1], $0xffff;
	[tilespmem:v0+s31+$0x30 ss:$0x1] =	vst.idx.msk $0xffff, v58  }
0x53: {  	s23 =	sadd.s32 $0x800, s23;
	v3 =	vld.idx.msk [tilespmem:v0+s24+$0x70 ss:$0x1], $0xffff;
	[tilespmem:v0+s31+$0x50 ss:$0x1] =	vst.idx.msk $0xffff, v59  }
0x54: {  	[tilespmem:v0+s23+$0x0 ss:$0x1] =	vst.idx.msk $0xffff, v1;
	v1 =	vld.idx.msk [tilespmem:v0+s24+$0x60 ss:$0x1], $0xffff  }
0x55: {  	v62 =	vld.idx.msk [tilespmem:v0+s24+$0x240 ss:$0x1], $0xffff;
	[tilespmem:v0+s31+$0x410 ss:$0x1] =	vst.idx.msk $0xffff, v60  }
0x56: {  	v63 =	vld.idx.msk [tilespmem:v0+s24+$0x260 ss:$0x1], $0xffff;
	[tilespmem:v0+s31+$0x420 ss:$0x1] =	vst.idx.msk $0xffff, v61  }
0x57: {  	[tilespmem:v0+s31+$0x40 ss:$0x1] =	vst.idx.msk $0xffff, v2;
	v2 =	vld.idx.msk [tilespmem:v0+s24+$0x230 ss:$0x1], $0xffff  }
0x58: {  	s22 =	sadd.s32 $0x1, s22;
	[tilespmem:v0+s31+$0x70 ss:$0x1] =	vst.idx.msk $0xffff, v3;
	v3 =	vld.idx.msk [tilespmem:v0+s24+$0x0 ss:$0x1], $0xffff  }
0x59: {  	p2 =	sne.s32 s22, $0x8;
	[tilespmem:v0+s31+$0x60 ss:$0x1] =	vst.idx.msk $0xffff, v1;
	v1 =	vld.idx.msk [tilespmem:v0+s24+$0x250 ss:$0x1], $0xffff  }
.Ltmp4:
0x5a: {  	[tilespmem:v0+s31+$0x440 ss:$0x1] =	vst.idx.msk $0xffff, v62;
	(pc) =	sbr.rel @p2 .LBB1_4-.Ltmp4, $4  }
0x5b: {  	[tilespmem:v0+s31+$0x460 ss:$0x1] =	vst.idx.msk $0xffff, v63  }
0x5c: {  	[tilespmem:v0+s31+$0x430 ss:$0x1] =	vst.idx.msk $0xffff, v2  }
0x5d: {  	s21 =	sadd.s32 $0x400, s21;
	[tilespmem:v0+s31+$0x0 ss:$0x1] =	vst.idx.msk $0xffff, v3  }
0x5e: {  	s20 =	sadd.s32 $0x80, s20;
	p1 =	por !p1, !p1;
	s19 =	sadd.s32 $0x80, s19;
	[tilespmem:v0+s31+$0x450 ss:$0x1] =	vst.idx.msk $0xffff, v1  }
.Ltmp5:
0x5f: {  	(pc) =	sbr.rel @p0 .LBB1_3-.Ltmp5, $2  }
0x60: {  	_ =	sdelay $0x2  }
0x61: {  	s18 =	simm.s32 $0x2000;
	p1 =	por $0x0, $0x0  }
.Ltmp6:
0x62: {  	(pc) =	sbr.rel .LBB1_9-.Ltmp6, $4  }
0x63: {  	_ = 	snop  }
0x64: {  	s12 =	sshll.u32 s12, $0xA  }
0x65: {  	s12 =	sadd.s32 s4, s12  }
0x66: {  	[hbm4b:s12+s8] =	stream.linear.scatter [tilespmem:s14], [sflag:$0x2], $0x4000, $0x38;
	[tilespmem:$0x10000] =	vst v63  }
.LBB1_10:
0x67: {  	_ =	sfence.sel $0x180000  }
0x68: {  	s2 =	simm.s32 $0x1;
	[bflag:$0x0] =	sbarrier.arrive $0xFFFF  }
0x69: {  	s31 =	simm.s32 $0x2;
	[sflag:s2] =	ssyncpa.u1 $0x1  }
0x6a: {  	[sflag:s31] =	ssyncpa.u1 $0x1  }
0x6b: {  	p0 =	sne.s32 s0, $0x0;
	_ =	strace $0x9000004D  }
0x6c: {  	s0 =	sadd.s32 @!p0 $0x100000, s1;
	[bflag:$0x2] =	sbarrier.arrive $0xFFFF  }
0x6d: {  	[sflag:s0] =	ssyncadd.tile.s32 @!p0 $0x1;
	_ =	shalt  }
.Lfunc_end1:
_tile_overlayer_lowered:
.L_overlay_start_2:
0x6e: {  	(tag) =	ssettag $0x2  }
0x6f: {  	s0 =	rddreg [dreg:$0x0];
	s2 =	stileid.u32  }
0x70: {  	s1 =	rddreg [dreg:$0x1];
	p0 =	sne.s32 s2, $0x0  }
0x71: {  	s3 =	rddreg [dreg:$0x2];
	[bflag:$0x3] =	sbarrier.arrive $0xFFFF;
	s2 =	simm.s32 @!p0 $0x1C01  }
0x72: {  	[timem:s3], [sflag:s2] =	dma.local @!p0 [hbm:s0], s1  }
0x73: {  	s0 =	simm.s32 @!p0 $0x1  }
0x74: {  	_ =	swait.ge @!p0 [sflag:s0], s1  }
0x75: {  	s1 =	ssub.s32 @!p0 $0x0, s1;
	[sflag:s0] =	ssyncset.done @!p0 $0x0  }
0x76: {  	[sflag:s0] =	ssyncadd.s32 @!p0 s1  }
0x77: {  	[bflag:$0x3] =	sbarrier.arrive $0xFFFF  }
0x78: {  	_ =	shalt  }

</sc_bundles>
